<compile_context>
chip_gen: v7x
topology: tpu7x:2x2x1
jax: 0.10.2.dev20260603
libtpu: 0.0.44.dev20260713+nightly
codegen_flags: <defaults>
</compile_context>

<pallas_src>
import functools
import math

import jax
import jax.numpy as jnp
from jax import lax
from jax.experimental import pallas as pl
from jax.experimental.pallas import tpu as pltpu
from jax.experimental.pallas import tpu_sc as plsc

N = 10000
E = 320000
DI = 128
KP = 32
BZ = 100
NPG = 100
ER = 3200
EC = 100
ECA = 80
N2 = 10240
NC = 2
NS = 16
BLK = 2000


def _sc_mesh():
    return plsc.VectorSubcoreMesh(core_axis_name="c", subcore_axis_name="s")


def _sc_degrees(ei4, zeros_hist, ones_ec):
    rows_per_tile = ER // NS

    @functools.partial(
        pl.kernel,
        out_type=jax.ShapeDtypeStruct((2 * N2,), jnp.float32),
        mesh=_sc_mesh(),
        scratch_types=[
            pltpu.VMEM((rows_per_tile, EC), jnp.int32),
            pltpu.VMEM((EC,), jnp.float32),
            pltpu.VMEM_SHARED((N2,), jnp.float32),
            pltpu.SemaphoreType.DMA,
        ],
    )
    def deg_k(ei_hbm, z_hbm, one_hbm, out_hbm, idx_v, ones_v, hist_sh, sem):
        c = lax.axis_index("c")
        s = lax.axis_index("s")
        seg = N2 // NS
        pltpu.sync_copy(z_hbm.at[pl.ds(s * seg, seg)], hist_sh.at[pl.ds(s * seg, seg)])
        pltpu.sync_copy(one_hbm, ones_v)
        pltpu.sync_copy(ei_hbm.at[c, s], idx_v)
        plsc.subcore_barrier()

        K = 8

        @pl.loop(0, rows_per_tile, step=K)
        def _(j):
            for b in range(K):
                pltpu.async_copy(ones_v, hist_sh.at[idx_v.at[j + b]], sem, add=True)
            for b in range(K):
                pltpu.make_async_copy(ones_v, hist_sh.at[idx_v.at[0]], sem).wait()

        plsc.subcore_barrier()
        pltpu.sync_copy(hist_sh.at[pl.ds(s * seg, seg)],
                        out_hbm.at[pl.ds(c * N2 + s * seg, seg)])

    return deg_k(ei4, zeros_hist, ones_ec).reshape(2, N2)


def _sc_agg(hn, ei5, zeros_rows):
    seg = 624
    PH = 5
    PH_ROWS = 25
    NB = 4

    @functools.partial(
        pl.kernel,
        out_type=jax.ShapeDtypeStruct((NC, N, DI), jnp.float32),
        mesh=_sc_mesh(),
        scratch_types=[
            pltpu.VMEM((PH_ROWS, ECA), jnp.int32),
            pltpu.VMEM((PH_ROWS, ECA), jnp.int32),
        ] + [pltpu.VMEM((ECA, DI), jnp.float32)] * NB
          + [pltpu.VMEM_SHARED((N, DI), jnp.float32)]
          + [pltpu.SemaphoreType.DMA] * (2 * NB),
    )
    def agg_k(hn_hbm, ei_hbm, z_hbm, out_hbm, idx_s, idx_d, *rest):
        rows = rest[:NB]
        agg_sh = rest[NB]
        gsem = rest[NB + 1:NB + 1 + NB]
        ssem = rest[NB + 1 + NB:]
        c = lax.axis_index("c")
        s = lax.axis_index("s")
        w = c * NS + s
        pltpu.sync_copy(z_hbm, agg_sh.at[pl.ds(s * seg, seg)])

        @pl.when(s == NS - 1)
        def _():
            pltpu.sync_copy(z_hbm.at[pl.ds(0, N - NS * seg)],
                            agg_sh.at[pl.ds(NS * seg, N - NS * seg)])

        plsc.subcore_barrier()

        def fire_gather(b, jj):
            pltpu.async_copy(hn_hbm.at[idx_s.at[jj]], rows[b], gsem[b])

        def wait_gather(b):
            pltpu.make_async_copy(hn_hbm.at[idx_s.at[0]], rows[b], gsem[b]).wait()

        def fire_scatter(b, jj):
            pltpu.async_copy(rows[b], agg_sh.at[idx_d.at[jj]], ssem[b], add=True)

        def wait_scatter(b):
            pltpu.make_async_copy(rows[b], agg_sh.at[idx_d.at[0]], ssem[b]).wait()

        for p in range(PH):
            g = PH * w + p
            pltpu.sync_copy(ei_hbm.at[0, g], idx_s)
            pltpu.sync_copy(ei_hbm.at[1, g], idx_d)
            for b in range(min(NB, PH_ROWS)):
                fire_gather(b, b)

            @pl.loop(0, PH_ROWS, step=NB)
            def _(j):
                for b in range(NB):
                    @pl.when(j + b < PH_ROWS)
                    def _(b=b):
                        wait_gather(b)
                        fire_scatter(b, j + b)
                for b in range(NB):
                    @pl.when(j + b + NB < PH_ROWS)
                    def _(b=b):
                        wait_scatter(b)
                        fire_gather(b, j + b + NB)

            for b in range(min(NB, PH_ROWS)):
                wait_scatter(b)

        plsc.subcore_barrier()
        pltpu.sync_copy(agg_sh.at[pl.ds(s * seg, seg)], out_hbm.at[c, pl.ds(s * seg, seg)])

        @pl.when(s == NS - 1)
        def _():
            pltpu.sync_copy(agg_sh.at[pl.ds(NS * seg, N - NS * seg)],
                            out_hbm.at[c, pl.ds(NS * seg, N - NS * seg)])

    return agg_k(hn, ei5, zeros_rows)


def _prescale(h, deg_o):
    def body(h_ref, d_ref, o_ref):
        d = d_ref[...]
        cs = jnp.where(d > 0, lax.rsqrt(jnp.maximum(d, 1.0)), 1.0)
        o_ref[...] = h_ref[...] * cs

    return pl.pallas_call(
        body, out_shape=jax.ShapeDtypeStruct((N, DI), jnp.float32)
    )(h, deg_o)


def _dense_fused(parts, deg_i, h, W_f, b_f, W_p, b_p, g_f, bt_f, g_p, bt_p):
    P1 = N // BLK
    P2 = N // BLK
    M = BZ * KP
    RB = 800
    P3 = M // RB
    GPB = BLK // NPG
    inv_scale = 1.0 / math.sqrt(float(M))

    def body(p0_r, p1_r, d_r, h_r, wf_r, bf_r, wp_r, bp_r, gf_r, btf_r, gp_r,
             btp_r, o_r, of_s, op_s, pool_s, sf_s, sp_s):
        i = pl.program_id(0)

        @pl.when(i < P1)
        def _():
            d = d_r[...]
            cd = jnp.where(d > 0, lax.rsqrt(jnp.maximum(d, 1.0)), 1.0)
            agg = (p0_r[0] + p1_r[0]) * cd
            of = jnp.dot(agg, wf_r[...], preferred_element_type=jnp.float32) + bf_r[...]
            op = jnp.dot(agg, wp_r[...], preferred_element_type=jnp.float32) + bp_r[...]
            of_s[pl.ds(i * BLK, BLK), :] = of
            op_s[pl.ds(i * BLK, BLK), :] = op

            @pl.when(i == 0)
            def _():
                sf_s[...] = jnp.zeros_like(sf_s)
                sp_s[...] = jnp.zeros_like(sp_s)

            sf_s[...] += jnp.concatenate(
                [jnp.sum(of, axis=0, keepdims=True),
                 jnp.sum(of * of, axis=0, keepdims=True)], axis=0)
            sp_s[...] += jnp.concatenate(
                [jnp.sum(op, axis=0, keepdims=True),
                 jnp.sum(op * op, axis=0, keepdims=True)], axis=0)

        @pl.when(jnp.logical_and(i >= P1, i < P1 + P2))
        def _():
            ib = i - P1
            inv_n = 1.0 / N
            sf = sf_s[...]
            mean_f = sf[0:1] * inv_n
            var_f = sf[1:2] * inv_n - mean_f * mean_f
            of = of_s[pl.ds(ib * BLK, BLK), :]
            feat = (of - mean_f) * lax.rsqrt(var_f + 1e-5) * gf_r[...] + btf_r[...]
            feat = jnp.maximum(feat, 0.0) + h_r[...]
            sp_ = sp_s[...]
            mean_p = sp_[0:1] * inv_n
            var_p = sp_[1:2] * inv_n - mean_p * mean_p
            op = op_s[pl.ds(ib * BLK, BLK), :]
            a = (op - mean_p) * lax.rsqrt(var_p + 1e-5) * gp_r[...] + btp_r[...]
            a = jnp.maximum(a, 0.0)
            mx = jnp.max(a, axis=1, keepdims=True)
            ex = jnp.exp(a - mx)
            sm = ex / jnp.sum(ex, axis=1, keepdims=True)
            for g in range(GPB):
                ag = sm[g * NPG:(g + 1) * NPG]
                fg = feat[g * NPG:(g + 1) * NPG]
                pg = lax.dot_general(ag, fg, (((0,), (0,)), ((), ())),
                                     preferred_element_type=jnp.float32)
                pool_s[pl.ds(ib * GPB * KP + g * KP, KP), :] = pg.astype(jnp.bfloat16)

        @pl.when(i >= P1 + P2)
        def _():
            ob = i - (P1 + P2)
            pr = pool_s[pl.ds(ob * RB, RB), :]
            o_r[...] = lax.dot_general(
                pr, pool_s[...], (((1,), (1,)), ((), ())),
                preferred_element_type=jnp.float32) * inv_scale

    c0 = lambda i: (0, 0)
    return pl.pallas_call(
        body,
        grid=(P1 + P2 + P3,),
        in_specs=[
            pl.BlockSpec((1, BLK, DI), lambda i: (0, jnp.minimum(i, P1 - 1), 0)),
            pl.BlockSpec((1, BLK, DI), lambda i: (1, jnp.minimum(i, P1 - 1), 0)),
            pl.BlockSpec((BLK, 1), lambda i: (jnp.minimum(i, P1 - 1), 0)),
            pl.BlockSpec((BLK, DI),
                         lambda i: (jnp.clip(i - P1, 0, P2 - 1), 0)),
            pl.BlockSpec((DI, DI), c0),
            pl.BlockSpec((1, DI), c0),
            pl.BlockSpec((DI, KP), c0),
            pl.BlockSpec((1, KP), c0),
            pl.BlockSpec((1, DI), c0),
            pl.BlockSpec((1, DI), c0),
            pl.BlockSpec((1, KP), c0),
            pl.BlockSpec((1, KP), c0),
        ],
        out_specs=pl.BlockSpec((RB, M),
                               lambda i: (jnp.clip(i - P1 - P2, 0, P3 - 1), 0)),
        out_shape=jax.ShapeDtypeStruct((M, M), jnp.float32),
        scratch_shapes=[
            pltpu.VMEM((N, DI), jnp.float32),
            pltpu.VMEM((N, KP), jnp.float32),
            pltpu.VMEM((M, DI), jnp.bfloat16),
            pltpu.VMEM((2, DI), jnp.float32),
            pltpu.VMEM((2, KP), jnp.float32),
        ],
    )(parts, parts, deg_i, h, W_f, b_f, W_p, b_p, g_f, bt_f, g_p, bt_p)


def kernel(h, edge_index, e, W_feat, b_feat, gamma_feat, beta_feat,
           W_pool, b_pool, gamma_pool, beta_pool):
    del e
    ei4 = edge_index.reshape(2, NS, ER // NS, EC)
    ei5 = edge_index.reshape(2, 5 * NC * NS, 25, ECA)
    zeros_hist = jnp.zeros((N2,), jnp.float32)
    ones_ec = jnp.ones((EC,), jnp.float32)
    deg = _sc_degrees(ei4, zeros_hist, ones_ec)
    deg_o = deg[0, :N].reshape(N, 1)
    deg_i = deg[1, :N].reshape(N, 1)
    hn = _prescale(h, deg_o)
    zeros_rows = jnp.zeros((624, DI), jnp.float32)
    parts = _sc_agg(hn, ei5, zeros_rows)
    return _dense_fused(parts, deg_i, h, W_feat, b_feat.reshape(1, DI),
                        W_pool, b_pool.reshape(1, KP),
                        gamma_feat.reshape(1, DI), beta_feat.reshape(1, DI),
                        gamma_pool.reshape(1, KP), beta_pool.reshape(1, KP))

# --- scband reference (transcript-rebuilt; emitter-appended) ---
"""Pipeline reference for scband-node-alignment-25271587570198 (READ-ONLY COPY).

The authoritative reference and input builder live on the scoring server;
editing this copy changes nothing except your own understanding.
"""

import jax, jax.numpy as jnp
import numpy as np

N = 10000
E = 320000
IN_DIM = 128
FEAT_DIM = 128
OUT_NODE_NUM = 32
BZ = 100  # g.batch_size: 100 graphs of 100 nodes each
D_EDGE = 16


def setup_inputs(seed: int = 0) -> dict:
    key = jax.random.key(seed)
    ks = jax.random.split(key, 12)
    h = jax.random.normal(ks[0], (N, IN_DIM), dtype=jnp.float32)
    edge_index = jax.random.randint(ks[1], (2, E), 0, N, dtype=jnp.int32)
    e = jax.random.normal(ks[2], (E, D_EDGE), dtype=jnp.float32)
    s_in = 1.0 / np.sqrt(IN_DIM)
    W_feat = jax.random.normal(ks[3], (IN_DIM, FEAT_DIM), dtype=jnp.float32) * s_in
    b_feat = jnp.zeros((FEAT_DIM,), dtype=jnp.float32)
    gamma_feat = jnp.ones((FEAT_DIM,), dtype=jnp.float32)
    beta_feat = jnp.zeros((FEAT_DIM,), dtype=jnp.float32)
    W_pool = jax.random.normal(ks[4], (IN_DIM, OUT_NODE_NUM), dtype=jnp.float32) * s_in
    b_pool = jnp.zeros((OUT_NODE_NUM,), dtype=jnp.float32)
    gamma_pool = jnp.ones((OUT_NODE_NUM,), dtype=jnp.float32)
    beta_pool = jnp.zeros((OUT_NODE_NUM,), dtype=jnp.float32)
    return {"h": h, "edge_index": edge_index, "e": e,
            "W_feat": W_feat, "b_feat": b_feat, "gamma_feat": gamma_feat, "beta_feat": beta_feat,
            "W_pool": W_pool, "b_pool": b_pool, "gamma_pool": gamma_pool, "beta_pool": beta_pool}


def _gcn_layer(h, edge_index, W, b, gamma, beta, residual):
    # GCNLayer: symmetric-normalized graph conv + linear + batchnorm + relu (+ residual); dropout=0.0 -> identity
    src = edge_index[0]
    dst = edge_index[1]
    ones = jnp.ones((edge_index.shape[1],), dtype=jnp.float32)
    deg_out = jax.ops.segment_sum(ones, src, num_segments=N)
    deg_in = jax.ops.segment_sum(ones, dst, num_segments=N)
    c_src = jnp.where(deg_out > 0, deg_out, 1.0) ** -0.5
    c_dst = jnp.where(deg_in > 0, deg_in, 1.0) ** -0.5
    h_norm = h * c_src[:, None]
    msg = jnp.take(h_norm, src, axis=0)            # gather over edges (memory bound)
    agg = jax.ops.segment_sum(msg, dst, num_segments=N)  # scatter-add
    agg = agg * c_dst[:, None]
    out = agg @ W + b
    mean = jnp.mean(out, axis=0)
    var = jnp.var(out, axis=0)
    out = (out - mean) / jnp.sqrt(var + 1e-5) * gamma + beta
    out = jax.nn.relu(out)
    if residual:
        out = out + h
    return out


def reference(h, edge_index, e, W_feat, b_feat, gamma_feat, beta_feat, W_pool, b_pool, gamma_pool, beta_pool):
    feat = _gcn_layer(h, edge_index, W_feat, b_feat, gamma_feat, beta_feat, residual=True)
    assign = _gcn_layer(h, edge_index, W_pool, b_pool, gamma_pool, beta_pool, residual=False)
    assign = jax.nn.softmax(assign.reshape(BZ, -1, OUT_NODE_NUM), axis=-1)
    feat_b = feat.reshape(BZ, -1, FEAT_DIM)
    pooled = jnp.einsum('bnk,bnf->bkf', assign, feat_b).reshape(-1, FEAT_DIM)
    scale = jnp.sqrt(jnp.asarray(pooled.shape[0], dtype=jnp.float32))
    out = (pooled @ pooled.T) / scale
    return out

if __name__ == "__main__":
    import jax
    _d = setup_inputs()
    print(jax.jit(kernel)(*tuple(_d.values())))

</pallas_src>

<mosaic_0001>
#map = affine_map<(d0, d1) -> (0, 0)>
#map1 = affine_map<(d0, d1) -> (0, 0, 0, 0)>
#map2 = affine_map<(d0, d1) -> (0, 0, 0)>
module attributes {stable_mosaic.version = 14 : i64} {
  func.func @agg_k(%arg0: i32, %arg1: i32, %arg2: memref<10000x128xf32, #tpu.memory_space<hbm>>, %arg3: memref<2x160x25x80xi32, #tpu.memory_space<hbm>>, %arg4: memref<624x128xf32, #tpu.memory_space<hbm>>, %arg5: memref<2x10000x128xf32, #tpu.memory_space<hbm>>, %arg6: memref<25x80xi32, #tpu.memory_space<vmem>>, %arg7: memref<25x80xi32, #tpu.memory_space<vmem>>, %arg8: memref<80x128xf32, #tpu.memory_space<vmem>>, %arg9: memref<80x128xf32, #tpu.memory_space<vmem>>, %arg10: memref<80x128xf32, #tpu.memory_space<vmem>>, %arg11: memref<80x128xf32, #tpu.memory_space<vmem>>, %arg12: memref<10000x128xf32, #tpu.memory_space<vmem_shared>>, %arg13: memref<!tpu.dma_semaphore, #tpu.memory_space<semaphore_mem>>, %arg14: memref<!tpu.dma_semaphore, #tpu.memory_space<semaphore_mem>>, %arg15: memref<!tpu.dma_semaphore, #tpu.memory_space<semaphore_mem>>, %arg16: memref<!tpu.dma_semaphore, #tpu.memory_space<semaphore_mem>>, %arg17: memref<!tpu.dma_semaphore, #tpu.memory_space<semaphore_mem>>, %arg18: memref<!tpu.dma_semaphore, #tpu.memory_space<semaphore_mem>>, %arg19: memref<!tpu.dma_semaphore, #tpu.memory_space<semaphore_mem>>, %arg20: memref<!tpu.dma_semaphore, #tpu.memory_space<semaphore_mem>>) attributes {dimension_semantics = [#tpu.dimension_semantics<core_parallel>, #tpu.dimension_semantics<subcore_parallel>], iteration_bounds = array<i64: 2, 16>, scalar_prefetch = 0 : i64, scratch_operands = 15 : i64, tpu.core_type = #tpu.core_type<sc_vector_subcore>, window_params = [{transform_indices = #map}, {transform_indices = #map1}, {transform_indices = #map}, {transform_indices = #map2}]} {
    %mul3A = arith.constant 16 : i32
    %mul3A_0 = arith.muli %arg0, %mul3A : i32
    %add3A = arith.addi %mul3A_0, %arg1 : i32
    %mul3A_1 = arith.constant 624 : i32
    %mul3A_2 = arith.muli %arg1, %mul3A_1 : i32
    "tpu.region"() ({
      %run_scoped3A_346 = tpu.sem_alloc : memref<!tpu.dma_semaphore, #tpu.memory_space<semaphore_mem>>
      %dma_start3A_347 = arith.constant 0 : i32
      %dma_start3A_348 = tpu.memref_slice %arg12[%mul3A_2, %dma_start3A_347] : memref<10000x128xf32, #tpu.memory_space<vmem_shared>> -> memref<624x128xf32, #tpu.memory_space<vmem_shared>>
      tpu.enqueue_dma source(%arg4 : memref<624x128xf32, #tpu.memory_space<hbm>>) target(%dma_start3A_348 : memref<624x128xf32, #tpu.memory_space<vmem_shared>>) target_semaphore(%run_scoped3A_346 : memref<!tpu.dma_semaphore, #tpu.memory_space<semaphore_mem>>)
      %dma_wait3A_349 = arith.constant 0 : i32
      %dma_wait3A_350 = tpu.memref_slice %arg12[%mul3A_2, %dma_wait3A_349] : memref<10000x128xf32, #tpu.memory_space<vmem_shared>> -> memref<624x128xf32, #tpu.memory_space<vmem_shared>>
      tpu.wait_dma2 semaphore(%run_scoped3A_346 : memref<!tpu.dma_semaphore, #tpu.memory_space<semaphore_mem>>) src(%arg4 : memref<624x128xf32, #tpu.memory_space<hbm>>) dst(%dma_wait3A_350 : memref<624x128xf32, #tpu.memory_space<vmem_shared>>)
      tpu.yield
    }) : () -> ()
    %eq3A = arith.constant 15 : i32
    %eq3A_3 = arith.cmpi eq, %arg1, %eq3A : i32
    %convert_element_type3A = arith.extui %eq3A_3 : i1 to i32
    %cond3A = arith.constant 0 : i32
    %cond3A_4 = arith.cmpi ne, %convert_element_type3A, %cond3A : i32
    scf.if %cond3A_4 {
      "tpu.region"() ({
        %run_scoped3A_346 = tpu.sem_alloc : memref<!tpu.dma_semaphore, #tpu.memory_space<semaphore_mem>>
        %dma_start3A_347 = arith.constant 9984 : i32
        %dma_start3A_348 = arith.constant 0 : i32
        %dma_start3A_349 = tpu.memref_slice %arg12[%dma_start3A_347, %dma_start3A_348] : memref<10000x128xf32, #tpu.memory_space<vmem_shared>> -> memref<16x128xf32, #tpu.memory_space<vmem_shared>>
        %dma_start3A_350 = arith.constant 0 : i32
        %dma_start3A_351 = arith.constant 0 : i32
        %dma_start3A_352 = tpu.memref_slice %arg4[%dma_start3A_350, %dma_start3A_351] : memref<624x128xf32, #tpu.memory_space<hbm>> -> memref<16x128xf32, #tpu.memory_space<hbm>>
        tpu.enqueue_dma source(%dma_start3A_352 : memref<16x128xf32, #tpu.memory_space<hbm>>) target(%dma_start3A_349 : memref<16x128xf32, #tpu.memory_space<vmem_shared>>) target_semaphore(%run_scoped3A_346 : memref<!tpu.dma_semaphore, #tpu.memory_space<semaphore_mem>>)
        %dma_wait3A_353 = arith.constant 9984 : i32
        %dma_wait3A_354 = arith.constant 0 : i32
        %dma_wait3A_355 = tpu.memref_slice %arg12[%dma_wait3A_353, %dma_wait3A_354] : memref<10000x128xf32, #tpu.memory_space<vmem_shared>> -> memref<16x128xf32, #tpu.memory_space<vmem_shared>>
        %dma_wait3A_356 = arith.constant 0 : i32
        %dma_wait3A_357 = arith.constant 0 : i32
        %dma_wait3A_358 = tpu.memref_slice %arg4[%dma_wait3A_356, %dma_wait3A_357] : memref<624x128xf32, #tpu.memory_space<hbm>> -> memref<16x128xf32, #tpu.memory_space<hbm>>
        tpu.wait_dma2 semaphore(%run_scoped3A_346 : memref<!tpu.dma_semaphore, #tpu.memory_space<semaphore_mem>>) src(%dma_wait3A_358 : memref<16x128xf32, #tpu.memory_space<hbm>>) dst(%dma_wait3A_355 : memref<16x128xf32, #tpu.memory_space<vmem_shared>>)
        tpu.yield
      }) : () -> ()
    } else {
    }
    %barrier3A = arith.constant 0 : index
    tpu.barrier barrier_id(%barrier3A)
    %mul3A_5 = arith.constant 5 : i32
    %mul3A_6 = arith.muli %mul3A_5, %add3A : i32
    %add3A_7 = arith.constant 0 : i32
    %add3A_8 = arith.addi %mul3A_6, %add3A_7 : i32
    %run_scoped3A = arith.constant 0 : i32
    "tpu.region"() ({
      %run_scoped3A_346 = tpu.sem_alloc : memref<!tpu.dma_semaphore, #tpu.memory_space<semaphore_mem>>
      %dma_start3A_347 = arith.constant 0 : i32
      %dma_start3A_348 = arith.constant 0 : i32
      %dma_start3A_349 = tpu.memref_slice %arg3[%run_scoped3A, %add3A_8, %dma_start3A_347, %dma_start3A_348] : memref<2x160x25x80xi32, #tpu.memory_space<hbm>> -> memref<1x1x25x80xi32, #tpu.memory_space<hbm>>
      %dma_start3A_350 = tpu.memref_squeeze %dma_start3A_349 : memref<1x1x25x80xi32, #tpu.memory_space<hbm>> -> memref<25x80xi32, #tpu.memory_space<hbm>>
      %dma_start3A_351 = arith.constant 0 : i32
      %dma_start3A_352 = arith.constant 0 : i32
      %dma_start3A_353 = tpu.memref_slice %arg3[%run_scoped3A, %add3A_8, %dma_start3A_351, %dma_start3A_352] : memref<2x160x25x80xi32, #tpu.memory_space<hbm>> -> memref<1x1x25x80xi32, #tpu.memory_space<hbm>>
      %dma_start3A_354 = tpu.memref_squeeze %dma_start3A_353 : memref<1x1x25x80xi32, #tpu.memory_space<hbm>> -> memref<25x80xi32, #tpu.memory_space<hbm>>
      tpu.enqueue_dma source(%dma_start3A_354 : memref<25x80xi32, #tpu.memory_space<hbm>>) target(%arg6 : memref<25x80xi32, #tpu.memory_space<vmem>>) target_semaphore(%run_scoped3A_346 : memref<!tpu.dma_semaphore, #tpu.memory_space<semaphore_mem>>)
      %dma_wait3A_355 = arith.constant 0 : i32
      %dma_wait3A_356 = arith.constant 0 : i32
      %dma_wait3A_357 = tpu.memref_slice %arg3[%run_scoped3A, %add3A_8, %dma_wait3A_355, %dma_wait3A_356] : memref<2x160x25x80xi32, #tpu.memory_space<hbm>> -> memref<1x1x25x80xi32, #tpu.memory_space<hbm>>
      %dma_wait3A_358 = tpu.memref_squeeze %dma_wait3A_357 : memref<1x1x25x80xi32, #tpu.memory_space<hbm>> -> memref<25x80xi32, #tpu.memory_space<hbm>>
      %dma_wait3A_359 = arith.constant 0 : i32
      %dma_wait3A_360 = arith.constant 0 : i32
      %dma_wait3A_361 = tpu.memref_slice %arg3[%run_scoped3A, %add3A_8, %dma_wait3A_359, %dma_wait3A_360] : memref<2x160x25x80xi32, #tpu.memory_space<hbm>> -> memref<1x1x25x80xi32, #tpu.memory_space<hbm>>
      %dma_wait3A_362 = tpu.memref_squeeze %dma_wait3A_361 : memref<1x1x25x80xi32, #tpu.memory_space<hbm>> -> memref<25x80xi32, #tpu.memory_space<hbm>>
      tpu.wait_dma2 semaphore(%run_scoped3A_346 : memref<!tpu.dma_semaphore, #tpu.memory_space<semaphore_mem>>) src(%dma_wait3A_362 : memref<25x80xi32, #tpu.memory_space<hbm>>) dst(%arg6 : memref<25x80xi32, #tpu.memory_space<vmem>>)
      tpu.yield
    }) : () -> ()
    %run_scoped3A_9 = arith.constant 1 : i32
    "tpu.region"() ({
      %run_scoped3A_346 = tpu.sem_alloc : memref<!tpu.dma_semaphore, #tpu.memory_space<semaphore_mem>>
      %dma_start3A_347 = arith.constant 0 : i32
      %dma_start3A_348 = arith.constant 0 : i32
      %dma_start3A_349 = tpu.memref_slice %arg3[%run_scoped3A_9, %add3A_8, %dma_start3A_347, %dma_start3A_348] : memref<2x160x25x80xi32, #tpu.memory_space<hbm>> -> memref<1x1x25x80xi32, #tpu.memory_space<hbm>>
      %dma_start3A_350 = tpu.memref_squeeze %dma_start3A_349 : memref<1x1x25x80xi32, #tpu.memory_space<hbm>> -> memref<25x80xi32, #tpu.memory_space<hbm>>
      %dma_start3A_351 = arith.constant 0 : i32
      %dma_start3A_352 = arith.constant 0 : i32
      %dma_start3A_353 = tpu.memref_slice %arg3[%run_scoped3A_9, %add3A_8, %dma_start3A_351, %dma_start3A_352] : memref<2x160x25x80xi32, #tpu.memory_space<hbm>> -> memref<1x1x25x80xi32, #tpu.memory_space<hbm>>
      %dma_start3A_354 = tpu.memref_squeeze %dma_start3A_353 : memref<1x1x25x80xi32, #tpu.memory_space<hbm>> -> memref<25x80xi32, #tpu.memory_space<hbm>>
      tpu.enqueue_dma source(%dma_start3A_354 : memref<25x80xi32, #tpu.memory_space<hbm>>) target(%arg7 : memref<25x80xi32, #tpu.memory_space<vmem>>) target_semaphore(%run_scoped3A_346 : memref<!tpu.dma_semaphore, #tpu.memory_space<semaphore_mem>>)
      %dma_wait3A_355 = arith.constant 0 : i32
      %dma_wait3A_356 = arith.constant 0 : i32
      %dma_wait3A_357 = tpu.memref_slice %arg3[%run_scoped3A_9, %add3A_8, %dma_wait3A_355, %dma_wait3A_356] : memref<2x160x25x80xi32, #tpu.memory_space<hbm>> -> memref<1x1x25x80xi32, #tpu.memory_space<hbm>>
      %dma_wait3A_358 = tpu.memref_squeeze %dma_wait3A_357 : memref<1x1x25x80xi32, #tpu.memory_space<hbm>> -> memref<25x80xi32, #tpu.memory_space<hbm>>
      %dma_wait3A_359 = arith.constant 0 : i32
      %dma_wait3A_360 = arith.constant 0 : i32
      %dma_wait3A_361 = tpu.memref_slice %arg3[%run_scoped3A_9, %add3A_8, %dma_wait3A_359, %dma_wait3A_360] : memref<2x160x25x80xi32, #tpu.memory_space<hbm>> -> memref<1x1x25x80xi32, #tpu.memory_space<hbm>>
      %dma_wait3A_362 = tpu.memref_squeeze %dma_wait3A_361 : memref<1x1x25x80xi32, #tpu.memory_space<hbm>> -> memref<25x80xi32, #tpu.memory_space<hbm>>
      tpu.wait_dma2 semaphore(%run_scoped3A_346 : memref<!tpu.dma_semaphore, #tpu.memory_space<semaphore_mem>>) src(%dma_wait3A_362 : memref<25x80xi32, #tpu.memory_space<hbm>>) dst(%arg7 : memref<25x80xi32, #tpu.memory_space<vmem>>)
      tpu.yield
    }) : () -> ()
    %dma_start3A = arith.constant 0 : i32
    %dma_start3A_10 = arith.constant 0 : i32
    %dma_start3A_11 = tpu.memref_slice %arg6[%dma_start3A, %dma_start3A_10] : memref<25x80xi32, #tpu.memory_space<vmem>> -> memref<1x80xi32, #tpu.memory_space<vmem>>
    %dma_start3A_12 = tpu.memref_squeeze %dma_start3A_11 : memref<1x80xi32, #tpu.memory_space<vmem>> -> memref<80xi32, #tpu.memory_space<vmem>>
    %dma_start3A_13 = arith.constant 0 : i32
    %dma_start3A_14 = arith.constant 0 : i32
    %dma_start3A_15 = tpu.memref_slice %arg2[%dma_start3A_13, %dma_start3A_14] : memref<10000x128xf32, #tpu.memory_space<hbm>> -> memref<10000x128xf32, #tpu.memory_space<hbm>>
    tpu.enqueue_indirect_dma source(%dma_start3A_15 : memref<10000x128xf32, #tpu.memory_space<hbm>>) target(%arg8 : memref<80x128xf32, #tpu.memory_space<vmem>>) offsets(%dma_start3A_12 : memref<80xi32, #tpu.memory_space<vmem>>) semaphore(%arg13 : memref<!tpu.dma_semaphore, #tpu.memory_space<semaphore_mem>>)
    %dma_start3A_16 = arith.constant 1 : i32
    %dma_start3A_17 = arith.constant 0 : i32
    %dma_start3A_18 = tpu.memref_slice %arg6[%dma_start3A_16, %dma_start3A_17] : memref<25x80xi32, #tpu.memory_space<vmem>> -> memref<1x80xi32, #tpu.memory_space<vmem>>
    %dma_start3A_19 = tpu.memref_squeeze %dma_start3A_18 : memref<1x80xi32, #tpu.memory_space<vmem>> -> memref<80xi32, #tpu.memory_space<vmem>>
    %dma_start3A_20 = arith.constant 0 : i32
    %dma_start3A_21 = arith.constant 0 : i32
    %dma_start3A_22 = tpu.memref_slice %arg2[%dma_start3A_20, %dma_start3A_21] : memref<10000x128xf32, #tpu.memory_space<hbm>> -> memref<10000x128xf32, #tpu.memory_space<hbm>>
    tpu.enqueue_indirect_dma source(%dma_start3A_22 : memref<10000x128xf32, #tpu.memory_space<hbm>>) target(%arg9 : memref<80x128xf32, #tpu.memory_space<vmem>>) offsets(%dma_start3A_19 : memref<80xi32, #tpu.memory_space<vmem>>) semaphore(%arg14 : memref<!tpu.dma_semaphore, #tpu.memory_space<semaphore_mem>>)
    %dma_start3A_23 = arith.constant 2 : i32
    %dma_start3A_24 = arith.constant 0 : i32
    %dma_start3A_25 = tpu.memref_slice %arg6[%dma_start3A_23, %dma_start3A_24] : memref<25x80xi32, #tpu.memory_space<vmem>> -> memref<1x80xi32, #tpu.memory_space<vmem>>
    %dma_start3A_26 = tpu.memref_squeeze %dma_start3A_25 : memref<1x80xi32, #tpu.memory_space<vmem>> -> memref<80xi32, #tpu.memory_space<vmem>>
    %dma_start3A_27 = arith.constant 0 : i32
    %dma_start3A_28 = arith.constant 0 : i32
    %dma_start3A_29 = tpu.memref_slice %arg2[%dma_start3A_27, %dma_start3A_28] : memref<10000x128xf32, #tpu.memory_space<hbm>> -> memref<10000x128xf32, #tpu.memory_space<hbm>>
    tpu.enqueue_indirect_dma source(%dma_start3A_29 : memref<10000x128xf32, #tpu.memory_space<hbm>>) target(%arg10 : memref<80x128xf32, #tpu.memory_space<vmem>>) offsets(%dma_start3A_26 : memref<80xi32, #tpu.memory_space<vmem>>) semaphore(%arg15 : memref<!tpu.dma_semaphore, #tpu.memory_space<semaphore_mem>>)
    %dma_start3A_30 = arith.constant 3 : i32
    %dma_start3A_31 = arith.constant 0 : i32
    %dma_start3A_32 = tpu.memref_slice %arg6[%dma_start3A_30, %dma_start3A_31] : memref<25x80xi32, #tpu.memory_space<vmem>> -> memref<1x80xi32, #tpu.memory_space<vmem>>
    %dma_start3A_33 = tpu.memref_squeeze %dma_start3A_32 : memref<1x80xi32, #tpu.memory_space<vmem>> -> memref<80xi32, #tpu.memory_space<vmem>>
    %dma_start3A_34 = arith.constant 0 : i32
    %dma_start3A_35 = arith.constant 0 : i32
    %dma_start3A_36 = tpu.memref_slice %arg2[%dma_start3A_34, %dma_start3A_35] : memref<10000x128xf32, #tpu.memory_space<hbm>> -> memref<10000x128xf32, #tpu.memory_space<hbm>>
    tpu.enqueue_indirect_dma source(%dma_start3A_36 : memref<10000x128xf32, #tpu.memory_space<hbm>>) target(%arg11 : memref<80x128xf32, #tpu.memory_space<vmem>>) offsets(%dma_start3A_33 : memref<80xi32, #tpu.memory_space<vmem>>) semaphore(%arg16 : memref<!tpu.dma_semaphore, #tpu.memory_space<semaphore_mem>>)
    %scan3A = arith.constant 0 : i32
    %scan3A_37 = arith.constant 7 : i32
    %scan3A_38 = arith.addi %scan3A, %scan3A_37 : i32
    %scan3A_39 = arith.constant 1 : i32
    scf.for %scan3A_346 = %scan3A to %scan3A_38 step %scan3A_39  : i32 {
      %mul3A_347 = arith.constant 4 : i32
      %mul3A_348 = arith.muli %scan3A_346, %mul3A_347 : i32
      %add3A_349 = arith.constant 0 : i32
      %add3A_350 = arith.addi %add3A_349, %mul3A_348 : i32
      %add3A_351 = arith.constant 0 : i32
      %add3A_352 = arith.addi %add3A_350, %add3A_351 : i32
      %lt3A = arith.constant 25 : i32
      %lt3A_353 = arith.cmpi slt, %add3A_352, %lt3A : i32
      %convert_element_type3A_354 = arith.extui %lt3A_353 : i1 to i32
      %cond3A_355 = arith.constant 0 : i32
      %cond3A_356 = arith.cmpi ne, %convert_element_type3A_354, %cond3A_355 : i32
      scf.if %cond3A_356 {
        %dma_wait3A_414 = arith.constant 0 : i32
        %dma_wait3A_415 = arith.constant 0 : i32
        %dma_wait3A_416 = tpu.memref_slice %arg6[%dma_wait3A_414, %dma_wait3A_415] : memref<25x80xi32, #tpu.memory_space<vmem>> -> memref<1x80xi32, #tpu.memory_space<vmem>>
        %dma_wait3A_417 = tpu.memref_squeeze %dma_wait3A_416 : memref<1x80xi32, #tpu.memory_space<vmem>> -> memref<80xi32, #tpu.memory_space<vmem>>
        %dma_wait3A_418 = arith.constant 0 : i32
        %dma_wait3A_419 = arith.constant 0 : i32
        %dma_wait3A_420 = tpu.memref_slice %arg2[%dma_wait3A_418, %dma_wait3A_419] : memref<10000x128xf32, #tpu.memory_space<hbm>> -> memref<10000x128xf32, #tpu.memory_space<hbm>>
        tpu.wait_indirect_dma semaphore(%arg13 : memref<!tpu.dma_semaphore, #tpu.memory_space<semaphore_mem>>) src(%dma_wait3A_420 : memref<10000x128xf32, #tpu.memory_space<hbm>>) dst(%arg8 : memref<80x128xf32, #tpu.memory_space<vmem>>)
        %add3A_421 = arith.constant 0 : i32
        %add3A_422 = arith.addi %add3A_350, %add3A_421 : i32
        %dma_start3A_423 = arith.constant 0 : i32
        %dma_start3A_424 = tpu.memref_slice %arg7[%add3A_422, %dma_start3A_423] : memref<25x80xi32, #tpu.memory_space<vmem>> -> memref<1x80xi32, #tpu.memory_space<vmem>>
        %dma_start3A_425 = tpu.memref_squeeze %dma_start3A_424 : memref<1x80xi32, #tpu.memory_space<vmem>> -> memref<80xi32, #tpu.memory_space<vmem>>
        %dma_start3A_426 = arith.constant 0 : i32
        %dma_start3A_427 = arith.constant 0 : i32
        %dma_start3A_428 = tpu.memref_slice %arg12[%dma_start3A_426, %dma_start3A_427] : memref<10000x128xf32, #tpu.memory_space<vmem_shared>> -> memref<10000x128xf32, #tpu.memory_space<vmem_shared>>
        tpu.enqueue_indirect_dma source(%arg8 : memref<80x128xf32, #tpu.memory_space<vmem>>) target(%dma_start3A_428 : memref<10000x128xf32, #tpu.memory_space<vmem_shared>>) offsets(%dma_start3A_425 : memref<80xi32, #tpu.memory_space<vmem>>) semaphore(%arg17 : memref<!tpu.dma_semaphore, #tpu.memory_space<semaphore_mem>>) {add = true}
      } else {
      }
      %add3A_357 = arith.constant 1 : i32
      %add3A_358 = arith.addi %add3A_350, %add3A_357 : i32
      %lt3A_359 = arith.constant 25 : i32
      %lt3A_360 = arith.cmpi slt, %add3A_358, %lt3A_359 : i32
      %convert_element_type3A_361 = arith.extui %lt3A_360 : i1 to i32
      %cond3A_362 = arith.constant 0 : i32
      %cond3A_363 = arith.cmpi ne, %convert_element_type3A_361, %cond3A_362 : i32
      scf.if %cond3A_363 {
        %dma_wait3A_414 = arith.constant 0 : i32
        %dma_wait3A_415 = arith.constant 0 : i32
        %dma_wait3A_416 = tpu.memref_slice %arg6[%dma_wait3A_414, %dma_wait3A_415] : memref<25x80xi32, #tpu.memory_space<vmem>> -> memref<1x80xi32, #tpu.memory_space<vmem>>
        %dma_wait3A_417 = tpu.memref_squeeze %dma_wait3A_416 : memref<1x80xi32, #tpu.memory_space<vmem>> -> memref<80xi32, #tpu.memory_space<vmem>>
        %dma_wait3A_418 = arith.constant 0 : i32
        %dma_wait3A_419 = arith.constant 0 : i32
        %dma_wait3A_420 = tpu.memref_slice %arg2[%dma_wait3A_418, %dma_wait3A_419] : memref<10000x128xf32, #tpu.memory_space<hbm>> -> memref<10000x128xf32, #tpu.memory_space<hbm>>
        tpu.wait_indirect_dma semaphore(%arg14 : memref<!tpu.dma_semaphore, #tpu.memory_space<semaphore_mem>>) src(%dma_wait3A_420 : memref<10000x128xf32, #tpu.memory_space<hbm>>) dst(%arg9 : memref<80x128xf32, #tpu.memory_space<vmem>>)
        %add3A_421 = arith.constant 1 : i32
        %add3A_422 = arith.addi %add3A_350, %add3A_421 : i32
        %dma_start3A_423 = arith.constant 0 : i32
        %dma_start3A_424 = tpu.memref_slice %arg7[%add3A_422, %dma_start3A_423] : memref<25x80xi32, #tpu.memory_space<vmem>> -> memref<1x80xi32, #tpu.memory_space<vmem>>
        %dma_start3A_425 = tpu.memref_squeeze %dma_start3A_424 : memref<1x80xi32, #tpu.memory_space<vmem>> -> memref<80xi32, #tpu.memory_space<vmem>>
        %dma_start3A_426 = arith.constant 0 : i32
        %dma_start3A_427 = arith.constant 0 : i32
        %dma_start3A_428 = tpu.memref_slice %arg12[%dma_start3A_426, %dma_start3A_427] : memref<10000x128xf32, #tpu.memory_space<vmem_shared>> -> memref<10000x128xf32, #tpu.memory_space<vmem_shared>>
        tpu.enqueue_indirect_dma source(%arg9 : memref<80x128xf32, #tpu.memory_space<vmem>>) target(%dma_start3A_428 : memref<10000x128xf32, #tpu.memory_space<vmem_shared>>) offsets(%dma_start3A_425 : memref<80xi32, #tpu.memory_space<vmem>>) semaphore(%arg18 : memref<!tpu.dma_semaphore, #tpu.memory_space<semaphore_mem>>) {add = true}
      } else {
      }
      %add3A_364 = arith.constant 2 : i32
      %add3A_365 = arith.addi %add3A_350, %add3A_364 : i32
      %lt3A_366 = arith.constant 25 : i32
      %lt3A_367 = arith.cmpi slt, %add3A_365, %lt3A_366 : i32
      %convert_element_type3A_368 = arith.extui %lt3A_367 : i1 to i32
      %cond3A_369 = arith.constant 0 : i32
      %cond3A_370 = arith.cmpi ne, %convert_element_type3A_368, %cond3A_369 : i32
      scf.if %cond3A_370 {
        %dma_wait3A_414 = arith.constant 0 : i32
        %dma_wait3A_415 = arith.constant 0 : i32
        %dma_wait3A_416 = tpu.memref_slice %arg6[%dma_wait3A_414, %dma_wait3A_415] : memref<25x80xi32, #tpu.memory_space<vmem>> -> memref<1x80xi32, #tpu.memory_space<vmem>>
        %dma_wait3A_417 = tpu.memref_squeeze %dma_wait3A_416 : memref<1x80xi32, #tpu.memory_space<vmem>> -> memref<80xi32, #tpu.memory_space<vmem>>
        %dma_wait3A_418 = arith.constant 0 : i32
        %dma_wait3A_419 = arith.constant 0 : i32
        %dma_wait3A_420 = tpu.memref_slice %arg2[%dma_wait3A_418, %dma_wait3A_419] : memref<10000x128xf32, #tpu.memory_space<hbm>> -> memref<10000x128xf32, #tpu.memory_space<hbm>>
        tpu.wait_indirect_dma semaphore(%arg15 : memref<!tpu.dma_semaphore, #tpu.memory_space<semaphore_mem>>) src(%dma_wait3A_420 : memref<10000x128xf32, #tpu.memory_space<hbm>>) dst(%arg10 : memref<80x128xf32, #tpu.memory_space<vmem>>)
        %add3A_421 = arith.constant 2 : i32
        %add3A_422 = arith.addi %add3A_350, %add3A_421 : i32
        %dma_start3A_423 = arith.constant 0 : i32
        %dma_start3A_424 = tpu.memref_slice %arg7[%add3A_422, %dma_start3A_423] : memref<25x80xi32, #tpu.memory_space<vmem>> -> memref<1x80xi32, #tpu.memory_space<vmem>>
        %dma_start3A_425 = tpu.memref_squeeze %dma_start3A_424 : memref<1x80xi32, #tpu.memory_space<vmem>> -> memref<80xi32, #tpu.memory_space<vmem>>
        %dma_start3A_426 = arith.constant 0 : i32
        %dma_start3A_427 = arith.constant 0 : i32
        %dma_start3A_428 = tpu.memref_slice %arg12[%dma_start3A_426, %dma_start3A_427] : memref<10000x128xf32, #tpu.memory_space<vmem_shared>> -> memref<10000x128xf32, #tpu.memory_space<vmem_shared>>
        tpu.enqueue_indirect_dma source(%arg10 : memref<80x128xf32, #tpu.memory_space<vmem>>) target(%dma_start3A_428 : memref<10000x128xf32, #tpu.memory_space<vmem_shared>>) offsets(%dma_start3A_425 : memref<80xi32, #tpu.memory_space<vmem>>) semaphore(%arg19 : memref<!tpu.dma_semaphore, #tpu.memory_space<semaphore_mem>>) {add = true}
      } else {
      }
      %add3A_371 = arith.constant 3 : i32
      %add3A_372 = arith.addi %add3A_350, %add3A_371 : i32
      %lt3A_373 = arith.constant 25 : i32
      %lt3A_374 = arith.cmpi slt, %add3A_372, %lt3A_373 : i32
      %convert_element_type3A_375 = arith.extui %lt3A_374 : i1 to i32
      %cond3A_376 = arith.constant 0 : i32
      %cond3A_377 = arith.cmpi ne, %convert_element_type3A_375, %cond3A_376 : i32
      scf.if %cond3A_377 {
        %dma_wait3A_414 = arith.constant 0 : i32
        %dma_wait3A_415 = arith.constant 0 : i32
        %dma_wait3A_416 = tpu.memref_slice %arg6[%dma_wait3A_414, %dma_wait3A_415] : memref<25x80xi32, #tpu.memory_space<vmem>> -> memref<1x80xi32, #tpu.memory_space<vmem>>
        %dma_wait3A_417 = tpu.memref_squeeze %dma_wait3A_416 : memref<1x80xi32, #tpu.memory_space<vmem>> -> memref<80xi32, #tpu.memory_space<vmem>>
        %dma_wait3A_418 = arith.constant 0 : i32
        %dma_wait3A_419 = arith.constant 0 : i32
        %dma_wait3A_420 = tpu.memref_slice %arg2[%dma_wait3A_418, %dma_wait3A_419] : memref<10000x128xf32, #tpu.memory_space<hbm>> -> memref<10000x128xf32, #tpu.memory_space<hbm>>
        tpu.wait_indirect_dma semaphore(%arg16 : memref<!tpu.dma_semaphore, #tpu.memory_space<semaphore_mem>>) src(%dma_wait3A_420 : memref<10000x128xf32, #tpu.memory_space<hbm>>) dst(%arg11 : memref<80x128xf32, #tpu.memory_space<vmem>>)
        %add3A_421 = arith.constant 3 : i32
        %add3A_422 = arith.addi %add3A_350, %add3A_421 : i32
        %dma_start3A_423 = arith.constant 0 : i32
        %dma_start3A_424 = tpu.memref_slice %arg7[%add3A_422, %dma_start3A_423] : memref<25x80xi32, #tpu.memory_space<vmem>> -> memref<1x80xi32, #tpu.memory_space<vmem>>
        %dma_start3A_425 = tpu.memref_squeeze %dma_start3A_424 : memref<1x80xi32, #tpu.memory_space<vmem>> -> memref<80xi32, #tpu.memory_space<vmem>>
        %dma_start3A_426 = arith.constant 0 : i32
        %dma_start3A_427 = arith.constant 0 : i32
        %dma_start3A_428 = tpu.memref_slice %arg12[%dma_start3A_426, %dma_start3A_427] : memref<10000x128xf32, #tpu.memory_space<vmem_shared>> -> memref<10000x128xf32, #tpu.memory_space<vmem_shared>>
        tpu.enqueue_indirect_dma source(%arg11 : memref<80x128xf32, #tpu.memory_space<vmem>>) target(%dma_start3A_428 : memref<10000x128xf32, #tpu.memory_space<vmem_shared>>) offsets(%dma_start3A_425 : memref<80xi32, #tpu.memory_space<vmem>>) semaphore(%arg20 : memref<!tpu.dma_semaphore, #tpu.memory_space<semaphore_mem>>) {add = true}
      } else {
      }
      %add3A_378 = arith.constant 0 : i32
      %add3A_379 = arith.addi %add3A_350, %add3A_378 : i32
      %add3A_380 = arith.constant 4 : i32
      %add3A_381 = arith.addi %add3A_379, %add3A_380 : i32
      %lt3A_382 = arith.constant 25 : i32
      %lt3A_383 = arith.cmpi slt, %add3A_381, %lt3A_382 : i32
      %convert_element_type3A_384 = arith.extui %lt3A_383 : i1 to i32
      %cond3A_385 = arith.constant 0 : i32
      %cond3A_386 = arith.cmpi ne, %convert_element_type3A_384, %cond3A_385 : i32
      scf.if %cond3A_386 {
        %dma_wait3A_414 = arith.constant 0 : i32
        %dma_wait3A_415 = arith.constant 0 : i32
        %dma_wait3A_416 = tpu.memref_slice %arg7[%dma_wait3A_414, %dma_wait3A_415] : memref<25x80xi32, #tpu.memory_space<vmem>> -> memref<1x80xi32, #tpu.memory_space<vmem>>
        %dma_wait3A_417 = tpu.memref_squeeze %dma_wait3A_416 : memref<1x80xi32, #tpu.memory_space<vmem>> -> memref<80xi32, #tpu.memory_space<vmem>>
        %dma_wait3A_418 = arith.constant 0 : i32
        %dma_wait3A_419 = arith.constant 0 : i32
        %dma_wait3A_420 = tpu.memref_slice %arg12[%dma_wait3A_418, %dma_wait3A_419] : memref<10000x128xf32, #tpu.memory_space<vmem_shared>> -> memref<10000x128xf32, #tpu.memory_space<vmem_shared>>
        tpu.wait_indirect_dma semaphore(%arg17 : memref<!tpu.dma_semaphore, #tpu.memory_space<semaphore_mem>>) src(%arg8 : memref<80x128xf32, #tpu.memory_space<vmem>>) dst(%dma_wait3A_420 : memref<10000x128xf32, #tpu.memory_space<vmem_shared>>)
        %add3A_421 = arith.constant 0 : i32
        %add3A_422 = arith.addi %add3A_350, %add3A_421 : i32
        %add3A_423 = arith.constant 4 : i32
        %add3A_424 = arith.addi %add3A_422, %add3A_423 : i32
        %dma_start3A_425 = arith.constant 0 : i32
        %dma_start3A_426 = tpu.memref_slice %arg6[%add3A_424, %dma_start3A_425] : memref<25x80xi32, #tpu.memory_space<vmem>> -> memref<1x80xi32, #tpu.memory_space<vmem>>
        %dma_start3A_427 = tpu.memref_squeeze %dma_start3A_426 : memref<1x80xi32, #tpu.memory_space<vmem>> -> memref<80xi32, #tpu.memory_space<vmem>>
        %dma_start3A_428 = arith.constant 0 : i32
        %dma_start3A_429 = arith.constant 0 : i32
        %dma_start3A_430 = tpu.memref_slice %arg2[%dma_start3A_428, %dma_start3A_429] : memref<10000x128xf32, #tpu.memory_space<hbm>> -> memref<10000x128xf32, #tpu.memory_space<hbm>>
        tpu.enqueue_indirect_dma source(%dma_start3A_430 : memref<10000x128xf32, #tpu.memory_space<hbm>>) target(%arg8 : memref<80x128xf32, #tpu.memory_space<vmem>>) offsets(%dma_start3A_427 : memref<80xi32, #tpu.memory_space<vmem>>) semaphore(%arg13 : memref<!tpu.dma_semaphore, #tpu.memory_space<semaphore_mem>>)
      } else {
      }
      %add3A_387 = arith.constant 1 : i32
      %add3A_388 = arith.addi %add3A_350, %add3A_387 : i32
      %add3A_389 = arith.constant 4 : i32
      %add3A_390 = arith.addi %add3A_388, %add3A_389 : i32
      %lt3A_391 = arith.constant 25 : i32
      %lt3A_392 = arith.cmpi slt, %add3A_390, %lt3A_391 : i32
      %convert_element_type3A_393 = arith.extui %lt3A_392 : i1 to i32
      %cond3A_394 = arith.constant 0 : i32
      %cond3A_395 = arith.cmpi ne, %convert_element_type3A_393, %cond3A_394 : i32
      scf.if %cond3A_395 {
        %dma_wait3A_414 = arith.constant 0 : i32
        %dma_wait3A_415 = arith.constant 0 : i32
        %dma_wait3A_416 = tpu.memref_slice %arg7[%dma_wait3A_414, %dma_wait3A_415] : memref<25x80xi32, #tpu.memory_space<vmem>> -> memref<1x80xi32, #tpu.memory_space<vmem>>
        %dma_wait3A_417 = tpu.memref_squeeze %dma_wait3A_416 : memref<1x80xi32, #tpu.memory_space<vmem>> -> memref<80xi32, #tpu.memory_space<vmem>>
        %dma_wait3A_418 = arith.constant 0 : i32
        %dma_wait3A_419 = arith.constant 0 : i32
        %dma_wait3A_420 = tpu.memref_slice %arg12[%dma_wait3A_418, %dma_wait3A_419] : memref<10000x128xf32, #tpu.memory_space<vmem_shared>> -> memref<10000x128xf32, #tpu.memory_space<vmem_shared>>
        tpu.wait_indirect_dma semaphore(%arg18 : memref<!tpu.dma_semaphore, #tpu.memory_space<semaphore_mem>>) src(%arg9 : memref<80x128xf32, #tpu.memory_space<vmem>>) dst(%dma_wait3A_420 : memref<10000x128xf32, #tpu.memory_space<vmem_shared>>)
        %add3A_421 = arith.constant 1 : i32
        %add3A_422 = arith.addi %add3A_350, %add3A_421 : i32
        %add3A_423 = arith.constant 4 : i32
        %add3A_424 = arith.addi %add3A_422, %add3A_423 : i32
        %dma_start3A_425 = arith.constant 0 : i32
        %dma_start3A_426 = tpu.memref_slice %arg6[%add3A_424, %dma_start3A_425] : memref<25x80xi32, #tpu.memory_space<vmem>> -> memref<1x80xi32, #tpu.memory_space<vmem>>
        %dma_start3A_427 = tpu.memref_squeeze %dma_start3A_426 : memref<1x80xi32, #tpu.memory_space<vmem>> -> memref<80xi32, #tpu.memory_space<vmem>>
        %dma_start3A_428 = arith.constant 0 : i32
        %dma_start3A_429 = arith.constant 0 : i32
        %dma_start3A_430 = tpu.memref_slice %arg2[%dma_start3A_428, %dma_start3A_429] : memref<10000x128xf32, #tpu.memory_space<hbm>> -> memref<10000x128xf32, #tpu.memory_space<hbm>>
        tpu.enqueue_indirect_dma source(%dma_start3A_430 : memref<10000x128xf32, #tpu.memory_space<hbm>>) target(%arg9 : memref<80x128xf32, #tpu.memory_space<vmem>>) offsets(%dma_start3A_427 : memref<80xi32, #tpu.memory_space<vmem>>) semaphore(%arg14 : memref<!tpu.dma_semaphore, #tpu.memory_space<semaphore_mem>>)
      } else {
      }
      %add3A_396 = arith.constant 2 : i32
      %add3A_397 = arith.addi %add3A_350, %add3A_396 : i32
      %add3A_398 = arith.constant 4 : i32
      %add3A_399 = arith.addi %add3A_397, %add3A_398 : i32
      %lt3A_400 = arith.constant 25 : i32
      %lt3A_401 = arith.cmpi slt, %add3A_399, %lt3A_400 : i32
      %convert_element_type3A_402 = arith.extui %lt3A_401 : i1 to i32
      %cond3A_403 = arith.constant 0 : i32
      %cond3A_404 = arith.cmpi ne, %convert_element_type3A_402, %cond3A_403 : i32
      scf.if %cond3A_404 {
        %dma_wait3A_414 = arith.constant 0 : i32
        %dma_wait3A_415 = arith.constant 0 : i32
        %dma_wait3A_416 = tpu.memref_slice %arg7[%dma_wait3A_414, %dma_wait3A_415] : memref<25x80xi32, #tpu.memory_space<vmem>> -> memref<1x80xi32, #tpu.memory_space<vmem>>
        %dma_wait3A_417 = tpu.memref_squeeze %dma_wait3A_416 : memref<1x80xi32, #tpu.memory_space<vmem>> -> memref<80xi32, #tpu.memory_space<vmem>>
        %dma_wait3A_418 = arith.constant 0 : i32
        %dma_wait3A_419 = arith.constant 0 : i32
        %dma_wait3A_420 = tpu.memref_slice %arg12[%dma_wait3A_418, %dma_wait3A_419] : memref<10000x128xf32, #tpu.memory_space<vmem_shared>> -> memref<10000x128xf32, #tpu.memory_space<vmem_shared>>
        tpu.wait_indirect_dma semaphore(%arg19 : memref<!tpu.dma_semaphore, #tpu.memory_space<semaphore_mem>>) src(%arg10 : memref<80x128xf32, #tpu.memory_space<vmem>>) dst(%dma_wait3A_420 : memref<10000x128xf32, #tpu.memory_space<vmem_shared>>)
        %add3A_421 = arith.constant 2 : i32
        %add3A_422 = arith.addi %add3A_350, %add3A_421 : i32
        %add3A_423 = arith.constant 4 : i32
        %add3A_424 = arith.addi %add3A_422, %add3A_423 : i32
        %dma_start3A_425 = arith.constant 0 : i32
        %dma_start3A_426 = tpu.memref_slice %arg6[%add3A_424, %dma_start3A_425] : memref<25x80xi32, #tpu.memory_space<vmem>> -> memref<1x80xi32, #tpu.memory_space<vmem>>
        %dma_start3A_427 = tpu.memref_squeeze %dma_start3A_426 : memref<1x80xi32, #tpu.memory_space<vmem>> -> memref<80xi32, #tpu.memory_space<vmem>>
        %dma_start3A_428 = arith.constant 0 : i32
        %dma_start3A_429 = arith.constant 0 : i32
        %dma_start3A_430 = tpu.memref_slice %arg2[%dma_start3A_428, %dma_start3A_429] : memref<10000x128xf32, #tpu.memory_space<hbm>> -> memref<10000x128xf32, #tpu.memory_space<hbm>>
        tpu.enqueue_indirect_dma source(%dma_start3A_430 : memref<10000x128xf32, #tpu.memory_space<hbm>>) target(%arg10 : memref<80x128xf32, #tpu.memory_space<vmem>>) offsets(%dma_start3A_427 : memref<80xi32, #tpu.memory_space<vmem>>) semaphore(%arg15 : memref<!tpu.dma_semaphore, #tpu.memory_space<semaphore_mem>>)
      } else {
      }
      %add3A_405 = arith.constant 3 : i32
      %add3A_406 = arith.addi %add3A_350, %add3A_405 : i32
      %add3A_407 = arith.constant 4 : i32
      %add3A_408 = arith.addi %add3A_406, %add3A_407 : i32
      %lt3A_409 = arith.constant 25 : i32
      %lt3A_410 = arith.cmpi slt, %add3A_408, %lt3A_409 : i32
      %convert_element_type3A_411 = arith.extui %lt3A_410 : i1 to i32
      %cond3A_412 = arith.constant 0 : i32
      %cond3A_413 = arith.cmpi ne, %convert_element_type3A_411, %cond3A_412 : i32
      scf.if %cond3A_413 {
        %dma_wait3A_414 = arith.constant 0 : i32
        %dma_wait3A_415 = arith.constant 0 : i32
        %dma_wait3A_416 = tpu.memref_slice %arg7[%dma_wait3A_414, %dma_wait3A_415] : memref<25x80xi32, #tpu.memory_space<vmem>> -> memref<1x80xi32, #tpu.memory_space<vmem>>
        %dma_wait3A_417 = tpu.memref_squeeze %dma_wait3A_416 : memref<1x80xi32, #tpu.memory_space<vmem>> -> memref<80xi32, #tpu.memory_space<vmem>>
        %dma_wait3A_418 = arith.constant 0 : i32
        %dma_wait3A_419 = arith.constant 0 : i32
        %dma_wait3A_420 = tpu.memref_slice %arg12[%dma_wait3A_418, %dma_wait3A_419] : memref<10000x128xf32, #tpu.memory_space<vmem_shared>> -> memref<10000x128xf32, #tpu.memory_space<vmem_shared>>
        tpu.wait_indirect_dma semaphore(%arg20 : memref<!tpu.dma_semaphore, #tpu.memory_space<semaphore_mem>>) src(%arg11 : memref<80x128xf32, #tpu.memory_space<vmem>>) dst(%dma_wait3A_420 : memref<10000x128xf32, #tpu.memory_space<vmem_shared>>)
        %add3A_421 = arith.constant 3 : i32
        %add3A_422 = arith.addi %add3A_350, %add3A_421 : i32
        %add3A_423 = arith.constant 4 : i32
        %add3A_424 = arith.addi %add3A_422, %add3A_423 : i32
        %dma_start3A_425 = arith.constant 0 : i32
        %dma_start3A_426 = tpu.memref_slice %arg6[%add3A_424, %dma_start3A_425] : memref<25x80xi32, #tpu.memory_space<vmem>> -> memref<1x80xi32, #tpu.memory_space<vmem>>
        %dma_start3A_427 = tpu.memref_squeeze %dma_start3A_426 : memref<1x80xi32, #tpu.memory_space<vmem>> -> memref<80xi32, #tpu.memory_space<vmem>>
        %dma_start3A_428 = arith.constant 0 : i32
        %dma_start3A_429 = arith.constant 0 : i32
        %dma_start3A_430 = tpu.memref_slice %arg2[%dma_start3A_428, %dma_start3A_429] : memref<10000x128xf32, #tpu.memory_space<hbm>> -> memref<10000x128xf32, #tpu.memory_space<hbm>>
        tpu.enqueue_indirect_dma source(%dma_start3A_430 : memref<10000x128xf32, #tpu.memory_space<hbm>>) target(%arg11 : memref<80x128xf32, #tpu.memory_space<vmem>>) offsets(%dma_start3A_427 : memref<80xi32, #tpu.memory_space<vmem>>) semaphore(%arg16 : memref<!tpu.dma_semaphore, #tpu.memory_space<semaphore_mem>>)
      } else {
      }
    }
    %scan3A_40 = arith.constant 7 : i32
    %dma_wait3A = arith.constant 0 : i32
    %dma_wait3A_41 = arith.constant 0 : i32
    %dma_wait3A_42 = tpu.memref_slice %arg7[%dma_wait3A, %dma_wait3A_41] : memref<25x80xi32, #tpu.memory_space<vmem>> -> memref<1x80xi32, #tpu.memory_space<vmem>>
    %dma_wait3A_43 = tpu.memref_squeeze %dma_wait3A_42 : memref<1x80xi32, #tpu.memory_space<vmem>> -> memref<80xi32, #tpu.memory_space<vmem>>
    %dma_wait3A_44 = arith.constant 0 : i32
    %dma_wait3A_45 = arith.constant 0 : i32
    %dma_wait3A_46 = tpu.memref_slice %arg12[%dma_wait3A_44, %dma_wait3A_45] : memref<10000x128xf32, #tpu.memory_space<vmem_shared>> -> memref<10000x128xf32, #tpu.memory_space<vmem_shared>>
    tpu.wait_indirect_dma semaphore(%arg17 : memref<!tpu.dma_semaphore, #tpu.memory_space<semaphore_mem>>) src(%arg8 : memref<80x128xf32, #tpu.memory_space<vmem>>) dst(%dma_wait3A_46 : memref<10000x128xf32, #tpu.memory_space<vmem_shared>>)
    %dma_wait3A_47 = arith.constant 0 : i32
    %dma_wait3A_48 = arith.constant 0 : i32
    %dma_wait3A_49 = tpu.memref_slice %arg7[%dma_wait3A_47, %dma_wait3A_48] : memref<25x80xi32, #tpu.memory_space<vmem>> -> memref<1x80xi32, #tpu.memory_space<vmem>>
    %dma_wait3A_50 = tpu.memref_squeeze %dma_wait3A_49 : memref<1x80xi32, #tpu.memory_space<vmem>> -> memref<80xi32, #tpu.memory_space<vmem>>
    %dma_wait3A_51 = arith.constant 0 : i32
    %dma_wait3A_52 = arith.constant 0 : i32
    %dma_wait3A_53 = tpu.memref_slice %arg12[%dma_wait3A_51, %dma_wait3A_52] : memref<10000x128xf32, #tpu.memory_space<vmem_shared>> -> memref<10000x128xf32, #tpu.memory_space<vmem_shared>>
    tpu.wait_indirect_dma semaphore(%arg18 : memref<!tpu.dma_semaphore, #tpu.memory_space<semaphore_mem>>) src(%arg9 : memref<80x128xf32, #tpu.memory_space<vmem>>) dst(%dma_wait3A_53 : memref<10000x128xf32, #tpu.memory_space<vmem_shared>>)
    %dma_wait3A_54 = arith.constant 0 : i32
    %dma_wait3A_55 = arith.constant 0 : i32
    %dma_wait3A_56 = tpu.memref_slice %arg7[%dma_wait3A_54, %dma_wait3A_55] : memref<25x80xi32, #tpu.memory_space<vmem>> -> memref<1x80xi32, #tpu.memory_space<vmem>>
    %dma_wait3A_57 = tpu.memref_squeeze %dma_wait3A_56 : memref<1x80xi32, #tpu.memory_space<vmem>> -> memref<80xi32, #tpu.memory_space<vmem>>
    %dma_wait3A_58 = arith.constant 0 : i32
    %dma_wait3A_59 = arith.constant 0 : i32
    %dma_wait3A_60 = tpu.memref_slice %arg12[%dma_wait3A_58, %dma_wait3A_59] : memref<10000x128xf32, #tpu.memory_space<vmem_shared>> -> memref<10000x128xf32, #tpu.memory_space<vmem_shared>>
    tpu.wait_indirect_dma semaphore(%arg19 : memref<!tpu.dma_semaphore, #tpu.memory_space<semaphore_mem>>) src(%arg10 : memref<80x128xf32, #tpu.memory_space<vmem>>) dst(%dma_wait3A_60 : memref<10000x128xf32, #tpu.memory_space<vmem_shared>>)
    %dma_wait3A_61 = arith.constant 0 : i32
    %dma_wait3A_62 = arith.constant 0 : i32
    %dma_wait3A_63 = tpu.memref_slice %arg7[%dma_wait3A_61, %dma_wait3A_62] : memref<25x80xi32, #tpu.memory_space<vmem>> -> memref<1x80xi32, #tpu.memory_space<vmem>>
    %dma_wait3A_64 = tpu.memref_squeeze %dma_wait3A_63 : memref<1x80xi32, #tpu.memory_space<vmem>> -> memref<80xi32, #tpu.memory_space<vmem>>
    %dma_wait3A_65 = arith.constant 0 : i32
    %dma_wait3A_66 = arith.constant 0 : i32
    %dma_wait3A_67 = tpu.memref_slice %arg12[%dma_wait3A_65, %dma_wait3A_66] : memref<10000x128xf32, #tpu.memory_space<vmem_shared>> -> memref<10000x128xf32, #tpu.memory_space<vmem_shared>>
    tpu.wait_indirect_dma semaphore(%arg20 : memref<!tpu.dma_semaphore, #tpu.memory_space<semaphore_mem>>) src(%arg11 : memref<80x128xf32, #tpu.memory_space<vmem>>) dst(%dma_wait3A_67 : memref<10000x128xf32, #tpu.memory_space<vmem_shared>>)
    %mul3A_68 = arith.constant 5 : i32
    %mul3A_69 = arith.muli %mul3A_68, %add3A : i32
    %add3A_70 = arith.constant 1 : i32
    %add3A_71 = arith.addi %mul3A_69, %add3A_70 : i32
    %run_scoped3A_72 = arith.constant 0 : i32
    "tpu.region"() ({
      %run_scoped3A_346 = tpu.sem_alloc : memref<!tpu.dma_semaphore, #tpu.memory_space<semaphore_mem>>
      %dma_start3A_347 = arith.constant 0 : i32
      %dma_start3A_348 = arith.constant 0 : i32
      %dma_start3A_349 = tpu.memref_slice %arg3[%run_scoped3A_72, %add3A_71, %dma_start3A_347, %dma_start3A_348] : memref<2x160x25x80xi32, #tpu.memory_space<hbm>> -> memref<1x1x25x80xi32, #tpu.memory_space<hbm>>
      %dma_start3A_350 = tpu.memref_squeeze %dma_start3A_349 : memref<1x1x25x80xi32, #tpu.memory_space<hbm>> -> memref<25x80xi32, #tpu.memory_space<hbm>>
      %dma_start3A_351 = arith.constant 0 : i32
      %dma_start3A_352 = arith.constant 0 : i32
      %dma_start3A_353 = tpu.memref_slice %arg3[%run_scoped3A_72, %add3A_71, %dma_start3A_351, %dma_start3A_352] : memref<2x160x25x80xi32, #tpu.memory_space<hbm>> -> memref<1x1x25x80xi32, #tpu.memory_space<hbm>>
      %dma_start3A_354 = tpu.memref_squeeze %dma_start3A_353 : memref<1x1x25x80xi32, #tpu.memory_space<hbm>> -> memref<25x80xi32, #tpu.memory_space<hbm>>
      tpu.enqueue_dma source(%dma_start3A_354 : memref<25x80xi32, #tpu.memory_space<hbm>>) target(%arg6 : memref<25x80xi32, #tpu.memory_space<vmem>>) target_semaphore(%run_scoped3A_346 : memref<!tpu.dma_semaphore, #tpu.memory_space<semaphore_mem>>)
      %dma_wait3A_355 = arith.constant 0 : i32
      %dma_wait3A_356 = arith.constant 0 : i32
      %dma_wait3A_357 = tpu.memref_slice %arg3[%run_scoped3A_72, %add3A_71, %dma_wait3A_355, %dma_wait3A_356] : memref<2x160x25x80xi32, #tpu.memory_space<hbm>> -> memref<1x1x25x80xi32, #tpu.memory_space<hbm>>
      %dma_wait3A_358 = tpu.memref_squeeze %dma_wait3A_357 : memref<1x1x25x80xi32, #tpu.memory_space<hbm>> -> memref<25x80xi32, #tpu.memory_space<hbm>>
      %dma_wait3A_359 = arith.constant 0 : i32
      %dma_wait3A_360 = arith.constant 0 : i32
      %dma_wait3A_361 = tpu.memref_slice %arg3[%run_scoped3A_72, %add3A_71, %dma_wait3A_359, %dma_wait3A_360] : memref<2x160x25x80xi32, #tpu.memory_space<hbm>> -> memref<1x1x25x80xi32, #tpu.memory_space<hbm>>
      %dma_wait3A_362 = tpu.memref_squeeze %dma_wait3A_361 : memref<1x1x25x80xi32, #tpu.memory_space<hbm>> -> memref<25x80xi32, #tpu.memory_space<hbm>>
      tpu.wait_dma2 semaphore(%run_scoped3A_346 : memref<!tpu.dma_semaphore, #tpu.memory_space<semaphore_mem>>) src(%dma_wait3A_362 : memref<25x80xi32, #tpu.memory_space<hbm>>) dst(%arg6 : memref<25x80xi32, #tpu.memory_space<vmem>>)
      tpu.yield
    }) : () -> ()
    %run_scoped3A_73 = arith.constant 1 : i32
    "tpu.region"() ({
      %run_scoped3A_346 = tpu.sem_alloc : memref<!tpu.dma_semaphore, #tpu.memory_space<semaphore_mem>>
      %dma_start3A_347 = arith.constant 0 : i32
      %dma_start3A_348 = arith.constant 0 : i32
      %dma_start3A_349 = tpu.memref_slice %arg3[%run_scoped3A_73, %add3A_71, %dma_start3A_347, %dma_start3A_348] : memref<2x160x25x80xi32, #tpu.memory_space<hbm>> -> memref<1x1x25x80xi32, #tpu.memory_space<hbm>>
      %dma_start3A_350 = tpu.memref_squeeze %dma_start3A_349 : memref<1x1x25x80xi32, #tpu.memory_space<hbm>> -> memref<25x80xi32, #tpu.memory_space<hbm>>
      %dma_start3A_351 = arith.constant 0 : i32
      %dma_start3A_352 = arith.constant 0 : i32
      %dma_start3A_353 = tpu.memref_slice %arg3[%run_scoped3A_73, %add3A_71, %dma_start3A_351, %dma_start3A_352] : memref<2x160x25x80xi32, #tpu.memory_space<hbm>> -> memref<1x1x25x80xi32, #tpu.memory_space<hbm>>
      %dma_start3A_354 = tpu.memref_squeeze %dma_start3A_353 : memref<1x1x25x80xi32, #tpu.memory_space<hbm>> -> memref<25x80xi32, #tpu.memory_space<hbm>>
      tpu.enqueue_dma source(%dma_start3A_354 : memref<25x80xi32, #tpu.memory_space<hbm>>) target(%arg7 : memref<25x80xi32, #tpu.memory_space<vmem>>) target_semaphore(%run_scoped3A_346 : memref<!tpu.dma_semaphore, #tpu.memory_space<semaphore_mem>>)
      %dma_wait3A_355 = arith.constant 0 : i32
      %dma_wait3A_356 = arith.constant 0 : i32
      %dma_wait3A_357 = tpu.memref_slice %arg3[%run_scoped3A_73, %add3A_71, %dma_wait3A_355, %dma_wait3A_356] : memref<2x160x25x80xi32, #tpu.memory_space<hbm>> -> memref<1x1x25x80xi32, #tpu.memory_space<hbm>>
      %dma_wait3A_358 = tpu.memref_squeeze %dma_wait3A_357 : memref<1x1x25x80xi32, #tpu.memory_space<hbm>> -> memref<25x80xi32, #tpu.memory_space<hbm>>
      %dma_wait3A_359 = arith.constant 0 : i32
      %dma_wait3A_360 = arith.constant 0 : i32
      %dma_wait3A_361 = tpu.memref_slice %arg3[%run_scoped3A_73, %add3A_71, %dma_wait3A_359, %dma_wait3A_360] : memref<2x160x25x80xi32, #tpu.memory_space<hbm>> -> memref<1x1x25x80xi32, #tpu.memory_space<hbm>>
      %dma_wait3A_362 = tpu.memref_squeeze %dma_wait3A_361 : memref<1x1x25x80xi32, #tpu.memory_space<hbm>> -> memref<25x80xi32, #tpu.memory_space<hbm>>
      tpu.wait_dma2 semaphore(%run_scoped3A_346 : memref<!tpu.dma_semaphore, #tpu.memory_space<semaphore_mem>>) src(%dma_wait3A_362 : memref<25x80xi32, #tpu.memory_space<hbm>>) dst(%arg7 : memref<25x80xi32, #tpu.memory_space<vmem>>)
      tpu.yield
    }) : () -> ()
    %dma_start3A_74 = arith.constant 0 : i32
    %dma_start3A_75 = arith.constant 0 : i32
    %dma_start3A_76 = tpu.memref_slice %arg6[%dma_start3A_74, %dma_start3A_75] : memref<25x80xi32, #tpu.memory_space<vmem>> -> memref<1x80xi32, #tpu.memory_space<vmem>>
    %dma_start3A_77 = tpu.memref_squeeze %dma_start3A_76 : memref<1x80xi32, #tpu.memory_space<vmem>> -> memref<80xi32, #tpu.memory_space<vmem>>
    %dma_start3A_78 = arith.constant 0 : i32
    %dma_start3A_79 = arith.constant 0 : i32
    %dma_start3A_80 = tpu.memref_slice %arg2[%dma_start3A_78, %dma_start3A_79] : memref<10000x128xf32, #tpu.memory_space<hbm>> -> memref<10000x128xf32, #tpu.memory_space<hbm>>
    tpu.enqueue_indirect_dma source(%dma_start3A_80 : memref<10000x128xf32, #tpu.memory_space<hbm>>) target(%arg8 : memref<80x128xf32, #tpu.memory_space<vmem>>) offsets(%dma_start3A_77 : memref<80xi32, #tpu.memory_space<vmem>>) semaphore(%arg13 : memref<!tpu.dma_semaphore, #tpu.memory_space<semaphore_mem>>)
    %dma_start3A_81 = arith.constant 1 : i32
    %dma_start3A_82 = arith.constant 0 : i32
    %dma_start3A_83 = tpu.memref_slice %arg6[%dma_start3A_81, %dma_start3A_82] : memref<25x80xi32, #tpu.memory_space<vmem>> -> memref<1x80xi32, #tpu.memory_space<vmem>>
    %dma_start3A_84 = tpu.memref_squeeze %dma_start3A_83 : memref<1x80xi32, #tpu.memory_space<vmem>> -> memref<80xi32, #tpu.memory_space<vmem>>
    %dma_start3A_85 = arith.constant 0 : i32
    %dma_start3A_86 = arith.constant 0 : i32
    %dma_start3A_87 = tpu.memref_slice %arg2[%dma_start3A_85, %dma_start3A_86] : memref<10000x128xf32, #tpu.memory_space<hbm>> -> memref<10000x128xf32, #tpu.memory_space<hbm>>
    tpu.enqueue_indirect_dma source(%dma_start3A_87 : memref<10000x128xf32, #tpu.memory_space<hbm>>) target(%arg9 : memref<80x128xf32, #tpu.memory_space<vmem>>) offsets(%dma_start3A_84 : memref<80xi32, #tpu.memory_space<vmem>>) semaphore(%arg14 : memref<!tpu.dma_semaphore, #tpu.memory_space<semaphore_mem>>)
    %dma_start3A_88 = arith.constant 2 : i32
    %dma_start3A_89 = arith.constant 0 : i32
    %dma_start3A_90 = tpu.memref_slice %arg6[%dma_start3A_88, %dma_start3A_89] : memref<25x80xi32, #tpu.memory_space<vmem>> -> memref<1x80xi32, #tpu.memory_space<vmem>>
    %dma_start3A_91 = tpu.memref_squeeze %dma_start3A_90 : memref<1x80xi32, #tpu.memory_space<vmem>> -> memref<80xi32, #tpu.memory_space<vmem>>
    %dma_start3A_92 = arith.constant 0 : i32
    %dma_start3A_93 = arith.constant 0 : i32
    %dma_start3A_94 = tpu.memref_slice %arg2[%dma_start3A_92, %dma_start3A_93] : memref<10000x128xf32, #tpu.memory_space<hbm>> -> memref<10000x128xf32, #tpu.memory_space<hbm>>
    tpu.enqueue_indirect_dma source(%dma_start3A_94 : memref<10000x128xf32, #tpu.memory_space<hbm>>) target(%arg10 : memref<80x128xf32, #tpu.memory_space<vmem>>) offsets(%dma_start3A_91 : memref<80xi32, #tpu.memory_space<vmem>>) semaphore(%arg15 : memref<!tpu.dma_semaphore, #tpu.memory_space<semaphore_mem>>)
    %dma_start3A_95 = arith.constant 3 : i32
    %dma_start3A_96 = arith.constant 0 : i32
    %dma_start3A_97 = tpu.memref_slice %arg6[%dma_start3A_95, %dma_start3A_96] : memref<25x80xi32, #tpu.memory_space<vmem>> -> memref<1x80xi32, #tpu.memory_space<vmem>>
    %dma_start3A_98 = tpu.memref_squeeze %dma_start3A_97 : memref<1x80xi32, #tpu.memory_space<vmem>> -> memref<80xi32, #tpu.memory_space<vmem>>
    %dma_start3A_99 = arith.constant 0 : i32
    %dma_start3A_100 = arith.constant 0 : i32
    %dma_start3A_101 = tpu.memref_slice %arg2[%dma_start3A_99, %dma_start3A_100] : memref<10000x128xf32, #tpu.memory_space<hbm>> -> memref<10000x128xf32, #tpu.memory_space<hbm>>
    tpu.enqueue_indirect_dma source(%dma_start3A_101 : memref<10000x128xf32, #tpu.memory_space<hbm>>) target(%arg11 : memref<80x128xf32, #tpu.memory_space<vmem>>) offsets(%dma_start3A_98 : memref<80xi32, #tpu.memory_space<vmem>>) semaphore(%arg16 : memref<!tpu.dma_semaphore, #tpu.memory_space<semaphore_mem>>)
    %scan3A_102 = arith.constant 0 : i32
    %scan3A_103 = arith.constant 7 : i32
    %scan3A_104 = arith.addi %scan3A_102, %scan3A_103 : i32
    %scan3A_105 = arith.constant 1 : i32
    scf.for %scan3A_346 = %scan3A_102 to %scan3A_104 step %scan3A_105  : i32 {
      %mul3A_347 = arith.constant 4 : i32
      %mul3A_348 = arith.muli %scan3A_346, %mul3A_347 : i32
      %add3A_349 = arith.constant 0 : i32
      %add3A_350 = arith.addi %add3A_349, %mul3A_348 : i32
      %add3A_351 = arith.constant 0 : i32
      %add3A_352 = arith.addi %add3A_350, %add3A_351 : i32
      %lt3A = arith.constant 25 : i32
      %lt3A_353 = arith.cmpi slt, %add3A_352, %lt3A : i32
      %convert_element_type3A_354 = arith.extui %lt3A_353 : i1 to i32
      %cond3A_355 = arith.constant 0 : i32
      %cond3A_356 = arith.cmpi ne, %convert_element_type3A_354, %cond3A_355 : i32
      scf.if %cond3A_356 {
        %dma_wait3A_414 = arith.constant 0 : i32
        %dma_wait3A_415 = arith.constant 0 : i32
        %dma_wait3A_416 = tpu.memref_slice %arg6[%dma_wait3A_414, %dma_wait3A_415] : memref<25x80xi32, #tpu.memory_space<vmem>> -> memref<1x80xi32, #tpu.memory_space<vmem>>
        %dma_wait3A_417 = tpu.memref_squeeze %dma_wait3A_416 : memref<1x80xi32, #tpu.memory_space<vmem>> -> memref<80xi32, #tpu.memory_space<vmem>>
        %dma_wait3A_418 = arith.constant 0 : i32
        %dma_wait3A_419 = arith.constant 0 : i32
        %dma_wait3A_420 = tpu.memref_slice %arg2[%dma_wait3A_418, %dma_wait3A_419] : memref<10000x128xf32, #tpu.memory_space<hbm>> -> memref<10000x128xf32, #tpu.memory_space<hbm>>
        tpu.wait_indirect_dma semaphore(%arg13 : memref<!tpu.dma_semaphore, #tpu.memory_space<semaphore_mem>>) src(%dma_wait3A_420 : memref<10000x128xf32, #tpu.memory_space<hbm>>) dst(%arg8 : memref<80x128xf32, #tpu.memory_space<vmem>>)
        %add3A_421 = arith.constant 0 : i32
        %add3A_422 = arith.addi %add3A_350, %add3A_421 : i32
        %dma_start3A_423 = arith.constant 0 : i32
        %dma_start3A_424 = tpu.memref_slice %arg7[%add3A_422, %dma_start3A_423] : memref<25x80xi32, #tpu.memory_space<vmem>> -> memref<1x80xi32, #tpu.memory_space<vmem>>
        %dma_start3A_425 = tpu.memref_squeeze %dma_start3A_424 : memref<1x80xi32, #tpu.memory_space<vmem>> -> memref<80xi32, #tpu.memory_space<vmem>>
        %dma_start3A_426 = arith.constant 0 : i32
        %dma_start3A_427 = arith.constant 0 : i32
        %dma_start3A_428 = tpu.memref_slice %arg12[%dma_start3A_426, %dma_start3A_427] : memref<10000x128xf32, #tpu.memory_space<vmem_shared>> -> memref<10000x128xf32, #tpu.memory_space<vmem_shared>>
        tpu.enqueue_indirect_dma source(%arg8 : memref<80x128xf32, #tpu.memory_space<vmem>>) target(%dma_start3A_428 : memref<10000x128xf32, #tpu.memory_space<vmem_shared>>) offsets(%dma_start3A_425 : memref<80xi32, #tpu.memory_space<vmem>>) semaphore(%arg17 : memref<!tpu.dma_semaphore, #tpu.memory_space<semaphore_mem>>) {add = true}
      } else {
      }
      %add3A_357 = arith.constant 1 : i32
      %add3A_358 = arith.addi %add3A_350, %add3A_357 : i32
      %lt3A_359 = arith.constant 25 : i32
      %lt3A_360 = arith.cmpi slt, %add3A_358, %lt3A_359 : i32
      %convert_element_type3A_361 = arith.extui %lt3A_360 : i1 to i32
      %cond3A_362 = arith.constant 0 : i32
      %cond3A_363 = arith.cmpi ne, %convert_element_type3A_361, %cond3A_362 : i32
      scf.if %cond3A_363 {
        %dma_wait3A_414 = arith.constant 0 : i32
        %dma_wait3A_415 = arith.constant 0 : i32
        %dma_wait3A_416 = tpu.memref_slice %arg6[%dma_wait3A_414, %dma_wait3A_415] : memref<25x80xi32, #tpu.memory_space<vmem>> -> memref<1x80xi32, #tpu.memory_space<vmem>>
        %dma_wait3A_417 = tpu.memref_squeeze %dma_wait3A_416 : memref<1x80xi32, #tpu.memory_space<vmem>> -> memref<80xi32, #tpu.memory_space<vmem>>
        %dma_wait3A_418 = arith.constant 0 : i32
        %dma_wait3A_419 = arith.constant 0 : i32
        %dma_wait3A_420 = tpu.memref_slice %arg2[%dma_wait3A_418, %dma_wait3A_419] : memref<10000x128xf32, #tpu.memory_space<hbm>> -> memref<10000x128xf32, #tpu.memory_space<hbm>>
        tpu.wait_indirect_dma semaphore(%arg14 : memref<!tpu.dma_semaphore, #tpu.memory_space<semaphore_mem>>) src(%dma_wait3A_420 : memref<10000x128xf32, #tpu.memory_space<hbm>>) dst(%arg9 : memref<80x128xf32, #tpu.memory_space<vmem>>)
        %add3A_421 = arith.constant 1 : i32
        %add3A_422 = arith.addi %add3A_350, %add3A_421 : i32
        %dma_start3A_423 = arith.constant 0 : i32
        %dma_start3A_424 = tpu.memref_slice %arg7[%add3A_422, %dma_start3A_423] : memref<25x80xi32, #tpu.memory_space<vmem>> -> memref<1x80xi32, #tpu.memory_space<vmem>>
        %dma_start3A_425 = tpu.memref_squeeze %dma_start3A_424 : memref<1x80xi32, #tpu.memory_space<vmem>> -> memref<80xi32, #tpu.memory_space<vmem>>
        %dma_start3A_426 = arith.constant 0 : i32
        %dma_start3A_427 = arith.constant 0 : i32
        %dma_start3A_428 = tpu.memref_slice %arg12[%dma_start3A_426, %dma_start3A_427] : memref<10000x128xf32, #tpu.memory_space<vmem_shared>> -> memref<10000x128xf32, #tpu.memory_space<vmem_shared>>
        tpu.enqueue_indirect_dma source(%arg9 : memref<80x128xf32, #tpu.memory_space<vmem>>) target(%dma_start3A_428 : memref<10000x128xf32, #tpu.memory_space<vmem_shared>>) offsets(%dma_start3A_425 : memref<80xi32, #tpu.memory_space<vmem>>) semaphore(%arg18 : memref<!tpu.dma_semaphore, #tpu.memory_space<semaphore_mem>>) {add = true}
      } else {
      }
      %add3A_364 = arith.constant 2 : i32
      %add3A_365 = arith.addi %add3A_350, %add3A_364 : i32
      %lt3A_366 = arith.constant 25 : i32
      %lt3A_367 = arith.cmpi slt, %add3A_365, %lt3A_366 : i32
      %convert_element_type3A_368 = arith.extui %lt3A_367 : i1 to i32
      %cond3A_369 = arith.constant 0 : i32
      %cond3A_370 = arith.cmpi ne, %convert_element_type3A_368, %cond3A_369 : i32
      scf.if %cond3A_370 {
        %dma_wait3A_414 = arith.constant 0 : i32
        %dma_wait3A_415 = arith.constant 0 : i32
        %dma_wait3A_416 = tpu.memref_slice %arg6[%dma_wait3A_414, %dma_wait3A_415] : memref<25x80xi32, #tpu.memory_space<vmem>> -> memref<1x80xi32, #tpu.memory_space<vmem>>
        %dma_wait3A_417 = tpu.memref_squeeze %dma_wait3A_416 : memref<1x80xi32, #tpu.memory_space<vmem>> -> memref<80xi32, #tpu.memory_space<vmem>>
        %dma_wait3A_418 = arith.constant 0 : i32
        %dma_wait3A_419 = arith.constant 0 : i32
        %dma_wait3A_420 = tpu.memref_slice %arg2[%dma_wait3A_418, %dma_wait3A_419] : memref<10000x128xf32, #tpu.memory_space<hbm>> -> memref<10000x128xf32, #tpu.memory_space<hbm>>
        tpu.wait_indirect_dma semaphore(%arg15 : memref<!tpu.dma_semaphore, #tpu.memory_space<semaphore_mem>>) src(%dma_wait3A_420 : memref<10000x128xf32, #tpu.memory_space<hbm>>) dst(%arg10 : memref<80x128xf32, #tpu.memory_space<vmem>>)
        %add3A_421 = arith.constant 2 : i32
        %add3A_422 = arith.addi %add3A_350, %add3A_421 : i32
        %dma_start3A_423 = arith.constant 0 : i32
        %dma_start3A_424 = tpu.memref_slice %arg7[%add3A_422, %dma_start3A_423] : memref<25x80xi32, #tpu.memory_space<vmem>> -> memref<1x80xi32, #tpu.memory_space<vmem>>
        %dma_start3A_425 = tpu.memref_squeeze %dma_start3A_424 : memref<1x80xi32, #tpu.memory_space<vmem>> -> memref<80xi32, #tpu.memory_space<vmem>>
        %dma_start3A_426 = arith.constant 0 : i32
        %dma_start3A_427 = arith.constant 0 : i32
        %dma_start3A_428 = tpu.memref_slice %arg12[%dma_start3A_426, %dma_start3A_427] : memref<10000x128xf32, #tpu.memory_space<vmem_shared>> -> memref<10000x128xf32, #tpu.memory_space<vmem_shared>>
        tpu.enqueue_indirect_dma source(%arg10 : memref<80x128xf32, #tpu.memory_space<vmem>>) target(%dma_start3A_428 : memref<10000x128xf32, #tpu.memory_space<vmem_shared>>) offsets(%dma_start3A_425 : memref<80xi32, #tpu.memory_space<vmem>>) semaphore(%arg19 : memref<!tpu.dma_semaphore, #tpu.memory_space<semaphore_mem>>) {add = true}
      } else {
      }
      %add3A_371 = arith.constant 3 : i32
      %add3A_372 = arith.addi %add3A_350, %add3A_371 : i32
      %lt3A_373 = arith.constant 25 : i32
      %lt3A_374 = arith.cmpi slt, %add3A_372, %lt3A_373 : i32
      %convert_element_type3A_375 = arith.extui %lt3A_374 : i1 to i32
      %cond3A_376 = arith.constant 0 : i32
      %cond3A_377 = arith.cmpi ne, %convert_element_type3A_375, %cond3A_376 : i32
      scf.if %cond3A_377 {
        %dma_wait3A_414 = arith.constant 0 : i32
        %dma_wait3A_415 = arith.constant 0 : i32
        %dma_wait3A_416 = tpu.memref_slice %arg6[%dma_wait3A_414, %dma_wait3A_415] : memref<25x80xi32, #tpu.memory_space<vmem>> -> memref<1x80xi32, #tpu.memory_space<vmem>>
        %dma_wait3A_417 = tpu.memref_squeeze %dma_wait3A_416 : memref<1x80xi32, #tpu.memory_space<vmem>> -> memref<80xi32, #tpu.memory_space<vmem>>
        %dma_wait3A_418 = arith.constant 0 : i32
        %dma_wait3A_419 = arith.constant 0 : i32
        %dma_wait3A_420 = tpu.memref_slice %arg2[%dma_wait3A_418, %dma_wait3A_419] : memref<10000x128xf32, #tpu.memory_space<hbm>> -> memref<10000x128xf32, #tpu.memory_space<hbm>>
        tpu.wait_indirect_dma semaphore(%arg16 : memref<!tpu.dma_semaphore, #tpu.memory_space<semaphore_mem>>) src(%dma_wait3A_420 : memref<10000x128xf32, #tpu.memory_space<hbm>>) dst(%arg11 : memref<80x128xf32, #tpu.memory_space<vmem>>)
        %add3A_421 = arith.constant 3 : i32
        %add3A_422 = arith.addi %add3A_350, %add3A_421 : i32
        %dma_start3A_423 = arith.constant 0 : i32
        %dma_start3A_424 = tpu.memref_slice %arg7[%add3A_422, %dma_start3A_423] : memref<25x80xi32, #tpu.memory_space<vmem>> -> memref<1x80xi32, #tpu.memory_space<vmem>>
        %dma_start3A_425 = tpu.memref_squeeze %dma_start3A_424 : memref<1x80xi32, #tpu.memory_space<vmem>> -> memref<80xi32, #tpu.memory_space<vmem>>
        %dma_start3A_426 = arith.constant 0 : i32
        %dma_start3A_427 = arith.constant 0 : i32
        %dma_start3A_428 = tpu.memref_slice %arg12[%dma_start3A_426, %dma_start3A_427] : memref<10000x128xf32, #tpu.memory_space<vmem_shared>> -> memref<10000x128xf32, #tpu.memory_space<vmem_shared>>
        tpu.enqueue_indirect_dma source(%arg11 : memref<80x128xf32, #tpu.memory_space<vmem>>) target(%dma_start3A_428 : memref<10000x128xf32, #tpu.memory_space<vmem_shared>>) offsets(%dma_start3A_425 : memref<80xi32, #tpu.memory_space<vmem>>) semaphore(%arg20 : memref<!tpu.dma_semaphore, #tpu.memory_space<semaphore_mem>>) {add = true}
      } else {
      }
      %add3A_378 = arith.constant 0 : i32
      %add3A_379 = arith.addi %add3A_350, %add3A_378 : i32
      %add3A_380 = arith.constant 4 : i32
      %add3A_381 = arith.addi %add3A_379, %add3A_380 : i32
      %lt3A_382 = arith.constant 25 : i32
      %lt3A_383 = arith.cmpi slt, %add3A_381, %lt3A_382 : i32
      %convert_element_type3A_384 = arith.extui %lt3A_383 : i1 to i32
      %cond3A_385 = arith.constant 0 : i32
      %cond3A_386 = arith.cmpi ne, %convert_element_type3A_384, %cond3A_385 : i32
      scf.if %cond3A_386 {
        %dma_wait3A_414 = arith.constant 0 : i32
        %dma_wait3A_415 = arith.constant 0 : i32
        %dma_wait3A_416 = tpu.memref_slice %arg7[%dma_wait3A_414, %dma_wait3A_415] : memref<25x80xi32, #tpu.memory_space<vmem>> -> memref<1x80xi32, #tpu.memory_space<vmem>>
        %dma_wait3A_417 = tpu.memref_squeeze %dma_wait3A_416 : memref<1x80xi32, #tpu.memory_space<vmem>> -> memref<80xi32, #tpu.memory_space<vmem>>
        %dma_wait3A_418 = arith.constant 0 : i32
        %dma_wait3A_419 = arith.constant 0 : i32
        %dma_wait3A_420 = tpu.memref_slice %arg12[%dma_wait3A_418, %dma_wait3A_419] : memref<10000x128xf32, #tpu.memory_space<vmem_shared>> -> memref<10000x128xf32, #tpu.memory_space<vmem_shared>>
        tpu.wait_indirect_dma semaphore(%arg17 : memref<!tpu.dma_semaphore, #tpu.memory_space<semaphore_mem>>) src(%arg8 : memref<80x128xf32, #tpu.memory_space<vmem>>) dst(%dma_wait3A_420 : memref<10000x128xf32, #tpu.memory_space<vmem_shared>>)
        %add3A_421 = arith.constant 0 : i32
        %add3A_422 = arith.addi %add3A_350, %add3A_421 : i32
        %add3A_423 = arith.constant 4 : i32
        %add3A_424 = arith.addi %add3A_422, %add3A_423 : i32
        %dma_start3A_425 = arith.constant 0 : i32
        %dma_start3A_426 = tpu.memref_slice %arg6[%add3A_424, %dma_start3A_425] : memref<25x80xi32, #tpu.memory_space<vmem>> -> memref<1x80xi32, #tpu.memory_space<vmem>>
        %dma_start3A_427 = tpu.memref_squeeze %dma_start3A_426 : memref<1x80xi32, #tpu.memory_space<vmem>> -> memref<80xi32, #tpu.memory_space<vmem>>
        %dma_start3A_428 = arith.constant 0 : i32
        %dma_start3A_429 = arith.constant 0 : i32
        %dma_start3A_430 = tpu.memref_slice %arg2[%dma_start3A_428, %dma_start3A_429] : memref<10000x128xf32, #tpu.memory_space<hbm>> -> memref<10000x128xf32, #tpu.memory_space<hbm>>
        tpu.enqueue_indirect_dma source(%dma_start3A_430 : memref<10000x128xf32, #tpu.memory_space<hbm>>) target(%arg8 : memref<80x128xf32, #tpu.memory_space<vmem>>) offsets(%dma_start3A_427 : memref<80xi32, #tpu.memory_space<vmem>>) semaphore(%arg13 : memref<!tpu.dma_semaphore, #tpu.memory_space<semaphore_mem>>)
      } else {
      }
      %add3A_387 = arith.constant 1 : i32
      %add3A_388 = arith.addi %add3A_350, %add3A_387 : i32
      %add3A_389 = arith.constant 4 : i32
      %add3A_390 = arith.addi %add3A_388, %add3A_389 : i32
      %lt3A_391 = arith.constant 25 : i32
      %lt3A_392 = arith.cmpi slt, %add3A_390, %lt3A_391 : i32
      %convert_element_type3A_393 = arith.extui %lt3A_392 : i1 to i32
      %cond3A_394 = arith.constant 0 : i32
      %cond3A_395 = arith.cmpi ne, %convert_element_type3A_393, %cond3A_394 : i32
      scf.if %cond3A_395 {
        %dma_wait3A_414 = arith.constant 0 : i32
        %dma_wait3A_415 = arith.constant 0 : i32
        %dma_wait3A_416 = tpu.memref_slice %arg7[%dma_wait3A_414, %dma_wait3A_415] : memref<25x80xi32, #tpu.memory_space<vmem>> -> memref<1x80xi32, #tpu.memory_space<vmem>>
        %dma_wait3A_417 = tpu.memref_squeeze %dma_wait3A_416 : memref<1x80xi32, #tpu.memory_space<vmem>> -> memref<80xi32, #tpu.memory_space<vmem>>
        %dma_wait3A_418 = arith.constant 0 : i32
        %dma_wait3A_419 = arith.constant 0 : i32
        %dma_wait3A_420 = tpu.memref_slice %arg12[%dma_wait3A_418, %dma_wait3A_419] : memref<10000x128xf32, #tpu.memory_space<vmem_shared>> -> memref<10000x128xf32, #tpu.memory_space<vmem_shared>>
        tpu.wait_indirect_dma semaphore(%arg18 : memref<!tpu.dma_semaphore, #tpu.memory_space<semaphore_mem>>) src(%arg9 : memref<80x128xf32, #tpu.memory_space<vmem>>) dst(%dma_wait3A_420 : memref<10000x128xf32, #tpu.memory_space<vmem_shared>>)
        %add3A_421 = arith.constant 1 : i32
        %add3A_422 = arith.addi %add3A_350, %add3A_421 : i32
        %add3A_423 = arith.constant 4 : i32
        %add3A_424 = arith.addi %add3A_422, %add3A_423 : i32
        %dma_start3A_425 = arith.constant 0 : i32
        %dma_start3A_426 = tpu.memref_slice %arg6[%add3A_424, %dma_start3A_425] : memref<25x80xi32, #tpu.memory_space<vmem>> -> memref<1x80xi32, #tpu.memory_space<vmem>>
        %dma_start3A_427 = tpu.memref_squeeze %dma_start3A_426 : memref<1x80xi32, #tpu.memory_space<vmem>> -> memref<80xi32, #tpu.memory_space<vmem>>
        %dma_start3A_428 = arith.constant 0 : i32
        %dma_start3A_429 = arith.constant 0 : i32
        %dma_start3A_430 = tpu.memref_slice %arg2[%dma_start3A_428, %dma_start3A_429] : memref<10000x128xf32, #tpu.memory_space<hbm>> -> memref<10000x128xf32, #tpu.memory_space<hbm>>
        tpu.enqueue_indirect_dma source(%dma_start3A_430 : memref<10000x128xf32, #tpu.memory_space<hbm>>) target(%arg9 : memref<80x128xf32, #tpu.memory_space<vmem>>) offsets(%dma_start3A_427 : memref<80xi32, #tpu.memory_space<vmem>>) semaphore(%arg14 : memref<!tpu.dma_semaphore, #tpu.memory_space<semaphore_mem>>)
      } else {
      }
      %add3A_396 = arith.constant 2 : i32
      %add3A_397 = arith.addi %add3A_350, %add3A_396 : i32
      %add3A_398 = arith.constant 4 : i32
      %add3A_399 = arith.addi %add3A_397, %add3A_398 : i32
      %lt3A_400 = arith.constant 25 : i32
      %lt3A_401 = arith.cmpi slt, %add3A_399, %lt3A_400 : i32
      %convert_element_type3A_402 = arith.extui %lt3A_401 : i1 to i32
      %cond3A_403 = arith.constant 0 : i32
      %cond3A_404 = arith.cmpi ne, %convert_element_type3A_402, %cond3A_403 : i32
      scf.if %cond3A_404 {
        %dma_wait3A_414 = arith.constant 0 : i32
        %dma_wait3A_415 = arith.constant 0 : i32
        %dma_wait3A_416 = tpu.memref_slice %arg7[%dma_wait3A_414, %dma_wait3A_415] : memref<25x80xi32, #tpu.memory_space<vmem>> -> memref<1x80xi32, #tpu.memory_space<vmem>>
        %dma_wait3A_417 = tpu.memref_squeeze %dma_wait3A_416 : memref<1x80xi32, #tpu.memory_space<vmem>> -> memref<80xi32, #tpu.memory_space<vmem>>
        %dma_wait3A_418 = arith.constant 0 : i32
        %dma_wait3A_419 = arith.constant 0 : i32
        %dma_wait3A_420 = tpu.memref_slice %arg12[%dma_wait3A_418, %dma_wait3A_419] : memref<10000x128xf32, #tpu.memory_space<vmem_shared>> -> memref<10000x128xf32, #tpu.memory_space<vmem_shared>>
        tpu.wait_indirect_dma semaphore(%arg19 : memref<!tpu.dma_semaphore, #tpu.memory_space<semaphore_mem>>) src(%arg10 : memref<80x128xf32, #tpu.memory_space<vmem>>) dst(%dma_wait3A_420 : memref<10000x128xf32, #tpu.memory_space<vmem_shared>>)
        %add3A_421 = arith.constant 2 : i32
        %add3A_422 = arith.addi %add3A_350, %add3A_421 : i32
        %add3A_423 = arith.constant 4 : i32
        %add3A_424 = arith.addi %add3A_422, %add3A_423 : i32
        %dma_start3A_425 = arith.constant 0 : i32
        %dma_start3A_426 = tpu.memref_slice %arg6[%add3A_424, %dma_start3A_425] : memref<25x80xi32, #tpu.memory_space<vmem>> -> memref<1x80xi32, #tpu.memory_space<vmem>>
        %dma_start3A_427 = tpu.memref_squeeze %dma_start3A_426 : memref<1x80xi32, #tpu.memory_space<vmem>> -> memref<80xi32, #tpu.memory_space<vmem>>
        %dma_start3A_428 = arith.constant 0 : i32
        %dma_start3A_429 = arith.constant 0 : i32
        %dma_start3A_430 = tpu.memref_slice %arg2[%dma_start3A_428, %dma_start3A_429] : memref<10000x128xf32, #tpu.memory_space<hbm>> -> memref<10000x128xf32, #tpu.memory_space<hbm>>
        tpu.enqueue_indirect_dma source(%dma_start3A_430 : memref<10000x128xf32, #tpu.memory_space<hbm>>) target(%arg10 : memref<80x128xf32, #tpu.memory_space<vmem>>) offsets(%dma_start3A_427 : memref<80xi32, #tpu.memory_space<vmem>>) semaphore(%arg15 : memref<!tpu.dma_semaphore, #tpu.memory_space<semaphore_mem>>)
      } else {
      }
      %add3A_405 = arith.constant 3 : i32
      %add3A_406 = arith.addi %add3A_350, %add3A_405 : i32
      %add3A_407 = arith.constant 4 : i32
      %add3A_408 = arith.addi %add3A_406, %add3A_407 : i32
      %lt3A_409 = arith.constant 25 : i32
      %lt3A_410 = arith.cmpi slt, %add3A_408, %lt3A_409 : i32
      %convert_element_type3A_411 = arith.extui %lt3A_410 : i1 to i32
      %cond3A_412 = arith.constant 0 : i32
      %cond3A_413 = arith.cmpi ne, %convert_element_type3A_411, %cond3A_412 : i32
      scf.if %cond3A_413 {
        %dma_wait3A_414 = arith.constant 0 : i32
        %dma_wait3A_415 = arith.constant 0 : i32
        %dma_wait3A_416 = tpu.memref_slice %arg7[%dma_wait3A_414, %dma_wait3A_415] : memref<25x80xi32, #tpu.memory_space<vmem>> -> memref<1x80xi32, #tpu.memory_space<vmem>>
        %dma_wait3A_417 = tpu.memref_squeeze %dma_wait3A_416 : memref<1x80xi32, #tpu.memory_space<vmem>> -> memref<80xi32, #tpu.memory_space<vmem>>
        %dma_wait3A_418 = arith.constant 0 : i32
        %dma_wait3A_419 = arith.constant 0 : i32
        %dma_wait3A_420 = tpu.memref_slice %arg12[%dma_wait3A_418, %dma_wait3A_419] : memref<10000x128xf32, #tpu.memory_space<vmem_shared>> -> memref<10000x128xf32, #tpu.memory_space<vmem_shared>>
        tpu.wait_indirect_dma semaphore(%arg20 : memref<!tpu.dma_semaphore, #tpu.memory_space<semaphore_mem>>) src(%arg11 : memref<80x128xf32, #tpu.memory_space<vmem>>) dst(%dma_wait3A_420 : memref<10000x128xf32, #tpu.memory_space<vmem_shared>>)
        %add3A_421 = arith.constant 3 : i32
        %add3A_422 = arith.addi %add3A_350, %add3A_421 : i32
        %add3A_423 = arith.constant 4 : i32
        %add3A_424 = arith.addi %add3A_422, %add3A_423 : i32
        %dma_start3A_425 = arith.constant 0 : i32
        %dma_start3A_426 = tpu.memref_slice %arg6[%add3A_424, %dma_start3A_425] : memref<25x80xi32, #tpu.memory_space<vmem>> -> memref<1x80xi32, #tpu.memory_space<vmem>>
        %dma_start3A_427 = tpu.memref_squeeze %dma_start3A_426 : memref<1x80xi32, #tpu.memory_space<vmem>> -> memref<80xi32, #tpu.memory_space<vmem>>
        %dma_start3A_428 = arith.constant 0 : i32
        %dma_start3A_429 = arith.constant 0 : i32
        %dma_start3A_430 = tpu.memref_slice %arg2[%dma_start3A_428, %dma_start3A_429] : memref<10000x128xf32, #tpu.memory_space<hbm>> -> memref<10000x128xf32, #tpu.memory_space<hbm>>
        tpu.enqueue_indirect_dma source(%dma_start3A_430 : memref<10000x128xf32, #tpu.memory_space<hbm>>) target(%arg11 : memref<80x128xf32, #tpu.memory_space<vmem>>) offsets(%dma_start3A_427 : memref<80xi32, #tpu.memory_space<vmem>>) semaphore(%arg16 : memref<!tpu.dma_semaphore, #tpu.memory_space<semaphore_mem>>)
      } else {
      }
    }
    %scan3A_106 = arith.constant 7 : i32
    %dma_wait3A_107 = arith.constant 0 : i32
    %dma_wait3A_108 = arith.constant 0 : i32
    %dma_wait3A_109 = tpu.memref_slice %arg7[%dma_wait3A_107, %dma_wait3A_108] : memref<25x80xi32, #tpu.memory_space<vmem>> -> memref<1x80xi32, #tpu.memory_space<vmem>>
    %dma_wait3A_110 = tpu.memref_squeeze %dma_wait3A_109 : memref<1x80xi32, #tpu.memory_space<vmem>> -> memref<80xi32, #tpu.memory_space<vmem>>
    %dma_wait3A_111 = arith.constant 0 : i32
    %dma_wait3A_112 = arith.constant 0 : i32
    %dma_wait3A_113 = tpu.memref_slice %arg12[%dma_wait3A_111, %dma_wait3A_112] : memref<10000x128xf32, #tpu.memory_space<vmem_shared>> -> memref<10000x128xf32, #tpu.memory_space<vmem_shared>>
    tpu.wait_indirect_dma semaphore(%arg17 : memref<!tpu.dma_semaphore, #tpu.memory_space<semaphore_mem>>) src(%arg8 : memref<80x128xf32, #tpu.memory_space<vmem>>) dst(%dma_wait3A_113 : memref<10000x128xf32, #tpu.memory_space<vmem_shared>>)
    %dma_wait3A_114 = arith.constant 0 : i32
    %dma_wait3A_115 = arith.constant 0 : i32
    %dma_wait3A_116 = tpu.memref_slice %arg7[%dma_wait3A_114, %dma_wait3A_115] : memref<25x80xi32, #tpu.memory_space<vmem>> -> memref<1x80xi32, #tpu.memory_space<vmem>>
    %dma_wait3A_117 = tpu.memref_squeeze %dma_wait3A_116 : memref<1x80xi32, #tpu.memory_space<vmem>> -> memref<80xi32, #tpu.memory_space<vmem>>
    %dma_wait3A_118 = arith.constant 0 : i32
    %dma_wait3A_119 = arith.constant 0 : i32
    %dma_wait3A_120 = tpu.memref_slice %arg12[%dma_wait3A_118, %dma_wait3A_119] : memref<10000x128xf32, #tpu.memory_space<vmem_shared>> -> memref<10000x128xf32, #tpu.memory_space<vmem_shared>>
    tpu.wait_indirect_dma semaphore(%arg18 : memref<!tpu.dma_semaphore, #tpu.memory_space<semaphore_mem>>) src(%arg9 : memref<80x128xf32, #tpu.memory_space<vmem>>) dst(%dma_wait3A_120 : memref<10000x128xf32, #tpu.memory_space<vmem_shared>>)
    %dma_wait3A_121 = arith.constant 0 : i32
    %dma_wait3A_122 = arith.constant 0 : i32
    %dma_wait3A_123 = tpu.memref_slice %arg7[%dma_wait3A_121, %dma_wait3A_122] : memref<25x80xi32, #tpu.memory_space<vmem>> -> memref<1x80xi32, #tpu.memory_space<vmem>>
    %dma_wait3A_124 = tpu.memref_squeeze %dma_wait3A_123 : memref<1x80xi32, #tpu.memory_space<vmem>> -> memref<80xi32, #tpu.memory_space<vmem>>
    %dma_wait3A_125 = arith.constant 0 : i32
    %dma_wait3A_126 = arith.constant 0 : i32
    %dma_wait3A_127 = tpu.memref_slice %arg12[%dma_wait3A_125, %dma_wait3A_126] : memref<10000x128xf32, #tpu.memory_space<vmem_shared>> -> memref<10000x128xf32, #tpu.memory_space<vmem_shared>>
    tpu.wait_indirect_dma semaphore(%arg19 : memref<!tpu.dma_semaphore, #tpu.memory_space<semaphore_mem>>) src(%arg10 : memref<80x128xf32, #tpu.memory_space<vmem>>) dst(%dma_wait3A_127 : memref<10000x128xf32, #tpu.memory_space<vmem_shared>>)
    %dma_wait3A_128 = arith.constant 0 : i32
    %dma_wait3A_129 = arith.constant 0 : i32
    %dma_wait3A_130 = tpu.memref_slice %arg7[%dma_wait3A_128, %dma_wait3A_129] : memref<25x80xi32, #tpu.memory_space<vmem>> -> memref<1x80xi32, #tpu.memory_space<vmem>>
    %dma_wait3A_131 = tpu.memref_squeeze %dma_wait3A_130 : memref<1x80xi32, #tpu.memory_space<vmem>> -> memref<80xi32, #tpu.memory_space<vmem>>
    %dma_wait3A_132 = arith.constant 0 : i32
    %dma_wait3A_133 = arith.constant 0 : i32
    %dma_wait3A_134 = tpu.memref_slice %arg12[%dma_wait3A_132, %dma_wait3A_133] : memref<10000x128xf32, #tpu.memory_space<vmem_shared>> -> memref<10000x128xf32, #tpu.memory_space<vmem_shared>>
    tpu.wait_indirect_dma semaphore(%arg20 : memref<!tpu.dma_semaphore, #tpu.memory_space<semaphore_mem>>) src(%arg11 : memref<80x128xf32, #tpu.memory_space<vmem>>) dst(%dma_wait3A_134 : memref<10000x128xf32, #tpu.memory_space<vmem_shared>>)
    %mul3A_135 = arith.constant 5 : i32
    %mul3A_136 = arith.muli %mul3A_135, %add3A : i32
    %add3A_137 = arith.constant 2 : i32
    %add3A_138 = arith.addi %mul3A_136, %add3A_137 : i32
    %run_scoped3A_139 = arith.constant 0 : i32
    "tpu.region"() ({
      %run_scoped3A_346 = tpu.sem_alloc : memref<!tpu.dma_semaphore, #tpu.memory_space<semaphore_mem>>
      %dma_start3A_347 = arith.constant 0 : i32
      %dma_start3A_348 = arith.constant 0 : i32
      %dma_start3A_349 = tpu.memref_slice %arg3[%run_scoped3A_139, %add3A_138, %dma_start3A_347, %dma_start3A_348] : memref<2x160x25x80xi32, #tpu.memory_space<hbm>> -> memref<1x1x25x80xi32, #tpu.memory_space<hbm>>
      %dma_start3A_350 = tpu.memref_squeeze %dma_start3A_349 : memref<1x1x25x80xi32, #tpu.memory_space<hbm>> -> memref<25x80xi32, #tpu.memory_space<hbm>>
      %dma_start3A_351 = arith.constant 0 : i32
      %dma_start3A_352 = arith.constant 0 : i32
      %dma_start3A_353 = tpu.memref_slice %arg3[%run_scoped3A_139, %add3A_138, %dma_start3A_351, %dma_start3A_352] : memref<2x160x25x80xi32, #tpu.memory_space<hbm>> -> memref<1x1x25x80xi32, #tpu.memory_space<hbm>>
      %dma_start3A_354 = tpu.memref_squeeze %dma_start3A_353 : memref<1x1x25x80xi32, #tpu.memory_space<hbm>> -> memref<25x80xi32, #tpu.memory_space<hbm>>
      tpu.enqueue_dma source(%dma_start3A_354 : memref<25x80xi32, #tpu.memory_space<hbm>>) target(%arg6 : memref<25x80xi32, #tpu.memory_space<vmem>>) target_semaphore(%run_scoped3A_346 : memref<!tpu.dma_semaphore, #tpu.memory_space<semaphore_mem>>)
      %dma_wait3A_355 = arith.constant 0 : i32
      %dma_wait3A_356 = arith.constant 0 : i32
      %dma_wait3A_357 = tpu.memref_slice %arg3[%run_scoped3A_139, %add3A_138, %dma_wait3A_355, %dma_wait3A_356] : memref<2x160x25x80xi32, #tpu.memory_space<hbm>> -> memref<1x1x25x80xi32, #tpu.memory_space<hbm>>
      %dma_wait3A_358 = tpu.memref_squeeze %dma_wait3A_357 : memref<1x1x25x80xi32, #tpu.memory_space<hbm>> -> memref<25x80xi32, #tpu.memory_space<hbm>>
      %dma_wait3A_359 = arith.constant 0 : i32
      %dma_wait3A_360 = arith.constant 0 : i32
      %dma_wait3A_361 = tpu.memref_slice %arg3[%run_scoped3A_139, %add3A_138, %dma_wait3A_359, %dma_wait3A_360] : memref<2x160x25x80xi32, #tpu.memory_space<hbm>> -> memref<1x1x25x80xi32, #tpu.memory_space<hbm>>
      %dma_wait3A_362 = tpu.memref_squeeze %dma_wait3A_361 : memref<1x1x25x80xi32, #tpu.memory_space<hbm>> -> memref<25x80xi32, #tpu.memory_space<hbm>>
      tpu.wait_dma2 semaphore(%run_scoped3A_346 : memref<!tpu.dma_semaphore, #tpu.memory_space<semaphore_mem>>) src(%dma_wait3A_362 : memref<25x80xi32, #tpu.memory_space<hbm>>) dst(%arg6 : memref<25x80xi32, #tpu.memory_space<vmem>>)
      tpu.yield
    }) : () -> ()
    %run_scoped3A_140 = arith.constant 1 : i32
    "tpu.region"() ({
      %run_scoped3A_346 = tpu.sem_alloc : memref<!tpu.dma_semaphore, #tpu.memory_space<semaphore_mem>>
      %dma_start3A_347 = arith.constant 0 : i32
      %dma_start3A_348 = arith.constant 0 : i32
      %dma_start3A_349 = tpu.memref_slice %arg3[%run_scoped3A_140, %add3A_138, %dma_start3A_347, %dma_start3A_348] : memref<2x160x25x80xi32, #tpu.memory_space<hbm>> -> memref<1x1x25x80xi32, #tpu.memory_space<hbm>>
      %dma_start3A_350 = tpu.memref_squeeze %dma_start3A_349 : memref<1x1x25x80xi32, #tpu.memory_space<hbm>> -> memref<25x80xi32, #tpu.memory_space<hbm>>
      %dma_start3A_351 = arith.constant 0 : i32
      %dma_start3A_352 = arith.constant 0 : i32
      %dma_start3A_353 = tpu.memref_slice %arg3[%run_scoped3A_140, %add3A_138, %dma_start3A_351, %dma_start3A_352] : memref<2x160x25x80xi32, #tpu.memory_space<hbm>> -> memref<1x1x25x80xi32, #tpu.memory_space<hbm>>
      %dma_start3A_354 = tpu.memref_squeeze %dma_start3A_353 : memref<1x1x25x80xi32, #tpu.memory_space<hbm>> -> memref<25x80xi32, #tpu.memory_space<hbm>>
      tpu.enqueue_dma source(%dma_start3A_354 : memref<25x80xi32, #tpu.memory_space<hbm>>) target(%arg7 : memref<25x80xi32, #tpu.memory_space<vmem>>) target_semaphore(%run_scoped3A_346 : memref<!tpu.dma_semaphore, #tpu.memory_space<semaphore_mem>>)
      %dma_wait3A_355 = arith.constant 0 : i32
      %dma_wait3A_356 = arith.constant 0 : i32
      %dma_wait3A_357 = tpu.memref_slice %arg3[%run_scoped3A_140, %add3A_138, %dma_wait3A_355, %dma_wait3A_356] : memref<2x160x25x80xi32, #tpu.memory_space<hbm>> -> memref<1x1x25x80xi32, #tpu.memory_space<hbm>>
      %dma_wait3A_358 = tpu.memref_squeeze %dma_wait3A_357 : memref<1x1x25x80xi32, #tpu.memory_space<hbm>> -> memref<25x80xi32, #tpu.memory_space<hbm>>
      %dma_wait3A_359 = arith.constant 0 : i32
      %dma_wait3A_360 = arith.constant 0 : i32
      %dma_wait3A_361 = tpu.memref_slice %arg3[%run_scoped3A_140, %add3A_138, %dma_wait3A_359, %dma_wait3A_360] : memref<2x160x25x80xi32, #tpu.memory_space<hbm>> -> memref<1x1x25x80xi32, #tpu.memory_space<hbm>>
      %dma_wait3A_362 = tpu.memref_squeeze %dma_wait3A_361 : memref<1x1x25x80xi32, #tpu.memory_space<hbm>> -> memref<25x80xi32, #tpu.memory_space<hbm>>
      tpu.wait_dma2 semaphore(%run_scoped3A_346 : memref<!tpu.dma_semaphore, #tpu.memory_space<semaphore_mem>>) src(%dma_wait3A_362 : memref<25x80xi32, #tpu.memory_space<hbm>>) dst(%arg7 : memref<25x80xi32, #tpu.memory_space<vmem>>)
      tpu.yield
    }) : () -> ()
    %dma_start3A_141 = arith.constant 0 : i32
    %dma_start3A_142 = arith.constant 0 : i32
    %dma_start3A_143 = tpu.memref_slice %arg6[%dma_start3A_141, %dma_start3A_142] : memref<25x80xi32, #tpu.memory_space<vmem>> -> memref<1x80xi32, #tpu.memory_space<vmem>>
    %dma_start3A_144 = tpu.memref_squeeze %dma_start3A_143 : memref<1x80xi32, #tpu.memory_space<vmem>> -> memref<80xi32, #tpu.memory_space<vmem>>
    %dma_start3A_145 = arith.constant 0 : i32
    %dma_start3A_146 = arith.constant 0 : i32
    %dma_start3A_147 = tpu.memref_slice %arg2[%dma_start3A_145, %dma_start3A_146] : memref<10000x128xf32, #tpu.memory_space<hbm>> -> memref<10000x128xf32, #tpu.memory_space<hbm>>
    tpu.enqueue_indirect_dma source(%dma_start3A_147 : memref<10000x128xf32, #tpu.memory_space<hbm>>) target(%arg8 : memref<80x128xf32, #tpu.memory_space<vmem>>) offsets(%dma_start3A_144 : memref<80xi32, #tpu.memory_space<vmem>>) semaphore(%arg13 : memref<!tpu.dma_semaphore, #tpu.memory_space<semaphore_mem>>)
    %dma_start3A_148 = arith.constant 1 : i32
    %dma_start3A_149 = arith.constant 0 : i32
    %dma_start3A_150 = tpu.memref_slice %arg6[%dma_start3A_148, %dma_start3A_149] : memref<25x80xi32, #tpu.memory_space<vmem>> -> memref<1x80xi32, #tpu.memory_space<vmem>>
    %dma_start3A_151 = tpu.memref_squeeze %dma_start3A_150 : memref<1x80xi32, #tpu.memory_space<vmem>> -> memref<80xi32, #tpu.memory_space<vmem>>
    %dma_start3A_152 = arith.constant 0 : i32
    %dma_start3A_153 = arith.constant 0 : i32
    %dma_start3A_154 = tpu.memref_slice %arg2[%dma_start3A_152, %dma_start3A_153] : memref<10000x128xf32, #tpu.memory_space<hbm>> -> memref<10000x128xf32, #tpu.memory_space<hbm>>
    tpu.enqueue_indirect_dma source(%dma_start3A_154 : memref<10000x128xf32, #tpu.memory_space<hbm>>) target(%arg9 : memref<80x128xf32, #tpu.memory_space<vmem>>) offsets(%dma_start3A_151 : memref<80xi32, #tpu.memory_space<vmem>>) semaphore(%arg14 : memref<!tpu.dma_semaphore, #tpu.memory_space<semaphore_mem>>)
    %dma_start3A_155 = arith.constant 2 : i32
    %dma_start3A_156 = arith.constant 0 : i32
    %dma_start3A_157 = tpu.memref_slice %arg6[%dma_start3A_155, %dma_start3A_156] : memref<25x80xi32, #tpu.memory_space<vmem>> -> memref<1x80xi32, #tpu.memory_space<vmem>>
    %dma_start3A_158 = tpu.memref_squeeze %dma_start3A_157 : memref<1x80xi32, #tpu.memory_space<vmem>> -> memref<80xi32, #tpu.memory_space<vmem>>
    %dma_start3A_159 = arith.constant 0 : i32
    %dma_start3A_160 = arith.constant 0 : i32
    %dma_start3A_161 = tpu.memref_slice %arg2[%dma_start3A_159, %dma_start3A_160] : memref<10000x128xf32, #tpu.memory_space<hbm>> -> memref<10000x128xf32, #tpu.memory_space<hbm>>
    tpu.enqueue_indirect_dma source(%dma_start3A_161 : memref<10000x128xf32, #tpu.memory_space<hbm>>) target(%arg10 : memref<80x128xf32, #tpu.memory_space<vmem>>) offsets(%dma_start3A_158 : memref<80xi32, #tpu.memory_space<vmem>>) semaphore(%arg15 : memref<!tpu.dma_semaphore, #tpu.memory_space<semaphore_mem>>)
    %dma_start3A_162 = arith.constant 3 : i32
    %dma_start3A_163 = arith.constant 0 : i32
    %dma_start3A_164 = tpu.memref_slice %arg6[%dma_start3A_162, %dma_start3A_163] : memref<25x80xi32, #tpu.memory_space<vmem>> -> memref<1x80xi32, #tpu.memory_space<vmem>>
    %dma_start3A_165 = tpu.memref_squeeze %dma_start3A_164 : memref<1x80xi32, #tpu.memory_space<vmem>> -> memref<80xi32, #tpu.memory_space<vmem>>
    %dma_start3A_166 = arith.constant 0 : i32
    %dma_start3A_167 = arith.constant 0 : i32
    %dma_start3A_168 = tpu.memref_slice %arg2[%dma_start3A_166, %dma_start3A_167] : memref<10000x128xf32, #tpu.memory_space<hbm>> -> memref<10000x128xf32, #tpu.memory_space<hbm>>
    tpu.enqueue_indirect_dma source(%dma_start3A_168 : memref<10000x128xf32, #tpu.memory_space<hbm>>) target(%arg11 : memref<80x128xf32, #tpu.memory_space<vmem>>) offsets(%dma_start3A_165 : memref<80xi32, #tpu.memory_space<vmem>>) semaphore(%arg16 : memref<!tpu.dma_semaphore, #tpu.memory_space<semaphore_mem>>)
    %scan3A_169 = arith.constant 0 : i32
    %scan3A_170 = arith.constant 7 : i32
    %scan3A_171 = arith.addi %scan3A_169, %scan3A_170 : i32
    %scan3A_172 = arith.constant 1 : i32
    scf.for %scan3A_346 = %scan3A_169 to %scan3A_171 step %scan3A_172  : i32 {
      %mul3A_347 = arith.constant 4 : i32
      %mul3A_348 = arith.muli %scan3A_346, %mul3A_347 : i32
      %add3A_349 = arith.constant 0 : i32
      %add3A_350 = arith.addi %add3A_349, %mul3A_348 : i32
      %add3A_351 = arith.constant 0 : i32
      %add3A_352 = arith.addi %add3A_350, %add3A_351 : i32
      %lt3A = arith.constant 25 : i32
      %lt3A_353 = arith.cmpi slt, %add3A_352, %lt3A : i32
      %convert_element_type3A_354 = arith.extui %lt3A_353 : i1 to i32
      %cond3A_355 = arith.constant 0 : i32
      %cond3A_356 = arith.cmpi ne, %convert_element_type3A_354, %cond3A_355 : i32
      scf.if %cond3A_356 {
        %dma_wait3A_414 = arith.constant 0 : i32
        %dma_wait3A_415 = arith.constant 0 : i32
        %dma_wait3A_416 = tpu.memref_slice %arg6[%dma_wait3A_414, %dma_wait3A_415] : memref<25x80xi32, #tpu.memory_space<vmem>> -> memref<1x80xi32, #tpu.memory_space<vmem>>
        %dma_wait3A_417 = tpu.memref_squeeze %dma_wait3A_416 : memref<1x80xi32, #tpu.memory_space<vmem>> -> memref<80xi32, #tpu.memory_space<vmem>>
        %dma_wait3A_418 = arith.constant 0 : i32
        %dma_wait3A_419 = arith.constant 0 : i32
        %dma_wait3A_420 = tpu.memref_slice %arg2[%dma_wait3A_418, %dma_wait3A_419] : memref<10000x128xf32, #tpu.memory_space<hbm>> -> memref<10000x128xf32, #tpu.memory_space<hbm>>
        tpu.wait_indirect_dma semaphore(%arg13 : memref<!tpu.dma_semaphore, #tpu.memory_space<semaphore_mem>>) src(%dma_wait3A_420 : memref<10000x128xf32, #tpu.memory_space<hbm>>) dst(%arg8 : memref<80x128xf32, #tpu.memory_space<vmem>>)
        %add3A_421 = arith.constant 0 : i32
        %add3A_422 = arith.addi %add3A_350, %add3A_421 : i32
        %dma_start3A_423 = arith.constant 0 : i32
        %dma_start3A_424 = tpu.memref_slice %arg7[%add3A_422, %dma_start3A_423] : memref<25x80xi32, #tpu.memory_space<vmem>> -> memref<1x80xi32, #tpu.memory_space<vmem>>
        %dma_start3A_425 = tpu.memref_squeeze %dma_start3A_424 : memref<1x80xi32, #tpu.memory_space<vmem>> -> memref<80xi32, #tpu.memory_space<vmem>>
        %dma_start3A_426 = arith.constant 0 : i32
        %dma_start3A_427 = arith.constant 0 : i32
        %dma_start3A_428 = tpu.memref_slice %arg12[%dma_start3A_426, %dma_start3A_427] : memref<10000x128xf32, #tpu.memory_space<vmem_shared>> -> memref<10000x128xf32, #tpu.memory_space<vmem_shared>>
        tpu.enqueue_indirect_dma source(%arg8 : memref<80x128xf32, #tpu.memory_space<vmem>>) target(%dma_start3A_428 : memref<10000x128xf32, #tpu.memory_space<vmem_shared>>) offsets(%dma_start3A_425 : memref<80xi32, #tpu.memory_space<vmem>>) semaphore(%arg17 : memref<!tpu.dma_semaphore, #tpu.memory_space<semaphore_mem>>) {add = true}
      } else {
      }
      %add3A_357 = arith.constant 1 : i32
      %add3A_358 = arith.addi %add3A_350, %add3A_357 : i32
      %lt3A_359 = arith.constant 25 : i32
      %lt3A_360 = arith.cmpi slt, %add3A_358, %lt3A_359 : i32
      %convert_element_type3A_361 = arith.extui %lt3A_360 : i1 to i32
      %cond3A_362 = arith.constant 0 : i32
      %cond3A_363 = arith.cmpi ne, %convert_element_type3A_361, %cond3A_362 : i32
      scf.if %cond3A_363 {
        %dma_wait3A_414 = arith.constant 0 : i32
        %dma_wait3A_415 = arith.constant 0 : i32
        %dma_wait3A_416 = tpu.memref_slice %arg6[%dma_wait3A_414, %dma_wait3A_415] : memref<25x80xi32, #tpu.memory_space<vmem>> -> memref<1x80xi32, #tpu.memory_space<vmem>>
        %dma_wait3A_417 = tpu.memref_squeeze %dma_wait3A_416 : memref<1x80xi32, #tpu.memory_space<vmem>> -> memref<80xi32, #tpu.memory_space<vmem>>
        %dma_wait3A_418 = arith.constant 0 : i32
        %dma_wait3A_419 = arith.constant 0 : i32
        %dma_wait3A_420 = tpu.memref_slice %arg2[%dma_wait3A_418, %dma_wait3A_419] : memref<10000x128xf32, #tpu.memory_space<hbm>> -> memref<10000x128xf32, #tpu.memory_space<hbm>>
        tpu.wait_indirect_dma semaphore(%arg14 : memref<!tpu.dma_semaphore, #tpu.memory_space<semaphore_mem>>) src(%dma_wait3A_420 : memref<10000x128xf32, #tpu.memory_space<hbm>>) dst(%arg9 : memref<80x128xf32, #tpu.memory_space<vmem>>)
        %add3A_421 = arith.constant 1 : i32
        %add3A_422 = arith.addi %add3A_350, %add3A_421 : i32
        %dma_start3A_423 = arith.constant 0 : i32
        %dma_start3A_424 = tpu.memref_slice %arg7[%add3A_422, %dma_start3A_423] : memref<25x80xi32, #tpu.memory_space<vmem>> -> memref<1x80xi32, #tpu.memory_space<vmem>>
        %dma_start3A_425 = tpu.memref_squeeze %dma_start3A_424 : memref<1x80xi32, #tpu.memory_space<vmem>> -> memref<80xi32, #tpu.memory_space<vmem>>
        %dma_start3A_426 = arith.constant 0 : i32
        %dma_start3A_427 = arith.constant 0 : i32
        %dma_start3A_428 = tpu.memref_slice %arg12[%dma_start3A_426, %dma_start3A_427] : memref<10000x128xf32, #tpu.memory_space<vmem_shared>> -> memref<10000x128xf32, #tpu.memory_space<vmem_shared>>
        tpu.enqueue_indirect_dma source(%arg9 : memref<80x128xf32, #tpu.memory_space<vmem>>) target(%dma_start3A_428 : memref<10000x128xf32, #tpu.memory_space<vmem_shared>>) offsets(%dma_start3A_425 : memref<80xi32, #tpu.memory_space<vmem>>) semaphore(%arg18 : memref<!tpu.dma_semaphore, #tpu.memory_space<semaphore_mem>>) {add = true}
      } else {
      }
      %add3A_364 = arith.constant 2 : i32
      %add3A_365 = arith.addi %add3A_350, %add3A_364 : i32
      %lt3A_366 = arith.constant 25 : i32
      %lt3A_367 = arith.cmpi slt, %add3A_365, %lt3A_366 : i32
      %convert_element_type3A_368 = arith.extui %lt3A_367 : i1 to i32
      %cond3A_369 = arith.constant 0 : i32
      %cond3A_370 = arith.cmpi ne, %convert_element_type3A_368, %cond3A_369 : i32
      scf.if %cond3A_370 {
        %dma_wait3A_414 = arith.constant 0 : i32
        %dma_wait3A_415 = arith.constant 0 : i32
        %dma_wait3A_416 = tpu.memref_slice %arg6[%dma_wait3A_414, %dma_wait3A_415] : memref<25x80xi32, #tpu.memory_space<vmem>> -> memref<1x80xi32, #tpu.memory_space<vmem>>
        %dma_wait3A_417 = tpu.memref_squeeze %dma_wait3A_416 : memref<1x80xi32, #tpu.memory_space<vmem>> -> memref<80xi32, #tpu.memory_space<vmem>>
        %dma_wait3A_418 = arith.constant 0 : i32
        %dma_wait3A_419 = arith.constant 0 : i32
        %dma_wait3A_420 = tpu.memref_slice %arg2[%dma_wait3A_418, %dma_wait3A_419] : memref<10000x128xf32, #tpu.memory_space<hbm>> -> memref<10000x128xf32, #tpu.memory_space<hbm>>
        tpu.wait_indirect_dma semaphore(%arg15 : memref<!tpu.dma_semaphore, #tpu.memory_space<semaphore_mem>>) src(%dma_wait3A_420 : memref<10000x128xf32, #tpu.memory_space<hbm>>) dst(%arg10 : memref<80x128xf32, #tpu.memory_space<vmem>>)
        %add3A_421 = arith.constant 2 : i32
        %add3A_422 = arith.addi %add3A_350, %add3A_421 : i32
        %dma_start3A_423 = arith.constant 0 : i32
        %dma_start3A_424 = tpu.memref_slice %arg7[%add3A_422, %dma_start3A_423] : memref<25x80xi32, #tpu.memory_space<vmem>> -> memref<1x80xi32, #tpu.memory_space<vmem>>
        %dma_start3A_425 = tpu.memref_squeeze %dma_start3A_424 : memref<1x80xi32, #tpu.memory_space<vmem>> -> memref<80xi32, #tpu.memory_space<vmem>>
        %dma_start3A_426 = arith.constant 0 : i32
        %dma_start3A_427 = arith.constant 0 : i32
        %dma_start3A_428 = tpu.memref_slice %arg12[%dma_start3A_426, %dma_start3A_427] : memref<10000x128xf32, #tpu.memory_space<vmem_shared>> -> memref<10000x128xf32, #tpu.memory_space<vmem_shared>>
        tpu.enqueue_indirect_dma source(%arg10 : memref<80x128xf32, #tpu.memory_space<vmem>>) target(%dma_start3A_428 : memref<10000x128xf32, #tpu.memory_space<vmem_shared>>) offsets(%dma_start3A_425 : memref<80xi32, #tpu.memory_space<vmem>>) semaphore(%arg19 : memref<!tpu.dma_semaphore, #tpu.memory_space<semaphore_mem>>) {add = true}
      } else {
      }
      %add3A_371 = arith.constant 3 : i32
      %add3A_372 = arith.addi %add3A_350, %add3A_371 : i32
      %lt3A_373 = arith.constant 25 : i32
      %lt3A_374 = arith.cmpi slt, %add3A_372, %lt3A_373 : i32
      %convert_element_type3A_375 = arith.extui %lt3A_374 : i1 to i32
      %cond3A_376 = arith.constant 0 : i32
      %cond3A_377 = arith.cmpi ne, %convert_element_type3A_375, %cond3A_376 : i32
      scf.if %cond3A_377 {
        %dma_wait3A_414 = arith.constant 0 : i32
        %dma_wait3A_415 = arith.constant 0 : i32
        %dma_wait3A_416 = tpu.memref_slice %arg6[%dma_wait3A_414, %dma_wait3A_415] : memref<25x80xi32, #tpu.memory_space<vmem>> -> memref<1x80xi32, #tpu.memory_space<vmem>>
        %dma_wait3A_417 = tpu.memref_squeeze %dma_wait3A_416 : memref<1x80xi32, #tpu.memory_space<vmem>> -> memref<80xi32, #tpu.memory_space<vmem>>
        %dma_wait3A_418 = arith.constant 0 : i32
        %dma_wait3A_419 = arith.constant 0 : i32
        %dma_wait3A_420 = tpu.memref_slice %arg2[%dma_wait3A_418, %dma_wait3A_419] : memref<10000x128xf32, #tpu.memory_space<hbm>> -> memref<10000x128xf32, #tpu.memory_space<hbm>>
        tpu.wait_indirect_dma semaphore(%arg16 : memref<!tpu.dma_semaphore, #tpu.memory_space<semaphore_mem>>) src(%dma_wait3A_420 : memref<10000x128xf32, #tpu.memory_space<hbm>>) dst(%arg11 : memref<80x128xf32, #tpu.memory_space<vmem>>)
        %add3A_421 = arith.constant 3 : i32
        %add3A_422 = arith.addi %add3A_350, %add3A_421 : i32
        %dma_start3A_423 = arith.constant 0 : i32
        %dma_start3A_424 = tpu.memref_slice %arg7[%add3A_422, %dma_start3A_423] : memref<25x80xi32, #tpu.memory_space<vmem>> -> memref<1x80xi32, #tpu.memory_space<vmem>>
        %dma_start3A_425 = tpu.memref_squeeze %dma_start3A_424 : memref<1x80xi32, #tpu.memory_space<vmem>> -> memref<80xi32, #tpu.memory_space<vmem>>
        %dma_start3A_426 = arith.constant 0 : i32
        %dma_start3A_427 = arith.constant 0 : i32
        %dma_start3A_428 = tpu.memref_slice %arg12[%dma_start3A_426, %dma_start3A_427] : memref<10000x128xf32, #tpu.memory_space<vmem_shared>> -> memref<10000x128xf32, #tpu.memory_space<vmem_shared>>
        tpu.enqueue_indirect_dma source(%arg11 : memref<80x128xf32, #tpu.memory_space<vmem>>) target(%dma_start3A_428 : memref<10000x128xf32, #tpu.memory_space<vmem_shared>>) offsets(%dma_start3A_425 : memref<80xi32, #tpu.memory_space<vmem>>) semaphore(%arg20 : memref<!tpu.dma_semaphore, #tpu.memory_space<semaphore_mem>>) {add = true}
      } else {
      }
      %add3A_378 = arith.constant 0 : i32
      %add3A_379 = arith.addi %add3A_350, %add3A_378 : i32
      %add3A_380 = arith.constant 4 : i32
      %add3A_381 = arith.addi %add3A_379, %add3A_380 : i32
      %lt3A_382 = arith.constant 25 : i32
      %lt3A_383 = arith.cmpi slt, %add3A_381, %lt3A_382 : i32
      %convert_element_type3A_384 = arith.extui %lt3A_383 : i1 to i32
      %cond3A_385 = arith.constant 0 : i32
      %cond3A_386 = arith.cmpi ne, %convert_element_type3A_384, %cond3A_385 : i32
      scf.if %cond3A_386 {
        %dma_wait3A_414 = arith.constant 0 : i32
        %dma_wait3A_415 = arith.constant 0 : i32
        %dma_wait3A_416 = tpu.memref_slice %arg7[%dma_wait3A_414, %dma_wait3A_415] : memref<25x80xi32, #tpu.memory_space<vmem>> -> memref<1x80xi32, #tpu.memory_space<vmem>>
        %dma_wait3A_417 = tpu.memref_squeeze %dma_wait3A_416 : memref<1x80xi32, #tpu.memory_space<vmem>> -> memref<80xi32, #tpu.memory_space<vmem>>
        %dma_wait3A_418 = arith.constant 0 : i32
        %dma_wait3A_419 = arith.constant 0 : i32
        %dma_wait3A_420 = tpu.memref_slice %arg12[%dma_wait3A_418, %dma_wait3A_419] : memref<10000x128xf32, #tpu.memory_space<vmem_shared>> -> memref<10000x128xf32, #tpu.memory_space<vmem_shared>>
        tpu.wait_indirect_dma semaphore(%arg17 : memref<!tpu.dma_semaphore, #tpu.memory_space<semaphore_mem>>) src(%arg8 : memref<80x128xf32, #tpu.memory_space<vmem>>) dst(%dma_wait3A_420 : memref<10000x128xf32, #tpu.memory_space<vmem_shared>>)
        %add3A_421 = arith.constant 0 : i32
        %add3A_422 = arith.addi %add3A_350, %add3A_421 : i32
        %add3A_423 = arith.constant 4 : i32
        %add3A_424 = arith.addi %add3A_422, %add3A_423 : i32
        %dma_start3A_425 = arith.constant 0 : i32
        %dma_start3A_426 = tpu.memref_slice %arg6[%add3A_424, %dma_start3A_425] : memref<25x80xi32, #tpu.memory_space<vmem>> -> memref<1x80xi32, #tpu.memory_space<vmem>>
        %dma_start3A_427 = tpu.memref_squeeze %dma_start3A_426 : memref<1x80xi32, #tpu.memory_space<vmem>> -> memref<80xi32, #tpu.memory_space<vmem>>
        %dma_start3A_428 = arith.constant 0 : i32
        %dma_start3A_429 = arith.constant 0 : i32
        %dma_start3A_430 = tpu.memref_slice %arg2[%dma_start3A_428, %dma_start3A_429] : memref<10000x128xf32, #tpu.memory_space<hbm>> -> memref<10000x128xf32, #tpu.memory_space<hbm>>
        tpu.enqueue_indirect_dma source(%dma_start3A_430 : memref<10000x128xf32, #tpu.memory_space<hbm>>) target(%arg8 : memref<80x128xf32, #tpu.memory_space<vmem>>) offsets(%dma_start3A_427 : memref<80xi32, #tpu.memory_space<vmem>>) semaphore(%arg13 : memref<!tpu.dma_semaphore, #tpu.memory_space<semaphore_mem>>)
      } else {
      }
      %add3A_387 = arith.constant 1 : i32
      %add3A_388 = arith.addi %add3A_350, %add3A_387 : i32
      %add3A_389 = arith.constant 4 : i32
      %add3A_390 = arith.addi %add3A_388, %add3A_389 : i32
      %lt3A_391 = arith.constant 25 : i32
      %lt3A_392 = arith.cmpi slt, %add3A_390, %lt3A_391 : i32
      %convert_element_type3A_393 = arith.extui %lt3A_392 : i1 to i32
      %cond3A_394 = arith.constant 0 : i32
      %cond3A_395 = arith.cmpi ne, %convert_element_type3A_393, %cond3A_394 : i32
      scf.if %cond3A_395 {
        %dma_wait3A_414 = arith.constant 0 : i32
        %dma_wait3A_415 = arith.constant 0 : i32
        %dma_wait3A_416 = tpu.memref_slice %arg7[%dma_wait3A_414, %dma_wait3A_415] : memref<25x80xi32, #tpu.memory_space<vmem>> -> memref<1x80xi32, #tpu.memory_space<vmem>>
        %dma_wait3A_417 = tpu.memref_squeeze %dma_wait3A_416 : memref<1x80xi32, #tpu.memory_space<vmem>> -> memref<80xi32, #tpu.memory_space<vmem>>
        %dma_wait3A_418 = arith.constant 0 : i32
        %dma_wait3A_419 = arith.constant 0 : i32
        %dma_wait3A_420 = tpu.memref_slice %arg12[%dma_wait3A_418, %dma_wait3A_419] : memref<10000x128xf32, #tpu.memory_space<vmem_shared>> -> memref<10000x128xf32, #tpu.memory_space<vmem_shared>>
        tpu.wait_indirect_dma semaphore(%arg18 : memref<!tpu.dma_semaphore, #tpu.memory_space<semaphore_mem>>) src(%arg9 : memref<80x128xf32, #tpu.memory_space<vmem>>) dst(%dma_wait3A_420 : memref<10000x128xf32, #tpu.memory_space<vmem_shared>>)
        %add3A_421 = arith.constant 1 : i32
        %add3A_422 = arith.addi %add3A_350, %add3A_421 : i32
        %add3A_423 = arith.constant 4 : i32
        %add3A_424 = arith.addi %add3A_422, %add3A_423 : i32
        %dma_start3A_425 = arith.constant 0 : i32
        %dma_start3A_426 = tpu.memref_slice %arg6[%add3A_424, %dma_start3A_425] : memref<25x80xi32, #tpu.memory_space<vmem>> -> memref<1x80xi32, #tpu.memory_space<vmem>>
        %dma_start3A_427 = tpu.memref_squeeze %dma_start3A_426 : memref<1x80xi32, #tpu.memory_space<vmem>> -> memref<80xi32, #tpu.memory_space<vmem>>
        %dma_start3A_428 = arith.constant 0 : i32
        %dma_start3A_429 = arith.constant 0 : i32
        %dma_start3A_430 = tpu.memref_slice %arg2[%dma_start3A_428, %dma_start3A_429] : memref<10000x128xf32, #tpu.memory_space<hbm>> -> memref<10000x128xf32, #tpu.memory_space<hbm>>
        tpu.enqueue_indirect_dma source(%dma_start3A_430 : memref<10000x128xf32, #tpu.memory_space<hbm>>) target(%arg9 : memref<80x128xf32, #tpu.memory_space<vmem>>) offsets(%dma_start3A_427 : memref<80xi32, #tpu.memory_space<vmem>>) semaphore(%arg14 : memref<!tpu.dma_semaphore, #tpu.memory_space<semaphore_mem>>)
      } else {
      }
      %add3A_396 = arith.constant 2 : i32
      %add3A_397 = arith.addi %add3A_350, %add3A_396 : i32
      %add3A_398 = arith.constant 4 : i32
      %add3A_399 = arith.addi %add3A_397, %add3A_398 : i32
      %lt3A_400 = arith.constant 25 : i32
      %lt3A_401 = arith.cmpi slt, %add3A_399, %lt3A_400 : i32
      %convert_element_type3A_402 = arith.extui %lt3A_401 : i1 to i32
      %cond3A_403 = arith.constant 0 : i32
      %cond3A_404 = arith.cmpi ne, %convert_element_type3A_402, %cond3A_403 : i32
      scf.if %cond3A_404 {
        %dma_wait3A_414 = arith.constant 0 : i32
        %dma_wait3A_415 = arith.constant 0 : i32
        %dma_wait3A_416 = tpu.memref_slice %arg7[%dma_wait3A_414, %dma_wait3A_415] : memref<25x80xi32, #tpu.memory_space<vmem>> -> memref<1x80xi32, #tpu.memory_space<vmem>>
        %dma_wait3A_417 = tpu.memref_squeeze %dma_wait3A_416 : memref<1x80xi32, #tpu.memory_space<vmem>> -> memref<80xi32, #tpu.memory_space<vmem>>
        %dma_wait3A_418 = arith.constant 0 : i32
        %dma_wait3A_419 = arith.constant 0 : i32
        %dma_wait3A_420 = tpu.memref_slice %arg12[%dma_wait3A_418, %dma_wait3A_419] : memref<10000x128xf32, #tpu.memory_space<vmem_shared>> -> memref<10000x128xf32, #tpu.memory_space<vmem_shared>>
        tpu.wait_indirect_dma semaphore(%arg19 : memref<!tpu.dma_semaphore, #tpu.memory_space<semaphore_mem>>) src(%arg10 : memref<80x128xf32, #tpu.memory_space<vmem>>) dst(%dma_wait3A_420 : memref<10000x128xf32, #tpu.memory_space<vmem_shared>>)
        %add3A_421 = arith.constant 2 : i32
        %add3A_422 = arith.addi %add3A_350, %add3A_421 : i32
        %add3A_423 = arith.constant 4 : i32
        %add3A_424 = arith.addi %add3A_422, %add3A_423 : i32
        %dma_start3A_425 = arith.constant 0 : i32
        %dma_start3A_426 = tpu.memref_slice %arg6[%add3A_424, %dma_start3A_425] : memref<25x80xi32, #tpu.memory_space<vmem>> -> memref<1x80xi32, #tpu.memory_space<vmem>>
        %dma_start3A_427 = tpu.memref_squeeze %dma_start3A_426 : memref<1x80xi32, #tpu.memory_space<vmem>> -> memref<80xi32, #tpu.memory_space<vmem>>
        %dma_start3A_428 = arith.constant 0 : i32
        %dma_start3A_429 = arith.constant 0 : i32
        %dma_start3A_430 = tpu.memref_slice %arg2[%dma_start3A_428, %dma_start3A_429] : memref<10000x128xf32, #tpu.memory_space<hbm>> -> memref<10000x128xf32, #tpu.memory_space<hbm>>
        tpu.enqueue_indirect_dma source(%dma_start3A_430 : memref<10000x128xf32, #tpu.memory_space<hbm>>) target(%arg10 : memref<80x128xf32, #tpu.memory_space<vmem>>) offsets(%dma_start3A_427 : memref<80xi32, #tpu.memory_space<vmem>>) semaphore(%arg15 : memref<!tpu.dma_semaphore, #tpu.memory_space<semaphore_mem>>)
      } else {
      }
      %add3A_405 = arith.constant 3 : i32
      %add3A_406 = arith.addi %add3A_350, %add3A_405 : i32
      %add3A_407 = arith.constant 4 : i32
      %add3A_408 = arith.addi %add3A_406, %add3A_407 : i32
      %lt3A_409 = arith.constant 25 : i32
      %lt3A_410 = arith.cmpi slt, %add3A_408, %lt3A_409 : i32
      %convert_element_type3A_411 = arith.extui %lt3A_410 : i1 to i32
      %cond3A_412 = arith.constant 0 : i32
      %cond3A_413 = arith.cmpi ne, %convert_element_type3A_411, %cond3A_412 : i32
      scf.if %cond3A_413 {
        %dma_wait3A_414 = arith.constant 0 : i32
        %dma_wait3A_415 = arith.constant 0 : i32
        %dma_wait3A_416 = tpu.memref_slice %arg7[%dma_wait3A_414, %dma_wait3A_415] : memref<25x80xi32, #tpu.memory_space<vmem>> -> memref<1x80xi32, #tpu.memory_space<vmem>>
        %dma_wait3A_417 = tpu.memref_squeeze %dma_wait3A_416 : memref<1x80xi32, #tpu.memory_space<vmem>> -> memref<80xi32, #tpu.memory_space<vmem>>
        %dma_wait3A_418 = arith.constant 0 : i32
        %dma_wait3A_419 = arith.constant 0 : i32
        %dma_wait3A_420 = tpu.memref_slice %arg12[%dma_wait3A_418, %dma_wait3A_419] : memref<10000x128xf32, #tpu.memory_space<vmem_shared>> -> memref<10000x128xf32, #tpu.memory_space<vmem_shared>>
        tpu.wait_indirect_dma semaphore(%arg20 : memref<!tpu.dma_semaphore, #tpu.memory_space<semaphore_mem>>) src(%arg11 : memref<80x128xf32, #tpu.memory_space<vmem>>) dst(%dma_wait3A_420 : memref<10000x128xf32, #tpu.memory_space<vmem_shared>>)
        %add3A_421 = arith.constant 3 : i32
        %add3A_422 = arith.addi %add3A_350, %add3A_421 : i32
        %add3A_423 = arith.constant 4 : i32
        %add3A_424 = arith.addi %add3A_422, %add3A_423 : i32
        %dma_start3A_425 = arith.constant 0 : i32
        %dma_start3A_426 = tpu.memref_slice %arg6[%add3A_424, %dma_start3A_425] : memref<25x80xi32, #tpu.memory_space<vmem>> -> memref<1x80xi32, #tpu.memory_space<vmem>>
        %dma_start3A_427 = tpu.memref_squeeze %dma_start3A_426 : memref<1x80xi32, #tpu.memory_space<vmem>> -> memref<80xi32, #tpu.memory_space<vmem>>
        %dma_start3A_428 = arith.constant 0 : i32
        %dma_start3A_429 = arith.constant 0 : i32
        %dma_start3A_430 = tpu.memref_slice %arg2[%dma_start3A_428, %dma_start3A_429] : memref<10000x128xf32, #tpu.memory_space<hbm>> -> memref<10000x128xf32, #tpu.memory_space<hbm>>
        tpu.enqueue_indirect_dma source(%dma_start3A_430 : memref<10000x128xf32, #tpu.memory_space<hbm>>) target(%arg11 : memref<80x128xf32, #tpu.memory_space<vmem>>) offsets(%dma_start3A_427 : memref<80xi32, #tpu.memory_space<vmem>>) semaphore(%arg16 : memref<!tpu.dma_semaphore, #tpu.memory_space<semaphore_mem>>)
      } else {
      }
    }
    %scan3A_173 = arith.constant 7 : i32
    %dma_wait3A_174 = arith.constant 0 : i32
    %dma_wait3A_175 = arith.constant 0 : i32
    %dma_wait3A_176 = tpu.memref_slice %arg7[%dma_wait3A_174, %dma_wait3A_175] : memref<25x80xi32, #tpu.memory_space<vmem>> -> memref<1x80xi32, #tpu.memory_space<vmem>>
    %dma_wait3A_177 = tpu.memref_squeeze %dma_wait3A_176 : memref<1x80xi32, #tpu.memory_space<vmem>> -> memref<80xi32, #tpu.memory_space<vmem>>
    %dma_wait3A_178 = arith.constant 0 : i32
    %dma_wait3A_179 = arith.constant 0 : i32
    %dma_wait3A_180 = tpu.memref_slice %arg12[%dma_wait3A_178, %dma_wait3A_179] : memref<10000x128xf32, #tpu.memory_space<vmem_shared>> -> memref<10000x128xf32, #tpu.memory_space<vmem_shared>>
    tpu.wait_indirect_dma semaphore(%arg17 : memref<!tpu.dma_semaphore, #tpu.memory_space<semaphore_mem>>) src(%arg8 : memref<80x128xf32, #tpu.memory_space<vmem>>) dst(%dma_wait3A_180 : memref<10000x128xf32, #tpu.memory_space<vmem_shared>>)
    %dma_wait3A_181 = arith.constant 0 : i32
    %dma_wait3A_182 = arith.constant 0 : i32
    %dma_wait3A_183 = tpu.memref_slice %arg7[%dma_wait3A_181, %dma_wait3A_182] : memref<25x80xi32, #tpu.memory_space<vmem>> -> memref<1x80xi32, #tpu.memory_space<vmem>>
    %dma_wait3A_184 = tpu.memref_squeeze %dma_wait3A_183 : memref<1x80xi32, #tpu.memory_space<vmem>> -> memref<80xi32, #tpu.memory_space<vmem>>
    %dma_wait3A_185 = arith.constant 0 : i32
    %dma_wait3A_186 = arith.constant 0 : i32
    %dma_wait3A_187 = tpu.memref_slice %arg12[%dma_wait3A_185, %dma_wait3A_186] : memref<10000x128xf32, #tpu.memory_space<vmem_shared>> -> memref<10000x128xf32, #tpu.memory_space<vmem_shared>>
    tpu.wait_indirect_dma semaphore(%arg18 : memref<!tpu.dma_semaphore, #tpu.memory_space<semaphore_mem>>) src(%arg9 : memref<80x128xf32, #tpu.memory_space<vmem>>) dst(%dma_wait3A_187 : memref<10000x128xf32, #tpu.memory_space<vmem_shared>>)
    %dma_wait3A_188 = arith.constant 0 : i32
    %dma_wait3A_189 = arith.constant 0 : i32
    %dma_wait3A_190 = tpu.memref_slice %arg7[%dma_wait3A_188, %dma_wait3A_189] : memref<25x80xi32, #tpu.memory_space<vmem>> -> memref<1x80xi32, #tpu.memory_space<vmem>>
    %dma_wait3A_191 = tpu.memref_squeeze %dma_wait3A_190 : memref<1x80xi32, #tpu.memory_space<vmem>> -> memref<80xi32, #tpu.memory_space<vmem>>
    %dma_wait3A_192 = arith.constant 0 : i32
    %dma_wait3A_193 = arith.constant 0 : i32
    %dma_wait3A_194 = tpu.memref_slice %arg12[%dma_wait3A_192, %dma_wait3A_193] : memref<10000x128xf32, #tpu.memory_space<vmem_shared>> -> memref<10000x128xf32, #tpu.memory_space<vmem_shared>>
    tpu.wait_indirect_dma semaphore(%arg19 : memref<!tpu.dma_semaphore, #tpu.memory_space<semaphore_mem>>) src(%arg10 : memref<80x128xf32, #tpu.memory_space<vmem>>) dst(%dma_wait3A_194 : memref<10000x128xf32, #tpu.memory_space<vmem_shared>>)
    %dma_wait3A_195 = arith.constant 0 : i32
    %dma_wait3A_196 = arith.constant 0 : i32
    %dma_wait3A_197 = tpu.memref_slice %arg7[%dma_wait3A_195, %dma_wait3A_196] : memref<25x80xi32, #tpu.memory_space<vmem>> -> memref<1x80xi32, #tpu.memory_space<vmem>>
    %dma_wait3A_198 = tpu.memref_squeeze %dma_wait3A_197 : memref<1x80xi32, #tpu.memory_space<vmem>> -> memref<80xi32, #tpu.memory_space<vmem>>
    %dma_wait3A_199 = arith.constant 0 : i32
    %dma_wait3A_200 = arith.constant 0 : i32
    %dma_wait3A_201 = tpu.memref_slice %arg12[%dma_wait3A_199, %dma_wait3A_200] : memref<10000x128xf32, #tpu.memory_space<vmem_shared>> -> memref<10000x128xf32, #tpu.memory_space<vmem_shared>>
    tpu.wait_indirect_dma semaphore(%arg20 : memref<!tpu.dma_semaphore, #tpu.memory_space<semaphore_mem>>) src(%arg11 : memref<80x128xf32, #tpu.memory_space<vmem>>) dst(%dma_wait3A_201 : memref<10000x128xf32, #tpu.memory_space<vmem_shared>>)
    %mul3A_202 = arith.constant 5 : i32
    %mul3A_203 = arith.muli %mul3A_202, %add3A : i32
    %add3A_204 = arith.constant 3 : i32
    %add3A_205 = arith.addi %mul3A_203, %add3A_204 : i32
    %run_scoped3A_206 = arith.constant 0 : i32
    "tpu.region"() ({
      %run_scoped3A_346 = tpu.sem_alloc : memref<!tpu.dma_semaphore, #tpu.memory_space<semaphore_mem>>
      %dma_start3A_347 = arith.constant 0 : i32
      %dma_start3A_348 = arith.constant 0 : i32
      %dma_start3A_349 = tpu.memref_slice %arg3[%run_scoped3A_206, %add3A_205, %dma_start3A_347, %dma_start3A_348] : memref<2x160x25x80xi32, #tpu.memory_space<hbm>> -> memref<1x1x25x80xi32, #tpu.memory_space<hbm>>
      %dma_start3A_350 = tpu.memref_squeeze %dma_start3A_349 : memref<1x1x25x80xi32, #tpu.memory_space<hbm>> -> memref<25x80xi32, #tpu.memory_space<hbm>>
      %dma_start3A_351 = arith.constant 0 : i32
      %dma_start3A_352 = arith.constant 0 : i32
      %dma_start3A_353 = tpu.memref_slice %arg3[%run_scoped3A_206, %add3A_205, %dma_start3A_351, %dma_start3A_352] : memref<2x160x25x80xi32, #tpu.memory_space<hbm>> -> memref<1x1x25x80xi32, #tpu.memory_space<hbm>>
      %dma_start3A_354 = tpu.memref_squeeze %dma_start3A_353 : memref<1x1x25x80xi32, #tpu.memory_space<hbm>> -> memref<25x80xi32, #tpu.memory_space<hbm>>
      tpu.enqueue_dma source(%dma_start3A_354 : memref<25x80xi32, #tpu.memory_space<hbm>>) target(%arg6 : memref<25x80xi32, #tpu.memory_space<vmem>>) target_semaphore(%run_scoped3A_346 : memref<!tpu.dma_semaphore, #tpu.memory_space<semaphore_mem>>)
      %dma_wait3A_355 = arith.constant 0 : i32
      %dma_wait3A_356 = arith.constant 0 : i32
      %dma_wait3A_357 = tpu.memref_slice %arg3[%run_scoped3A_206, %add3A_205, %dma_wait3A_355, %dma_wait3A_356] : memref<2x160x25x80xi32, #tpu.memory_space<hbm>> -> memref<1x1x25x80xi32, #tpu.memory_space<hbm>>
      %dma_wait3A_358 = tpu.memref_squeeze %dma_wait3A_357 : memref<1x1x25x80xi32, #tpu.memory_space<hbm>> -> memref<25x80xi32, #tpu.memory_space<hbm>>
      %dma_wait3A_359 = arith.constant 0 : i32
      %dma_wait3A_360 = arith.constant 0 : i32
      %dma_wait3A_361 = tpu.memref_slice %arg3[%run_scoped3A_206, %add3A_205, %dma_wait3A_359, %dma_wait3A_360] : memref<2x160x25x80xi32, #tpu.memory_space<hbm>> -> memref<1x1x25x80xi32, #tpu.memory_space<hbm>>
      %dma_wait3A_362 = tpu.memref_squeeze %dma_wait3A_361 : memref<1x1x25x80xi32, #tpu.memory_space<hbm>> -> memref<25x80xi32, #tpu.memory_space<hbm>>
      tpu.wait_dma2 semaphore(%run_scoped3A_346 : memref<!tpu.dma_semaphore, #tpu.memory_space<semaphore_mem>>) src(%dma_wait3A_362 : memref<25x80xi32, #tpu.memory_space<hbm>>) dst(%arg6 : memref<25x80xi32, #tpu.memory_space<vmem>>)
      tpu.yield
    }) : () -> ()
    %run_scoped3A_207 = arith.constant 1 : i32
    "tpu.region"() ({
      %run_scoped3A_346 = tpu.sem_alloc : memref<!tpu.dma_semaphore, #tpu.memory_space<semaphore_mem>>
      %dma_start3A_347 = arith.constant 0 : i32
      %dma_start3A_348 = arith.constant 0 : i32
      %dma_start3A_349 = tpu.memref_slice %arg3[%run_scoped3A_207, %add3A_205, %dma_start3A_347, %dma_start3A_348] : memref<2x160x25x80xi32, #tpu.memory_space<hbm>> -> memref<1x1x25x80xi32, #tpu.memory_space<hbm>>
      %dma_start3A_350 = tpu.memref_squeeze %dma_start3A_349 : memref<1x1x25x80xi32, #tpu.memory_space<hbm>> -> memref<25x80xi32, #tpu.memory_space<hbm>>
      %dma_start3A_351 = arith.constant 0 : i32
      %dma_start3A_352 = arith.constant 0 : i32
      %dma_start3A_353 = tpu.memref_slice %arg3[%run_scoped3A_207, %add3A_205, %dma_start3A_351, %dma_start3A_352] : memref<2x160x25x80xi32, #tpu.memory_space<hbm>> -> memref<1x1x25x80xi32, #tpu.memory_space<hbm>>
      %dma_start3A_354 = tpu.memref_squeeze %dma_start3A_353 : memref<1x1x25x80xi32, #tpu.memory_space<hbm>> -> memref<25x80xi32, #tpu.memory_space<hbm>>
      tpu.enqueue_dma source(%dma_start3A_354 : memref<25x80xi32, #tpu.memory_space<hbm>>) target(%arg7 : memref<25x80xi32, #tpu.memory_space<vmem>>) target_semaphore(%run_scoped3A_346 : memref<!tpu.dma_semaphore, #tpu.memory_space<semaphore_mem>>)
      %dma_wait3A_355 = arith.constant 0 : i32
      %dma_wait3A_356 = arith.constant 0 : i32
      %dma_wait3A_357 = tpu.memref_slice %arg3[%run_scoped3A_207, %add3A_205, %dma_wait3A_355, %dma_wait3A_356] : memref<2x160x25x80xi32, #tpu.memory_space<hbm>> -> memref<1x1x25x80xi32, #tpu.memory_space<hbm>>
      %dma_wait3A_358 = tpu.memref_squeeze %dma_wait3A_357 : memref<1x1x25x80xi32, #tpu.memory_space<hbm>> -> memref<25x80xi32, #tpu.memory_space<hbm>>
      %dma_wait3A_359 = arith.constant 0 : i32
      %dma_wait3A_360 = arith.constant 0 : i32
      %dma_wait3A_361 = tpu.memref_slice %arg3[%run_scoped3A_207, %add3A_205, %dma_wait3A_359, %dma_wait3A_360] : memref<2x160x25x80xi32, #tpu.memory_space<hbm>> -> memref<1x1x25x80xi32, #tpu.memory_space<hbm>>
      %dma_wait3A_362 = tpu.memref_squeeze %dma_wait3A_361 : memref<1x1x25x80xi32, #tpu.memory_space<hbm>> -> memref<25x80xi32, #tpu.memory_space<hbm>>
      tpu.wait_dma2 semaphore(%run_scoped3A_346 : memref<!tpu.dma_semaphore, #tpu.memory_space<semaphore_mem>>) src(%dma_wait3A_362 : memref<25x80xi32, #tpu.memory_space<hbm>>) dst(%arg7 : memref<25x80xi32, #tpu.memory_space<vmem>>)
      tpu.yield
    }) : () -> ()
    %dma_start3A_208 = arith.constant 0 : i32
    %dma_start3A_209 = arith.constant 0 : i32
    %dma_start3A_210 = tpu.memref_slice %arg6[%dma_start3A_208, %dma_start3A_209] : memref<25x80xi32, #tpu.memory_space<vmem>> -> memref<1x80xi32, #tpu.memory_space<vmem>>
    %dma_start3A_211 = tpu.memref_squeeze %dma_start3A_210 : memref<1x80xi32, #tpu.memory_space<vmem>> -> memref<80xi32, #tpu.memory_space<vmem>>
    %dma_start3A_212 = arith.constant 0 : i32
    %dma_start3A_213 = arith.constant 0 : i32
    %dma_start3A_214 = tpu.memref_slice %arg2[%dma_start3A_212, %dma_start3A_213] : memref<10000x128xf32, #tpu.memory_space<hbm>> -> memref<10000x128xf32, #tpu.memory_space<hbm>>
    tpu.enqueue_indirect_dma source(%dma_start3A_214 : memref<10000x128xf32, #tpu.memory_space<hbm>>) target(%arg8 : memref<80x128xf32, #tpu.memory_space<vmem>>) offsets(%dma_start3A_211 : memref<80xi32, #tpu.memory_space<vmem>>) semaphore(%arg13 : memref<!tpu.dma_semaphore, #tpu.memory_space<semaphore_mem>>)
    %dma_start3A_215 = arith.constant 1 : i32
    %dma_start3A_216 = arith.constant 0 : i32
    %dma_start3A_217 = tpu.memref_slice %arg6[%dma_start3A_215, %dma_start3A_216] : memref<25x80xi32, #tpu.memory_space<vmem>> -> memref<1x80xi32, #tpu.memory_space<vmem>>
    %dma_start3A_218 = tpu.memref_squeeze %dma_start3A_217 : memref<1x80xi32, #tpu.memory_space<vmem>> -> memref<80xi32, #tpu.memory_space<vmem>>
    %dma_start3A_219 = arith.constant 0 : i32
    %dma_start3A_220 = arith.constant 0 : i32
    %dma_start3A_221 = tpu.memref_slice %arg2[%dma_start3A_219, %dma_start3A_220] : memref<10000x128xf32, #tpu.memory_space<hbm>> -> memref<10000x128xf32, #tpu.memory_space<hbm>>
    tpu.enqueue_indirect_dma source(%dma_start3A_221 : memref<10000x128xf32, #tpu.memory_space<hbm>>) target(%arg9 : memref<80x128xf32, #tpu.memory_space<vmem>>) offsets(%dma_start3A_218 : memref<80xi32, #tpu.memory_space<vmem>>) semaphore(%arg14 : memref<!tpu.dma_semaphore, #tpu.memory_space<semaphore_mem>>)
    %dma_start3A_222 = arith.constant 2 : i32
    %dma_start3A_223 = arith.constant 0 : i32
    %dma_start3A_224 = tpu.memref_slice %arg6[%dma_start3A_222, %dma_start3A_223] : memref<25x80xi32, #tpu.memory_space<vmem>> -> memref<1x80xi32, #tpu.memory_space<vmem>>
    %dma_start3A_225 = tpu.memref_squeeze %dma_start3A_224 : memref<1x80xi32, #tpu.memory_space<vmem>> -> memref<80xi32, #tpu.memory_space<vmem>>
    %dma_start3A_226 = arith.constant 0 : i32
    %dma_start3A_227 = arith.constant 0 : i32
    %dma_start3A_228 = tpu.memref_slice %arg2[%dma_start3A_226, %dma_start3A_227] : memref<10000x128xf32, #tpu.memory_space<hbm>> -> memref<10000x128xf32, #tpu.memory_space<hbm>>
    tpu.enqueue_indirect_dma source(%dma_start3A_228 : memref<10000x128xf32, #tpu.memory_space<hbm>>) target(%arg10 : memref<80x128xf32, #tpu.memory_space<vmem>>) offsets(%dma_start3A_225 : memref<80xi32, #tpu.memory_space<vmem>>) semaphore(%arg15 : memref<!tpu.dma_semaphore, #tpu.memory_space<semaphore_mem>>)
    %dma_start3A_229 = arith.constant 3 : i32
    %dma_start3A_230 = arith.constant 0 : i32
    %dma_start3A_231 = tpu.memref_slice %arg6[%dma_start3A_229, %dma_start3A_230] : memref<25x80xi32, #tpu.memory_space<vmem>> -> memref<1x80xi32, #tpu.memory_space<vmem>>
    %dma_start3A_232 = tpu.memref_squeeze %dma_start3A_231 : memref<1x80xi32, #tpu.memory_space<vmem>> -> memref<80xi32, #tpu.memory_space<vmem>>
    %dma_start3A_233 = arith.constant 0 : i32
    %dma_start3A_234 = arith.constant 0 : i32
    %dma_start3A_235 = tpu.memref_slice %arg2[%dma_start3A_233, %dma_start3A_234] : memref<10000x128xf32, #tpu.memory_space<hbm>> -> memref<10000x128xf32, #tpu.memory_space<hbm>>
    tpu.enqueue_indirect_dma source(%dma_start3A_235 : memref<10000x128xf32, #tpu.memory_space<hbm>>) target(%arg11 : memref<80x128xf32, #tpu.memory_space<vmem>>) offsets(%dma_start3A_232 : memref<80xi32, #tpu.memory_space<vmem>>) semaphore(%arg16 : memref<!tpu.dma_semaphore, #tpu.memory_space<semaphore_mem>>)
    %scan3A_236 = arith.constant 0 : i32
    %scan3A_237 = arith.constant 7 : i32
    %scan3A_238 = arith.addi %scan3A_236, %scan3A_237 : i32
    %scan3A_239 = arith.constant 1 : i32
    scf.for %scan3A_346 = %scan3A_236 to %scan3A_238 step %scan3A_239  : i32 {
      %mul3A_347 = arith.constant 4 : i32
      %mul3A_348 = arith.muli %scan3A_346, %mul3A_347 : i32
      %add3A_349 = arith.constant 0 : i32
      %add3A_350 = arith.addi %add3A_349, %mul3A_348 : i32
      %add3A_351 = arith.constant 0 : i32
      %add3A_352 = arith.addi %add3A_350, %add3A_351 : i32
      %lt3A = arith.constant 25 : i32
      %lt3A_353 = arith.cmpi slt, %add3A_352, %lt3A : i32
      %convert_element_type3A_354 = arith.extui %lt3A_353 : i1 to i32
      %cond3A_355 = arith.constant 0 : i32
      %cond3A_356 = arith.cmpi ne, %convert_element_type3A_354, %cond3A_355 : i32
      scf.if %cond3A_356 {
        %dma_wait3A_414 = arith.constant 0 : i32
        %dma_wait3A_415 = arith.constant 0 : i32
        %dma_wait3A_416 = tpu.memref_slice %arg6[%dma_wait3A_414, %dma_wait3A_415] : memref<25x80xi32, #tpu.memory_space<vmem>> -> memref<1x80xi32, #tpu.memory_space<vmem>>
        %dma_wait3A_417 = tpu.memref_squeeze %dma_wait3A_416 : memref<1x80xi32, #tpu.memory_space<vmem>> -> memref<80xi32, #tpu.memory_space<vmem>>
        %dma_wait3A_418 = arith.constant 0 : i32
        %dma_wait3A_419 = arith.constant 0 : i32
        %dma_wait3A_420 = tpu.memref_slice %arg2[%dma_wait3A_418, %dma_wait3A_419] : memref<10000x128xf32, #tpu.memory_space<hbm>> -> memref<10000x128xf32, #tpu.memory_space<hbm>>
        tpu.wait_indirect_dma semaphore(%arg13 : memref<!tpu.dma_semaphore, #tpu.memory_space<semaphore_mem>>) src(%dma_wait3A_420 : memref<10000x128xf32, #tpu.memory_space<hbm>>) dst(%arg8 : memref<80x128xf32, #tpu.memory_space<vmem>>)
        %add3A_421 = arith.constant 0 : i32
        %add3A_422 = arith.addi %add3A_350, %add3A_421 : i32
        %dma_start3A_423 = arith.constant 0 : i32
        %dma_start3A_424 = tpu.memref_slice %arg7[%add3A_422, %dma_start3A_423] : memref<25x80xi32, #tpu.memory_space<vmem>> -> memref<1x80xi32, #tpu.memory_space<vmem>>
        %dma_start3A_425 = tpu.memref_squeeze %dma_start3A_424 : memref<1x80xi32, #tpu.memory_space<vmem>> -> memref<80xi32, #tpu.memory_space<vmem>>
        %dma_start3A_426 = arith.constant 0 : i32
        %dma_start3A_427 = arith.constant 0 : i32
        %dma_start3A_428 = tpu.memref_slice %arg12[%dma_start3A_426, %dma_start3A_427] : memref<10000x128xf32, #tpu.memory_space<vmem_shared>> -> memref<10000x128xf32, #tpu.memory_space<vmem_shared>>
        tpu.enqueue_indirect_dma source(%arg8 : memref<80x128xf32, #tpu.memory_space<vmem>>) target(%dma_start3A_428 : memref<10000x128xf32, #tpu.memory_space<vmem_shared>>) offsets(%dma_start3A_425 : memref<80xi32, #tpu.memory_space<vmem>>) semaphore(%arg17 : memref<!tpu.dma_semaphore, #tpu.memory_space<semaphore_mem>>) {add = true}
      } else {
      }
      %add3A_357 = arith.constant 1 : i32
      %add3A_358 = arith.addi %add3A_350, %add3A_357 : i32
      %lt3A_359 = arith.constant 25 : i32
      %lt3A_360 = arith.cmpi slt, %add3A_358, %lt3A_359 : i32
      %convert_element_type3A_361 = arith.extui %lt3A_360 : i1 to i32
      %cond3A_362 = arith.constant 0 : i32
      %cond3A_363 = arith.cmpi ne, %convert_element_type3A_361, %cond3A_362 : i32
      scf.if %cond3A_363 {
        %dma_wait3A_414 = arith.constant 0 : i32
        %dma_wait3A_415 = arith.constant 0 : i32
        %dma_wait3A_416 = tpu.memref_slice %arg6[%dma_wait3A_414, %dma_wait3A_415] : memref<25x80xi32, #tpu.memory_space<vmem>> -> memref<1x80xi32, #tpu.memory_space<vmem>>
        %dma_wait3A_417 = tpu.memref_squeeze %dma_wait3A_416 : memref<1x80xi32, #tpu.memory_space<vmem>> -> memref<80xi32, #tpu.memory_space<vmem>>
        %dma_wait3A_418 = arith.constant 0 : i32
        %dma_wait3A_419 = arith.constant 0 : i32
        %dma_wait3A_420 = tpu.memref_slice %arg2[%dma_wait3A_418, %dma_wait3A_419] : memref<10000x128xf32, #tpu.memory_space<hbm>> -> memref<10000x128xf32, #tpu.memory_space<hbm>>
        tpu.wait_indirect_dma semaphore(%arg14 : memref<!tpu.dma_semaphore, #tpu.memory_space<semaphore_mem>>) src(%dma_wait3A_420 : memref<10000x128xf32, #tpu.memory_space<hbm>>) dst(%arg9 : memref<80x128xf32, #tpu.memory_space<vmem>>)
        %add3A_421 = arith.constant 1 : i32
        %add3A_422 = arith.addi %add3A_350, %add3A_421 : i32
        %dma_start3A_423 = arith.constant 0 : i32
        %dma_start3A_424 = tpu.memref_slice %arg7[%add3A_422, %dma_start3A_423] : memref<25x80xi32, #tpu.memory_space<vmem>> -> memref<1x80xi32, #tpu.memory_space<vmem>>
        %dma_start3A_425 = tpu.memref_squeeze %dma_start3A_424 : memref<1x80xi32, #tpu.memory_space<vmem>> -> memref<80xi32, #tpu.memory_space<vmem>>
        %dma_start3A_426 = arith.constant 0 : i32
        %dma_start3A_427 = arith.constant 0 : i32
        %dma_start3A_428 = tpu.memref_slice %arg12[%dma_start3A_426, %dma_start3A_427] : memref<10000x128xf32, #tpu.memory_space<vmem_shared>> -> memref<10000x128xf32, #tpu.memory_space<vmem_shared>>
        tpu.enqueue_indirect_dma source(%arg9 : memref<80x128xf32, #tpu.memory_space<vmem>>) target(%dma_start3A_428 : memref<10000x128xf32, #tpu.memory_space<vmem_shared>>) offsets(%dma_start3A_425 : memref<80xi32, #tpu.memory_space<vmem>>) semaphore(%arg18 : memref<!tpu.dma_semaphore, #tpu.memory_space<semaphore_mem>>) {add = true}
      } else {
      }
      %add3A_364 = arith.constant 2 : i32
      %add3A_365 = arith.addi %add3A_350, %add3A_364 : i32
      %lt3A_366 = arith.constant 25 : i32
      %lt3A_367 = arith.cmpi slt, %add3A_365, %lt3A_366 : i32
      %convert_element_type3A_368 = arith.extui %lt3A_367 : i1 to i32
      %cond3A_369 = arith.constant 0 : i32
      %cond3A_370 = arith.cmpi ne, %convert_element_type3A_368, %cond3A_369 : i32
      scf.if %cond3A_370 {
        %dma_wait3A_414 = arith.constant 0 : i32
        %dma_wait3A_415 = arith.constant 0 : i32
        %dma_wait3A_416 = tpu.memref_slice %arg6[%dma_wait3A_414, %dma_wait3A_415] : memref<25x80xi32, #tpu.memory_space<vmem>> -> memref<1x80xi32, #tpu.memory_space<vmem>>
        %dma_wait3A_417 = tpu.memref_squeeze %dma_wait3A_416 : memref<1x80xi32, #tpu.memory_space<vmem>> -> memref<80xi32, #tpu.memory_space<vmem>>
        %dma_wait3A_418 = arith.constant 0 : i32
        %dma_wait3A_419 = arith.constant 0 : i32
        %dma_wait3A_420 = tpu.memref_slice %arg2[%dma_wait3A_418, %dma_wait3A_419] : memref<10000x128xf32, #tpu.memory_space<hbm>> -> memref<10000x128xf32, #tpu.memory_space<hbm>>
        tpu.wait_indirect_dma semaphore(%arg15 : memref<!tpu.dma_semaphore, #tpu.memory_space<semaphore_mem>>) src(%dma_wait3A_420 : memref<10000x128xf32, #tpu.memory_space<hbm>>) dst(%arg10 : memref<80x128xf32, #tpu.memory_space<vmem>>)
        %add3A_421 = arith.constant 2 : i32
        %add3A_422 = arith.addi %add3A_350, %add3A_421 : i32
        %dma_start3A_423 = arith.constant 0 : i32
        %dma_start3A_424 = tpu.memref_slice %arg7[%add3A_422, %dma_start3A_423] : memref<25x80xi32, #tpu.memory_space<vmem>> -> memref<1x80xi32, #tpu.memory_space<vmem>>
        %dma_start3A_425 = tpu.memref_squeeze %dma_start3A_424 : memref<1x80xi32, #tpu.memory_space<vmem>> -> memref<80xi32, #tpu.memory_space<vmem>>
        %dma_start3A_426 = arith.constant 0 : i32
        %dma_start3A_427 = arith.constant 0 : i32
        %dma_start3A_428 = tpu.memref_slice %arg12[%dma_start3A_426, %dma_start3A_427] : memref<10000x128xf32, #tpu.memory_space<vmem_shared>> -> memref<10000x128xf32, #tpu.memory_space<vmem_shared>>
        tpu.enqueue_indirect_dma source(%arg10 : memref<80x128xf32, #tpu.memory_space<vmem>>) target(%dma_start3A_428 : memref<10000x128xf32, #tpu.memory_space<vmem_shared>>) offsets(%dma_start3A_425 : memref<80xi32, #tpu.memory_space<vmem>>) semaphore(%arg19 : memref<!tpu.dma_semaphore, #tpu.memory_space<semaphore_mem>>) {add = true}
      } else {
      }
      %add3A_371 = arith.constant 3 : i32
      %add3A_372 = arith.addi %add3A_350, %add3A_371 : i32
      %lt3A_373 = arith.constant 25 : i32
      %lt3A_374 = arith.cmpi slt, %add3A_372, %lt3A_373 : i32
      %convert_element_type3A_375 = arith.extui %lt3A_374 : i1 to i32
      %cond3A_376 = arith.constant 0 : i32
      %cond3A_377 = arith.cmpi ne, %convert_element_type3A_375, %cond3A_376 : i32
      scf.if %cond3A_377 {
        %dma_wait3A_414 = arith.constant 0 : i32
        %dma_wait3A_415 = arith.constant 0 : i32
        %dma_wait3A_416 = tpu.memref_slice %arg6[%dma_wait3A_414, %dma_wait3A_415] : memref<25x80xi32, #tpu.memory_space<vmem>> -> memref<1x80xi32, #tpu.memory_space<vmem>>
        %dma_wait3A_417 = tpu.memref_squeeze %dma_wait3A_416 : memref<1x80xi32, #tpu.memory_space<vmem>> -> memref<80xi32, #tpu.memory_space<vmem>>
        %dma_wait3A_418 = arith.constant 0 : i32
        %dma_wait3A_419 = arith.constant 0 : i32
        %dma_wait3A_420 = tpu.memref_slice %arg2[%dma_wait3A_418, %dma_wait3A_419] : memref<10000x128xf32, #tpu.memory_space<hbm>> -> memref<10000x128xf32, #tpu.memory_space<hbm>>
        tpu.wait_indirect_dma semaphore(%arg16 : memref<!tpu.dma_semaphore, #tpu.memory_space<semaphore_mem>>) src(%dma_wait3A_420 : memref<10000x128xf32, #tpu.memory_space<hbm>>) dst(%arg11 : memref<80x128xf32, #tpu.memory_space<vmem>>)
        %add3A_421 = arith.constant 3 : i32
        %add3A_422 = arith.addi %add3A_350, %add3A_421 : i32
        %dma_start3A_423 = arith.constant 0 : i32
        %dma_start3A_424 = tpu.memref_slice %arg7[%add3A_422, %dma_start3A_423] : memref<25x80xi32, #tpu.memory_space<vmem>> -> memref<1x80xi32, #tpu.memory_space<vmem>>
        %dma_start3A_425 = tpu.memref_squeeze %dma_start3A_424 : memref<1x80xi32, #tpu.memory_space<vmem>> -> memref<80xi32, #tpu.memory_space<vmem>>
        %dma_start3A_426 = arith.constant 0 : i32
        %dma_start3A_427 = arith.constant 0 : i32
        %dma_start3A_428 = tpu.memref_slice %arg12[%dma_start3A_426, %dma_start3A_427] : memref<10000x128xf32, #tpu.memory_space<vmem_shared>> -> memref<10000x128xf32, #tpu.memory_space<vmem_shared>>
        tpu.enqueue_indirect_dma source(%arg11 : memref<80x128xf32, #tpu.memory_space<vmem>>) target(%dma_start3A_428 : memref<10000x128xf32, #tpu.memory_space<vmem_shared>>) offsets(%dma_start3A_425 : memref<80xi32, #tpu.memory_space<vmem>>) semaphore(%arg20 : memref<!tpu.dma_semaphore, #tpu.memory_space<semaphore_mem>>) {add = true}
      } else {
      }
      %add3A_378 = arith.constant 0 : i32
      %add3A_379 = arith.addi %add3A_350, %add3A_378 : i32
      %add3A_380 = arith.constant 4 : i32
      %add3A_381 = arith.addi %add3A_379, %add3A_380 : i32
      %lt3A_382 = arith.constant 25 : i32
      %lt3A_383 = arith.cmpi slt, %add3A_381, %lt3A_382 : i32
      %convert_element_type3A_384 = arith.extui %lt3A_383 : i1 to i32
      %cond3A_385 = arith.constant 0 : i32
      %cond3A_386 = arith.cmpi ne, %convert_element_type3A_384, %cond3A_385 : i32
      scf.if %cond3A_386 {
        %dma_wait3A_414 = arith.constant 0 : i32
        %dma_wait3A_415 = arith.constant 0 : i32
        %dma_wait3A_416 = tpu.memref_slice %arg7[%dma_wait3A_414, %dma_wait3A_415] : memref<25x80xi32, #tpu.memory_space<vmem>> -> memref<1x80xi32, #tpu.memory_space<vmem>>
        %dma_wait3A_417 = tpu.memref_squeeze %dma_wait3A_416 : memref<1x80xi32, #tpu.memory_space<vmem>> -> memref<80xi32, #tpu.memory_space<vmem>>
        %dma_wait3A_418 = arith.constant 0 : i32
        %dma_wait3A_419 = arith.constant 0 : i32
        %dma_wait3A_420 = tpu.memref_slice %arg12[%dma_wait3A_418, %dma_wait3A_419] : memref<10000x128xf32, #tpu.memory_space<vmem_shared>> -> memref<10000x128xf32, #tpu.memory_space<vmem_shared>>
        tpu.wait_indirect_dma semaphore(%arg17 : memref<!tpu.dma_semaphore, #tpu.memory_space<semaphore_mem>>) src(%arg8 : memref<80x128xf32, #tpu.memory_space<vmem>>) dst(%dma_wait3A_420 : memref<10000x128xf32, #tpu.memory_space<vmem_shared>>)
        %add3A_421 = arith.constant 0 : i32
        %add3A_422 = arith.addi %add3A_350, %add3A_421 : i32
        %add3A_423 = arith.constant 4 : i32
        %add3A_424 = arith.addi %add3A_422, %add3A_423 : i32
        %dma_start3A_425 = arith.constant 0 : i32
        %dma_start3A_426 = tpu.memref_slice %arg6[%add3A_424, %dma_start3A_425] : memref<25x80xi32, #tpu.memory_space<vmem>> -> memref<1x80xi32, #tpu.memory_space<vmem>>
        %dma_start3A_427 = tpu.memref_squeeze %dma_start3A_426 : memref<1x80xi32, #tpu.memory_space<vmem>> -> memref<80xi32, #tpu.memory_space<vmem>>
        %dma_start3A_428 = arith.constant 0 : i32
        %dma_start3A_429 = arith.constant 0 : i32
        %dma_start3A_430 = tpu.memref_slice %arg2[%dma_start3A_428, %dma_start3A_429] : memref<10000x128xf32, #tpu.memory_space<hbm>> -> memref<10000x128xf32, #tpu.memory_space<hbm>>
        tpu.enqueue_indirect_dma source(%dma_start3A_430 : memref<10000x128xf32, #tpu.memory_space<hbm>>) target(%arg8 : memref<80x128xf32, #tpu.memory_space<vmem>>) offsets(%dma_start3A_427 : memref<80xi32, #tpu.memory_space<vmem>>) semaphore(%arg13 : memref<!tpu.dma_semaphore, #tpu.memory_space<semaphore_mem>>)
      } else {
      }
      %add3A_387 = arith.constant 1 : i32
      %add3A_388 = arith.addi %add3A_350, %add3A_387 : i32
      %add3A_389 = arith.constant 4 : i32
      %add3A_390 = arith.addi %add3A_388, %add3A_389 : i32
      %lt3A_391 = arith.constant 25 : i32
      %lt3A_392 = arith.cmpi slt, %add3A_390, %lt3A_391 : i32
      %convert_element_type3A_393 = arith.extui %lt3A_392 : i1 to i32
      %cond3A_394 = arith.constant 0 : i32
      %cond3A_395 = arith.cmpi ne, %convert_element_type3A_393, %cond3A_394 : i32
      scf.if %cond3A_395 {
        %dma_wait3A_414 = arith.constant 0 : i32
        %dma_wait3A_415 = arith.constant 0 : i32
        %dma_wait3A_416 = tpu.memref_slice %arg7[%dma_wait3A_414, %dma_wait3A_415] : memref<25x80xi32, #tpu.memory_space<vmem>> -> memref<1x80xi32, #tpu.memory_space<vmem>>
        %dma_wait3A_417 = tpu.memref_squeeze %dma_wait3A_416 : memref<1x80xi32, #tpu.memory_space<vmem>> -> memref<80xi32, #tpu.memory_space<vmem>>
        %dma_wait3A_418 = arith.constant 0 : i32
        %dma_wait3A_419 = arith.constant 0 : i32
        %dma_wait3A_420 = tpu.memref_slice %arg12[%dma_wait3A_418, %dma_wait3A_419] : memref<10000x128xf32, #tpu.memory_space<vmem_shared>> -> memref<10000x128xf32, #tpu.memory_space<vmem_shared>>
        tpu.wait_indirect_dma semaphore(%arg18 : memref<!tpu.dma_semaphore, #tpu.memory_space<semaphore_mem>>) src(%arg9 : memref<80x128xf32, #tpu.memory_space<vmem>>) dst(%dma_wait3A_420 : memref<10000x128xf32, #tpu.memory_space<vmem_shared>>)
        %add3A_421 = arith.constant 1 : i32
        %add3A_422 = arith.addi %add3A_350, %add3A_421 : i32
        %add3A_423 = arith.constant 4 : i32
        %add3A_424 = arith.addi %add3A_422, %add3A_423 : i32
        %dma_start3A_425 = arith.constant 0 : i32
        %dma_start3A_426 = tpu.memref_slice %arg6[%add3A_424, %dma_start3A_425] : memref<25x80xi32, #tpu.memory_space<vmem>> -> memref<1x80xi32, #tpu.memory_space<vmem>>
        %dma_start3A_427 = tpu.memref_squeeze %dma_start3A_426 : memref<1x80xi32, #tpu.memory_space<vmem>> -> memref<80xi32, #tpu.memory_space<vmem>>
        %dma_start3A_428 = arith.constant 0 : i32
        %dma_start3A_429 = arith.constant 0 : i32
        %dma_start3A_430 = tpu.memref_slice %arg2[%dma_start3A_428, %dma_start3A_429] : memref<10000x128xf32, #tpu.memory_space<hbm>> -> memref<10000x128xf32, #tpu.memory_space<hbm>>
        tpu.enqueue_indirect_dma source(%dma_start3A_430 : memref<10000x128xf32, #tpu.memory_space<hbm>>) target(%arg9 : memref<80x128xf32, #tpu.memory_space<vmem>>) offsets(%dma_start3A_427 : memref<80xi32, #tpu.memory_space<vmem>>) semaphore(%arg14 : memref<!tpu.dma_semaphore, #tpu.memory_space<semaphore_mem>>)
      } else {
      }
      %add3A_396 = arith.constant 2 : i32
      %add3A_397 = arith.addi %add3A_350, %add3A_396 : i32
      %add3A_398 = arith.constant 4 : i32
      %add3A_399 = arith.addi %add3A_397, %add3A_398 : i32
      %lt3A_400 = arith.constant 25 : i32
      %lt3A_401 = arith.cmpi slt, %add3A_399, %lt3A_400 : i32
      %convert_element_type3A_402 = arith.extui %lt3A_401 : i1 to i32
      %cond3A_403 = arith.constant 0 : i32
      %cond3A_404 = arith.cmpi ne, %convert_element_type3A_402, %cond3A_403 : i32
      scf.if %cond3A_404 {
        %dma_wait3A_414 = arith.constant 0 : i32
        %dma_wait3A_415 = arith.constant 0 : i32
        %dma_wait3A_416 = tpu.memref_slice %arg7[%dma_wait3A_414, %dma_wait3A_415] : memref<25x80xi32, #tpu.memory_space<vmem>> -> memref<1x80xi32, #tpu.memory_space<vmem>>
        %dma_wait3A_417 = tpu.memref_squeeze %dma_wait3A_416 : memref<1x80xi32, #tpu.memory_space<vmem>> -> memref<80xi32, #tpu.memory_space<vmem>>
        %dma_wait3A_418 = arith.constant 0 : i32
        %dma_wait3A_419 = arith.constant 0 : i32
        %dma_wait3A_420 = tpu.memref_slice %arg12[%dma_wait3A_418, %dma_wait3A_419] : memref<10000x128xf32, #tpu.memory_space<vmem_shared>> -> memref<10000x128xf32, #tpu.memory_space<vmem_shared>>
        tpu.wait_indirect_dma semaphore(%arg19 : memref<!tpu.dma_semaphore, #tpu.memory_space<semaphore_mem>>) src(%arg10 : memref<80x128xf32, #tpu.memory_space<vmem>>) dst(%dma_wait3A_420 : memref<10000x128xf32, #tpu.memory_space<vmem_shared>>)
        %add3A_421 = arith.constant 2 : i32
        %add3A_422 = arith.addi %add3A_350, %add3A_421 : i32
        %add3A_423 = arith.constant 4 : i32
        %add3A_424 = arith.addi %add3A_422, %add3A_423 : i32
        %dma_start3A_425 = arith.constant 0 : i32
        %dma_start3A_426 = tpu.memref_slice %arg6[%add3A_424, %dma_start3A_425] : memref<25x80xi32, #tpu.memory_space<vmem>> -> memref<1x80xi32, #tpu.memory_space<vmem>>
        %dma_start3A_427 = tpu.memref_squeeze %dma_start3A_426 : memref<1x80xi32, #tpu.memory_space<vmem>> -> memref<80xi32, #tpu.memory_space<vmem>>
        %dma_start3A_428 = arith.constant 0 : i32
        %dma_start3A_429 = arith.constant 0 : i32
        %dma_start3A_430 = tpu.memref_slice %arg2[%dma_start3A_428, %dma_start3A_429] : memref<10000x128xf32, #tpu.memory_space<hbm>> -> memref<10000x128xf32, #tpu.memory_space<hbm>>
        tpu.enqueue_indirect_dma source(%dma_start3A_430 : memref<10000x128xf32, #tpu.memory_space<hbm>>) target(%arg10 : memref<80x128xf32, #tpu.memory_space<vmem>>) offsets(%dma_start3A_427 : memref<80xi32, #tpu.memory_space<vmem>>) semaphore(%arg15 : memref<!tpu.dma_semaphore, #tpu.memory_space<semaphore_mem>>)
      } else {
      }
      %add3A_405 = arith.constant 3 : i32
      %add3A_406 = arith.addi %add3A_350, %add3A_405 : i32
      %add3A_407 = arith.constant 4 : i32
      %add3A_408 = arith.addi %add3A_406, %add3A_407 : i32
      %lt3A_409 = arith.constant 25 : i32
      %lt3A_410 = arith.cmpi slt, %add3A_408, %lt3A_409 : i32
      %convert_element_type3A_411 = arith.extui %lt3A_410 : i1 to i32
      %cond3A_412 = arith.constant 0 : i32
      %cond3A_413 = arith.cmpi ne, %convert_element_type3A_411, %cond3A_412 : i32
      scf.if %cond3A_413 {
        %dma_wait3A_414 = arith.constant 0 : i32
        %dma_wait3A_415 = arith.constant 0 : i32
        %dma_wait3A_416 = tpu.memref_slice %arg7[%dma_wait3A_414, %dma_wait3A_415] : memref<25x80xi32, #tpu.memory_space<vmem>> -> memref<1x80xi32, #tpu.memory_space<vmem>>
        %dma_wait3A_417 = tpu.memref_squeeze %dma_wait3A_416 : memref<1x80xi32, #tpu.memory_space<vmem>> -> memref<80xi32, #tpu.memory_space<vmem>>
        %dma_wait3A_418 = arith.constant 0 : i32
        %dma_wait3A_419 = arith.constant 0 : i32
        %dma_wait3A_420 = tpu.memref_slice %arg12[%dma_wait3A_418, %dma_wait3A_419] : memref<10000x128xf32, #tpu.memory_space<vmem_shared>> -> memref<10000x128xf32, #tpu.memory_space<vmem_shared>>
        tpu.wait_indirect_dma semaphore(%arg20 : memref<!tpu.dma_semaphore, #tpu.memory_space<semaphore_mem>>) src(%arg11 : memref<80x128xf32, #tpu.memory_space<vmem>>) dst(%dma_wait3A_420 : memref<10000x128xf32, #tpu.memory_space<vmem_shared>>)
        %add3A_421 = arith.constant 3 : i32
        %add3A_422 = arith.addi %add3A_350, %add3A_421 : i32
        %add3A_423 = arith.constant 4 : i32
        %add3A_424 = arith.addi %add3A_422, %add3A_423 : i32
        %dma_start3A_425 = arith.constant 0 : i32
        %dma_start3A_426 = tpu.memref_slice %arg6[%add3A_424, %dma_start3A_425] : memref<25x80xi32, #tpu.memory_space<vmem>> -> memref<1x80xi32, #tpu.memory_space<vmem>>
        %dma_start3A_427 = tpu.memref_squeeze %dma_start3A_426 : memref<1x80xi32, #tpu.memory_space<vmem>> -> memref<80xi32, #tpu.memory_space<vmem>>
        %dma_start3A_428 = arith.constant 0 : i32
        %dma_start3A_429 = arith.constant 0 : i32
        %dma_start3A_430 = tpu.memref_slice %arg2[%dma_start3A_428, %dma_start3A_429] : memref<10000x128xf32, #tpu.memory_space<hbm>> -> memref<10000x128xf32, #tpu.memory_space<hbm>>
        tpu.enqueue_indirect_dma source(%dma_start3A_430 : memref<10000x128xf32, #tpu.memory_space<hbm>>) target(%arg11 : memref<80x128xf32, #tpu.memory_space<vmem>>) offsets(%dma_start3A_427 : memref<80xi32, #tpu.memory_space<vmem>>) semaphore(%arg16 : memref<!tpu.dma_semaphore, #tpu.memory_space<semaphore_mem>>)
      } else {
      }
    }
    %scan3A_240 = arith.constant 7 : i32
    %dma_wait3A_241 = arith.constant 0 : i32
    %dma_wait3A_242 = arith.constant 0 : i32
    %dma_wait3A_243 = tpu.memref_slice %arg7[%dma_wait3A_241, %dma_wait3A_242] : memref<25x80xi32, #tpu.memory_space<vmem>> -> memref<1x80xi32, #tpu.memory_space<vmem>>
    %dma_wait3A_244 = tpu.memref_squeeze %dma_wait3A_243 : memref<1x80xi32, #tpu.memory_space<vmem>> -> memref<80xi32, #tpu.memory_space<vmem>>
    %dma_wait3A_245 = arith.constant 0 : i32
    %dma_wait3A_246 = arith.constant 0 : i32
    %dma_wait3A_247 = tpu.memref_slice %arg12[%dma_wait3A_245, %dma_wait3A_246] : memref<10000x128xf32, #tpu.memory_space<vmem_shared>> -> memref<10000x128xf32, #tpu.memory_space<vmem_shared>>
    tpu.wait_indirect_dma semaphore(%arg17 : memref<!tpu.dma_semaphore, #tpu.memory_space<semaphore_mem>>) src(%arg8 : memref<80x128xf32, #tpu.memory_space<vmem>>) dst(%dma_wait3A_247 : memref<10000x128xf32, #tpu.memory_space<vmem_shared>>)
    %dma_wait3A_248 = arith.constant 0 : i32
    %dma_wait3A_249 = arith.constant 0 : i32
    %dma_wait3A_250 = tpu.memref_slice %arg7[%dma_wait3A_248, %dma_wait3A_249] : memref<25x80xi32, #tpu.memory_space<vmem>> -> memref<1x80xi32, #tpu.memory_space<vmem>>
    %dma_wait3A_251 = tpu.memref_squeeze %dma_wait3A_250 : memref<1x80xi32, #tpu.memory_space<vmem>> -> memref<80xi32, #tpu.memory_space<vmem>>
    %dma_wait3A_252 = arith.constant 0 : i32
    %dma_wait3A_253 = arith.constant 0 : i32
    %dma_wait3A_254 = tpu.memref_slice %arg12[%dma_wait3A_252, %dma_wait3A_253] : memref<10000x128xf32, #tpu.memory_space<vmem_shared>> -> memref<10000x128xf32, #tpu.memory_space<vmem_shared>>
    tpu.wait_indirect_dma semaphore(%arg18 : memref<!tpu.dma_semaphore, #tpu.memory_space<semaphore_mem>>) src(%arg9 : memref<80x128xf32, #tpu.memory_space<vmem>>) dst(%dma_wait3A_254 : memref<10000x128xf32, #tpu.memory_space<vmem_shared>>)
    %dma_wait3A_255 = arith.constant 0 : i32
    %dma_wait3A_256 = arith.constant 0 : i32
    %dma_wait3A_257 = tpu.memref_slice %arg7[%dma_wait3A_255, %dma_wait3A_256] : memref<25x80xi32, #tpu.memory_space<vmem>> -> memref<1x80xi32, #tpu.memory_space<vmem>>
    %dma_wait3A_258 = tpu.memref_squeeze %dma_wait3A_257 : memref<1x80xi32, #tpu.memory_space<vmem>> -> memref<80xi32, #tpu.memory_space<vmem>>
    %dma_wait3A_259 = arith.constant 0 : i32
    %dma_wait3A_260 = arith.constant 0 : i32
    %dma_wait3A_261 = tpu.memref_slice %arg12[%dma_wait3A_259, %dma_wait3A_260] : memref<10000x128xf32, #tpu.memory_space<vmem_shared>> -> memref<10000x128xf32, #tpu.memory_space<vmem_shared>>
    tpu.wait_indirect_dma semaphore(%arg19 : memref<!tpu.dma_semaphore, #tpu.memory_space<semaphore_mem>>) src(%arg10 : memref<80x128xf32, #tpu.memory_space<vmem>>) dst(%dma_wait3A_261 : memref<10000x128xf32, #tpu.memory_space<vmem_shared>>)
    %dma_wait3A_262 = arith.constant 0 : i32
    %dma_wait3A_263 = arith.constant 0 : i32
    %dma_wait3A_264 = tpu.memref_slice %arg7[%dma_wait3A_262, %dma_wait3A_263] : memref<25x80xi32, #tpu.memory_space<vmem>> -> memref<1x80xi32, #tpu.memory_space<vmem>>
    %dma_wait3A_265 = tpu.memref_squeeze %dma_wait3A_264 : memref<1x80xi32, #tpu.memory_space<vmem>> -> memref<80xi32, #tpu.memory_space<vmem>>
    %dma_wait3A_266 = arith.constant 0 : i32
    %dma_wait3A_267 = arith.constant 0 : i32
    %dma_wait3A_268 = tpu.memref_slice %arg12[%dma_wait3A_266, %dma_wait3A_267] : memref<10000x128xf32, #tpu.memory_space<vmem_shared>> -> memref<10000x128xf32, #tpu.memory_space<vmem_shared>>
    tpu.wait_indirect_dma semaphore(%arg20 : memref<!tpu.dma_semaphore, #tpu.memory_space<semaphore_mem>>) src(%arg11 : memref<80x128xf32, #tpu.memory_space<vmem>>) dst(%dma_wait3A_268 : memref<10000x128xf32, #tpu.memory_space<vmem_shared>>)
    %mul3A_269 = arith.constant 5 : i32
    %mul3A_270 = arith.muli %mul3A_269, %add3A : i32
    %add3A_271 = arith.constant 4 : i32
    %add3A_272 = arith.addi %mul3A_270, %add3A_271 : i32
    %run_scoped3A_273 = arith.constant 0 : i32
    "tpu.region"() ({
      %run_scoped3A_346 = tpu.sem_alloc : memref<!tpu.dma_semaphore, #tpu.memory_space<semaphore_mem>>
      %dma_start3A_347 = arith.constant 0 : i32
      %dma_start3A_348 = arith.constant 0 : i32
      %dma_start3A_349 = tpu.memref_slice %arg3[%run_scoped3A_273, %add3A_272, %dma_start3A_347, %dma_start3A_348] : memref<2x160x25x80xi32, #tpu.memory_space<hbm>> -> memref<1x1x25x80xi32, #tpu.memory_space<hbm>>
      %dma_start3A_350 = tpu.memref_squeeze %dma_start3A_349 : memref<1x1x25x80xi32, #tpu.memory_space<hbm>> -> memref<25x80xi32, #tpu.memory_space<hbm>>
      %dma_start3A_351 = arith.constant 0 : i32
      %dma_start3A_352 = arith.constant 0 : i32
      %dma_start3A_353 = tpu.memref_slice %arg3[%run_scoped3A_273, %add3A_272, %dma_start3A_351, %dma_start3A_352] : memref<2x160x25x80xi32, #tpu.memory_space<hbm>> -> memref<1x1x25x80xi32, #tpu.memory_space<hbm>>
      %dma_start3A_354 = tpu.memref_squeeze %dma_start3A_353 : memref<1x1x25x80xi32, #tpu.memory_space<hbm>> -> memref<25x80xi32, #tpu.memory_space<hbm>>
      tpu.enqueue_dma source(%dma_start3A_354 : memref<25x80xi32, #tpu.memory_space<hbm>>) target(%arg6 : memref<25x80xi32, #tpu.memory_space<vmem>>) target_semaphore(%run_scoped3A_346 : memref<!tpu.dma_semaphore, #tpu.memory_space<semaphore_mem>>)
      %dma_wait3A_355 = arith.constant 0 : i32
      %dma_wait3A_356 = arith.constant 0 : i32
      %dma_wait3A_357 = tpu.memref_slice %arg3[%run_scoped3A_273, %add3A_272, %dma_wait3A_355, %dma_wait3A_356] : memref<2x160x25x80xi32, #tpu.memory_space<hbm>> -> memref<1x1x25x80xi32, #tpu.memory_space<hbm>>
      %dma_wait3A_358 = tpu.memref_squeeze %dma_wait3A_357 : memref<1x1x25x80xi32, #tpu.memory_space<hbm>> -> memref<25x80xi32, #tpu.memory_space<hbm>>
      %dma_wait3A_359 = arith.constant 0 : i32
      %dma_wait3A_360 = arith.constant 0 : i32
      %dma_wait3A_361 = tpu.memref_slice %arg3[%run_scoped3A_273, %add3A_272, %dma_wait3A_359, %dma_wait3A_360] : memref<2x160x25x80xi32, #tpu.memory_space<hbm>> -> memref<1x1x25x80xi32, #tpu.memory_space<hbm>>
      %dma_wait3A_362 = tpu.memref_squeeze %dma_wait3A_361 : memref<1x1x25x80xi32, #tpu.memory_space<hbm>> -> memref<25x80xi32, #tpu.memory_space<hbm>>
      tpu.wait_dma2 semaphore(%run_scoped3A_346 : memref<!tpu.dma_semaphore, #tpu.memory_space<semaphore_mem>>) src(%dma_wait3A_362 : memref<25x80xi32, #tpu.memory_space<hbm>>) dst(%arg6 : memref<25x80xi32, #tpu.memory_space<vmem>>)
      tpu.yield
    }) : () -> ()
    %run_scoped3A_274 = arith.constant 1 : i32
    "tpu.region"() ({
      %run_scoped3A_346 = tpu.sem_alloc : memref<!tpu.dma_semaphore, #tpu.memory_space<semaphore_mem>>
      %dma_start3A_347 = arith.constant 0 : i32
      %dma_start3A_348 = arith.constant 0 : i32
      %dma_start3A_349 = tpu.memref_slice %arg3[%run_scoped3A_274, %add3A_272, %dma_start3A_347, %dma_start3A_348] : memref<2x160x25x80xi32, #tpu.memory_space<hbm>> -> memref<1x1x25x80xi32, #tpu.memory_space<hbm>>
      %dma_start3A_350 = tpu.memref_squeeze %dma_start3A_349 : memref<1x1x25x80xi32, #tpu.memory_space<hbm>> -> memref<25x80xi32, #tpu.memory_space<hbm>>
      %dma_start3A_351 = arith.constant 0 : i32
      %dma_start3A_352 = arith.constant 0 : i32
      %dma_start3A_353 = tpu.memref_slice %arg3[%run_scoped3A_274, %add3A_272, %dma_start3A_351, %dma_start3A_352] : memref<2x160x25x80xi32, #tpu.memory_space<hbm>> -> memref<1x1x25x80xi32, #tpu.memory_space<hbm>>
      %dma_start3A_354 = tpu.memref_squeeze %dma_start3A_353 : memref<1x1x25x80xi32, #tpu.memory_space<hbm>> -> memref<25x80xi32, #tpu.memory_space<hbm>>
      tpu.enqueue_dma source(%dma_start3A_354 : memref<25x80xi32, #tpu.memory_space<hbm>>) target(%arg7 : memref<25x80xi32, #tpu.memory_space<vmem>>) target_semaphore(%run_scoped3A_346 : memref<!tpu.dma_semaphore, #tpu.memory_space<semaphore_mem>>)
      %dma_wait3A_355 = arith.constant 0 : i32
      %dma_wait3A_356 = arith.constant 0 : i32
      %dma_wait3A_357 = tpu.memref_slice %arg3[%run_scoped3A_274, %add3A_272, %dma_wait3A_355, %dma_wait3A_356] : memref<2x160x25x80xi32, #tpu.memory_space<hbm>> -> memref<1x1x25x80xi32, #tpu.memory_space<hbm>>
      %dma_wait3A_358 = tpu.memref_squeeze %dma_wait3A_357 : memref<1x1x25x80xi32, #tpu.memory_space<hbm>> -> memref<25x80xi32, #tpu.memory_space<hbm>>
      %dma_wait3A_359 = arith.constant 0 : i32
      %dma_wait3A_360 = arith.constant 0 : i32
      %dma_wait3A_361 = tpu.memref_slice %arg3[%run_scoped3A_274, %add3A_272, %dma_wait3A_359, %dma_wait3A_360] : memref<2x160x25x80xi32, #tpu.memory_space<hbm>> -> memref<1x1x25x80xi32, #tpu.memory_space<hbm>>
      %dma_wait3A_362 = tpu.memref_squeeze %dma_wait3A_361 : memref<1x1x25x80xi32, #tpu.memory_space<hbm>> -> memref<25x80xi32, #tpu.memory_space<hbm>>
      tpu.wait_dma2 semaphore(%run_scoped3A_346 : memref<!tpu.dma_semaphore, #tpu.memory_space<semaphore_mem>>) src(%dma_wait3A_362 : memref<25x80xi32, #tpu.memory_space<hbm>>) dst(%arg7 : memref<25x80xi32, #tpu.memory_space<vmem>>)
      tpu.yield
    }) : () -> ()
    %dma_start3A_275 = arith.constant 0 : i32
    %dma_start3A_276 = arith.constant 0 : i32
    %dma_start3A_277 = tpu.memref_slice %arg6[%dma_start3A_275, %dma_start3A_276] : memref<25x80xi32, #tpu.memory_space<vmem>> -> memref<1x80xi32, #tpu.memory_space<vmem>>
    %dma_start3A_278 = tpu.memref_squeeze %dma_start3A_277 : memref<1x80xi32, #tpu.memory_space<vmem>> -> memref<80xi32, #tpu.memory_space<vmem>>
    %dma_start3A_279 = arith.constant 0 : i32
    %dma_start3A_280 = arith.constant 0 : i32
    %dma_start3A_281 = tpu.memref_slice %arg2[%dma_start3A_279, %dma_start3A_280] : memref<10000x128xf32, #tpu.memory_space<hbm>> -> memref<10000x128xf32, #tpu.memory_space<hbm>>
    tpu.enqueue_indirect_dma source(%dma_start3A_281 : memref<10000x128xf32, #tpu.memory_space<hbm>>) target(%arg8 : memref<80x128xf32, #tpu.memory_space<vmem>>) offsets(%dma_start3A_278 : memref<80xi32, #tpu.memory_space<vmem>>) semaphore(%arg13 : memref<!tpu.dma_semaphore, #tpu.memory_space<semaphore_mem>>)
    %dma_start3A_282 = arith.constant 1 : i32
    %dma_start3A_283 = arith.constant 0 : i32
    %dma_start3A_284 = tpu.memref_slice %arg6[%dma_start3A_282, %dma_start3A_283] : memref<25x80xi32, #tpu.memory_space<vmem>> -> memref<1x80xi32, #tpu.memory_space<vmem>>
    %dma_start3A_285 = tpu.memref_squeeze %dma_start3A_284 : memref<1x80xi32, #tpu.memory_space<vmem>> -> memref<80xi32, #tpu.memory_space<vmem>>
    %dma_start3A_286 = arith.constant 0 : i32
    %dma_start3A_287 = arith.constant 0 : i32
    %dma_start3A_288 = tpu.memref_slice %arg2[%dma_start3A_286, %dma_start3A_287] : memref<10000x128xf32, #tpu.memory_space<hbm>> -> memref<10000x128xf32, #tpu.memory_space<hbm>>
    tpu.enqueue_indirect_dma source(%dma_start3A_288 : memref<10000x128xf32, #tpu.memory_space<hbm>>) target(%arg9 : memref<80x128xf32, #tpu.memory_space<vmem>>) offsets(%dma_start3A_285 : memref<80xi32, #tpu.memory_space<vmem>>) semaphore(%arg14 : memref<!tpu.dma_semaphore, #tpu.memory_space<semaphore_mem>>)
    %dma_start3A_289 = arith.constant 2 : i32
    %dma_start3A_290 = arith.constant 0 : i32
    %dma_start3A_291 = tpu.memref_slice %arg6[%dma_start3A_289, %dma_start3A_290] : memref<25x80xi32, #tpu.memory_space<vmem>> -> memref<1x80xi32, #tpu.memory_space<vmem>>
    %dma_start3A_292 = tpu.memref_squeeze %dma_start3A_291 : memref<1x80xi32, #tpu.memory_space<vmem>> -> memref<80xi32, #tpu.memory_space<vmem>>
    %dma_start3A_293 = arith.constant 0 : i32
    %dma_start3A_294 = arith.constant 0 : i32
    %dma_start3A_295 = tpu.memref_slice %arg2[%dma_start3A_293, %dma_start3A_294] : memref<10000x128xf32, #tpu.memory_space<hbm>> -> memref<10000x128xf32, #tpu.memory_space<hbm>>
    tpu.enqueue_indirect_dma source(%dma_start3A_295 : memref<10000x128xf32, #tpu.memory_space<hbm>>) target(%arg10 : memref<80x128xf32, #tpu.memory_space<vmem>>) offsets(%dma_start3A_292 : memref<80xi32, #tpu.memory_space<vmem>>) semaphore(%arg15 : memref<!tpu.dma_semaphore, #tpu.memory_space<semaphore_mem>>)
    %dma_start3A_296 = arith.constant 3 : i32
    %dma_start3A_297 = arith.constant 0 : i32
    %dma_start3A_298 = tpu.memref_slice %arg6[%dma_start3A_296, %dma_start3A_297] : memref<25x80xi32, #tpu.memory_space<vmem>> -> memref<1x80xi32, #tpu.memory_space<vmem>>
    %dma_start3A_299 = tpu.memref_squeeze %dma_start3A_298 : memref<1x80xi32, #tpu.memory_space<vmem>> -> memref<80xi32, #tpu.memory_space<vmem>>
    %dma_start3A_300 = arith.constant 0 : i32
    %dma_start3A_301 = arith.constant 0 : i32
    %dma_start3A_302 = tpu.memref_slice %arg2[%dma_start3A_300, %dma_start3A_301] : memref<10000x128xf32, #tpu.memory_space<hbm>> -> memref<10000x128xf32, #tpu.memory_space<hbm>>
    tpu.enqueue_indirect_dma source(%dma_start3A_302 : memref<10000x128xf32, #tpu.memory_space<hbm>>) target(%arg11 : memref<80x128xf32, #tpu.memory_space<vmem>>) offsets(%dma_start3A_299 : memref<80xi32, #tpu.memory_space<vmem>>) semaphore(%arg16 : memref<!tpu.dma_semaphore, #tpu.memory_space<semaphore_mem>>)
    %scan3A_303 = arith.constant 0 : i32
    %scan3A_304 = arith.constant 7 : i32
    %scan3A_305 = arith.addi %scan3A_303, %scan3A_304 : i32
    %scan3A_306 = arith.constant 1 : i32
    scf.for %scan3A_346 = %scan3A_303 to %scan3A_305 step %scan3A_306  : i32 {
      %mul3A_347 = arith.constant 4 : i32
      %mul3A_348 = arith.muli %scan3A_346, %mul3A_347 : i32
      %add3A_349 = arith.constant 0 : i32
      %add3A_350 = arith.addi %add3A_349, %mul3A_348 : i32
      %add3A_351 = arith.constant 0 : i32
      %add3A_352 = arith.addi %add3A_350, %add3A_351 : i32
      %lt3A = arith.constant 25 : i32
      %lt3A_353 = arith.cmpi slt, %add3A_352, %lt3A : i32
      %convert_element_type3A_354 = arith.extui %lt3A_353 : i1 to i32
      %cond3A_355 = arith.constant 0 : i32
      %cond3A_356 = arith.cmpi ne, %convert_element_type3A_354, %cond3A_355 : i32
      scf.if %cond3A_356 {
        %dma_wait3A_414 = arith.constant 0 : i32
        %dma_wait3A_415 = arith.constant 0 : i32
        %dma_wait3A_416 = tpu.memref_slice %arg6[%dma_wait3A_414, %dma_wait3A_415] : memref<25x80xi32, #tpu.memory_space<vmem>> -> memref<1x80xi32, #tpu.memory_space<vmem>>
        %dma_wait3A_417 = tpu.memref_squeeze %dma_wait3A_416 : memref<1x80xi32, #tpu.memory_space<vmem>> -> memref<80xi32, #tpu.memory_space<vmem>>
        %dma_wait3A_418 = arith.constant 0 : i32
        %dma_wait3A_419 = arith.constant 0 : i32
        %dma_wait3A_420 = tpu.memref_slice %arg2[%dma_wait3A_418, %dma_wait3A_419] : memref<10000x128xf32, #tpu.memory_space<hbm>> -> memref<10000x128xf32, #tpu.memory_space<hbm>>
        tpu.wait_indirect_dma semaphore(%arg13 : memref<!tpu.dma_semaphore, #tpu.memory_space<semaphore_mem>>) src(%dma_wait3A_420 : memref<10000x128xf32, #tpu.memory_space<hbm>>) dst(%arg8 : memref<80x128xf32, #tpu.memory_space<vmem>>)
        %add3A_421 = arith.constant 0 : i32
        %add3A_422 = arith.addi %add3A_350, %add3A_421 : i32
        %dma_start3A_423 = arith.constant 0 : i32
        %dma_start3A_424 = tpu.memref_slice %arg7[%add3A_422, %dma_start3A_423] : memref<25x80xi32, #tpu.memory_space<vmem>> -> memref<1x80xi32, #tpu.memory_space<vmem>>
        %dma_start3A_425 = tpu.memref_squeeze %dma_start3A_424 : memref<1x80xi32, #tpu.memory_space<vmem>> -> memref<80xi32, #tpu.memory_space<vmem>>
        %dma_start3A_426 = arith.constant 0 : i32
        %dma_start3A_427 = arith.constant 0 : i32
        %dma_start3A_428 = tpu.memref_slice %arg12[%dma_start3A_426, %dma_start3A_427] : memref<10000x128xf32, #tpu.memory_space<vmem_shared>> -> memref<10000x128xf32, #tpu.memory_space<vmem_shared>>
        tpu.enqueue_indirect_dma source(%arg8 : memref<80x128xf32, #tpu.memory_space<vmem>>) target(%dma_start3A_428 : memref<10000x128xf32, #tpu.memory_space<vmem_shared>>) offsets(%dma_start3A_425 : memref<80xi32, #tpu.memory_space<vmem>>) semaphore(%arg17 : memref<!tpu.dma_semaphore, #tpu.memory_space<semaphore_mem>>) {add = true}
      } else {
      }
      %add3A_357 = arith.constant 1 : i32
      %add3A_358 = arith.addi %add3A_350, %add3A_357 : i32
      %lt3A_359 = arith.constant 25 : i32
      %lt3A_360 = arith.cmpi slt, %add3A_358, %lt3A_359 : i32
      %convert_element_type3A_361 = arith.extui %lt3A_360 : i1 to i32
      %cond3A_362 = arith.constant 0 : i32
      %cond3A_363 = arith.cmpi ne, %convert_element_type3A_361, %cond3A_362 : i32
      scf.if %cond3A_363 {
        %dma_wait3A_414 = arith.constant 0 : i32
        %dma_wait3A_415 = arith.constant 0 : i32
        %dma_wait3A_416 = tpu.memref_slice %arg6[%dma_wait3A_414, %dma_wait3A_415] : memref<25x80xi32, #tpu.memory_space<vmem>> -> memref<1x80xi32, #tpu.memory_space<vmem>>
        %dma_wait3A_417 = tpu.memref_squeeze %dma_wait3A_416 : memref<1x80xi32, #tpu.memory_space<vmem>> -> memref<80xi32, #tpu.memory_space<vmem>>
        %dma_wait3A_418 = arith.constant 0 : i32
        %dma_wait3A_419 = arith.constant 0 : i32
        %dma_wait3A_420 = tpu.memref_slice %arg2[%dma_wait3A_418, %dma_wait3A_419] : memref<10000x128xf32, #tpu.memory_space<hbm>> -> memref<10000x128xf32, #tpu.memory_space<hbm>>
        tpu.wait_indirect_dma semaphore(%arg14 : memref<!tpu.dma_semaphore, #tpu.memory_space<semaphore_mem>>) src(%dma_wait3A_420 : memref<10000x128xf32, #tpu.memory_space<hbm>>) dst(%arg9 : memref<80x128xf32, #tpu.memory_space<vmem>>)
        %add3A_421 = arith.constant 1 : i32
        %add3A_422 = arith.addi %add3A_350, %add3A_421 : i32
        %dma_start3A_423 = arith.constant 0 : i32
        %dma_start3A_424 = tpu.memref_slice %arg7[%add3A_422, %dma_start3A_423] : memref<25x80xi32, #tpu.memory_space<vmem>> -> memref<1x80xi32, #tpu.memory_space<vmem>>
        %dma_start3A_425 = tpu.memref_squeeze %dma_start3A_424 : memref<1x80xi32, #tpu.memory_space<vmem>> -> memref<80xi32, #tpu.memory_space<vmem>>
        %dma_start3A_426 = arith.constant 0 : i32
        %dma_start3A_427 = arith.constant 0 : i32
        %dma_start3A_428 = tpu.memref_slice %arg12[%dma_start3A_426, %dma_start3A_427] : memref<10000x128xf32, #tpu.memory_space<vmem_shared>> -> memref<10000x128xf32, #tpu.memory_space<vmem_shared>>
        tpu.enqueue_indirect_dma source(%arg9 : memref<80x128xf32, #tpu.memory_space<vmem>>) target(%dma_start3A_428 : memref<10000x128xf32, #tpu.memory_space<vmem_shared>>) offsets(%dma_start3A_425 : memref<80xi32, #tpu.memory_space<vmem>>) semaphore(%arg18 : memref<!tpu.dma_semaphore, #tpu.memory_space<semaphore_mem>>) {add = true}
      } else {
      }
      %add3A_364 = arith.constant 2 : i32
      %add3A_365 = arith.addi %add3A_350, %add3A_364 : i32
      %lt3A_366 = arith.constant 25 : i32
      %lt3A_367 = arith.cmpi slt, %add3A_365, %lt3A_366 : i32
      %convert_element_type3A_368 = arith.extui %lt3A_367 : i1 to i32
      %cond3A_369 = arith.constant 0 : i32
      %cond3A_370 = arith.cmpi ne, %convert_element_type3A_368, %cond3A_369 : i32
      scf.if %cond3A_370 {
        %dma_wait3A_414 = arith.constant 0 : i32
        %dma_wait3A_415 = arith.constant 0 : i32
        %dma_wait3A_416 = tpu.memref_slice %arg6[%dma_wait3A_414, %dma_wait3A_415] : memref<25x80xi32, #tpu.memory_space<vmem>> -> memref<1x80xi32, #tpu.memory_space<vmem>>
        %dma_wait3A_417 = tpu.memref_squeeze %dma_wait3A_416 : memref<1x80xi32, #tpu.memory_space<vmem>> -> memref<80xi32, #tpu.memory_space<vmem>>
        %dma_wait3A_418 = arith.constant 0 : i32
        %dma_wait3A_419 = arith.constant 0 : i32
        %dma_wait3A_420 = tpu.memref_slice %arg2[%dma_wait3A_418, %dma_wait3A_419] : memref<10000x128xf32, #tpu.memory_space<hbm>> -> memref<10000x128xf32, #tpu.memory_space<hbm>>
        tpu.wait_indirect_dma semaphore(%arg15 : memref<!tpu.dma_semaphore, #tpu.memory_space<semaphore_mem>>) src(%dma_wait3A_420 : memref<10000x128xf32, #tpu.memory_space<hbm>>) dst(%arg10 : memref<80x128xf32, #tpu.memory_space<vmem>>)
        %add3A_421 = arith.constant 2 : i32
        %add3A_422 = arith.addi %add3A_350, %add3A_421 : i32
        %dma_start3A_423 = arith.constant 0 : i32
        %dma_start3A_424 = tpu.memref_slice %arg7[%add3A_422, %dma_start3A_423] : memref<25x80xi32, #tpu.memory_space<vmem>> -> memref<1x80xi32, #tpu.memory_space<vmem>>
        %dma_start3A_425 = tpu.memref_squeeze %dma_start3A_424 : memref<1x80xi32, #tpu.memory_space<vmem>> -> memref<80xi32, #tpu.memory_space<vmem>>
        %dma_start3A_426 = arith.constant 0 : i32
        %dma_start3A_427 = arith.constant 0 : i32
        %dma_start3A_428 = tpu.memref_slice %arg12[%dma_start3A_426, %dma_start3A_427] : memref<10000x128xf32, #tpu.memory_space<vmem_shared>> -> memref<10000x128xf32, #tpu.memory_space<vmem_shared>>
        tpu.enqueue_indirect_dma source(%arg10 : memref<80x128xf32, #tpu.memory_space<vmem>>) target(%dma_start3A_428 : memref<10000x128xf32, #tpu.memory_space<vmem_shared>>) offsets(%dma_start3A_425 : memref<80xi32, #tpu.memory_space<vmem>>) semaphore(%arg19 : memref<!tpu.dma_semaphore, #tpu.memory_space<semaphore_mem>>) {add = true}
      } else {
      }
      %add3A_371 = arith.constant 3 : i32
      %add3A_372 = arith.addi %add3A_350, %add3A_371 : i32
      %lt3A_373 = arith.constant 25 : i32
      %lt3A_374 = arith.cmpi slt, %add3A_372, %lt3A_373 : i32
      %convert_element_type3A_375 = arith.extui %lt3A_374 : i1 to i32
      %cond3A_376 = arith.constant 0 : i32
      %cond3A_377 = arith.cmpi ne, %convert_element_type3A_375, %cond3A_376 : i32
      scf.if %cond3A_377 {
        %dma_wait3A_414 = arith.constant 0 : i32
        %dma_wait3A_415 = arith.constant 0 : i32
        %dma_wait3A_416 = tpu.memref_slice %arg6[%dma_wait3A_414, %dma_wait3A_415] : memref<25x80xi32, #tpu.memory_space<vmem>> -> memref<1x80xi32, #tpu.memory_space<vmem>>
        %dma_wait3A_417 = tpu.memref_squeeze %dma_wait3A_416 : memref<1x80xi32, #tpu.memory_space<vmem>> -> memref<80xi32, #tpu.memory_space<vmem>>
        %dma_wait3A_418 = arith.constant 0 : i32
        %dma_wait3A_419 = arith.constant 0 : i32
        %dma_wait3A_420 = tpu.memref_slice %arg2[%dma_wait3A_418, %dma_wait3A_419] : memref<10000x128xf32, #tpu.memory_space<hbm>> -> memref<10000x128xf32, #tpu.memory_space<hbm>>
        tpu.wait_indirect_dma semaphore(%arg16 : memref<!tpu.dma_semaphore, #tpu.memory_space<semaphore_mem>>) src(%dma_wait3A_420 : memref<10000x128xf32, #tpu.memory_space<hbm>>) dst(%arg11 : memref<80x128xf32, #tpu.memory_space<vmem>>)
        %add3A_421 = arith.constant 3 : i32
        %add3A_422 = arith.addi %add3A_350, %add3A_421 : i32
        %dma_start3A_423 = arith.constant 0 : i32
        %dma_start3A_424 = tpu.memref_slice %arg7[%add3A_422, %dma_start3A_423] : memref<25x80xi32, #tpu.memory_space<vmem>> -> memref<1x80xi32, #tpu.memory_space<vmem>>
        %dma_start3A_425 = tpu.memref_squeeze %dma_start3A_424 : memref<1x80xi32, #tpu.memory_space<vmem>> -> memref<80xi32, #tpu.memory_space<vmem>>
        %dma_start3A_426 = arith.constant 0 : i32
        %dma_start3A_427 = arith.constant 0 : i32
        %dma_start3A_428 = tpu.memref_slice %arg12[%dma_start3A_426, %dma_start3A_427] : memref<10000x128xf32, #tpu.memory_space<vmem_shared>> -> memref<10000x128xf32, #tpu.memory_space<vmem_shared>>
        tpu.enqueue_indirect_dma source(%arg11 : memref<80x128xf32, #tpu.memory_space<vmem>>) target(%dma_start3A_428 : memref<10000x128xf32, #tpu.memory_space<vmem_shared>>) offsets(%dma_start3A_425 : memref<80xi32, #tpu.memory_space<vmem>>) semaphore(%arg20 : memref<!tpu.dma_semaphore, #tpu.memory_space<semaphore_mem>>) {add = true}
      } else {
      }
      %add3A_378 = arith.constant 0 : i32
      %add3A_379 = arith.addi %add3A_350, %add3A_378 : i32
      %add3A_380 = arith.constant 4 : i32
      %add3A_381 = arith.addi %add3A_379, %add3A_380 : i32
      %lt3A_382 = arith.constant 25 : i32
      %lt3A_383 = arith.cmpi slt, %add3A_381, %lt3A_382 : i32
      %convert_element_type3A_384 = arith.extui %lt3A_383 : i1 to i32
      %cond3A_385 = arith.constant 0 : i32
      %cond3A_386 = arith.cmpi ne, %convert_element_type3A_384, %cond3A_385 : i32
      scf.if %cond3A_386 {
        %dma_wait3A_414 = arith.constant 0 : i32
        %dma_wait3A_415 = arith.constant 0 : i32
        %dma_wait3A_416 = tpu.memref_slice %arg7[%dma_wait3A_414, %dma_wait3A_415] : memref<25x80xi32, #tpu.memory_space<vmem>> -> memref<1x80xi32, #tpu.memory_space<vmem>>
        %dma_wait3A_417 = tpu.memref_squeeze %dma_wait3A_416 : memref<1x80xi32, #tpu.memory_space<vmem>> -> memref<80xi32, #tpu.memory_space<vmem>>
        %dma_wait3A_418 = arith.constant 0 : i32
        %dma_wait3A_419 = arith.constant 0 : i32
        %dma_wait3A_420 = tpu.memref_slice %arg12[%dma_wait3A_418, %dma_wait3A_419] : memref<10000x128xf32, #tpu.memory_space<vmem_shared>> -> memref<10000x128xf32, #tpu.memory_space<vmem_shared>>
        tpu.wait_indirect_dma semaphore(%arg17 : memref<!tpu.dma_semaphore, #tpu.memory_space<semaphore_mem>>) src(%arg8 : memref<80x128xf32, #tpu.memory_space<vmem>>) dst(%dma_wait3A_420 : memref<10000x128xf32, #tpu.memory_space<vmem_shared>>)
        %add3A_421 = arith.constant 0 : i32
        %add3A_422 = arith.addi %add3A_350, %add3A_421 : i32
        %add3A_423 = arith.constant 4 : i32
        %add3A_424 = arith.addi %add3A_422, %add3A_423 : i32
        %dma_start3A_425 = arith.constant 0 : i32
        %dma_start3A_426 = tpu.memref_slice %arg6[%add3A_424, %dma_start3A_425] : memref<25x80xi32, #tpu.memory_space<vmem>> -> memref<1x80xi32, #tpu.memory_space<vmem>>
        %dma_start3A_427 = tpu.memref_squeeze %dma_start3A_426 : memref<1x80xi32, #tpu.memory_space<vmem>> -> memref<80xi32, #tpu.memory_space<vmem>>
        %dma_start3A_428 = arith.constant 0 : i32
        %dma_start3A_429 = arith.constant 0 : i32
        %dma_start3A_430 = tpu.memref_slice %arg2[%dma_start3A_428, %dma_start3A_429] : memref<10000x128xf32, #tpu.memory_space<hbm>> -> memref<10000x128xf32, #tpu.memory_space<hbm>>
        tpu.enqueue_indirect_dma source(%dma_start3A_430 : memref<10000x128xf32, #tpu.memory_space<hbm>>) target(%arg8 : memref<80x128xf32, #tpu.memory_space<vmem>>) offsets(%dma_start3A_427 : memref<80xi32, #tpu.memory_space<vmem>>) semaphore(%arg13 : memref<!tpu.dma_semaphore, #tpu.memory_space<semaphore_mem>>)
      } else {
      }
      %add3A_387 = arith.constant 1 : i32
      %add3A_388 = arith.addi %add3A_350, %add3A_387 : i32
      %add3A_389 = arith.constant 4 : i32
      %add3A_390 = arith.addi %add3A_388, %add3A_389 : i32
      %lt3A_391 = arith.constant 25 : i32
      %lt3A_392 = arith.cmpi slt, %add3A_390, %lt3A_391 : i32
      %convert_element_type3A_393 = arith.extui %lt3A_392 : i1 to i32
      %cond3A_394 = arith.constant 0 : i32
      %cond3A_395 = arith.cmpi ne, %convert_element_type3A_393, %cond3A_394 : i32
      scf.if %cond3A_395 {
        %dma_wait3A_414 = arith.constant 0 : i32
        %dma_wait3A_415 = arith.constant 0 : i32
        %dma_wait3A_416 = tpu.memref_slice %arg7[%dma_wait3A_414, %dma_wait3A_415] : memref<25x80xi32, #tpu.memory_space<vmem>> -> memref<1x80xi32, #tpu.memory_space<vmem>>
        %dma_wait3A_417 = tpu.memref_squeeze %dma_wait3A_416 : memref<1x80xi32, #tpu.memory_space<vmem>> -> memref<80xi32, #tpu.memory_space<vmem>>
        %dma_wait3A_418 = arith.constant 0 : i32
        %dma_wait3A_419 = arith.constant 0 : i32
        %dma_wait3A_420 = tpu.memref_slice %arg12[%dma_wait3A_418, %dma_wait3A_419] : memref<10000x128xf32, #tpu.memory_space<vmem_shared>> -> memref<10000x128xf32, #tpu.memory_space<vmem_shared>>
        tpu.wait_indirect_dma semaphore(%arg18 : memref<!tpu.dma_semaphore, #tpu.memory_space<semaphore_mem>>) src(%arg9 : memref<80x128xf32, #tpu.memory_space<vmem>>) dst(%dma_wait3A_420 : memref<10000x128xf32, #tpu.memory_space<vmem_shared>>)
        %add3A_421 = arith.constant 1 : i32
        %add3A_422 = arith.addi %add3A_350, %add3A_421 : i32
        %add3A_423 = arith.constant 4 : i32
        %add3A_424 = arith.addi %add3A_422, %add3A_423 : i32
        %dma_start3A_425 = arith.constant 0 : i32
        %dma_start3A_426 = tpu.memref_slice %arg6[%add3A_424, %dma_start3A_425] : memref<25x80xi32, #tpu.memory_space<vmem>> -> memref<1x80xi32, #tpu.memory_space<vmem>>
        %dma_start3A_427 = tpu.memref_squeeze %dma_start3A_426 : memref<1x80xi32, #tpu.memory_space<vmem>> -> memref<80xi32, #tpu.memory_space<vmem>>
        %dma_start3A_428 = arith.constant 0 : i32
        %dma_start3A_429 = arith.constant 0 : i32
        %dma_start3A_430 = tpu.memref_slice %arg2[%dma_start3A_428, %dma_start3A_429] : memref<10000x128xf32, #tpu.memory_space<hbm>> -> memref<10000x128xf32, #tpu.memory_space<hbm>>
        tpu.enqueue_indirect_dma source(%dma_start3A_430 : memref<10000x128xf32, #tpu.memory_space<hbm>>) target(%arg9 : memref<80x128xf32, #tpu.memory_space<vmem>>) offsets(%dma_start3A_427 : memref<80xi32, #tpu.memory_space<vmem>>) semaphore(%arg14 : memref<!tpu.dma_semaphore, #tpu.memory_space<semaphore_mem>>)
      } else {
      }
      %add3A_396 = arith.constant 2 : i32
      %add3A_397 = arith.addi %add3A_350, %add3A_396 : i32
      %add3A_398 = arith.constant 4 : i32
      %add3A_399 = arith.addi %add3A_397, %add3A_398 : i32
      %lt3A_400 = arith.constant 25 : i32
      %lt3A_401 = arith.cmpi slt, %add3A_399, %lt3A_400 : i32
      %convert_element_type3A_402 = arith.extui %lt3A_401 : i1 to i32
      %cond3A_403 = arith.constant 0 : i32
      %cond3A_404 = arith.cmpi ne, %convert_element_type3A_402, %cond3A_403 : i32
      scf.if %cond3A_404 {
        %dma_wait3A_414 = arith.constant 0 : i32
        %dma_wait3A_415 = arith.constant 0 : i32
        %dma_wait3A_416 = tpu.memref_slice %arg7[%dma_wait3A_414, %dma_wait3A_415] : memref<25x80xi32, #tpu.memory_space<vmem>> -> memref<1x80xi32, #tpu.memory_space<vmem>>
        %dma_wait3A_417 = tpu.memref_squeeze %dma_wait3A_416 : memref<1x80xi32, #tpu.memory_space<vmem>> -> memref<80xi32, #tpu.memory_space<vmem>>
        %dma_wait3A_418 = arith.constant 0 : i32
        %dma_wait3A_419 = arith.constant 0 : i32
        %dma_wait3A_420 = tpu.memref_slice %arg12[%dma_wait3A_418, %dma_wait3A_419] : memref<10000x128xf32, #tpu.memory_space<vmem_shared>> -> memref<10000x128xf32, #tpu.memory_space<vmem_shared>>
        tpu.wait_indirect_dma semaphore(%arg19 : memref<!tpu.dma_semaphore, #tpu.memory_space<semaphore_mem>>) src(%arg10 : memref<80x128xf32, #tpu.memory_space<vmem>>) dst(%dma_wait3A_420 : memref<10000x128xf32, #tpu.memory_space<vmem_shared>>)
        %add3A_421 = arith.constant 2 : i32
        %add3A_422 = arith.addi %add3A_350, %add3A_421 : i32
        %add3A_423 = arith.constant 4 : i32
        %add3A_424 = arith.addi %add3A_422, %add3A_423 : i32
        %dma_start3A_425 = arith.constant 0 : i32
        %dma_start3A_426 = tpu.memref_slice %arg6[%add3A_424, %dma_start3A_425] : memref<25x80xi32, #tpu.memory_space<vmem>> -> memref<1x80xi32, #tpu.memory_space<vmem>>
        %dma_start3A_427 = tpu.memref_squeeze %dma_start3A_426 : memref<1x80xi32, #tpu.memory_space<vmem>> -> memref<80xi32, #tpu.memory_space<vmem>>
        %dma_start3A_428 = arith.constant 0 : i32
        %dma_start3A_429 = arith.constant 0 : i32
        %dma_start3A_430 = tpu.memref_slice %arg2[%dma_start3A_428, %dma_start3A_429] : memref<10000x128xf32, #tpu.memory_space<hbm>> -> memref<10000x128xf32, #tpu.memory_space<hbm>>
        tpu.enqueue_indirect_dma source(%dma_start3A_430 : memref<10000x128xf32, #tpu.memory_space<hbm>>) target(%arg10 : memref<80x128xf32, #tpu.memory_space<vmem>>) offsets(%dma_start3A_427 : memref<80xi32, #tpu.memory_space<vmem>>) semaphore(%arg15 : memref<!tpu.dma_semaphore, #tpu.memory_space<semaphore_mem>>)
      } else {
      }
      %add3A_405 = arith.constant 3 : i32
      %add3A_406 = arith.addi %add3A_350, %add3A_405 : i32
      %add3A_407 = arith.constant 4 : i32
      %add3A_408 = arith.addi %add3A_406, %add3A_407 : i32
      %lt3A_409 = arith.constant 25 : i32
      %lt3A_410 = arith.cmpi slt, %add3A_408, %lt3A_409 : i32
      %convert_element_type3A_411 = arith.extui %lt3A_410 : i1 to i32
      %cond3A_412 = arith.constant 0 : i32
      %cond3A_413 = arith.cmpi ne, %convert_element_type3A_411, %cond3A_412 : i32
      scf.if %cond3A_413 {
        %dma_wait3A_414 = arith.constant 0 : i32
        %dma_wait3A_415 = arith.constant 0 : i32
        %dma_wait3A_416 = tpu.memref_slice %arg7[%dma_wait3A_414, %dma_wait3A_415] : memref<25x80xi32, #tpu.memory_space<vmem>> -> memref<1x80xi32, #tpu.memory_space<vmem>>
        %dma_wait3A_417 = tpu.memref_squeeze %dma_wait3A_416 : memref<1x80xi32, #tpu.memory_space<vmem>> -> memref<80xi32, #tpu.memory_space<vmem>>
        %dma_wait3A_418 = arith.constant 0 : i32
        %dma_wait3A_419 = arith.constant 0 : i32
        %dma_wait3A_420 = tpu.memref_slice %arg12[%dma_wait3A_418, %dma_wait3A_419] : memref<10000x128xf32, #tpu.memory_space<vmem_shared>> -> memref<10000x128xf32, #tpu.memory_space<vmem_shared>>
        tpu.wait_indirect_dma semaphore(%arg20 : memref<!tpu.dma_semaphore, #tpu.memory_space<semaphore_mem>>) src(%arg11 : memref<80x128xf32, #tpu.memory_space<vmem>>) dst(%dma_wait3A_420 : memref<10000x128xf32, #tpu.memory_space<vmem_shared>>)
        %add3A_421 = arith.constant 3 : i32
        %add3A_422 = arith.addi %add3A_350, %add3A_421 : i32
        %add3A_423 = arith.constant 4 : i32
        %add3A_424 = arith.addi %add3A_422, %add3A_423 : i32
        %dma_start3A_425 = arith.constant 0 : i32
        %dma_start3A_426 = tpu.memref_slice %arg6[%add3A_424, %dma_start3A_425] : memref<25x80xi32, #tpu.memory_space<vmem>> -> memref<1x80xi32, #tpu.memory_space<vmem>>
        %dma_start3A_427 = tpu.memref_squeeze %dma_start3A_426 : memref<1x80xi32, #tpu.memory_space<vmem>> -> memref<80xi32, #tpu.memory_space<vmem>>
        %dma_start3A_428 = arith.constant 0 : i32
        %dma_start3A_429 = arith.constant 0 : i32
        %dma_start3A_430 = tpu.memref_slice %arg2[%dma_start3A_428, %dma_start3A_429] : memref<10000x128xf32, #tpu.memory_space<hbm>> -> memref<10000x128xf32, #tpu.memory_space<hbm>>
        tpu.enqueue_indirect_dma source(%dma_start3A_430 : memref<10000x128xf32, #tpu.memory_space<hbm>>) target(%arg11 : memref<80x128xf32, #tpu.memory_space<vmem>>) offsets(%dma_start3A_427 : memref<80xi32, #tpu.memory_space<vmem>>) semaphore(%arg16 : memref<!tpu.dma_semaphore, #tpu.memory_space<semaphore_mem>>)
      } else {
      }
    }
    %scan3A_307 = arith.constant 7 : i32
    %dma_wait3A_308 = arith.constant 0 : i32
    %dma_wait3A_309 = arith.constant 0 : i32
    %dma_wait3A_310 = tpu.memref_slice %arg7[%dma_wait3A_308, %dma_wait3A_309] : memref<25x80xi32, #tpu.memory_space<vmem>> -> memref<1x80xi32, #tpu.memory_space<vmem>>
    %dma_wait3A_311 = tpu.memref_squeeze %dma_wait3A_310 : memref<1x80xi32, #tpu.memory_space<vmem>> -> memref<80xi32, #tpu.memory_space<vmem>>
    %dma_wait3A_312 = arith.constant 0 : i32
    %dma_wait3A_313 = arith.constant 0 : i32
    %dma_wait3A_314 = tpu.memref_slice %arg12[%dma_wait3A_312, %dma_wait3A_313] : memref<10000x128xf32, #tpu.memory_space<vmem_shared>> -> memref<10000x128xf32, #tpu.memory_space<vmem_shared>>
    tpu.wait_indirect_dma semaphore(%arg17 : memref<!tpu.dma_semaphore, #tpu.memory_space<semaphore_mem>>) src(%arg8 : memref<80x128xf32, #tpu.memory_space<vmem>>) dst(%dma_wait3A_314 : memref<10000x128xf32, #tpu.memory_space<vmem_shared>>)
    %dma_wait3A_315 = arith.constant 0 : i32
    %dma_wait3A_316 = arith.constant 0 : i32
    %dma_wait3A_317 = tpu.memref_slice %arg7[%dma_wait3A_315, %dma_wait3A_316] : memref<25x80xi32, #tpu.memory_space<vmem>> -> memref<1x80xi32, #tpu.memory_space<vmem>>
    %dma_wait3A_318 = tpu.memref_squeeze %dma_wait3A_317 : memref<1x80xi32, #tpu.memory_space<vmem>> -> memref<80xi32, #tpu.memory_space<vmem>>
    %dma_wait3A_319 = arith.constant 0 : i32
    %dma_wait3A_320 = arith.constant 0 : i32
    %dma_wait3A_321 = tpu.memref_slice %arg12[%dma_wait3A_319, %dma_wait3A_320] : memref<10000x128xf32, #tpu.memory_space<vmem_shared>> -> memref<10000x128xf32, #tpu.memory_space<vmem_shared>>
    tpu.wait_indirect_dma semaphore(%arg18 : memref<!tpu.dma_semaphore, #tpu.memory_space<semaphore_mem>>) src(%arg9 : memref<80x128xf32, #tpu.memory_space<vmem>>) dst(%dma_wait3A_321 : memref<10000x128xf32, #tpu.memory_space<vmem_shared>>)
    %dma_wait3A_322 = arith.constant 0 : i32
    %dma_wait3A_323 = arith.constant 0 : i32
    %dma_wait3A_324 = tpu.memref_slice %arg7[%dma_wait3A_322, %dma_wait3A_323] : memref<25x80xi32, #tpu.memory_space<vmem>> -> memref<1x80xi32, #tpu.memory_space<vmem>>
    %dma_wait3A_325 = tpu.memref_squeeze %dma_wait3A_324 : memref<1x80xi32, #tpu.memory_space<vmem>> -> memref<80xi32, #tpu.memory_space<vmem>>
    %dma_wait3A_326 = arith.constant 0 : i32
    %dma_wait3A_327 = arith.constant 0 : i32
    %dma_wait3A_328 = tpu.memref_slice %arg12[%dma_wait3A_326, %dma_wait3A_327] : memref<10000x128xf32, #tpu.memory_space<vmem_shared>> -> memref<10000x128xf32, #tpu.memory_space<vmem_shared>>
    tpu.wait_indirect_dma semaphore(%arg19 : memref<!tpu.dma_semaphore, #tpu.memory_space<semaphore_mem>>) src(%arg10 : memref<80x128xf32, #tpu.memory_space<vmem>>) dst(%dma_wait3A_328 : memref<10000x128xf32, #tpu.memory_space<vmem_shared>>)
    %dma_wait3A_329 = arith.constant 0 : i32
    %dma_wait3A_330 = arith.constant 0 : i32
    %dma_wait3A_331 = tpu.memref_slice %arg7[%dma_wait3A_329, %dma_wait3A_330] : memref<25x80xi32, #tpu.memory_space<vmem>> -> memref<1x80xi32, #tpu.memory_space<vmem>>
    %dma_wait3A_332 = tpu.memref_squeeze %dma_wait3A_331 : memref<1x80xi32, #tpu.memory_space<vmem>> -> memref<80xi32, #tpu.memory_space<vmem>>
    %dma_wait3A_333 = arith.constant 0 : i32
    %dma_wait3A_334 = arith.constant 0 : i32
    %dma_wait3A_335 = tpu.memref_slice %arg12[%dma_wait3A_333, %dma_wait3A_334] : memref<10000x128xf32, #tpu.memory_space<vmem_shared>> -> memref<10000x128xf32, #tpu.memory_space<vmem_shared>>
    tpu.wait_indirect_dma semaphore(%arg20 : memref<!tpu.dma_semaphore, #tpu.memory_space<semaphore_mem>>) src(%arg11 : memref<80x128xf32, #tpu.memory_space<vmem>>) dst(%dma_wait3A_335 : memref<10000x128xf32, #tpu.memory_space<vmem_shared>>)
    %barrier3A_336 = arith.constant 0 : index
    tpu.barrier barrier_id(%barrier3A_336)
    %mul3A_337 = arith.constant 624 : i32
    %mul3A_338 = arith.muli %arg1, %mul3A_337 : i32
    %mul3A_339 = arith.constant 624 : i32
    %mul3A_340 = arith.muli %arg1, %mul3A_339 : i32
    "tpu.region"() ({
      %run_scoped3A_346 = tpu.sem_alloc : memref<!tpu.dma_semaphore, #tpu.memory_space<semaphore_mem>>
      %dma_start3A_347 = arith.constant 0 : i32
      %dma_start3A_348 = tpu.memref_slice %arg5[%arg0, %mul3A_340, %dma_start3A_347] : memref<2x10000x128xf32, #tpu.memory_space<hbm>> -> memref<1x624x128xf32, #tpu.memory_space<hbm>>
      %dma_start3A_349 = tpu.memref_squeeze %dma_start3A_348 : memref<1x624x128xf32, #tpu.memory_space<hbm>> -> memref<624x128xf32, #tpu.memory_space<hbm>>
      %dma_start3A_350 = arith.constant 0 : i32
      %dma_start3A_351 = tpu.memref_slice %arg12[%mul3A_338, %dma_start3A_350] : memref<10000x128xf32, #tpu.memory_space<vmem_shared>> -> memref<624x128xf32, #tpu.memory_space<vmem_shared>>
      tpu.enqueue_dma source(%dma_start3A_351 : memref<624x128xf32, #tpu.memory_space<vmem_shared>>) target(%dma_start3A_349 : memref<624x128xf32, #tpu.memory_space<hbm>>) target_semaphore(%run_scoped3A_346 : memref<!tpu.dma_semaphore, #tpu.memory_space<semaphore_mem>>)
      %dma_wait3A_352 = arith.constant 0 : i32
      %dma_wait3A_353 = tpu.memref_slice %arg5[%arg0, %mul3A_340, %dma_wait3A_352] : memref<2x10000x128xf32, #tpu.memory_space<hbm>> -> memref<1x624x128xf32, #tpu.memory_space<hbm>>
      %dma_wait3A_354 = tpu.memref_squeeze %dma_wait3A_353 : memref<1x624x128xf32, #tpu.memory_space<hbm>> -> memref<624x128xf32, #tpu.memory_space<hbm>>
      %dma_wait3A_355 = arith.constant 0 : i32
      %dma_wait3A_356 = tpu.memref_slice %arg12[%mul3A_338, %dma_wait3A_355] : memref<10000x128xf32, #tpu.memory_space<vmem_shared>> -> memref<624x128xf32, #tpu.memory_space<vmem_shared>>
      tpu.wait_dma2 semaphore(%run_scoped3A_346 : memref<!tpu.dma_semaphore, #tpu.memory_space<semaphore_mem>>) src(%dma_wait3A_356 : memref<624x128xf32, #tpu.memory_space<vmem_shared>>) dst(%dma_wait3A_354 : memref<624x128xf32, #tpu.memory_space<hbm>>)
      tpu.yield
    }) : () -> ()
    %eq3A_341 = arith.constant 15 : i32
    %eq3A_342 = arith.cmpi eq, %arg1, %eq3A_341 : i32
    %convert_element_type3A_343 = arith.extui %eq3A_342 : i1 to i32
    %cond3A_344 = arith.constant 0 : i32
    %cond3A_345 = arith.cmpi ne, %convert_element_type3A_343, %cond3A_344 : i32
    scf.if %cond3A_345 {
      "tpu.region"() ({
        %run_scoped3A_346 = tpu.sem_alloc : memref<!tpu.dma_semaphore, #tpu.memory_space<semaphore_mem>>
        %dma_start3A_347 = arith.constant 9984 : i32
        %dma_start3A_348 = arith.constant 0 : i32
        %dma_start3A_349 = tpu.memref_slice %arg5[%arg0, %dma_start3A_347, %dma_start3A_348] : memref<2x10000x128xf32, #tpu.memory_space<hbm>> -> memref<1x16x128xf32, #tpu.memory_space<hbm>>
        %dma_start3A_350 = tpu.memref_squeeze %dma_start3A_349 : memref<1x16x128xf32, #tpu.memory_space<hbm>> -> memref<16x128xf32, #tpu.memory_space<hbm>>
        %dma_start3A_351 = arith.constant 9984 : i32
        %dma_start3A_352 = arith.constant 0 : i32
        %dma_start3A_353 = tpu.memref_slice %arg12[%dma_start3A_351, %dma_start3A_352] : memref<10000x128xf32, #tpu.memory_space<vmem_shared>> -> memref<16x128xf32, #tpu.memory_space<vmem_shared>>
        tpu.enqueue_dma source(%dma_start3A_353 : memref<16x128xf32, #tpu.memory_space<vmem_shared>>) target(%dma_start3A_350 : memref<16x128xf32, #tpu.memory_space<hbm>>) target_semaphore(%run_scoped3A_346 : memref<!tpu.dma_semaphore, #tpu.memory_space<semaphore_mem>>)
        %dma_wait3A_354 = arith.constant 9984 : i32
        %dma_wait3A_355 = arith.constant 0 : i32
        %dma_wait3A_356 = tpu.memref_slice %arg5[%arg0, %dma_wait3A_354, %dma_wait3A_355] : memref<2x10000x128xf32, #tpu.memory_space<hbm>> -> memref<1x16x128xf32, #tpu.memory_space<hbm>>
        %dma_wait3A_357 = tpu.memref_squeeze %dma_wait3A_356 : memref<1x16x128xf32, #tpu.memory_space<hbm>> -> memref<16x128xf32, #tpu.memory_space<hbm>>
        %dma_wait3A_358 = arith.constant 9984 : i32
        %dma_wait3A_359 = arith.constant 0 : i32
        %dma_wait3A_360 = tpu.memref_slice %arg12[%dma_wait3A_358, %dma_wait3A_359] : memref<10000x128xf32, #tpu.memory_space<vmem_shared>> -> memref<16x128xf32, #tpu.memory_space<vmem_shared>>
        tpu.wait_dma2 semaphore(%run_scoped3A_346 : memref<!tpu.dma_semaphore, #tpu.memory_space<semaphore_mem>>) src(%dma_wait3A_360 : memref<16x128xf32, #tpu.memory_space<vmem_shared>>) dst(%dma_wait3A_357 : memref<16x128xf32, #tpu.memory_space<hbm>>)
        tpu.yield
      }) : () -> ()
    } else {
    }
    return
  }
}

#map = affine_map<(d0, d1) -> (0, 0, 0, 0)>
#map1 = affine_map<(d0, d1) -> (0)>
module attributes {stable_mosaic.version = 14 : i64} {
  func.func @deg_k(%arg0: i32, %arg1: i32, %arg2: memref<2x16x200x100xi32, #tpu.memory_space<hbm>>, %arg3: memref<10240xf32, #tpu.memory_space<hbm>>, %arg4: memref<100xf32, #tpu.memory_space<hbm>>, %arg5: memref<20480xf32, #tpu.memory_space<hbm>>, %arg6: memref<200x100xi32, #tpu.memory_space<vmem>>, %arg7: memref<100xf32, #tpu.memory_space<vmem>>, %arg8: memref<10240xf32, #tpu.memory_space<vmem_shared>>, %arg9: memref<!tpu.dma_semaphore, #tpu.memory_space<semaphore_mem>>) attributes {dimension_semantics = [#tpu.dimension_semantics<core_parallel>, #tpu.dimension_semantics<subcore_parallel>], iteration_bounds = array<i64: 2, 16>, scalar_prefetch = 0 : i64, scratch_operands = 4 : i64, tpu.core_type = #tpu.core_type<sc_vector_subcore>, window_params = [{transform_indices = #map}, {transform_indices = #map1}, {transform_indices = #map1}, {transform_indices = #map1}]} {
    %mul3A = arith.constant 640 : i32
    %mul3A_0 = arith.muli %arg1, %mul3A : i32
    %mul3A_1 = arith.constant 640 : i32
    %mul3A_2 = arith.muli %arg1, %mul3A_1 : i32
    "tpu.region"() ({
      %run_scoped3A = tpu.sem_alloc : memref<!tpu.dma_semaphore, #tpu.memory_space<semaphore_mem>>
      %dma_start3A = tpu.memref_slice %arg8[%mul3A_2] : memref<10240xf32, #tpu.memory_space<vmem_shared>> -> memref<640xf32, #tpu.memory_space<vmem_shared>>
      %dma_start3A_14 = tpu.memref_slice %arg3[%mul3A_0] : memref<10240xf32, #tpu.memory_space<hbm>> -> memref<640xf32, #tpu.memory_space<hbm>>
      tpu.enqueue_dma source(%dma_start3A_14 : memref<640xf32, #tpu.memory_space<hbm>>) target(%dma_start3A : memref<640xf32, #tpu.memory_space<vmem_shared>>) target_semaphore(%run_scoped3A : memref<!tpu.dma_semaphore, #tpu.memory_space<semaphore_mem>>)
      %dma_wait3A = tpu.memref_slice %arg8[%mul3A_2] : memref<10240xf32, #tpu.memory_space<vmem_shared>> -> memref<640xf32, #tpu.memory_space<vmem_shared>>
      %dma_wait3A_15 = tpu.memref_slice %arg3[%mul3A_0] : memref<10240xf32, #tpu.memory_space<hbm>> -> memref<640xf32, #tpu.memory_space<hbm>>
      tpu.wait_dma2 semaphore(%run_scoped3A : memref<!tpu.dma_semaphore, #tpu.memory_space<semaphore_mem>>) src(%dma_wait3A_15 : memref<640xf32, #tpu.memory_space<hbm>>) dst(%dma_wait3A : memref<640xf32, #tpu.memory_space<vmem_shared>>)
      tpu.yield
    }) : () -> ()
    "tpu.region"() ({
      %run_scoped3A = tpu.sem_alloc : memref<!tpu.dma_semaphore, #tpu.memory_space<semaphore_mem>>
      tpu.enqueue_dma source(%arg4 : memref<100xf32, #tpu.memory_space<hbm>>) target(%arg7 : memref<100xf32, #tpu.memory_space<vmem>>) target_semaphore(%run_scoped3A : memref<!tpu.dma_semaphore, #tpu.memory_space<semaphore_mem>>)
      tpu.wait_dma2 semaphore(%run_scoped3A : memref<!tpu.dma_semaphore, #tpu.memory_space<semaphore_mem>>) src(%arg4 : memref<100xf32, #tpu.memory_space<hbm>>) dst(%arg7 : memref<100xf32, #tpu.memory_space<vmem>>)
      tpu.yield
    }) : () -> ()
    "tpu.region"() ({
      %run_scoped3A = tpu.sem_alloc : memref<!tpu.dma_semaphore, #tpu.memory_space<semaphore_mem>>
      %dma_start3A = arith.constant 0 : i32
      %dma_start3A_14 = arith.constant 0 : i32
      %dma_start3A_15 = tpu.memref_slice %arg2[%arg0, %arg1, %dma_start3A, %dma_start3A_14] : memref<2x16x200x100xi32, #tpu.memory_space<hbm>> -> memref<1x1x200x100xi32, #tpu.memory_space<hbm>>
      %dma_start3A_16 = tpu.memref_squeeze %dma_start3A_15 : memref<1x1x200x100xi32, #tpu.memory_space<hbm>> -> memref<200x100xi32, #tpu.memory_space<hbm>>
      %dma_start3A_17 = arith.constant 0 : i32
      %dma_start3A_18 = arith.constant 0 : i32
      %dma_start3A_19 = tpu.memref_slice %arg2[%arg0, %arg1, %dma_start3A_17, %dma_start3A_18] : memref<2x16x200x100xi32, #tpu.memory_space<hbm>> -> memref<1x1x200x100xi32, #tpu.memory_space<hbm>>
      %dma_start3A_20 = tpu.memref_squeeze %dma_start3A_19 : memref<1x1x200x100xi32, #tpu.memory_space<hbm>> -> memref<200x100xi32, #tpu.memory_space<hbm>>
      tpu.enqueue_dma source(%dma_start3A_20 : memref<200x100xi32, #tpu.memory_space<hbm>>) target(%arg6 : memref<200x100xi32, #tpu.memory_space<vmem>>) target_semaphore(%run_scoped3A : memref<!tpu.dma_semaphore, #tpu.memory_space<semaphore_mem>>)
      %dma_wait3A = arith.constant 0 : i32
      %dma_wait3A_21 = arith.constant 0 : i32
      %dma_wait3A_22 = tpu.memref_slice %arg2[%arg0, %arg1, %dma_wait3A, %dma_wait3A_21] : memref<2x16x200x100xi32, #tpu.memory_space<hbm>> -> memref<1x1x200x100xi32, #tpu.memory_space<hbm>>
      %dma_wait3A_23 = tpu.memref_squeeze %dma_wait3A_22 : memref<1x1x200x100xi32, #tpu.memory_space<hbm>> -> memref<200x100xi32, #tpu.memory_space<hbm>>
      %dma_wait3A_24 = arith.constant 0 : i32
      %dma_wait3A_25 = arith.constant 0 : i32
      %dma_wait3A_26 = tpu.memref_slice %arg2[%arg0, %arg1, %dma_wait3A_24, %dma_wait3A_25] : memref<2x16x200x100xi32, #tpu.memory_space<hbm>> -> memref<1x1x200x100xi32, #tpu.memory_space<hbm>>
      %dma_wait3A_27 = tpu.memref_squeeze %dma_wait3A_26 : memref<1x1x200x100xi32, #tpu.memory_space<hbm>> -> memref<200x100xi32, #tpu.memory_space<hbm>>
      tpu.wait_dma2 semaphore(%run_scoped3A : memref<!tpu.dma_semaphore, #tpu.memory_space<semaphore_mem>>) src(%dma_wait3A_27 : memref<200x100xi32, #tpu.memory_space<hbm>>) dst(%arg6 : memref<200x100xi32, #tpu.memory_space<vmem>>)
      tpu.yield
    }) : () -> ()
    %barrier3A = arith.constant 0 : index
    tpu.barrier barrier_id(%barrier3A)
    %scan3A = arith.constant 0 : i32
    %scan3A_3 = arith.constant 25 : i32
    %scan3A_4 = arith.addi %scan3A, %scan3A_3 : i32
    %scan3A_5 = arith.constant 1 : i32
    scf.for %scan3A_14 = %scan3A to %scan3A_4 step %scan3A_5  : i32 {
      %mul3A_15 = arith.constant 8 : i32
      %mul3A_16 = arith.muli %scan3A_14, %mul3A_15 : i32
      %add3A_17 = arith.constant 0 : i32
      %add3A_18 = arith.addi %add3A_17, %mul3A_16 : i32
      %add3A_19 = arith.constant 0 : i32
      %add3A_20 = arith.addi %add3A_18, %add3A_19 : i32
      %dma_start3A = arith.constant 0 : i32
      %dma_start3A_21 = tpu.memref_slice %arg6[%add3A_20, %dma_start3A] : memref<200x100xi32, #tpu.memory_space<vmem>> -> memref<1x100xi32, #tpu.memory_space<vmem>>
      %dma_start3A_22 = tpu.memref_squeeze %dma_start3A_21 : memref<1x100xi32, #tpu.memory_space<vmem>> -> memref<100xi32, #tpu.memory_space<vmem>>
      %dma_start3A_23 = arith.constant 0 : i32
      %dma_start3A_24 = tpu.memref_slice %arg8[%dma_start3A_23] : memref<10240xf32, #tpu.memory_space<vmem_shared>> -> memref<10240xf32, #tpu.memory_space<vmem_shared>>
      tpu.enqueue_indirect_dma source(%arg7 : memref<100xf32, #tpu.memory_space<vmem>>) target(%dma_start3A_24 : memref<10240xf32, #tpu.memory_space<vmem_shared>>) offsets(%dma_start3A_22 : memref<100xi32, #tpu.memory_space<vmem>>) semaphore(%arg9 : memref<!tpu.dma_semaphore, #tpu.memory_space<semaphore_mem>>) {add = true}
      %add3A_25 = arith.constant 1 : i32
      %add3A_26 = arith.addi %add3A_18, %add3A_25 : i32
      %dma_start3A_27 = arith.constant 0 : i32
      %dma_start3A_28 = tpu.memref_slice %arg6[%add3A_26, %dma_start3A_27] : memref<200x100xi32, #tpu.memory_space<vmem>> -> memref<1x100xi32, #tpu.memory_space<vmem>>
      %dma_start3A_29 = tpu.memref_squeeze %dma_start3A_28 : memref<1x100xi32, #tpu.memory_space<vmem>> -> memref<100xi32, #tpu.memory_space<vmem>>
      %dma_start3A_30 = arith.constant 0 : i32
      %dma_start3A_31 = tpu.memref_slice %arg8[%dma_start3A_30] : memref<10240xf32, #tpu.memory_space<vmem_shared>> -> memref<10240xf32, #tpu.memory_space<vmem_shared>>
      tpu.enqueue_indirect_dma source(%arg7 : memref<100xf32, #tpu.memory_space<vmem>>) target(%dma_start3A_31 : memref<10240xf32, #tpu.memory_space<vmem_shared>>) offsets(%dma_start3A_29 : memref<100xi32, #tpu.memory_space<vmem>>) semaphore(%arg9 : memref<!tpu.dma_semaphore, #tpu.memory_space<semaphore_mem>>) {add = true}
      %add3A_32 = arith.constant 2 : i32
      %add3A_33 = arith.addi %add3A_18, %add3A_32 : i32
      %dma_start3A_34 = arith.constant 0 : i32
      %dma_start3A_35 = tpu.memref_slice %arg6[%add3A_33, %dma_start3A_34] : memref<200x100xi32, #tpu.memory_space<vmem>> -> memref<1x100xi32, #tpu.memory_space<vmem>>
      %dma_start3A_36 = tpu.memref_squeeze %dma_start3A_35 : memref<1x100xi32, #tpu.memory_space<vmem>> -> memref<100xi32, #tpu.memory_space<vmem>>
      %dma_start3A_37 = arith.constant 0 : i32
      %dma_start3A_38 = tpu.memref_slice %arg8[%dma_start3A_37] : memref<10240xf32, #tpu.memory_space<vmem_shared>> -> memref<10240xf32, #tpu.memory_space<vmem_shared>>
      tpu.enqueue_indirect_dma source(%arg7 : memref<100xf32, #tpu.memory_space<vmem>>) target(%dma_start3A_38 : memref<10240xf32, #tpu.memory_space<vmem_shared>>) offsets(%dma_start3A_36 : memref<100xi32, #tpu.memory_space<vmem>>) semaphore(%arg9 : memref<!tpu.dma_semaphore, #tpu.memory_space<semaphore_mem>>) {add = true}
      %add3A_39 = arith.constant 3 : i32
      %add3A_40 = arith.addi %add3A_18, %add3A_39 : i32
      %dma_start3A_41 = arith.constant 0 : i32
      %dma_start3A_42 = tpu.memref_slice %arg6[%add3A_40, %dma_start3A_41] : memref<200x100xi32, #tpu.memory_space<vmem>> -> memref<1x100xi32, #tpu.memory_space<vmem>>
      %dma_start3A_43 = tpu.memref_squeeze %dma_start3A_42 : memref<1x100xi32, #tpu.memory_space<vmem>> -> memref<100xi32, #tpu.memory_space<vmem>>
      %dma_start3A_44 = arith.constant 0 : i32
      %dma_start3A_45 = tpu.memref_slice %arg8[%dma_start3A_44] : memref<10240xf32, #tpu.memory_space<vmem_shared>> -> memref<10240xf32, #tpu.memory_space<vmem_shared>>
      tpu.enqueue_indirect_dma source(%arg7 : memref<100xf32, #tpu.memory_space<vmem>>) target(%dma_start3A_45 : memref<10240xf32, #tpu.memory_space<vmem_shared>>) offsets(%dma_start3A_43 : memref<100xi32, #tpu.memory_space<vmem>>) semaphore(%arg9 : memref<!tpu.dma_semaphore, #tpu.memory_space<semaphore_mem>>) {add = true}
      %add3A_46 = arith.constant 4 : i32
      %add3A_47 = arith.addi %add3A_18, %add3A_46 : i32
      %dma_start3A_48 = arith.constant 0 : i32
      %dma_start3A_49 = tpu.memref_slice %arg6[%add3A_47, %dma_start3A_48] : memref<200x100xi32, #tpu.memory_space<vmem>> -> memref<1x100xi32, #tpu.memory_space<vmem>>
      %dma_start3A_50 = tpu.memref_squeeze %dma_start3A_49 : memref<1x100xi32, #tpu.memory_space<vmem>> -> memref<100xi32, #tpu.memory_space<vmem>>
      %dma_start3A_51 = arith.constant 0 : i32
      %dma_start3A_52 = tpu.memref_slice %arg8[%dma_start3A_51] : memref<10240xf32, #tpu.memory_space<vmem_shared>> -> memref<10240xf32, #tpu.memory_space<vmem_shared>>
      tpu.enqueue_indirect_dma source(%arg7 : memref<100xf32, #tpu.memory_space<vmem>>) target(%dma_start3A_52 : memref<10240xf32, #tpu.memory_space<vmem_shared>>) offsets(%dma_start3A_50 : memref<100xi32, #tpu.memory_space<vmem>>) semaphore(%arg9 : memref<!tpu.dma_semaphore, #tpu.memory_space<semaphore_mem>>) {add = true}
      %add3A_53 = arith.constant 5 : i32
      %add3A_54 = arith.addi %add3A_18, %add3A_53 : i32
      %dma_start3A_55 = arith.constant 0 : i32
      %dma_start3A_56 = tpu.memref_slice %arg6[%add3A_54, %dma_start3A_55] : memref<200x100xi32, #tpu.memory_space<vmem>> -> memref<1x100xi32, #tpu.memory_space<vmem>>
      %dma_start3A_57 = tpu.memref_squeeze %dma_start3A_56 : memref<1x100xi32, #tpu.memory_space<vmem>> -> memref<100xi32, #tpu.memory_space<vmem>>
      %dma_start3A_58 = arith.constant 0 : i32
      %dma_start3A_59 = tpu.memref_slice %arg8[%dma_start3A_58] : memref<10240xf32, #tpu.memory_space<vmem_shared>> -> memref<10240xf32, #tpu.memory_space<vmem_shared>>
      tpu.enqueue_indirect_dma source(%arg7 : memref<100xf32, #tpu.memory_space<vmem>>) target(%dma_start3A_59 : memref<10240xf32, #tpu.memory_space<vmem_shared>>) offsets(%dma_start3A_57 : memref<100xi32, #tpu.memory_space<vmem>>) semaphore(%arg9 : memref<!tpu.dma_semaphore, #tpu.memory_space<semaphore_mem>>) {add = true}
      %add3A_60 = arith.constant 6 : i32
      %add3A_61 = arith.addi %add3A_18, %add3A_60 : i32
      %dma_start3A_62 = arith.constant 0 : i32
      %dma_start3A_63 = tpu.memref_slice %arg6[%add3A_61, %dma_start3A_62] : memref<200x100xi32, #tpu.memory_space<vmem>> -> memref<1x100xi32, #tpu.memory_space<vmem>>
      %dma_start3A_64 = tpu.memref_squeeze %dma_start3A_63 : memref<1x100xi32, #tpu.memory_space<vmem>> -> memref<100xi32, #tpu.memory_space<vmem>>
      %dma_start3A_65 = arith.constant 0 : i32
      %dma_start3A_66 = tpu.memref_slice %arg8[%dma_start3A_65] : memref<10240xf32, #tpu.memory_space<vmem_shared>> -> memref<10240xf32, #tpu.memory_space<vmem_shared>>
      tpu.enqueue_indirect_dma source(%arg7 : memref<100xf32, #tpu.memory_space<vmem>>) target(%dma_start3A_66 : memref<10240xf32, #tpu.memory_space<vmem_shared>>) offsets(%dma_start3A_64 : memref<100xi32, #tpu.memory_space<vmem>>) semaphore(%arg9 : memref<!tpu.dma_semaphore, #tpu.memory_space<semaphore_mem>>) {add = true}
      %add3A_67 = arith.constant 7 : i32
      %add3A_68 = arith.addi %add3A_18, %add3A_67 : i32
      %dma_start3A_69 = arith.constant 0 : i32
      %dma_start3A_70 = tpu.memref_slice %arg6[%add3A_68, %dma_start3A_69] : memref<200x100xi32, #tpu.memory_space<vmem>> -> memref<1x100xi32, #tpu.memory_space<vmem>>
      %dma_start3A_71 = tpu.memref_squeeze %dma_start3A_70 : memref<1x100xi32, #tpu.memory_space<vmem>> -> memref<100xi32, #tpu.memory_space<vmem>>
      %dma_start3A_72 = arith.constant 0 : i32
      %dma_start3A_73 = tpu.memref_slice %arg8[%dma_start3A_72] : memref<10240xf32, #tpu.memory_space<vmem_shared>> -> memref<10240xf32, #tpu.memory_space<vmem_shared>>
      tpu.enqueue_indirect_dma source(%arg7 : memref<100xf32, #tpu.memory_space<vmem>>) target(%dma_start3A_73 : memref<10240xf32, #tpu.memory_space<vmem_shared>>) offsets(%dma_start3A_71 : memref<100xi32, #tpu.memory_space<vmem>>) semaphore(%arg9 : memref<!tpu.dma_semaphore, #tpu.memory_space<semaphore_mem>>) {add = true}
      %dma_wait3A = arith.constant 0 : i32
      %dma_wait3A_74 = arith.constant 0 : i32
      %dma_wait3A_75 = tpu.memref_slice %arg6[%dma_wait3A, %dma_wait3A_74] : memref<200x100xi32, #tpu.memory_space<vmem>> -> memref<1x100xi32, #tpu.memory_space<vmem>>
      %dma_wait3A_76 = tpu.memref_squeeze %dma_wait3A_75 : memref<1x100xi32, #tpu.memory_space<vmem>> -> memref<100xi32, #tpu.memory_space<vmem>>
      %dma_wait3A_77 = arith.constant 0 : i32
      %dma_wait3A_78 = tpu.memref_slice %arg8[%dma_wait3A_77] : memref<10240xf32, #tpu.memory_space<vmem_shared>> -> memref<10240xf32, #tpu.memory_space<vmem_shared>>
      tpu.wait_indirect_dma semaphore(%arg9 : memref<!tpu.dma_semaphore, #tpu.memory_space<semaphore_mem>>) src(%arg7 : memref<100xf32, #tpu.memory_space<vmem>>) dst(%dma_wait3A_78 : memref<10240xf32, #tpu.memory_space<vmem_shared>>)
      %dma_wait3A_79 = arith.constant 0 : i32
      %dma_wait3A_80 = arith.constant 0 : i32
      %dma_wait3A_81 = tpu.memref_slice %arg6[%dma_wait3A_79, %dma_wait3A_80] : memref<200x100xi32, #tpu.memory_space<vmem>> -> memref<1x100xi32, #tpu.memory_space<vmem>>
      %dma_wait3A_82 = tpu.memref_squeeze %dma_wait3A_81 : memref<1x100xi32, #tpu.memory_space<vmem>> -> memref<100xi32, #tpu.memory_space<vmem>>
      %dma_wait3A_83 = arith.constant 0 : i32
      %dma_wait3A_84 = tpu.memref_slice %arg8[%dma_wait3A_83] : memref<10240xf32, #tpu.memory_space<vmem_shared>> -> memref<10240xf32, #tpu.memory_space<vmem_shared>>
      tpu.wait_indirect_dma semaphore(%arg9 : memref<!tpu.dma_semaphore, #tpu.memory_space<semaphore_mem>>) src(%arg7 : memref<100xf32, #tpu.memory_space<vmem>>) dst(%dma_wait3A_84 : memref<10240xf32, #tpu.memory_space<vmem_shared>>)
      %dma_wait3A_85 = arith.constant 0 : i32
      %dma_wait3A_86 = arith.constant 0 : i32
      %dma_wait3A_87 = tpu.memref_slice %arg6[%dma_wait3A_85, %dma_wait3A_86] : memref<200x100xi32, #tpu.memory_space<vmem>> -> memref<1x100xi32, #tpu.memory_space<vmem>>
      %dma_wait3A_88 = tpu.memref_squeeze %dma_wait3A_87 : memref<1x100xi32, #tpu.memory_space<vmem>> -> memref<100xi32, #tpu.memory_space<vmem>>
      %dma_wait3A_89 = arith.constant 0 : i32
      %dma_wait3A_90 = tpu.memref_slice %arg8[%dma_wait3A_89] : memref<10240xf32, #tpu.memory_space<vmem_shared>> -> memref<10240xf32, #tpu.memory_space<vmem_shared>>
      tpu.wait_indirect_dma semaphore(%arg9 : memref<!tpu.dma_semaphore, #tpu.memory_space<semaphore_mem>>) src(%arg7 : memref<100xf32, #tpu.memory_space<vmem>>) dst(%dma_wait3A_90 : memref<10240xf32, #tpu.memory_space<vmem_shared>>)
      %dma_wait3A_91 = arith.constant 0 : i32
      %dma_wait3A_92 = arith.constant 0 : i32
      %dma_wait3A_93 = tpu.memref_slice %arg6[%dma_wait3A_91, %dma_wait3A_92] : memref<200x100xi32, #tpu.memory_space<vmem>> -> memref<1x100xi32, #tpu.memory_space<vmem>>
      %dma_wait3A_94 = tpu.memref_squeeze %dma_wait3A_93 : memref<1x100xi32, #tpu.memory_space<vmem>> -> memref<100xi32, #tpu.memory_space<vmem>>
      %dma_wait3A_95 = arith.constant 0 : i32
      %dma_wait3A_96 = tpu.memref_slice %arg8[%dma_wait3A_95] : memref<10240xf32, #tpu.memory_space<vmem_shared>> -> memref<10240xf32, #tpu.memory_space<vmem_shared>>
      tpu.wait_indirect_dma semaphore(%arg9 : memref<!tpu.dma_semaphore, #tpu.memory_space<semaphore_mem>>) src(%arg7 : memref<100xf32, #tpu.memory_space<vmem>>) dst(%dma_wait3A_96 : memref<10240xf32, #tpu.memory_space<vmem_shared>>)
      %dma_wait3A_97 = arith.constant 0 : i32
      %dma_wait3A_98 = arith.constant 0 : i32
      %dma_wait3A_99 = tpu.memref_slice %arg6[%dma_wait3A_97, %dma_wait3A_98] : memref<200x100xi32, #tpu.memory_space<vmem>> -> memref<1x100xi32, #tpu.memory_space<vmem>>
      %dma_wait3A_100 = tpu.memref_squeeze %dma_wait3A_99 : memref<1x100xi32, #tpu.memory_space<vmem>> -> memref<100xi32, #tpu.memory_space<vmem>>
      %dma_wait3A_101 = arith.constant 0 : i32
      %dma_wait3A_102 = tpu.memref_slice %arg8[%dma_wait3A_101] : memref<10240xf32, #tpu.memory_space<vmem_shared>> -> memref<10240xf32, #tpu.memory_space<vmem_shared>>
      tpu.wait_indirect_dma semaphore(%arg9 : memref<!tpu.dma_semaphore, #tpu.memory_space<semaphore_mem>>) src(%arg7 : memref<100xf32, #tpu.memory_space<vmem>>) dst(%dma_wait3A_102 : memref<10240xf32, #tpu.memory_space<vmem_shared>>)
      %dma_wait3A_103 = arith.constant 0 : i32
      %dma_wait3A_104 = arith.constant 0 : i32
      %dma_wait3A_105 = tpu.memref_slice %arg6[%dma_wait3A_103, %dma_wait3A_104] : memref<200x100xi32, #tpu.memory_space<vmem>> -> memref<1x100xi32, #tpu.memory_space<vmem>>
      %dma_wait3A_106 = tpu.memref_squeeze %dma_wait3A_105 : memref<1x100xi32, #tpu.memory_space<vmem>> -> memref<100xi32, #tpu.memory_space<vmem>>
      %dma_wait3A_107 = arith.constant 0 : i32
      %dma_wait3A_108 = tpu.memref_slice %arg8[%dma_wait3A_107] : memref<10240xf32, #tpu.memory_space<vmem_shared>> -> memref<10240xf32, #tpu.memory_space<vmem_shared>>
      tpu.wait_indirect_dma semaphore(%arg9 : memref<!tpu.dma_semaphore, #tpu.memory_space<semaphore_mem>>) src(%arg7 : memref<100xf32, #tpu.memory_space<vmem>>) dst(%dma_wait3A_108 : memref<10240xf32, #tpu.memory_space<vmem_shared>>)
      %dma_wait3A_109 = arith.constant 0 : i32
      %dma_wait3A_110 = arith.constant 0 : i32
      %dma_wait3A_111 = tpu.memref_slice %arg6[%dma_wait3A_109, %dma_wait3A_110] : memref<200x100xi32, #tpu.memory_space<vmem>> -> memref<1x100xi32, #tpu.memory_space<vmem>>
      %dma_wait3A_112 = tpu.memref_squeeze %dma_wait3A_111 : memref<1x100xi32, #tpu.memory_space<vmem>> -> memref<100xi32, #tpu.memory_space<vmem>>
      %dma_wait3A_113 = arith.constant 0 : i32
      %dma_wait3A_114 = tpu.memref_slice %arg8[%dma_wait3A_113] : memref<10240xf32, #tpu.memory_space<vmem_shared>> -> memref<10240xf32, #tpu.memory_space<vmem_shared>>
      tpu.wait_indirect_dma semaphore(%arg9 : memref<!tpu.dma_semaphore, #tpu.memory_space<semaphore_mem>>) src(%arg7 : memref<100xf32, #tpu.memory_space<vmem>>) dst(%dma_wait3A_114 : memref<10240xf32, #tpu.memory_space<vmem_shared>>)
      %dma_wait3A_115 = arith.constant 0 : i32
      %dma_wait3A_116 = arith.constant 0 : i32
      %dma_wait3A_117 = tpu.memref_slice %arg6[%dma_wait3A_115, %dma_wait3A_116] : memref<200x100xi32, #tpu.memory_space<vmem>> -> memref<1x100xi32, #tpu.memory_space<vmem>>
      %dma_wait3A_118 = tpu.memref_squeeze %dma_wait3A_117 : memref<1x100xi32, #tpu.memory_space<vmem>> -> memref<100xi32, #tpu.memory_space<vmem>>
      %dma_wait3A_119 = arith.constant 0 : i32
      %dma_wait3A_120 = tpu.memref_slice %arg8[%dma_wait3A_119] : memref<10240xf32, #tpu.memory_space<vmem_shared>> -> memref<10240xf32, #tpu.memory_space<vmem_shared>>
      tpu.wait_indirect_dma semaphore(%arg9 : memref<!tpu.dma_semaphore, #tpu.memory_space<semaphore_mem>>) src(%arg7 : memref<100xf32, #tpu.memory_space<vmem>>) dst(%dma_wait3A_120 : memref<10240xf32, #tpu.memory_space<vmem_shared>>)
    }
    %scan3A_6 = arith.constant 25 : i32
    %barrier3A_7 = arith.constant 0 : index
    tpu.barrier barrier_id(%barrier3A_7)
    %mul3A_8 = arith.constant 640 : i32
    %mul3A_9 = arith.muli %arg1, %mul3A_8 : i32
    %mul3A_10 = arith.constant 10240 : i32
    %mul3A_11 = arith.muli %arg0, %mul3A_10 : i32
    %mul3A_12 = arith.constant 640 : i32
    %mul3A_13 = arith.muli %arg1, %mul3A_12 : i32
    %add3A = arith.addi %mul3A_11, %mul3A_13 : i32
    "tpu.region"() ({
      %run_scoped3A = tpu.sem_alloc : memref<!tpu.dma_semaphore, #tpu.memory_space<semaphore_mem>>
      %dma_start3A = tpu.memref_slice %arg5[%add3A] : memref<20480xf32, #tpu.memory_space<hbm>> -> memref<640xf32, #tpu.memory_space<hbm>>
      %dma_start3A_14 = tpu.memref_slice %arg8[%mul3A_9] : memref<10240xf32, #tpu.memory_space<vmem_shared>> -> memref<640xf32, #tpu.memory_space<vmem_shared>>
      tpu.enqueue_dma source(%dma_start3A_14 : memref<640xf32, #tpu.memory_space<vmem_shared>>) target(%dma_start3A : memref<640xf32, #tpu.memory_space<hbm>>) target_semaphore(%run_scoped3A : memref<!tpu.dma_semaphore, #tpu.memory_space<semaphore_mem>>)
      %dma_wait3A = tpu.memref_slice %arg5[%add3A] : memref<20480xf32, #tpu.memory_space<hbm>> -> memref<640xf32, #tpu.memory_space<hbm>>
      %dma_wait3A_15 = tpu.memref_slice %arg8[%mul3A_9] : memref<10240xf32, #tpu.memory_space<vmem_shared>> -> memref<640xf32, #tpu.memory_space<vmem_shared>>
      tpu.wait_dma2 semaphore(%run_scoped3A : memref<!tpu.dma_semaphore, #tpu.memory_space<semaphore_mem>>) src(%dma_wait3A_15 : memref<640xf32, #tpu.memory_space<vmem_shared>>) dst(%dma_wait3A : memref<640xf32, #tpu.memory_space<hbm>>)
      tpu.yield
    }) : () -> ()
    return
  }
}

module attributes {stable_mosaic.version = 14 : i64} {
  func.func @body(%arg0: memref<10000x128xf32, #tpu.memory_space<vmem>>, %arg1: memref<10000x1xf32, #tpu.memory_space<vmem>>, %arg2: memref<10000x128xf32, #tpu.memory_space<vmem>>) attributes {dimension_semantics = [], scalar_prefetch = 0 : i64, scratch_operands = 0 : i64, tpu.core_type = #tpu.core_type<tc>} {
    %get3A = arith.constant 0 : index
    %get3A_0 = arith.constant 0 : index
    %get3A_1 = vector.load %arg1[%get3A, %get3A_0] : memref<10000x1xf32, #tpu.memory_space<vmem>>, vector<10000x1xf32>
    %gt3A = arith.constant 0.000000e+00 : f32
    %gt3A_2 = vector.broadcast %gt3A : f32 to vector<10000x1xf32>
    %gt3A_3 = arith.cmpf ogt, %get3A_1, %gt3A_2 : vector<10000x1xf32>
    %max3A = arith.constant 1.000000e+00 : f32
    %max3A_4 = vector.broadcast %max3A : f32 to vector<10000x1xf32>
    %max3A_5 = arith.maximumf %get3A_1, %max3A_4 : vector<10000x1xf32>
    %rsqrt3A = math.rsqrt %max3A_5 : vector<10000x1xf32>
    %jit3A = arith.constant 1.000000e+00 : f32
    %broadcast_in_dim3A = vector.broadcast %jit3A : f32 to vector<10000x1xf32>
    %select_n3A = arith.select %gt3A_3, %rsqrt3A, %broadcast_in_dim3A : vector<10000x1xi1>, vector<10000x1xf32>
    %get3A_6 = arith.constant 0 : index
    %get3A_7 = arith.constant 0 : index
    %get3A_8 = vector.load %arg0[%get3A_6, %get3A_7] : memref<10000x128xf32, #tpu.memory_space<vmem>>, vector<10000x128xf32>
    %mul3A = vector.broadcast %select_n3A : vector<10000x1xf32> to vector<10000x128xf32>
    %mul3A_9 = arith.mulf %get3A_8, %mul3A : vector<10000x128xf32>
    %swap3A = arith.constant 0 : index
    %swap3A_10 = arith.constant 0 : index
    %swap3A_11 = vector.load %arg2[%swap3A, %swap3A_10] : memref<10000x128xf32, #tpu.memory_space<vmem>>, vector<10000x128xf32>
    tpu.vector_store %arg2[%swap3A, %swap3A_10], %mul3A_9 {strides = array<i32>} : memref<10000x128xf32, #tpu.memory_space<vmem>>, vector<10000x128xf32>,
    return
  }
}

module attributes {stable_mosaic.version = 14 : i64} {
  func.func @body(%arg0: i32, %arg1: memref<1x2000x128xf32, #tpu.memory_space<vmem>>, %arg2: memref<1x2000x128xf32, #tpu.memory_space<vmem>>, %arg3: memref<2000x1xf32, #tpu.memory_space<vmem>>, %arg4: memref<2000x128xf32, #tpu.memory_space<vmem>>, %arg5: memref<128x128xf32, #tpu.memory_space<vmem>>, %arg6: memref<1x128xf32, #tpu.memory_space<vmem>>, %arg7: memref<128x32xf32, #tpu.memory_space<vmem>>, %arg8: memref<1x32xf32, #tpu.memory_space<vmem>>, %arg9: memref<1x128xf32, #tpu.memory_space<vmem>>, %arg10: memref<1x128xf32, #tpu.memory_space<vmem>>, %arg11: memref<1x32xf32, #tpu.memory_space<vmem>>, %arg12: memref<1x32xf32, #tpu.memory_space<vmem>>, %arg13: memref<800x3200xf32, #tpu.memory_space<vmem>>, %arg14: memref<10000x128xf32, #tpu.memory_space<vmem>>, %arg15: memref<10000x32xf32, #tpu.memory_space<vmem>>, %arg16: memref<3200x128xbf16, #tpu.memory_space<vmem>>, %arg17: memref<2x128xf32, #tpu.memory_space<vmem>>, %arg18: memref<2x32xf32, #tpu.memory_space<vmem>>) attributes {dimension_semantics = [#tpu.dimension_semantics<arbitrary>], iteration_bounds = array<i64: 14>, scalar_prefetch = 0 : i64, scratch_operands = 5 : i64, tpu.core_type = #tpu.core_type<tc>, window_params = [{transform_indices = @transform_0, window_bounds = array<i64: 1, 2000, 128>}, {transform_indices = @transform_1, window_bounds = array<i64: 1, 2000, 128>}, {transform_indices = @transform_2, window_bounds = array<i64: 2000, 1>}, {transform_indices = @transform_3, window_bounds = array<i64: 2000, 128>}, {pipeline_mode = #tpu.pipeline_mode<synchronous>, transform_indices = @transform_4, window_bounds = array<i64: 128, 128>}, {pipeline_mode = #tpu.pipeline_mode<synchronous>, transform_indices = @transform_5, window_bounds = array<i64: 1, 128>}, {pipeline_mode = #tpu.pipeline_mode<synchronous>, transform_indices = @transform_6, window_bounds = array<i64: 128, 32>}, {pipeline_mode = #tpu.pipeline_mode<synchronous>, transform_indices = @transform_7, window_bounds = array<i64: 1, 32>}, {pipeline_mode = #tpu.pipeline_mode<synchronous>, transform_indices = @transform_8, window_bounds = array<i64: 1, 128>}, {pipeline_mode = #tpu.pipeline_mode<synchronous>, transform_indices = @transform_9, window_bounds = array<i64: 1, 128>}, {pipeline_mode = #tpu.pipeline_mode<synchronous>, transform_indices = @transform_10, window_bounds = array<i64: 1, 32>}, {pipeline_mode = #tpu.pipeline_mode<synchronous>, transform_indices = @transform_11, window_bounds = array<i64: 1, 32>}, {transform_indices = @transform_12, window_bounds = array<i64: 800, 3200>}]} {
    %lt3A = arith.constant 5 : i32
    %lt3A_0 = arith.cmpi slt, %arg0, %lt3A : i32
    %convert_element_type3A = arith.extui %lt3A_0 : i1 to i32
    %cond3A = arith.constant 0 : i32
    %cond3A_1 = arith.cmpi ne, %convert_element_type3A, %cond3A : i32
    scf.if %cond3A_1 {
      %get3A = arith.constant 0 : index
      %get3A_13 = arith.constant 0 : index
      %get3A_14 = vector.load %arg3[%get3A, %get3A_13] : memref<2000x1xf32, #tpu.memory_space<vmem>>, vector<2000x1xf32>
      %gt3A = arith.constant 0.000000e+00 : f32
      %gt3A_15 = vector.broadcast %gt3A : f32 to vector<2000x1xf32>
      %gt3A_16 = arith.cmpf ogt, %get3A_14, %gt3A_15 : vector<2000x1xf32>
      %max3A = arith.constant 1.000000e+00 : f32
      %max3A_17 = vector.broadcast %max3A : f32 to vector<2000x1xf32>
      %max3A_18 = arith.maximumf %get3A_14, %max3A_17 : vector<2000x1xf32>
      %rsqrt3A = math.rsqrt %max3A_18 : vector<2000x1xf32>
      %jit3A = arith.constant 1.000000e+00 : f32
      %broadcast_in_dim3A = vector.broadcast %jit3A : f32 to vector<2000x1xf32>
      %select_n3A = arith.select %gt3A_16, %rsqrt3A, %broadcast_in_dim3A : vector<2000x1xi1>, vector<2000x1xf32>
      %get3A_19 = arith.constant 0 : index
      %get3A_20 = arith.constant 0 : index
      %get3A_21 = arith.constant 0 : index
      %get3A_22 = vector.load %arg1[%get3A_19, %get3A_20, %get3A_21] : memref<1x2000x128xf32, #tpu.memory_space<vmem>>, vector<1x2000x128xf32>
      %get3A_23 = vector.shape_cast %get3A_22 : vector<1x2000x128xf32> to vector<2000x128xf32>
      %get3A_24 = arith.constant 0 : index
      %get3A_25 = arith.constant 0 : index
      %get3A_26 = arith.constant 0 : index
      %get3A_27 = vector.load %arg2[%get3A_24, %get3A_25, %get3A_26] : memref<1x2000x128xf32, #tpu.memory_space<vmem>>, vector<1x2000x128xf32>
      %get3A_28 = vector.shape_cast %get3A_27 : vector<1x2000x128xf32> to vector<2000x128xf32>
      %add3A = arith.addf %get3A_23, %get3A_28 : vector<2000x128xf32>
      %mul3A = vector.broadcast %select_n3A : vector<2000x1xf32> to vector<2000x128xf32>
      %mul3A_29 = arith.mulf %add3A, %mul3A : vector<2000x128xf32>
      %get3A_30 = arith.constant 0 : index
      %get3A_31 = arith.constant 0 : index
      %get3A_32 = vector.load %arg5[%get3A_30, %get3A_31] : memref<128x128xf32, #tpu.memory_space<vmem>>, vector<128x128xf32>
      %dot_general3A = arith.constant dense<0.000000e+00> : vector<2000x128xf32>
      %dot_general3A_33 = tpu.matmul %mul3A_29, %get3A_32, %dot_general3A {dimension_numbers = #tpu.dot_dimension_numbers<[1], [0], [0], [1], [0, 0, 1, 1], [], []>, transpose_lhs_hint = false} : vector<2000x128xf32>, vector<128x128xf32>, vector<2000x128xf32> -> vector<2000x128xf32>
      %get3A_34 = arith.constant 0 : index
      %get3A_35 = arith.constant 0 : index
      %get3A_36 = vector.load %arg6[%get3A_34, %get3A_35] : memref<1x128xf32, #tpu.memory_space<vmem>>, vector<1x128xf32>
      %add3A_37 = vector.broadcast %get3A_36 : vector<1x128xf32> to vector<2000x128xf32>
      %add3A_38 = arith.addf %dot_general3A_33, %add3A_37 : vector<2000x128xf32>
      %get3A_39 = arith.constant 0 : index
      %get3A_40 = arith.constant 0 : index
      %get3A_41 = vector.load %arg7[%get3A_39, %get3A_40] : memref<128x32xf32, #tpu.memory_space<vmem>>, vector<128x32xf32>
      %dot_general3A_42 = arith.constant dense<0.000000e+00> : vector<2000x32xf32>
      %dot_general3A_43 = tpu.matmul %mul3A_29, %get3A_41, %dot_general3A_42 {dimension_numbers = #tpu.dot_dimension_numbers<[1], [0], [0], [1], [0, 0, 1, 1], [], []>, transpose_lhs_hint = false} : vector<2000x128xf32>, vector<128x32xf32>, vector<2000x32xf32> -> vector<2000x32xf32>
      %get3A_44 = arith.constant 0 : index
      %get3A_45 = arith.constant 0 : index
      %get3A_46 = vector.load %arg8[%get3A_44, %get3A_45] : memref<1x32xf32, #tpu.memory_space<vmem>>, vector<1x32xf32>
      %add3A_47 = vector.broadcast %get3A_46 : vector<1x32xf32> to vector<2000x32xf32>
      %add3A_48 = arith.addf %dot_general3A_43, %add3A_47 : vector<2000x32xf32>
      %mul3A_49 = arith.constant 2000 : i32
      %mul3A_50 = arith.muli %arg0, %mul3A_49 : i32
      %swap3A = arith.index_cast %mul3A_50 : i32 to index
      %swap3A_51 = arith.constant 0 : index
      %swap3A_52 = vector.load %arg14[%swap3A, %swap3A_51] : memref<10000x128xf32, #tpu.memory_space<vmem>>, vector<2000x128xf32>
      tpu.vector_store %arg14[%swap3A, %swap3A_51], %add3A_38 {strides = array<i32>} : memref<10000x128xf32, #tpu.memory_space<vmem>>, vector<2000x128xf32>,
      %mul3A_53 = arith.constant 2000 : i32
      %mul3A_54 = arith.muli %arg0, %mul3A_53 : i32
      %swap3A_55 = arith.index_cast %mul3A_54 : i32 to index
      %swap3A_56 = arith.constant 0 : index
      %swap3A_57 = vector.load %arg15[%swap3A_55, %swap3A_56] : memref<10000x32xf32, #tpu.memory_space<vmem>>, vector<2000x32xf32>
      tpu.vector_store %arg15[%swap3A_55, %swap3A_56], %add3A_48 {strides = array<i32>} : memref<10000x32xf32, #tpu.memory_space<vmem>>, vector<2000x32xf32>,
      %eq3A = arith.constant 0 : i32
      %eq3A_58 = arith.cmpi eq, %arg0, %eq3A : i32
      %convert_element_type3A_59 = arith.extui %eq3A_58 : i1 to i32
      %cond3A_60 = arith.constant 0 : i32
      %cond3A_61 = arith.cmpi ne, %convert_element_type3A_59, %cond3A_60 : i32
      scf.if %cond3A_61 {
        %broadcast_in_dim3A_90 = arith.constant 0.000000e+00 : f32
        %broadcast_in_dim3A_91 = vector.broadcast %broadcast_in_dim3A_90 : f32 to vector<2x128xf32>
        %swap3A_92 = arith.constant 0 : index
        %swap3A_93 = arith.constant 0 : index
        %swap3A_94 = vector.load %arg17[%swap3A_92, %swap3A_93] : memref<2x128xf32, #tpu.memory_space<vmem>>, vector<2x128xf32>
        tpu.vector_store %arg17[%swap3A_92, %swap3A_93], %broadcast_in_dim3A_91 {strides = array<i32>} : memref<2x128xf32, #tpu.memory_space<vmem>>, vector<2x128xf32>,
        %broadcast_in_dim3A_95 = arith.constant 0.000000e+00 : f32
        %broadcast_in_dim3A_96 = vector.broadcast %broadcast_in_dim3A_95 : f32 to vector<2x32xf32>
        %swap3A_97 = arith.constant 0 : index
        %swap3A_98 = arith.constant 0 : index
        %swap3A_99 = vector.load %arg18[%swap3A_97, %swap3A_98] : memref<2x32xf32, #tpu.memory_space<vmem>>, vector<2x32xf32>
        tpu.vector_store %arg18[%swap3A_97, %swap3A_98], %broadcast_in_dim3A_96 {strides = array<i32>} : memref<2x32xf32, #tpu.memory_space<vmem>>, vector<2x32xf32>,
      } else {
      }
      %get3A_62 = arith.constant 0 : index
      %get3A_63 = arith.constant 0 : index
      %get3A_64 = vector.load %arg17[%get3A_62, %get3A_63] : memref<2x128xf32, #tpu.memory_space<vmem>>, vector<2x128xf32>
      %reduce_sum3A = arith.constant dense<0.000000e+00> : vector<128xf32>
      %reduce_sum3A_65 = vector.multi_reduction <add>, %add3A_38, %reduce_sum3A [0] : vector<2000x128xf32> to vector<128xf32>
      %broadcast_in_dim3A_66 = vector.shape_cast %reduce_sum3A_65 : vector<128xf32> to vector<1x128xf32>
      %mul3A_67 = arith.mulf %add3A_38, %add3A_38 : vector<2000x128xf32>
      %reduce_sum3A_68 = arith.constant dense<0.000000e+00> : vector<128xf32>
      %reduce_sum3A_69 = vector.multi_reduction <add>, %mul3A_67, %reduce_sum3A_68 [0] : vector<2000x128xf32> to vector<128xf32>
      %broadcast_in_dim3A_70 = vector.shape_cast %reduce_sum3A_69 : vector<128xf32> to vector<1x128xf32>
      %concatenate3A = tpu.concatenate %broadcast_in_dim3A_66, %broadcast_in_dim3A_70 in 0 : vector<1x128xf32>, vector<1x128xf32> -> vector<2x128xf32>
      %add3A_71 = arith.addf %get3A_64, %concatenate3A : vector<2x128xf32>
      %swap3A_72 = arith.constant 0 : index
      %swap3A_73 = arith.constant 0 : index
      %swap3A_74 = vector.load %arg17[%swap3A_72, %swap3A_73] : memref<2x128xf32, #tpu.memory_space<vmem>>, vector<2x128xf32>
      tpu.vector_store %arg17[%swap3A_72, %swap3A_73], %add3A_71 {strides = array<i32>} : memref<2x128xf32, #tpu.memory_space<vmem>>, vector<2x128xf32>,
      %get3A_75 = arith.constant 0 : index
      %get3A_76 = arith.constant 0 : index
      %get3A_77 = vector.load %arg18[%get3A_75, %get3A_76] : memref<2x32xf32, #tpu.memory_space<vmem>>, vector<2x32xf32>
      %reduce_sum3A_78 = arith.constant dense<0.000000e+00> : vector<32xf32>
      %reduce_sum3A_79 = vector.multi_reduction <add>, %add3A_48, %reduce_sum3A_78 [0] : vector<2000x32xf32> to vector<32xf32>
      %broadcast_in_dim3A_80 = vector.shape_cast %reduce_sum3A_79 : vector<32xf32> to vector<1x32xf32>
      %mul3A_81 = arith.mulf %add3A_48, %add3A_48 : vector<2000x32xf32>
      %reduce_sum3A_82 = arith.constant dense<0.000000e+00> : vector<32xf32>
      %reduce_sum3A_83 = vector.multi_reduction <add>, %mul3A_81, %reduce_sum3A_82 [0] : vector<2000x32xf32> to vector<32xf32>
      %broadcast_in_dim3A_84 = vector.shape_cast %reduce_sum3A_83 : vector<32xf32> to vector<1x32xf32>
      %concatenate3A_85 = tpu.concatenate %broadcast_in_dim3A_80, %broadcast_in_dim3A_84 in 0 : vector<1x32xf32>, vector<1x32xf32> -> vector<2x32xf32>
      %add3A_86 = arith.addf %get3A_77, %concatenate3A_85 : vector<2x32xf32>
      %swap3A_87 = arith.constant 0 : index
      %swap3A_88 = arith.constant 0 : index
      %swap3A_89 = vector.load %arg18[%swap3A_87, %swap3A_88] : memref<2x32xf32, #tpu.memory_space<vmem>>, vector<2x32xf32>
      tpu.vector_store %arg18[%swap3A_87, %swap3A_88], %add3A_86 {strides = array<i32>} : memref<2x32xf32, #tpu.memory_space<vmem>>, vector<2x32xf32>,
    } else {
    }
    %ge3A = arith.constant 5 : i32
    %ge3A_2 = arith.cmpi sge, %arg0, %ge3A : i32
    %lt3A_3 = arith.constant 10 : i32
    %lt3A_4 = arith.cmpi slt, %arg0, %lt3A_3 : i32
    %and3A = arith.andi %ge3A_2, %lt3A_4 : i1
    %convert_element_type3A_5 = arith.extui %and3A : i1 to i32
    %cond3A_6 = arith.constant 0 : i32
    %cond3A_7 = arith.cmpi ne, %convert_element_type3A_5, %cond3A_6 : i32
    scf.if %cond3A_7 {
      %sub3A = arith.constant 5 : i32
      %sub3A_13 = arith.subi %arg0, %sub3A : i32
      %get3A = arith.constant 0 : index
      %get3A_14 = arith.constant 0 : index
      %get3A_15 = vector.load %arg17[%get3A, %get3A_14] : memref<2x128xf32, #tpu.memory_space<vmem>>, vector<2x128xf32>
      %slice3A = vector.extract_strided_slice %get3A_15 {offsets = [0, 0], sizes = [1, 128], strides = [1, 1]} : vector<2x128xf32> to vector<1x128xf32>
      %mul3A = arith.constant 9.99999974E-5 : f32
      %mul3A_16 = vector.broadcast %mul3A : f32 to vector<1x128xf32>
      %mul3A_17 = arith.mulf %slice3A, %mul3A_16 : vector<1x128xf32>
      %slice3A_18 = vector.extract_strided_slice %get3A_15 {offsets = [1, 0], sizes = [1, 128], strides = [1, 1]} : vector<2x128xf32> to vector<1x128xf32>
      %mul3A_19 = arith.constant 9.99999974E-5 : f32
      %mul3A_20 = vector.broadcast %mul3A_19 : f32 to vector<1x128xf32>
      %mul3A_21 = arith.mulf %slice3A_18, %mul3A_20 : vector<1x128xf32>
      %mul3A_22 = arith.mulf %mul3A_17, %mul3A_17 : vector<1x128xf32>
      %sub3A_23 = arith.subf %mul3A_21, %mul3A_22 : vector<1x128xf32>
      %mul3A_24 = arith.constant 2000 : i32
      %mul3A_25 = arith.muli %sub3A_13, %mul3A_24 : i32
      %get3A_26 = arith.index_cast %mul3A_25 : i32 to index
      %get3A_27 = arith.constant 0 : index
      %get3A_28 = vector.load %arg14[%get3A_26, %get3A_27] : memref<10000x128xf32, #tpu.memory_space<vmem>>, vector<2000x128xf32>
      %sub3A_29 = vector.broadcast %mul3A_17 : vector<1x128xf32> to vector<2000x128xf32>
      %sub3A_30 = arith.subf %get3A_28, %sub3A_29 : vector<2000x128xf32>
      %add3A = arith.constant 9.99999974E-6 : f32
      %add3A_31 = vector.broadcast %add3A : f32 to vector<1x128xf32>
      %add3A_32 = arith.addf %sub3A_23, %add3A_31 : vector<1x128xf32>
      %rsqrt3A = math.rsqrt %add3A_32 : vector<1x128xf32>
      %mul3A_33 = vector.broadcast %rsqrt3A : vector<1x128xf32> to vector<2000x128xf32>
      %mul3A_34 = arith.mulf %sub3A_30, %mul3A_33 : vector<2000x128xf32>
      %get3A_35 = arith.constant 0 : index
      %get3A_36 = arith.constant 0 : index
      %get3A_37 = vector.load %arg9[%get3A_35, %get3A_36] : memref<1x128xf32, #tpu.memory_space<vmem>>, vector<1x128xf32>
      %mul3A_38 = vector.broadcast %get3A_37 : vector<1x128xf32> to vector<2000x128xf32>
      %mul3A_39 = arith.mulf %mul3A_34, %mul3A_38 : vector<2000x128xf32>
      %get3A_40 = arith.constant 0 : index
      %get3A_41 = arith.constant 0 : index
      %get3A_42 = vector.load %arg10[%get3A_40, %get3A_41] : memref<1x128xf32, #tpu.memory_space<vmem>>, vector<1x128xf32>
      %add3A_43 = vector.broadcast %get3A_42 : vector<1x128xf32> to vector<2000x128xf32>
      %add3A_44 = arith.addf %mul3A_39, %add3A_43 : vector<2000x128xf32>
      %max3A = arith.constant 0.000000e+00 : f32
      %max3A_45 = vector.broadcast %max3A : f32 to vector<2000x128xf32>
      %max3A_46 = arith.maximumf %add3A_44, %max3A_45 : vector<2000x128xf32>
      %get3A_47 = arith.constant 0 : index
      %get3A_48 = arith.constant 0 : index
      %get3A_49 = vector.load %arg4[%get3A_47, %get3A_48] : memref<2000x128xf32, #tpu.memory_space<vmem>>, vector<2000x128xf32>
      %add3A_50 = arith.addf %max3A_46, %get3A_49 : vector<2000x128xf32>
      %get3A_51 = arith.constant 0 : index
      %get3A_52 = arith.constant 0 : index
      %get3A_53 = vector.load %arg18[%get3A_51, %get3A_52] : memref<2x32xf32, #tpu.memory_space<vmem>>, vector<2x32xf32>
      %slice3A_54 = vector.extract_strided_slice %get3A_53 {offsets = [0, 0], sizes = [1, 32], strides = [1, 1]} : vector<2x32xf32> to vector<1x32xf32>
      %mul3A_55 = arith.constant 9.99999974E-5 : f32
      %mul3A_56 = vector.broadcast %mul3A_55 : f32 to vector<1x32xf32>
      %mul3A_57 = arith.mulf %slice3A_54, %mul3A_56 : vector<1x32xf32>
      %slice3A_58 = vector.extract_strided_slice %get3A_53 {offsets = [1, 0], sizes = [1, 32], strides = [1, 1]} : vector<2x32xf32> to vector<1x32xf32>
      %mul3A_59 = arith.constant 9.99999974E-5 : f32
      %mul3A_60 = vector.broadcast %mul3A_59 : f32 to vector<1x32xf32>
      %mul3A_61 = arith.mulf %slice3A_58, %mul3A_60 : vector<1x32xf32>
      %mul3A_62 = arith.mulf %mul3A_57, %mul3A_57 : vector<1x32xf32>
      %sub3A_63 = arith.subf %mul3A_61, %mul3A_62 : vector<1x32xf32>
      %mul3A_64 = arith.constant 2000 : i32
      %mul3A_65 = arith.muli %sub3A_13, %mul3A_64 : i32
      %get3A_66 = arith.index_cast %mul3A_65 : i32 to index
      %get3A_67 = arith.constant 0 : index
      %get3A_68 = vector.load %arg15[%get3A_66, %get3A_67] : memref<10000x32xf32, #tpu.memory_space<vmem>>, vector<2000x32xf32>
      %sub3A_69 = vector.broadcast %mul3A_57 : vector<1x32xf32> to vector<2000x32xf32>
      %sub3A_70 = arith.subf %get3A_68, %sub3A_69 : vector<2000x32xf32>
      %add3A_71 = arith.constant 9.99999974E-6 : f32
      %add3A_72 = vector.broadcast %add3A_71 : f32 to vector<1x32xf32>
      %add3A_73 = arith.addf %sub3A_63, %add3A_72 : vector<1x32xf32>
      %rsqrt3A_74 = math.rsqrt %add3A_73 : vector<1x32xf32>
      %mul3A_75 = vector.broadcast %rsqrt3A_74 : vector<1x32xf32> to vector<2000x32xf32>
      %mul3A_76 = arith.mulf %sub3A_70, %mul3A_75 : vector<2000x32xf32>
      %get3A_77 = arith.constant 0 : index
      %get3A_78 = arith.constant 0 : index
      %get3A_79 = vector.load %arg11[%get3A_77, %get3A_78] : memref<1x32xf32, #tpu.memory_space<vmem>>, vector<1x32xf32>
      %mul3A_80 = vector.broadcast %get3A_79 : vector<1x32xf32> to vector<2000x32xf32>
      %mul3A_81 = arith.mulf %mul3A_76, %mul3A_80 : vector<2000x32xf32>
      %get3A_82 = arith.constant 0 : index
      %get3A_83 = arith.constant 0 : index
      %get3A_84 = vector.load %arg12[%get3A_82, %get3A_83] : memref<1x32xf32, #tpu.memory_space<vmem>>, vector<1x32xf32>
      %add3A_85 = vector.broadcast %get3A_84 : vector<1x32xf32> to vector<2000x32xf32>
      %add3A_86 = arith.addf %mul3A_81, %add3A_85 : vector<2000x32xf32>
      %max3A_87 = arith.constant 0.000000e+00 : f32
      %max3A_88 = vector.broadcast %max3A_87 : f32 to vector<2000x32xf32>
      %max3A_89 = arith.maximumf %add3A_86, %max3A_88 : vector<2000x32xf32>
      %reduce_max3A = arith.constant dense<0xFF800000> : vector<2000xf32>
      %reduce_max3A_90 = vector.multi_reduction <maximumf>, %max3A_89, %reduce_max3A [1] : vector<2000x32xf32> to vector<2000xf32>
      %broadcast_in_dim3A = vector.shape_cast %reduce_max3A_90 : vector<2000xf32> to vector<2000x1xf32>
      %sub3A_91 = vector.broadcast %broadcast_in_dim3A : vector<2000x1xf32> to vector<2000x32xf32>
      %sub3A_92 = arith.subf %max3A_89, %sub3A_91 : vector<2000x32xf32>
      %exp3A = math.exp %sub3A_92 : vector<2000x32xf32>
      %reduce_sum3A = arith.constant dense<0.000000e+00> : vector<2000xf32>
      %reduce_sum3A_93 = vector.multi_reduction <add>, %exp3A, %reduce_sum3A [1] : vector<2000x32xf32> to vector<2000xf32>
      %broadcast_in_dim3A_94 = vector.shape_cast %reduce_sum3A_93 : vector<2000xf32> to vector<2000x1xf32>
      %div3A = vector.broadcast %broadcast_in_dim3A_94 : vector<2000x1xf32> to vector<2000x32xf32>
      %div3A_95 = arith.divf %exp3A, %div3A : vector<2000x32xf32>
      %slice3A_96 = vector.extract_strided_slice %div3A_95 {offsets = [0, 0], sizes = [100, 32], strides = [1, 1]} : vector<2000x32xf32> to vector<100x32xf32>
      %slice3A_97 = vector.extract_strided_slice %add3A_50 {offsets = [0, 0], sizes = [100, 128], strides = [1, 1]} : vector<2000x128xf32> to vector<100x128xf32>
      %dot_general3A = arith.constant dense<0.000000e+00> : vector<32x128xf32>
      %dot_general3A_98 = tpu.matmul %slice3A_96, %slice3A_97, %dot_general3A {dimension_numbers = #tpu.dot_dimension_numbers<[0], [0], [1], [1], [0, 1, 1, 1], [], []>, transpose_lhs_hint = false} : vector<100x32xf32>, vector<100x128xf32>, vector<32x128xf32> -> vector<32x128xf32>
      %convert_element_type3A_99 = arith.truncf %dot_general3A_98 : vector<32x128xf32> to vector<32x128xbf16>
      %mul3A_100 = arith.constant 20 : i32
      %mul3A_101 = arith.muli %sub3A_13, %mul3A_100 : i32
      %mul3A_102 = arith.constant 32 : i32
      %mul3A_103 = arith.muli %mul3A_101, %mul3A_102 : i32
      %add3A_104 = arith.constant 0 : i32
      %add3A_105 = arith.addi %mul3A_103, %add3A_104 : i32
      %swap3A = arith.index_cast %add3A_105 : i32 to index
      %swap3A_106 = arith.constant 0 : index
      %swap3A_107 = vector.load %arg16[%swap3A, %swap3A_106] : memref<3200x128xbf16, #tpu.memory_space<vmem>>, vector<32x128xbf16>
      tpu.vector_store %arg16[%swap3A, %swap3A_106], %convert_element_type3A_99 {strides = array<i32>} : memref<3200x128xbf16, #tpu.memory_space<vmem>>, vector<32x128xbf16>,
      %slice3A_108 = vector.extract_strided_slice %div3A_95 {offsets = [100, 0], sizes = [100, 32], strides = [1, 1]} : vector<2000x32xf32> to vector<100x32xf32>
      %slice3A_109 = vector.extract_strided_slice %add3A_50 {offsets = [100, 0], sizes = [100, 128], strides = [1, 1]} : vector<2000x128xf32> to vector<100x128xf32>
      %dot_general3A_110 = arith.constant dense<0.000000e+00> : vector<32x128xf32>
      %dot_general3A_111 = tpu.matmul %slice3A_108, %slice3A_109, %dot_general3A_110 {dimension_numbers = #tpu.dot_dimension_numbers<[0], [0], [1], [1], [0, 1, 1, 1], [], []>, transpose_lhs_hint = false} : vector<100x32xf32>, vector<100x128xf32>, vector<32x128xf32> -> vector<32x128xf32>
      %convert_element_type3A_112 = arith.truncf %dot_general3A_111 : vector<32x128xf32> to vector<32x128xbf16>
      %mul3A_113 = arith.constant 20 : i32
      %mul3A_114 = arith.muli %sub3A_13, %mul3A_113 : i32
      %mul3A_115 = arith.constant 32 : i32
      %mul3A_116 = arith.muli %mul3A_114, %mul3A_115 : i32
      %add3A_117 = arith.constant 32 : i32
      %add3A_118 = arith.addi %mul3A_116, %add3A_117 : i32
      %swap3A_119 = arith.index_cast %add3A_118 : i32 to index
      %swap3A_120 = arith.constant 0 : index
      %swap3A_121 = vector.load %arg16[%swap3A_119, %swap3A_120] : memref<3200x128xbf16, #tpu.memory_space<vmem>>, vector<32x128xbf16>
      tpu.vector_store %arg16[%swap3A_119, %swap3A_120], %convert_element_type3A_112 {strides = array<i32>} : memref<3200x128xbf16, #tpu.memory_space<vmem>>, vector<32x128xbf16>,
      %slice3A_122 = vector.extract_strided_slice %div3A_95 {offsets = [200, 0], sizes = [100, 32], strides = [1, 1]} : vector<2000x32xf32> to vector<100x32xf32>
      %slice3A_123 = vector.extract_strided_slice %add3A_50 {offsets = [200, 0], sizes = [100, 128], strides = [1, 1]} : vector<2000x128xf32> to vector<100x128xf32>
      %dot_general3A_124 = arith.constant dense<0.000000e+00> : vector<32x128xf32>
      %dot_general3A_125 = tpu.matmul %slice3A_122, %slice3A_123, %dot_general3A_124 {dimension_numbers = #tpu.dot_dimension_numbers<[0], [0], [1], [1], [0, 1, 1, 1], [], []>, transpose_lhs_hint = false} : vector<100x32xf32>, vector<100x128xf32>, vector<32x128xf32> -> vector<32x128xf32>
      %convert_element_type3A_126 = arith.truncf %dot_general3A_125 : vector<32x128xf32> to vector<32x128xbf16>
      %mul3A_127 = arith.constant 20 : i32
      %mul3A_128 = arith.muli %sub3A_13, %mul3A_127 : i32
      %mul3A_129 = arith.constant 32 : i32
      %mul3A_130 = arith.muli %mul3A_128, %mul3A_129 : i32
      %add3A_131 = arith.constant 64 : i32
      %add3A_132 = arith.addi %mul3A_130, %add3A_131 : i32
      %swap3A_133 = arith.index_cast %add3A_132 : i32 to index
      %swap3A_134 = arith.constant 0 : index
      %swap3A_135 = vector.load %arg16[%swap3A_133, %swap3A_134] : memref<3200x128xbf16, #tpu.memory_space<vmem>>, vector<32x128xbf16>
      tpu.vector_store %arg16[%swap3A_133, %swap3A_134], %convert_element_type3A_126 {strides = array<i32>} : memref<3200x128xbf16, #tpu.memory_space<vmem>>, vector<32x128xbf16>,
      %slice3A_136 = vector.extract_strided_slice %div3A_95 {offsets = [300, 0], sizes = [100, 32], strides = [1, 1]} : vector<2000x32xf32> to vector<100x32xf32>
      %slice3A_137 = vector.extract_strided_slice %add3A_50 {offsets = [300, 0], sizes = [100, 128], strides = [1, 1]} : vector<2000x128xf32> to vector<100x128xf32>
      %dot_general3A_138 = arith.constant dense<0.000000e+00> : vector<32x128xf32>
      %dot_general3A_139 = tpu.matmul %slice3A_136, %slice3A_137, %dot_general3A_138 {dimension_numbers = #tpu.dot_dimension_numbers<[0], [0], [1], [1], [0, 1, 1, 1], [], []>, transpose_lhs_hint = false} : vector<100x32xf32>, vector<100x128xf32>, vector<32x128xf32> -> vector<32x128xf32>
      %convert_element_type3A_140 = arith.truncf %dot_general3A_139 : vector<32x128xf32> to vector<32x128xbf16>
      %mul3A_141 = arith.constant 20 : i32
      %mul3A_142 = arith.muli %sub3A_13, %mul3A_141 : i32
      %mul3A_143 = arith.constant 32 : i32
      %mul3A_144 = arith.muli %mul3A_142, %mul3A_143 : i32
      %add3A_145 = arith.constant 96 : i32
      %add3A_146 = arith.addi %mul3A_144, %add3A_145 : i32
      %swap3A_147 = arith.index_cast %add3A_146 : i32 to index
      %swap3A_148 = arith.constant 0 : index
      %swap3A_149 = vector.load %arg16[%swap3A_147, %swap3A_148] : memref<3200x128xbf16, #tpu.memory_space<vmem>>, vector<32x128xbf16>
      tpu.vector_store %arg16[%swap3A_147, %swap3A_148], %convert_element_type3A_140 {strides = array<i32>} : memref<3200x128xbf16, #tpu.memory_space<vmem>>, vector<32x128xbf16>,
      %slice3A_150 = vector.extract_strided_slice %div3A_95 {offsets = [400, 0], sizes = [100, 32], strides = [1, 1]} : vector<2000x32xf32> to vector<100x32xf32>
      %slice3A_151 = vector.extract_strided_slice %add3A_50 {offsets = [400, 0], sizes = [100, 128], strides = [1, 1]} : vector<2000x128xf32> to vector<100x128xf32>
      %dot_general3A_152 = arith.constant dense<0.000000e+00> : vector<32x128xf32>
      %dot_general3A_153 = tpu.matmul %slice3A_150, %slice3A_151, %dot_general3A_152 {dimension_numbers = #tpu.dot_dimension_numbers<[0], [0], [1], [1], [0, 1, 1, 1], [], []>, transpose_lhs_hint = false} : vector<100x32xf32>, vector<100x128xf32>, vector<32x128xf32> -> vector<32x128xf32>
      %convert_element_type3A_154 = arith.truncf %dot_general3A_153 : vector<32x128xf32> to vector<32x128xbf16>
      %mul3A_155 = arith.constant 20 : i32
      %mul3A_156 = arith.muli %sub3A_13, %mul3A_155 : i32
      %mul3A_157 = arith.constant 32 : i32
      %mul3A_158 = arith.muli %mul3A_156, %mul3A_157 : i32
      %add3A_159 = arith.constant 128 : i32
      %add3A_160 = arith.addi %mul3A_158, %add3A_159 : i32
      %swap3A_161 = arith.index_cast %add3A_160 : i32 to index
      %swap3A_162 = arith.constant 0 : index
      %swap3A_163 = vector.load %arg16[%swap3A_161, %swap3A_162] : memref<3200x128xbf16, #tpu.memory_space<vmem>>, vector<32x128xbf16>
      tpu.vector_store %arg16[%swap3A_161, %swap3A_162], %convert_element_type3A_154 {strides = array<i32>} : memref<3200x128xbf16, #tpu.memory_space<vmem>>, vector<32x128xbf16>,
      %slice3A_164 = vector.extract_strided_slice %div3A_95 {offsets = [500, 0], sizes = [100, 32], strides = [1, 1]} : vector<2000x32xf32> to vector<100x32xf32>
      %slice3A_165 = vector.extract_strided_slice %add3A_50 {offsets = [500, 0], sizes = [100, 128], strides = [1, 1]} : vector<2000x128xf32> to vector<100x128xf32>
      %dot_general3A_166 = arith.constant dense<0.000000e+00> : vector<32x128xf32>
      %dot_general3A_167 = tpu.matmul %slice3A_164, %slice3A_165, %dot_general3A_166 {dimension_numbers = #tpu.dot_dimension_numbers<[0], [0], [1], [1], [0, 1, 1, 1], [], []>, transpose_lhs_hint = false} : vector<100x32xf32>, vector<100x128xf32>, vector<32x128xf32> -> vector<32x128xf32>
      %convert_element_type3A_168 = arith.truncf %dot_general3A_167 : vector<32x128xf32> to vector<32x128xbf16>
      %mul3A_169 = arith.constant 20 : i32
      %mul3A_170 = arith.muli %sub3A_13, %mul3A_169 : i32
      %mul3A_171 = arith.constant 32 : i32
      %mul3A_172 = arith.muli %mul3A_170, %mul3A_171 : i32
      %add3A_173 = arith.constant 160 : i32
      %add3A_174 = arith.addi %mul3A_172, %add3A_173 : i32
      %swap3A_175 = arith.index_cast %add3A_174 : i32 to index
      %swap3A_176 = arith.constant 0 : index
      %swap3A_177 = vector.load %arg16[%swap3A_175, %swap3A_176] : memref<3200x128xbf16, #tpu.memory_space<vmem>>, vector<32x128xbf16>
      tpu.vector_store %arg16[%swap3A_175, %swap3A_176], %convert_element_type3A_168 {strides = array<i32>} : memref<3200x128xbf16, #tpu.memory_space<vmem>>, vector<32x128xbf16>,
      %slice3A_178 = vector.extract_strided_slice %div3A_95 {offsets = [600, 0], sizes = [100, 32], strides = [1, 1]} : vector<2000x32xf32> to vector<100x32xf32>
      %slice3A_179 = vector.extract_strided_slice %add3A_50 {offsets = [600, 0], sizes = [100, 128], strides = [1, 1]} : vector<2000x128xf32> to vector<100x128xf32>
      %dot_general3A_180 = arith.constant dense<0.000000e+00> : vector<32x128xf32>
      %dot_general3A_181 = tpu.matmul %slice3A_178, %slice3A_179, %dot_general3A_180 {dimension_numbers = #tpu.dot_dimension_numbers<[0], [0], [1], [1], [0, 1, 1, 1], [], []>, transpose_lhs_hint = false} : vector<100x32xf32>, vector<100x128xf32>, vector<32x128xf32> -> vector<32x128xf32>
      %convert_element_type3A_182 = arith.truncf %dot_general3A_181 : vector<32x128xf32> to vector<32x128xbf16>
      %mul3A_183 = arith.constant 20 : i32
      %mul3A_184 = arith.muli %sub3A_13, %mul3A_183 : i32
      %mul3A_185 = arith.constant 32 : i32
      %mul3A_186 = arith.muli %mul3A_184, %mul3A_185 : i32
      %add3A_187 = arith.constant 192 : i32
      %add3A_188 = arith.addi %mul3A_186, %add3A_187 : i32
      %swap3A_189 = arith.index_cast %add3A_188 : i32 to index
      %swap3A_190 = arith.constant 0 : index
      %swap3A_191 = vector.load %arg16[%swap3A_189, %swap3A_190] : memref<3200x128xbf16, #tpu.memory_space<vmem>>, vector<32x128xbf16>
      tpu.vector_store %arg16[%swap3A_189, %swap3A_190], %convert_element_type3A_182 {strides = array<i32>} : memref<3200x128xbf16, #tpu.memory_space<vmem>>, vector<32x128xbf16>,
      %slice3A_192 = vector.extract_strided_slice %div3A_95 {offsets = [700, 0], sizes = [100, 32], strides = [1, 1]} : vector<2000x32xf32> to vector<100x32xf32>
      %slice3A_193 = vector.extract_strided_slice %add3A_50 {offsets = [700, 0], sizes = [100, 128], strides = [1, 1]} : vector<2000x128xf32> to vector<100x128xf32>
      %dot_general3A_194 = arith.constant dense<0.000000e+00> : vector<32x128xf32>
      %dot_general3A_195 = tpu.matmul %slice3A_192, %slice3A_193, %dot_general3A_194 {dimension_numbers = #tpu.dot_dimension_numbers<[0], [0], [1], [1], [0, 1, 1, 1], [], []>, transpose_lhs_hint = false} : vector<100x32xf32>, vector<100x128xf32>, vector<32x128xf32> -> vector<32x128xf32>
      %convert_element_type3A_196 = arith.truncf %dot_general3A_195 : vector<32x128xf32> to vector<32x128xbf16>
      %mul3A_197 = arith.constant 20 : i32
      %mul3A_198 = arith.muli %sub3A_13, %mul3A_197 : i32
      %mul3A_199 = arith.constant 32 : i32
      %mul3A_200 = arith.muli %mul3A_198, %mul3A_199 : i32
      %add3A_201 = arith.constant 224 : i32
      %add3A_202 = arith.addi %mul3A_200, %add3A_201 : i32
      %swap3A_203 = arith.index_cast %add3A_202 : i32 to index
      %swap3A_204 = arith.constant 0 : index
      %swap3A_205 = vector.load %arg16[%swap3A_203, %swap3A_204] : memref<3200x128xbf16, #tpu.memory_space<vmem>>, vector<32x128xbf16>
      tpu.vector_store %arg16[%swap3A_203, %swap3A_204], %convert_element_type3A_196 {strides = array<i32>} : memref<3200x128xbf16, #tpu.memory_space<vmem>>, vector<32x128xbf16>,
      %slice3A_206 = vector.extract_strided_slice %div3A_95 {offsets = [800, 0], sizes = [100, 32], strides = [1, 1]} : vector<2000x32xf32> to vector<100x32xf32>
      %slice3A_207 = vector.extract_strided_slice %add3A_50 {offsets = [800, 0], sizes = [100, 128], strides = [1, 1]} : vector<2000x128xf32> to vector<100x128xf32>
      %dot_general3A_208 = arith.constant dense<0.000000e+00> : vector<32x128xf32>
      %dot_general3A_209 = tpu.matmul %slice3A_206, %slice3A_207, %dot_general3A_208 {dimension_numbers = #tpu.dot_dimension_numbers<[0], [0], [1], [1], [0, 1, 1, 1], [], []>, transpose_lhs_hint = false} : vector<100x32xf32>, vector<100x128xf32>, vector<32x128xf32> -> vector<32x128xf32>
      %convert_element_type3A_210 = arith.truncf %dot_general3A_209 : vector<32x128xf32> to vector<32x128xbf16>
      %mul3A_211 = arith.constant 20 : i32
      %mul3A_212 = arith.muli %sub3A_13, %mul3A_211 : i32
      %mul3A_213 = arith.constant 32 : i32
      %mul3A_214 = arith.muli %mul3A_212, %mul3A_213 : i32
      %add3A_215 = arith.constant 256 : i32
      %add3A_216 = arith.addi %mul3A_214, %add3A_215 : i32
      %swap3A_217 = arith.index_cast %add3A_216 : i32 to index
      %swap3A_218 = arith.constant 0 : index
      %swap3A_219 = vector.load %arg16[%swap3A_217, %swap3A_218] : memref<3200x128xbf16, #tpu.memory_space<vmem>>, vector<32x128xbf16>
      tpu.vector_store %arg16[%swap3A_217, %swap3A_218], %convert_element_type3A_210 {strides = array<i32>} : memref<3200x128xbf16, #tpu.memory_space<vmem>>, vector<32x128xbf16>,
      %slice3A_220 = vector.extract_strided_slice %div3A_95 {offsets = [900, 0], sizes = [100, 32], strides = [1, 1]} : vector<2000x32xf32> to vector<100x32xf32>
      %slice3A_221 = vector.extract_strided_slice %add3A_50 {offsets = [900, 0], sizes = [100, 128], strides = [1, 1]} : vector<2000x128xf32> to vector<100x128xf32>
      %dot_general3A_222 = arith.constant dense<0.000000e+00> : vector<32x128xf32>
      %dot_general3A_223 = tpu.matmul %slice3A_220, %slice3A_221, %dot_general3A_222 {dimension_numbers = #tpu.dot_dimension_numbers<[0], [0], [1], [1], [0, 1, 1, 1], [], []>, transpose_lhs_hint = false} : vector<100x32xf32>, vector<100x128xf32>, vector<32x128xf32> -> vector<32x128xf32>
      %convert_element_type3A_224 = arith.truncf %dot_general3A_223 : vector<32x128xf32> to vector<32x128xbf16>
      %mul3A_225 = arith.constant 20 : i32
      %mul3A_226 = arith.muli %sub3A_13, %mul3A_225 : i32
      %mul3A_227 = arith.constant 32 : i32
      %mul3A_228 = arith.muli %mul3A_226, %mul3A_227 : i32
      %add3A_229 = arith.constant 288 : i32
      %add3A_230 = arith.addi %mul3A_228, %add3A_229 : i32
      %swap3A_231 = arith.index_cast %add3A_230 : i32 to index
      %swap3A_232 = arith.constant 0 : index
      %swap3A_233 = vector.load %arg16[%swap3A_231, %swap3A_232] : memref<3200x128xbf16, #tpu.memory_space<vmem>>, vector<32x128xbf16>
      tpu.vector_store %arg16[%swap3A_231, %swap3A_232], %convert_element_type3A_224 {strides = array<i32>} : memref<3200x128xbf16, #tpu.memory_space<vmem>>, vector<32x128xbf16>,
      %slice3A_234 = vector.extract_strided_slice %div3A_95 {offsets = [1000, 0], sizes = [100, 32], strides = [1, 1]} : vector<2000x32xf32> to vector<100x32xf32>
      %slice3A_235 = vector.extract_strided_slice %add3A_50 {offsets = [1000, 0], sizes = [100, 128], strides = [1, 1]} : vector<2000x128xf32> to vector<100x128xf32>
      %dot_general3A_236 = arith.constant dense<0.000000e+00> : vector<32x128xf32>
      %dot_general3A_237 = tpu.matmul %slice3A_234, %slice3A_235, %dot_general3A_236 {dimension_numbers = #tpu.dot_dimension_numbers<[0], [0], [1], [1], [0, 1, 1, 1], [], []>, transpose_lhs_hint = false} : vector<100x32xf32>, vector<100x128xf32>, vector<32x128xf32> -> vector<32x128xf32>
      %convert_element_type3A_238 = arith.truncf %dot_general3A_237 : vector<32x128xf32> to vector<32x128xbf16>
      %mul3A_239 = arith.constant 20 : i32
      %mul3A_240 = arith.muli %sub3A_13, %mul3A_239 : i32
      %mul3A_241 = arith.constant 32 : i32
      %mul3A_242 = arith.muli %mul3A_240, %mul3A_241 : i32
      %add3A_243 = arith.constant 320 : i32
      %add3A_244 = arith.addi %mul3A_242, %add3A_243 : i32
      %swap3A_245 = arith.index_cast %add3A_244 : i32 to index
      %swap3A_246 = arith.constant 0 : index
      %swap3A_247 = vector.load %arg16[%swap3A_245, %swap3A_246] : memref<3200x128xbf16, #tpu.memory_space<vmem>>, vector<32x128xbf16>
      tpu.vector_store %arg16[%swap3A_245, %swap3A_246], %convert_element_type3A_238 {strides = array<i32>} : memref<3200x128xbf16, #tpu.memory_space<vmem>>, vector<32x128xbf16>,
      %slice3A_248 = vector.extract_strided_slice %div3A_95 {offsets = [1100, 0], sizes = [100, 32], strides = [1, 1]} : vector<2000x32xf32> to vector<100x32xf32>
      %slice3A_249 = vector.extract_strided_slice %add3A_50 {offsets = [1100, 0], sizes = [100, 128], strides = [1, 1]} : vector<2000x128xf32> to vector<100x128xf32>
      %dot_general3A_250 = arith.constant dense<0.000000e+00> : vector<32x128xf32>
      %dot_general3A_251 = tpu.matmul %slice3A_248, %slice3A_249, %dot_general3A_250 {dimension_numbers = #tpu.dot_dimension_numbers<[0], [0], [1], [1], [0, 1, 1, 1], [], []>, transpose_lhs_hint = false} : vector<100x32xf32>, vector<100x128xf32>, vector<32x128xf32> -> vector<32x128xf32>
      %convert_element_type3A_252 = arith.truncf %dot_general3A_251 : vector<32x128xf32> to vector<32x128xbf16>
      %mul3A_253 = arith.constant 20 : i32
      %mul3A_254 = arith.muli %sub3A_13, %mul3A_253 : i32
      %mul3A_255 = arith.constant 32 : i32
      %mul3A_256 = arith.muli %mul3A_254, %mul3A_255 : i32
      %add3A_257 = arith.constant 352 : i32
      %add3A_258 = arith.addi %mul3A_256, %add3A_257 : i32
      %swap3A_259 = arith.index_cast %add3A_258 : i32 to index
      %swap3A_260 = arith.constant 0 : index
      %swap3A_261 = vector.load %arg16[%swap3A_259, %swap3A_260] : memref<3200x128xbf16, #tpu.memory_space<vmem>>, vector<32x128xbf16>
      tpu.vector_store %arg16[%swap3A_259, %swap3A_260], %convert_element_type3A_252 {strides = array<i32>} : memref<3200x128xbf16, #tpu.memory_space<vmem>>, vector<32x128xbf16>,
      %slice3A_262 = vector.extract_strided_slice %div3A_95 {offsets = [1200, 0], sizes = [100, 32], strides = [1, 1]} : vector<2000x32xf32> to vector<100x32xf32>
      %slice3A_263 = vector.extract_strided_slice %add3A_50 {offsets = [1200, 0], sizes = [100, 128], strides = [1, 1]} : vector<2000x128xf32> to vector<100x128xf32>
      %dot_general3A_264 = arith.constant dense<0.000000e+00> : vector<32x128xf32>
      %dot_general3A_265 = tpu.matmul %slice3A_262, %slice3A_263, %dot_general3A_264 {dimension_numbers = #tpu.dot_dimension_numbers<[0], [0], [1], [1], [0, 1, 1, 1], [], []>, transpose_lhs_hint = false} : vector<100x32xf32>, vector<100x128xf32>, vector<32x128xf32> -> vector<32x128xf32>
      %convert_element_type3A_266 = arith.truncf %dot_general3A_265 : vector<32x128xf32> to vector<32x128xbf16>
      %mul3A_267 = arith.constant 20 : i32
      %mul3A_268 = arith.muli %sub3A_13, %mul3A_267 : i32
      %mul3A_269 = arith.constant 32 : i32
      %mul3A_270 = arith.muli %mul3A_268, %mul3A_269 : i32
      %add3A_271 = arith.constant 384 : i32
      %add3A_272 = arith.addi %mul3A_270, %add3A_271 : i32
      %swap3A_273 = arith.index_cast %add3A_272 : i32 to index
      %swap3A_274 = arith.constant 0 : index
      %swap3A_275 = vector.load %arg16[%swap3A_273, %swap3A_274] : memref<3200x128xbf16, #tpu.memory_space<vmem>>, vector<32x128xbf16>
      tpu.vector_store %arg16[%swap3A_273, %swap3A_274], %convert_element_type3A_266 {strides = array<i32>} : memref<3200x128xbf16, #tpu.memory_space<vmem>>, vector<32x128xbf16>,
      %slice3A_276 = vector.extract_strided_slice %div3A_95 {offsets = [1300, 0], sizes = [100, 32], strides = [1, 1]} : vector<2000x32xf32> to vector<100x32xf32>
      %slice3A_277 = vector.extract_strided_slice %add3A_50 {offsets = [1300, 0], sizes = [100, 128], strides = [1, 1]} : vector<2000x128xf32> to vector<100x128xf32>
      %dot_general3A_278 = arith.constant dense<0.000000e+00> : vector<32x128xf32>
      %dot_general3A_279 = tpu.matmul %slice3A_276, %slice3A_277, %dot_general3A_278 {dimension_numbers = #tpu.dot_dimension_numbers<[0], [0], [1], [1], [0, 1, 1, 1], [], []>, transpose_lhs_hint = false} : vector<100x32xf32>, vector<100x128xf32>, vector<32x128xf32> -> vector<32x128xf32>
      %convert_element_type3A_280 = arith.truncf %dot_general3A_279 : vector<32x128xf32> to vector<32x128xbf16>
      %mul3A_281 = arith.constant 20 : i32
      %mul3A_282 = arith.muli %sub3A_13, %mul3A_281 : i32
      %mul3A_283 = arith.constant 32 : i32
      %mul3A_284 = arith.muli %mul3A_282, %mul3A_283 : i32
      %add3A_285 = arith.constant 416 : i32
      %add3A_286 = arith.addi %mul3A_284, %add3A_285 : i32
      %swap3A_287 = arith.index_cast %add3A_286 : i32 to index
      %swap3A_288 = arith.constant 0 : index
      %swap3A_289 = vector.load %arg16[%swap3A_287, %swap3A_288] : memref<3200x128xbf16, #tpu.memory_space<vmem>>, vector<32x128xbf16>
      tpu.vector_store %arg16[%swap3A_287, %swap3A_288], %convert_element_type3A_280 {strides = array<i32>} : memref<3200x128xbf16, #tpu.memory_space<vmem>>, vector<32x128xbf16>,
      %slice3A_290 = vector.extract_strided_slice %div3A_95 {offsets = [1400, 0], sizes = [100, 32], strides = [1, 1]} : vector<2000x32xf32> to vector<100x32xf32>
      %slice3A_291 = vector.extract_strided_slice %add3A_50 {offsets = [1400, 0], sizes = [100, 128], strides = [1, 1]} : vector<2000x128xf32> to vector<100x128xf32>
      %dot_general3A_292 = arith.constant dense<0.000000e+00> : vector<32x128xf32>
      %dot_general3A_293 = tpu.matmul %slice3A_290, %slice3A_291, %dot_general3A_292 {dimension_numbers = #tpu.dot_dimension_numbers<[0], [0], [1], [1], [0, 1, 1, 1], [], []>, transpose_lhs_hint = false} : vector<100x32xf32>, vector<100x128xf32>, vector<32x128xf32> -> vector<32x128xf32>
      %convert_element_type3A_294 = arith.truncf %dot_general3A_293 : vector<32x128xf32> to vector<32x128xbf16>
      %mul3A_295 = arith.constant 20 : i32
      %mul3A_296 = arith.muli %sub3A_13, %mul3A_295 : i32
      %mul3A_297 = arith.constant 32 : i32
      %mul3A_298 = arith.muli %mul3A_296, %mul3A_297 : i32
      %add3A_299 = arith.constant 448 : i32
      %add3A_300 = arith.addi %mul3A_298, %add3A_299 : i32
      %swap3A_301 = arith.index_cast %add3A_300 : i32 to index
      %swap3A_302 = arith.constant 0 : index
      %swap3A_303 = vector.load %arg16[%swap3A_301, %swap3A_302] : memref<3200x128xbf16, #tpu.memory_space<vmem>>, vector<32x128xbf16>
      tpu.vector_store %arg16[%swap3A_301, %swap3A_302], %convert_element_type3A_294 {strides = array<i32>} : memref<3200x128xbf16, #tpu.memory_space<vmem>>, vector<32x128xbf16>,
      %slice3A_304 = vector.extract_strided_slice %div3A_95 {offsets = [1500, 0], sizes = [100, 32], strides = [1, 1]} : vector<2000x32xf32> to vector<100x32xf32>
      %slice3A_305 = vector.extract_strided_slice %add3A_50 {offsets = [1500, 0], sizes = [100, 128], strides = [1, 1]} : vector<2000x128xf32> to vector<100x128xf32>
      %dot_general3A_306 = arith.constant dense<0.000000e+00> : vector<32x128xf32>
      %dot_general3A_307 = tpu.matmul %slice3A_304, %slice3A_305, %dot_general3A_306 {dimension_numbers = #tpu.dot_dimension_numbers<[0], [0], [1], [1], [0, 1, 1, 1], [], []>, transpose_lhs_hint = false} : vector<100x32xf32>, vector<100x128xf32>, vector<32x128xf32> -> vector<32x128xf32>
      %convert_element_type3A_308 = arith.truncf %dot_general3A_307 : vector<32x128xf32> to vector<32x128xbf16>
      %mul3A_309 = arith.constant 20 : i32
      %mul3A_310 = arith.muli %sub3A_13, %mul3A_309 : i32
      %mul3A_311 = arith.constant 32 : i32
      %mul3A_312 = arith.muli %mul3A_310, %mul3A_311 : i32
      %add3A_313 = arith.constant 480 : i32
      %add3A_314 = arith.addi %mul3A_312, %add3A_313 : i32
      %swap3A_315 = arith.index_cast %add3A_314 : i32 to index
      %swap3A_316 = arith.constant 0 : index
      %swap3A_317 = vector.load %arg16[%swap3A_315, %swap3A_316] : memref<3200x128xbf16, #tpu.memory_space<vmem>>, vector<32x128xbf16>
      tpu.vector_store %arg16[%swap3A_315, %swap3A_316], %convert_element_type3A_308 {strides = array<i32>} : memref<3200x128xbf16, #tpu.memory_space<vmem>>, vector<32x128xbf16>,
      %slice3A_318 = vector.extract_strided_slice %div3A_95 {offsets = [1600, 0], sizes = [100, 32], strides = [1, 1]} : vector<2000x32xf32> to vector<100x32xf32>
      %slice3A_319 = vector.extract_strided_slice %add3A_50 {offsets = [1600, 0], sizes = [100, 128], strides = [1, 1]} : vector<2000x128xf32> to vector<100x128xf32>
      %dot_general3A_320 = arith.constant dense<0.000000e+00> : vector<32x128xf32>
      %dot_general3A_321 = tpu.matmul %slice3A_318, %slice3A_319, %dot_general3A_320 {dimension_numbers = #tpu.dot_dimension_numbers<[0], [0], [1], [1], [0, 1, 1, 1], [], []>, transpose_lhs_hint = false} : vector<100x32xf32>, vector<100x128xf32>, vector<32x128xf32> -> vector<32x128xf32>
      %convert_element_type3A_322 = arith.truncf %dot_general3A_321 : vector<32x128xf32> to vector<32x128xbf16>
      %mul3A_323 = arith.constant 20 : i32
      %mul3A_324 = arith.muli %sub3A_13, %mul3A_323 : i32
      %mul3A_325 = arith.constant 32 : i32
      %mul3A_326 = arith.muli %mul3A_324, %mul3A_325 : i32
      %add3A_327 = arith.constant 512 : i32
      %add3A_328 = arith.addi %mul3A_326, %add3A_327 : i32
      %swap3A_329 = arith.index_cast %add3A_328 : i32 to index
      %swap3A_330 = arith.constant 0 : index
      %swap3A_331 = vector.load %arg16[%swap3A_329, %swap3A_330] : memref<3200x128xbf16, #tpu.memory_space<vmem>>, vector<32x128xbf16>
      tpu.vector_store %arg16[%swap3A_329, %swap3A_330], %convert_element_type3A_322 {strides = array<i32>} : memref<3200x128xbf16, #tpu.memory_space<vmem>>, vector<32x128xbf16>,
      %slice3A_332 = vector.extract_strided_slice %div3A_95 {offsets = [1700, 0], sizes = [100, 32], strides = [1, 1]} : vector<2000x32xf32> to vector<100x32xf32>
      %slice3A_333 = vector.extract_strided_slice %add3A_50 {offsets = [1700, 0], sizes = [100, 128], strides = [1, 1]} : vector<2000x128xf32> to vector<100x128xf32>
      %dot_general3A_334 = arith.constant dense<0.000000e+00> : vector<32x128xf32>
      %dot_general3A_335 = tpu.matmul %slice3A_332, %slice3A_333, %dot_general3A_334 {dimension_numbers = #tpu.dot_dimension_numbers<[0], [0], [1], [1], [0, 1, 1, 1], [], []>, transpose_lhs_hint = false} : vector<100x32xf32>, vector<100x128xf32>, vector<32x128xf32> -> vector<32x128xf32>
      %convert_element_type3A_336 = arith.truncf %dot_general3A_335 : vector<32x128xf32> to vector<32x128xbf16>
      %mul3A_337 = arith.constant 20 : i32
      %mul3A_338 = arith.muli %sub3A_13, %mul3A_337 : i32
      %mul3A_339 = arith.constant 32 : i32
      %mul3A_340 = arith.muli %mul3A_338, %mul3A_339 : i32
      %add3A_341 = arith.constant 544 : i32
      %add3A_342 = arith.addi %mul3A_340, %add3A_341 : i32
      %swap3A_343 = arith.index_cast %add3A_342 : i32 to index
      %swap3A_344 = arith.constant 0 : index
      %swap3A_345 = vector.load %arg16[%swap3A_343, %swap3A_344] : memref<3200x128xbf16, #tpu.memory_space<vmem>>, vector<32x128xbf16>
      tpu.vector_store %arg16[%swap3A_343, %swap3A_344], %convert_element_type3A_336 {strides = array<i32>} : memref<3200x128xbf16, #tpu.memory_space<vmem>>, vector<32x128xbf16>,
      %slice3A_346 = vector.extract_strided_slice %div3A_95 {offsets = [1800, 0], sizes = [100, 32], strides = [1, 1]} : vector<2000x32xf32> to vector<100x32xf32>
      %slice3A_347 = vector.extract_strided_slice %add3A_50 {offsets = [1800, 0], sizes = [100, 128], strides = [1, 1]} : vector<2000x128xf32> to vector<100x128xf32>
      %dot_general3A_348 = arith.constant dense<0.000000e+00> : vector<32x128xf32>
      %dot_general3A_349 = tpu.matmul %slice3A_346, %slice3A_347, %dot_general3A_348 {dimension_numbers = #tpu.dot_dimension_numbers<[0], [0], [1], [1], [0, 1, 1, 1], [], []>, transpose_lhs_hint = false} : vector<100x32xf32>, vector<100x128xf32>, vector<32x128xf32> -> vector<32x128xf32>
      %convert_element_type3A_350 = arith.truncf %dot_general3A_349 : vector<32x128xf32> to vector<32x128xbf16>
      %mul3A_351 = arith.constant 20 : i32
      %mul3A_352 = arith.muli %sub3A_13, %mul3A_351 : i32
      %mul3A_353 = arith.constant 32 : i32
      %mul3A_354 = arith.muli %mul3A_352, %mul3A_353 : i32
      %add3A_355 = arith.constant 576 : i32
      %add3A_356 = arith.addi %mul3A_354, %add3A_355 : i32
      %swap3A_357 = arith.index_cast %add3A_356 : i32 to index
      %swap3A_358 = arith.constant 0 : index
      %swap3A_359 = vector.load %arg16[%swap3A_357, %swap3A_358] : memref<3200x128xbf16, #tpu.memory_space<vmem>>, vector<32x128xbf16>
      tpu.vector_store %arg16[%swap3A_357, %swap3A_358], %convert_element_type3A_350 {strides = array<i32>} : memref<3200x128xbf16, #tpu.memory_space<vmem>>, vector<32x128xbf16>,
      %slice3A_360 = vector.extract_strided_slice %div3A_95 {offsets = [1900, 0], sizes = [100, 32], strides = [1, 1]} : vector<2000x32xf32> to vector<100x32xf32>
      %slice3A_361 = vector.extract_strided_slice %add3A_50 {offsets = [1900, 0], sizes = [100, 128], strides = [1, 1]} : vector<2000x128xf32> to vector<100x128xf32>
      %dot_general3A_362 = arith.constant dense<0.000000e+00> : vector<32x128xf32>
      %dot_general3A_363 = tpu.matmul %slice3A_360, %slice3A_361, %dot_general3A_362 {dimension_numbers = #tpu.dot_dimension_numbers<[0], [0], [1], [1], [0, 1, 1, 1], [], []>, transpose_lhs_hint = false} : vector<100x32xf32>, vector<100x128xf32>, vector<32x128xf32> -> vector<32x128xf32>
      %convert_element_type3A_364 = arith.truncf %dot_general3A_363 : vector<32x128xf32> to vector<32x128xbf16>
      %mul3A_365 = arith.constant 20 : i32
      %mul3A_366 = arith.muli %sub3A_13, %mul3A_365 : i32
      %mul3A_367 = arith.constant 32 : i32
      %mul3A_368 = arith.muli %mul3A_366, %mul3A_367 : i32
      %add3A_369 = arith.constant 608 : i32
      %add3A_370 = arith.addi %mul3A_368, %add3A_369 : i32
      %swap3A_371 = arith.index_cast %add3A_370 : i32 to index
      %swap3A_372 = arith.constant 0 : index
      %swap3A_373 = vector.load %arg16[%swap3A_371, %swap3A_372] : memref<3200x128xbf16, #tpu.memory_space<vmem>>, vector<32x128xbf16>
      tpu.vector_store %arg16[%swap3A_371, %swap3A_372], %convert_element_type3A_364 {strides = array<i32>} : memref<3200x128xbf16, #tpu.memory_space<vmem>>, vector<32x128xbf16>,
    } else {
    }
    %ge3A_8 = arith.constant 10 : i32
    %ge3A_9 = arith.cmpi sge, %arg0, %ge3A_8 : i32
    %convert_element_type3A_10 = arith.extui %ge3A_9 : i1 to i32
    %cond3A_11 = arith.constant 0 : i32
    %cond3A_12 = arith.cmpi ne, %convert_element_type3A_10, %cond3A_11 : i32
    scf.if %cond3A_12 {
      %sub3A = arith.constant 10 : i32
      %sub3A_13 = arith.subi %arg0, %sub3A : i32
      %mul3A = arith.constant 800 : i32
      %mul3A_14 = arith.muli %sub3A_13, %mul3A : i32
      %get3A = arith.index_cast %mul3A_14 : i32 to index
      %get3A_15 = arith.constant 0 : index
      %get3A_16 = vector.load %arg16[%get3A, %get3A_15] : memref<3200x128xbf16, #tpu.memory_space<vmem>>, vector<800x128xbf16>
      %get3A_17 = arith.constant 0 : index
      %get3A_18 = arith.constant 0 : index
      %get3A_19 = vector.load %arg16[%get3A_17, %get3A_18] : memref<3200x128xbf16, #tpu.memory_space<vmem>>, vector<3200x128xbf16>
      %dot_general3A = arith.constant dense<0.000000e+00> : vector<800x3200xf32>
      %dot_general3A_20 = tpu.matmul %get3A_16, %get3A_19, %dot_general3A {dimension_numbers = #tpu.dot_dimension_numbers<[1], [1], [0], [0], [0, 0, 1, 0], [], []>, transpose_lhs_hint = false} : vector<800x128xbf16>, vector<3200x128xbf16>, vector<800x3200xf32> -> vector<800x3200xf32>
      %mul3A_21 = arith.constant 0.0176776703 : f32
      %mul3A_22 = vector.broadcast %mul3A_21 : f32 to vector<800x3200xf32>
      %mul3A_23 = arith.mulf %dot_general3A_20, %mul3A_22 : vector<800x3200xf32>
      %swap3A = arith.constant 0 : index
      %swap3A_24 = arith.constant 0 : index
      %swap3A_25 = vector.load %arg13[%swap3A, %swap3A_24] : memref<800x3200xf32, #tpu.memory_space<vmem>>, vector<800x3200xf32>
      tpu.vector_store %arg13[%swap3A, %swap3A_24], %mul3A_23 {strides = array<i32>} : memref<800x3200xf32, #tpu.memory_space<vmem>>, vector<800x3200xf32>,
    } else {
    }
    return
  }
  func.func @transform_0(%arg0: i32) -> (i32, i32, i32) {
    %min3A = arith.constant 4 : i32
    %min3A_0 = arith.minsi %arg0, %min3A : i32
    %c0_i32 = arith.constant 0 : i32
    %c0_i32_1 = arith.constant 0 : i32
    %c0_i32_2 = arith.constant 0 : i32
    return %c0_i32, %min3A_0, %c0_i32_1 : i32, i32, i32
  }
  func.func @transform_1(%arg0: i32) -> (i32, i32, i32) {
    %min3A = arith.constant 4 : i32
    %min3A_0 = arith.minsi %arg0, %min3A : i32
    %c1_i32 = arith.constant 1 : i32
    %c0_i32 = arith.constant 0 : i32
    %c0_i32_1 = arith.constant 0 : i32
    return %c1_i32, %min3A_0, %c0_i32 : i32, i32, i32
  }
  func.func @transform_2(%arg0: i32) -> (i32, i32) {
    %min3A = arith.constant 4 : i32
    %min3A_0 = arith.minsi %arg0, %min3A : i32
    %c0_i32 = arith.constant 0 : i32
    %c0_i32_1 = arith.constant 0 : i32
    return %min3A_0, %c0_i32 : i32, i32
  }
  func.func @transform_3(%arg0: i32) -> (i32, i32) {
    %sub3A = arith.constant 5 : i32
    %sub3A_0 = arith.subi %arg0, %sub3A : i32
    %jit3A = arith.constant 0 : i32
    %jit3A_1 = arith.constant 4 : i32
    %max3A = arith.maxsi %jit3A, %sub3A_0 : i32
    %min3A = arith.minsi %jit3A_1, %max3A : i32
    %c0_i32 = arith.constant 0 : i32
    %c0_i32_2 = arith.constant 0 : i32
    return %min3A, %c0_i32 : i32, i32
  }
  func.func @transform_4(%arg0: i32) -> (i32, i32) {
    %c0_i32 = arith.constant 0 : i32
    %c0_i32_0 = arith.constant 0 : i32
    %c0_i32_1 = arith.constant 0 : i32
    return %c0_i32, %c0_i32_0 : i32, i32
  }
  func.func @transform_5(%arg0: i32) -> (i32, i32) {
    %c0_i32 = arith.constant 0 : i32
    %c0_i32_0 = arith.constant 0 : i32
    %c0_i32_1 = arith.constant 0 : i32
    return %c0_i32, %c0_i32_0 : i32, i32
  }
  func.func @transform_6(%arg0: i32) -> (i32, i32) {
    %c0_i32 = arith.constant 0 : i32
    %c0_i32_0 = arith.constant 0 : i32
    %c0_i32_1 = arith.constant 0 : i32
    return %c0_i32, %c0_i32_0 : i32, i32
  }
  func.func @transform_7(%arg0: i32) -> (i32, i32) {
    %c0_i32 = arith.constant 0 : i32
    %c0_i32_0 = arith.constant 0 : i32
    %c0_i32_1 = arith.constant 0 : i32
    return %c0_i32, %c0_i32_0 : i32, i32
  }
  func.func @transform_8(%arg0: i32) -> (i32, i32) {
    %c0_i32 = arith.constant 0 : i32
    %c0_i32_0 = arith.constant 0 : i32
    %c0_i32_1 = arith.constant 0 : i32
    return %c0_i32, %c0_i32_0 : i32, i32
  }
  func.func @transform_9(%arg0: i32) -> (i32, i32) {
    %c0_i32 = arith.constant 0 : i32
    %c0_i32_0 = arith.constant 0 : i32
    %c0_i32_1 = arith.constant 0 : i32
    return %c0_i32, %c0_i32_0 : i32, i32
  }
  func.func @transform_10(%arg0: i32) -> (i32, i32) {
    %c0_i32 = arith.constant 0 : i32
    %c0_i32_0 = arith.constant 0 : i32
    %c0_i32_1 = arith.constant 0 : i32
    return %c0_i32, %c0_i32_0 : i32, i32
  }
  func.func @transform_11(%arg0: i32) -> (i32, i32) {
    %c0_i32 = arith.constant 0 : i32
    %c0_i32_0 = arith.constant 0 : i32
    %c0_i32_1 = arith.constant 0 : i32
    return %c0_i32, %c0_i32_0 : i32, i32
  }
  func.func @transform_12(%arg0: i32) -> (i32, i32) {
    %sub3A = arith.constant 5 : i32
    %sub3A_0 = arith.subi %arg0, %sub3A : i32
    %sub3A_1 = arith.constant 5 : i32
    %sub3A_2 = arith.subi %sub3A_0, %sub3A_1 : i32
    %jit3A = arith.constant 0 : i32
    %jit3A_3 = arith.constant 3 : i32
    %max3A = arith.maxsi %jit3A, %sub3A_2 : i32
    %min3A = arith.minsi %jit3A_3, %max3A : i32
    %c0_i32 = arith.constant 0 : i32
    %c0_i32_4 = arith.constant 0 : i32
    return %min3A, %c0_i32 : i32, i32
  }
}

</mosaic_0001>

<sc_bundles>
// kernel: kernel.6.cloned.1.call-start
scs
__scs_entry_jumppad:
0x0: {  	(pc) =	sbr.rel $0x88, $3  }
0x1: {  	(tag) =	ssettag $0x0;
	lr =	simm.s32 $0x1  }
0x2: {  	[smem:$0x3F97] =	sst lr;
	_ =	strace $0xD0000000  }
0x3: {  	_ = 	snop  }
0x4: {  	_ = 	snop  }
0x5: {  	_ = 	snop  }
0x6: {  	_ = 	snop  }
0x7: {  	_ = 	snop  }
__scs_overlays_trampoline_lowered:
0x8: {  	[smem:$0x3FA6] =	sst s0  }
0x9: {  	[smem:$0x3FA7] =	sst s1  }
0xa: {  	[smem:$0x3FA8] =	sst s2  }
0xb: {  	[smem:$0x3FA9] =	sst s3  }
0xc: {  	[smem:$0x3FAA] =	sst s4  }
0xd: {  	[smem:$0x3FAB] =	sst s5  }
0xe: {  	[smem:$0x3FAC] =	sst s6  }
0xf: {  	[smem:$0x3FAD] =	sst s7  }
0x10: {  	[smem:$0x3FAE] =	sst s8  }
0x11: {  	[smem:$0x3FAF] =	sst s9;
	s0 =	simm.s32 @!p0 $0x0  }
0x12: {  	s1 =	sld [smem:$0x3F95];
	s0 =	simm.s32 @p0 $0x1  }
0x13: {  	[smem:$0x3FB0] =	sst s0;
	s0 =	simm.s32 @!p1 $0x0  }
0x14: {  	s2 =	sld [smem:$0x3F94];
	s0 =	simm.s32 @p1 $0x1  }
0x15: {  	[smem:$0x3FB1] =	sst s0;
	s0 =	simm.s32 @!p2 $0x0  }
0x16: {  	s3 =	sld [smem:$0x3FDB];
	s0 =	simm.s32 @p2 $0x1  }
0x17: {  	s4 =	simm.s32 $0x1BF5;
	[smem:$0x3FB3] =	sst s0  }
0x18: {  	s0 =	sld [smem:$0x3F96];
	_ =	swait.ge [sflag:s4], $0x0  }
0x19: {  	s7 =	sld [smem:$0x3F97]  }
0x1a: {  	s8 =	sadd.s32 $0xFFFFE003, lr  }
0x1b: {  	s9 =	sadd.s32 $0xFFFFFEF7, lr;
	s5 =	simm.s32 $0xFFFFFFFF;
	p2 =	slt.u32 s8, $0xFFFFF086  }
0x1c: {  	p1 =	slt.u32 s9, $0xF7A;
	s5 =	simm.s32 @!p2 $0x0  }
0x1d: {  	s5 =	simm.s32 @p1 $0x1;
	p0 =	seq.s32 s7, s2  }
0x1e: {  	s7 =	smul.u32 @!p0 $0xF7A, s2;
	p2 =	seq.s32 @!p0 s5, $0x0  }
0x1f: {  	s9 =	smul.u32 $0xF7A, s1;
	s8 =	simm.s32 @!p0 $0x1BF5;
	p2 =	por !p2, p0  }
0x20: {  	[sflag:s8] =	ssyncset.s32 @!p0 $0xFFFFF086;
	s6 =	sadd.s32 @!p0 s3, s7;
	s7 =	simm.s32 @!p0 $0x108  }
0x21: {  	s3 =	sadd.s32 s3, s9;
	s6 =	sadd.s32 @!p0 $0x88, s6;
	s7 =	simm.s32 @p2 $0x1082  }
0x22: {  	[simem:s7], [sflag:s8] =	dma.local @!p0 [hbm:s6], $0xF7A  }
0x23: {  	s9 =	sor.u32 $0xD0000000, s2;
	s6 =	simm.s32 $0x108;
	_ =	swait.ge @!p0 [sflag:s8], $0x0  }
0x24: {  	s3 =	sadd.s32 $0x88, s3;
	s6 =	simm.s32 @!p1 $0x1082;
	[sflag:s4] =	ssyncset.s32 $0xFFFFF086  }
0x25: {  	[simem:s6], [sflag:s4] =	dma.local [hbm:s3], $0xF7A  }
0x26: {  	[smem:$0x3F97] =	sst s1;
	(tag) =	ssettag s2;
	_ =	strace s9  }
0x27: {  	s1 =	sld [smem:$0x3FA7]  }
0x28: {  	s2 =	sld [smem:$0x3FA8]  }
0x29: {  	s4 =	sld [smem:$0x3FAA]  }
0x2a: {  	p0 =	seq.s32 s5, $0x0;
	s5 =	sld [smem:$0x3FAB]  }
0x2b: {  	s6 =	sld [smem:$0x3FAC]  }
0x2c: {  	s7 =	sld [smem:$0x3FAD]  }
0x2d: {  	s3 =	simm.s32 $0x108;
	s8 =	sld [smem:$0x3FAE]  }
0x2e: {  	s3 =	simm.s32 @!p0 $0x1082;
	s9 =	sld [smem:$0x3FAF]  }
0x2f: {  	lr =	sadd.s32 s0, s3;
	s0 =	sld [smem:$0x3FA6]  }
0x30: {  	s3 =	sld [smem:$0x3FA9]  }
0x31: {  	[smem:$0x3FB2] =	sst s10  }
0x32: {  	s10 =	sld [smem:$0x3FB0];
	_ =	sdelay $0x3  }
0x33: {  	p0 =	seq.s32 s10, $0x1;
	s10 =	sld [smem:$0x3FB2];
	_ =	sdelay $0x3  }
0x34: {  	[smem:$0x3FB2] =	sst s10  }
0x35: {  	s10 =	sld [smem:$0x3FB1];
	_ =	sdelay $0x3  }
0x36: {  	p1 =	seq.s32 s10, $0x1;
	s10 =	sld [smem:$0x3FB2];
	_ =	sdelay $0x3  }
0x37: {  	[smem:$0x3FB2] =	sst s10  }
0x38: {  	s10 =	sld [smem:$0x3FB3]  }
0x39: {  	_ = 	snop;
	(pc) =	sbr.ind lr, $3  }
0x3a: {  	_ = 	snop  }
0x3b: {  	_ = 	snop  }
0x3c: {  	p2 =	seq.s32 s10, $0x1;
	s10 =	sld [smem:$0x3FB2]  }
0x3d: {  	_ =	shalt  }
0x3e: {  	_ =	shalt  }
0x3f: {  	_ =	shalt  }
0x40: {  	_ =	shalt  }
0x41: {  	_ =	shalt  }
0x42: {  	_ =	shalt  }
0x43: {  	_ =	shalt  }
0x44: {  	_ =	shalt  }
0x45: {  	_ =	shalt  }
0x46: {  	_ =	shalt  }
0x47: {  	_ =	shalt  }
0x48: {  	_ =	shalt  }
0x49: {  	_ =	shalt  }
0x4a: {  	_ =	shalt  }
0x4b: {  	_ =	shalt  }
0x4c: {  	_ =	shalt  }
0x4d: {  	_ =	shalt  }
0x4e: {  	_ =	shalt  }
0x4f: {  	_ =	shalt  }
0x50: {  	_ =	shalt  }
0x51: {  	_ =	shalt  }
0x52: {  	_ =	shalt  }
0x53: {  	_ =	shalt  }
0x54: {  	_ =	shalt  }
0x55: {  	_ =	shalt  }
0x56: {  	_ =	shalt  }
0x57: {  	_ =	shalt  }
0x58: {  	_ =	shalt  }
0x59: {  	_ =	shalt  }
0x5a: {  	_ =	shalt  }
0x5b: {  	_ =	shalt  }
0x5c: {  	_ =	shalt  }
0x5d: {  	_ =	shalt  }
0x5e: {  	_ =	shalt  }
0x5f: {  	_ =	shalt  }
0x60: {  	_ =	shalt  }
0x61: {  	_ =	shalt  }
0x62: {  	_ =	shalt  }
0x63: {  	_ =	shalt  }
0x64: {  	_ =	shalt  }
0x65: {  	_ =	shalt  }
0x66: {  	_ =	shalt  }
0x67: {  	_ =	shalt  }
0x68: {  	_ =	shalt  }
0x69: {  	_ =	shalt  }
0x6a: {  	_ =	shalt  }
0x6b: {  	_ =	shalt  }
0x6c: {  	_ =	shalt  }
0x6d: {  	_ =	shalt  }
0x6e: {  	_ =	shalt  }
0x6f: {  	_ =	shalt  }
0x70: {  	_ =	shalt  }
0x71: {  	_ =	shalt  }
0x72: {  	_ =	shalt  }
0x73: {  	_ =	shalt  }
0x74: {  	_ =	shalt  }
0x75: {  	_ =	shalt  }
0x76: {  	_ =	shalt  }
0x77: {  	_ =	shalt  }
0x78: {  	_ =	shalt  }
0x79: {  	_ =	shalt  }
0x7a: {  	_ =	shalt  }
0x7b: {  	_ =	shalt  }
0x7c: {  	_ =	shalt  }
0x7d: {  	_ =	shalt  }
0x7e: {  	_ =	shalt  }
0x7f: {  	_ =	shalt  }
0x80: {  	_ =	shalt  }
0x81: {  	_ =	shalt  }
0x82: {  	_ =	shalt  }
0x83: {  	_ =	shalt  }
0x84: {  	_ =	shalt  }
0x85: {  	_ =	shalt  }
0x86: {  	_ =	shalt  }
0x87: {  	_ =	shalt  }
.Lfunc_end0:
.L_simem_size_0:
called_computation_lowered:
.L_overlay_start_0:
0x88: {  	s2 =	sld [smem:$0x3FD9]  }
0x89: {  	s3 =	sld [smem:$0x3FFE];
	_ =	sdelay $0x1  }
0x8a: {  	s1 =	srdreg.scid  }
0x8b: {  	s0 =	sand.u32 $0x1, s1  }
0x8c: {  	s17 =	sshll.u32 s0, $0xA;
	s2 =	sadd.s32 s3, s2  }
0x8d: {  	s2 =	sadd.s32 s2, s17  }
0x8e: {  	[smem:$0x3FBE] =	sst s2  }
0x8f: {  	_ = 	snop  }
0x90: {  	s2 =	sld [smem:$0x3FD0];
	(tm) =	ssettm $0x1  }
0x91: {  	s18 =	sld [smem:$0x3FFB];
	_ =	sdelay $0x3  }
0x92: {  	_ =	strace s18  }
0x93: {  	s3 =	sld [smem:$0x3FFC];
	_ =	sdelay $0x3  }
0x94: {  	_ =	strace s3  }
0x95: {  	s3 =	sld [smem:$0x3FFD];
	_ =	sdelay $0x3  }
0x96: {  	_ =	strace s3  }
0x97: {  	_ =	strace $0x8FFFFFFF  }
0x98: {  	s19 =	sld [smem:$0x3FDB];
	_ =	sdelay $0x1  }
0x99: {  	s4 =	simm.s32 $_scs_section_size  }
0x9a: {  	s5 =	simm.s32 $_size__tile_overlayer_lowered;
	s6 =	simm.s32 $_tile_overlayer_lowered  }
0x9b: {  	s22 =	simm.s32 $0x1BFF;
	s21 =	sshll.u32 s6, $0x1;
	s3 =	sadd.s32 s4, s19  }
0x9c: {  	s7 =	simm.s32 $0x0;
	s20 =	sshll.u32 s5, $0x1;
	s5 =	sadd.s32 s21, s3  }
0x9d: {  	[timem:s7], [sflag:s22] =	dma.local [hbm:s5], s20  }
0x9e: {  	_ =	swait.ge [sflag:s22], s20  }
0x9f: {  	s4 =	ssub.s32 $0x0, s20;
	[sflag:s22] =	ssyncset.done $0x0  }
0xa0: {  	[sflag:s22] =	ssyncadd.s32 s4;
	_ =	sdelay $0x1  }
0xa1: {  	s23 =	simm.s32 $0x1B8B  }
0xa2: {  	_ =	swait.ge [sflag:s23], $0x1  }
0xa3: {  	[sflag:s23] =	ssyncset.done $0x0  }
0xa4: {  	s25 =	simm.s32 $0x1B8E;
	s24 =	sld [smem:$0x3FFE];
	[sflag:s23] =	ssyncadd.s32 $0xFFFFFFFF  }
0xa5: {  	s26 =	simm.s32 $execute0_lowered;
	[smem:$0x3FD2] =	sst s25  }
0xa6: {  	s5 =	sshll.u32 s26, $0x1;
	_ =	strace $0x80000046;
	[dreg:$0x1] =	wrdreg $0xFFFFFFFF  }
0xa7: {  	s28 =	simm.s32 $_size_execute0_lowered;
	s3 =	sadd.s32 s3, s5;
	[dreg:$0x0] =	wrdreg $0x0  }
0xa8: {  	s5 =	sshll.u32 s28, $0x1;
	[dreg:$0x2] =	wrdreg s3  }
0xa9: {  	[dreg:$0x3] =	wrdreg s5  }
0xaa: {  	[dreg:$0x4] =	wrdreg $0xC0  }
0xab: {  	_ =	task [dreg:s7], $0x5FFFF  }
0xac: {  	[dreg:$0x1] =	wrdreg $0xFFFFFFFF  }
0xad: {  	[dreg:$0x0] =	wrdreg $0x60  }
0xae: {  	[dreg:$0x2] =	wrdreg s2  }
0xaf: {  	[dreg:$0x3] =	wrdreg s24  }
0xb0: {  	[dreg:$0x4] =	wrdreg $0x64800  }
0xb1: {  	[dreg:$0x5] =	wrdreg $0x9  }
0xb2: {  	_ =	task.clear_ibuf [dreg:s7], $0x6FFFF;
	_ =	strace $0x90000046  }
0xb3: {  	s29 =	simm.s32 $0x9;
	_ =	strace $0x80000048  }
0xb4: {  	_ =	swait.ge [sflag:s29], $0x1  }
0xb5: {  	[sflag:s29] =	ssyncadd.s32 $0xFFFFFFFF  }
0xb6: {  	_ =	strace $0x90000048  }
0xb7: {  	_ =	sfence  }
0xb8: {  	s30 =	sld [smem:$0x0];
	_ =	sdelay $0x2  }
0xb9: {  	s31 =	sshll.u32 s1, $0xD;
	s1 =	sshrl.u32 s1, $0x2  }
0xba: {  	s3 =	sand.u32 $0x4000, s31;
	s1 =	sadd.s32 s1, s30  }
0xbb: {  	s0 =	sor.u32 s3, s0;
	s1 =	sshll.u32 s1, $0x11  }
0xbc: {  	s0 =	sor.u32 s1, s0  }
0xbd: {  	s0 =	sadd.s32 $0x8F2B, s0  }
0xbe: {  	[sflag:s0] =	ssyncadd.remote.s32 $0x1  }
0xbf: {  	_ =	sfence.sel $0xFFFF  }
0xc0: {  	[dreg:$0x0] =	wrdreg $0xFFFFFFFF;
	(pc) =	sbr.abs _section_cstart, $3  }
0xc1: {  	[dreg:$0x1] =	wrdreg $0xFFFFFFFF  }
0xc2: {  	_ =	task.clear_ibuf [dreg:s7], $0x2FFFF;
	_ =	strace $0x9FFFFFFF  }
0xc3: {  	(tm) =	ssettm $0x7FFFFFFF  }
tec
execute0_lowered:
.L_overlay_start_1:
0x0: {  	(tag) =	ssettag $0x1  }
0x1: {  	s7 =	rddreg [dreg:$0x0]  }
0x2: {  	s5 =	rddreg [dreg:$0x1]  }
0x3: {  	s2 =	rddreg [dreg:$0x2]  }
0x4: {  	s0 =	stileid.u32;
	s4 =	srdreg.scid  }
0x5: {  	s1 =	rddreg [dreg:$0x3];
	s3 =	simm.s32 $0x0;
	s14 =	simm.s32 $0x1  }
0x6: {  	s15 =	simm.s32 $0x0;
	s6 =	smul.u32 $0x280, s0;
	s4 =	sand.u32 $0x1, s4  }
0x7: {  	[smem:$0x7FF] =	sst s3;
	s13 =	smul.u32 $0x6400, s0;
	s30 =	sshll.u32 s0, $0x6  }
0x8: {  	s9 =	smul.u32 $0x2800, s4;
	_ =	strace $0x80000047;
	s10 =	ssub.s32 $0x2, s4  }
0x9: {  	s11 =	smul.u32 $0x64000, s4;
	s4 =	sadd.s32 $0x2800, s5;
	s8 =	sshrl.u32 s6, $0x3  }
0xa: {  	s12 =	sshrl.u32 s10, $0x1;
	s29 =	sadd.s32 s6, s2;
	s8 =	sadd.s32 s8, s5  }
0xb: {  	s9 =	sadd.s32 s6, s9;
	s10 =	ssub.s32 s10, s12;
	s11 =	sadd.s32 s13, s11  }
0xc: {  	s6 =	sor.u32 $0x1C02, s30;
	s12 =	simm.s32 $0x6400;
	s13 =	simm.s32 $0x64  }
0xd: {  	s9 =	sshrl.u32 s9, $0x3;
	s31 =	sshrl.u32 s11, $0x3;
	s11 =	simm.s32 $0x2  }
0xe: {  	s9 =	sadd.s32 s9, s5;
	s5 =	sadd.s32 $0x2A00, s8;
	s7 =	sadd.s32 s7, s31  }
0xf: {  	s8 =	sadd.s32 $0x3000, s9;
	s9 =	smax.u32 s10, $0x1;
	s10 =	sshrl.u32 s29, $0x3  }
.LBB2_1:
0x10: {  	[spmem:s10], [sflag:s6] =	dma.local [hbm:s5], $0x50  }
0x11: {  	_ =	swait.ge [sflag:s11], $0x50  }
0x12: {  	[sflag:s11] =	ssyncset.done $0x0  }
0x13: {  	[sflag:s11] =	ssyncadd.s32 $0xFFFFFFB0  }
0x14: {  	[tilespmem:s12], [sflag:$0x2] =	stream.linear.gather [hbm4b:s4+s3], $0x80, $0x38;
	[tilespmem:$0x6700] =	vst v63  }
0x15: {  	_ =	swait.ge [sflag:s11], $0x80  }
0x16: {  	[sflag:s11] =	ssyncset.done $0x0  }
0x17: {  	[sflag:s11] =	ssyncadd.s32 $0xFFFFFF80  }
0x18: {  	[tilespmem:s3], [sflag:$0x2] =	stream.linear.gather [hbm4b:s7+s3], $0x6400, $0x38;
	[tilespmem:$0x6700] =	vst v63  }
0x19: {  	_ =	swait.ge [sflag:s11], $0x6400  }
0x1a: {  	[sflag:s11] =	ssyncset.done $0x0  }
0x1b: {  	[sflag:s11] =	ssyncadd.s32 $0xFFFF9C00  }
0x1c: {  	s16 =	simm.s32 $0x0;
	[bflag:$0x0] =	sbarrier.arrive $0xFFFF  }
0x1d: {  	[spmem:s2] =	stream.indirect.scatter.add.f32 [tilespmem:s12], [sflag:$0x1], $0x1, s16, s13, $0xb8;
	[tilespmem:$0x6700] =	vst v63  }
0x1e: {  	s24 =	simm.s32 $0x80  }
0x1f: {  	[spmem:s2] =	stream.indirect.scatter.add.f32 [tilespmem:s12], [sflag:$0x1], $0x1, s24, s13, $0xb8;
	[tilespmem:$0x6700] =	vst v63  }
0x20: {  	s25 =	simm.s32 $0x100  }
0x21: {  	[spmem:s2] =	stream.indirect.scatter.add.f32 [tilespmem:s12], [sflag:$0x1], $0x1, s25, s13, $0xb8;
	[tilespmem:$0x6700] =	vst v63  }
0x22: {  	s26 =	simm.s32 $0x180  }
0x23: {  	[spmem:s2] =	stream.indirect.scatter.add.f32 [tilespmem:s12], [sflag:$0x1], $0x1, s26, s13, $0xb8;
	[tilespmem:$0x6700] =	vst v63  }
0x24: {  	s28 =	simm.s32 $0x200  }
0x25: {  	[spmem:s2] =	stream.indirect.scatter.add.f32 [tilespmem:s12], [sflag:$0x1], $0x1, s28, s13, $0xb8;
	[tilespmem:$0x6700] =	vst v63  }
0x26: {  	s29 =	simm.s32 $0x280  }
0x27: {  	[spmem:s2] =	stream.indirect.scatter.add.f32 [tilespmem:s12], [sflag:$0x1], $0x1, s29, s13, $0xb8;
	[tilespmem:$0x6700] =	vst v63  }
0x28: {  	s30 =	simm.s32 $0x300  }
0x29: {  	[spmem:s2] =	stream.indirect.scatter.add.f32 [tilespmem:s12], [sflag:$0x1], $0x1, s30, s13, $0xb8;
	[tilespmem:$0x6700] =	vst v63  }
0x2a: {  	s31 =	simm.s32 $0x380  }
0x2b: {  	[spmem:s2] =	stream.indirect.scatter.add.f32 [tilespmem:s12], [sflag:$0x1], $0x1, s31, s13, $0xb8;
	[tilespmem:$0x6700] =	vst v63  }
0x2c: {  	_ =	swait.ge [sflag:s14], $0x64  }
0x2d: {  	[sflag:s14] =	ssyncset.done $0x0  }
0x2e: {  	[sflag:s14] =	ssyncadd.s32 $0xFFFFFF9C  }
0x2f: {  	_ =	swait.ge [sflag:s14], $0x64  }
0x30: {  	[sflag:s14] =	ssyncset.done $0x0  }
0x31: {  	[sflag:s14] =	ssyncadd.s32 $0xFFFFFF9C  }
0x32: {  	_ =	swait.ge [sflag:s14], $0x64  }
0x33: {  	[sflag:s14] =	ssyncset.done $0x0  }
0x34: {  	[sflag:s14] =	ssyncadd.s32 $0xFFFFFF9C  }
0x35: {  	_ =	swait.ge [sflag:s14], $0x64  }
0x36: {  	[sflag:s14] =	ssyncset.done $0x0  }
0x37: {  	[sflag:s14] =	ssyncadd.s32 $0xFFFFFF9C  }
0x38: {  	_ =	swait.ge [sflag:s14], $0x64  }
0x39: {  	[sflag:s14] =	ssyncset.done $0x0  }
0x3a: {  	[sflag:s14] =	ssyncadd.s32 $0xFFFFFF9C  }
0x3b: {  	_ =	swait.ge [sflag:s14], $0x64  }
0x3c: {  	[sflag:s14] =	ssyncset.done $0x0  }
0x3d: {  	[sflag:s14] =	ssyncadd.s32 $0xFFFFFF9C  }
0x3e: {  	_ =	swait.ge [sflag:s14], $0x64  }
0x3f: {  	[sflag:s14] =	ssyncset.done $0x0  }
0x40: {  	[sflag:s14] =	ssyncadd.s32 $0xFFFFFF9C  }
0x41: {  	_ =	swait.ge [sflag:s14], $0x64  }
0x42: {  	s18 =	simm.s32 $0x2000;
	s16 =	simm.s32 $0x1000;
	[sflag:s14] =	ssyncset.done $0x0  }
.LBB2_2:
0x43: {  	s19 =	sshra.s32 s16, $0x2  }
0x44: {  	[sflag:s14] =	ssyncadd.s32 $0xFFFFFF9C;
	s16 =	smov.u32 s18;
	s17 =	sadd.s32 $0x1000, s18  }
0x45: {  	[spmem:s2] =	stream.indirect.scatter.add.f32 [tilespmem:s12], [sflag:$0x1], $0x1, s19, s13, $0xb8;
	[tilespmem:$0x6700] =	vst v63  }
0x46: {  	p0 =	sne.s32 s18, $0x18000;
	s18 =	sadd.s32 $0x80, s19  }
0x47: {  	[spmem:s2] =	stream.indirect.scatter.add.f32 [tilespmem:s12], [sflag:$0x1], $0x1, s18, s13, $0xb8;
	[tilespmem:$0x6700] =	vst v63  }
0x48: {  	s18 =	sadd.s32 $0x100, s19  }
0x49: {  	[spmem:s2] =	stream.indirect.scatter.add.f32 [tilespmem:s12], [sflag:$0x1], $0x1, s18, s13, $0xb8;
	[tilespmem:$0x6700] =	vst v63  }
0x4a: {  	s18 =	sadd.s32 $0x180, s19  }
0x4b: {  	[spmem:s2] =	stream.indirect.scatter.add.f32 [tilespmem:s12], [sflag:$0x1], $0x1, s18, s13, $0xb8;
	[tilespmem:$0x6700] =	vst v63  }
0x4c: {  	s18 =	sadd.s32 $0x200, s19  }
0x4d: {  	[spmem:s2] =	stream.indirect.scatter.add.f32 [tilespmem:s12], [sflag:$0x1], $0x1, s18, s13, $0xb8;
	[tilespmem:$0x6700] =	vst v63  }
0x4e: {  	s18 =	sadd.s32 $0x280, s19  }
0x4f: {  	[spmem:s2] =	stream.indirect.scatter.add.f32 [tilespmem:s12], [sflag:$0x1], $0x1, s18, s13, $0xb8;
	[tilespmem:$0x6700] =	vst v63  }
0x50: {  	s18 =	sadd.s32 $0x300, s19  }
0x51: {  	[spmem:s2] =	stream.indirect.scatter.add.f32 [tilespmem:s12], [sflag:$0x1], $0x1, s18, s13, $0xb8;
	[tilespmem:$0x6700] =	vst v63  }
0x52: {  	s18 =	sadd.s32 $0x380, s19  }
0x53: {  	[spmem:s2] =	stream.indirect.scatter.add.f32 [tilespmem:s12], [sflag:$0x1], $0x1, s18, s13, $0xb8;
	[tilespmem:$0x6700] =	vst v63  }
0x54: {  	_ =	swait.ge [sflag:s14], $0x64  }
0x55: {  	[sflag:s14] =	ssyncset.done $0x0  }
0x56: {  	[sflag:s14] =	ssyncadd.s32 $0xFFFFFF9C  }
0x57: {  	_ =	swait.ge [sflag:s14], $0x64  }
0x58: {  	[sflag:s14] =	ssyncset.done $0x0  }
0x59: {  	[sflag:s14] =	ssyncadd.s32 $0xFFFFFF9C  }
0x5a: {  	_ =	swait.ge [sflag:s14], $0x64  }
0x5b: {  	[sflag:s14] =	ssyncset.done $0x0  }
0x5c: {  	[sflag:s14] =	ssyncadd.s32 $0xFFFFFF9C  }
0x5d: {  	_ =	swait.ge [sflag:s14], $0x64  }
0x5e: {  	[sflag:s14] =	ssyncset.done $0x0  }
0x5f: {  	[sflag:s14] =	ssyncadd.s32 $0xFFFFFF9C  }
0x60: {  	_ =	swait.ge [sflag:s14], $0x64  }
0x61: {  	[sflag:s14] =	ssyncset.done $0x0  }
0x62: {  	[sflag:s14] =	ssyncadd.s32 $0xFFFFFF9C  }
0x63: {  	_ =	swait.ge [sflag:s14], $0x64  }
0x64: {  	[sflag:s14] =	ssyncset.done $0x0  }
0x65: {  	[sflag:s14] =	ssyncadd.s32 $0xFFFFFF9C  }
.Ltmp0:
0x66: {  	_ =	swait.ge [sflag:s14], $0x64;
	(pc) =	sbr.rel @p0 .LBB2_2-.Ltmp0, $4  }
0x67: {  	[sflag:s14] =	ssyncset.done $0x0  }
0x68: {  	[sflag:s14] =	ssyncadd.s32 $0xFFFFFF9C  }
0x69: {  	_ =	swait.ge [sflag:s14], $0x64  }
0x6a: {  	s18 =	smov.u32 s17;
	[sflag:s14] =	ssyncset.done $0x0  }
0x6b: {  	s16 =	sshra.s32 s16, $0x2;
	[sflag:s14] =	ssyncadd.s32 $0xFFFFFF9C  }
0x6c: {  	[spmem:s2] =	stream.indirect.scatter.add.f32 [tilespmem:s12], [sflag:$0x1], $0x1, s16, s13, $0xb8;
	[tilespmem:$0x6700] =	vst v63  }
0x6d: {  	s17 =	sadd.s32 $0x80, s16  }
0x6e: {  	[spmem:s2] =	stream.indirect.scatter.add.f32 [tilespmem:s12], [sflag:$0x1], $0x1, s17, s13, $0xb8;
	[tilespmem:$0x6700] =	vst v63  }
0x6f: {  	s26 =	sadd.s32 $0x100, s16  }
0x70: {  	[spmem:s2] =	stream.indirect.scatter.add.f32 [tilespmem:s12], [sflag:$0x1], $0x1, s26, s13, $0xb8;
	[tilespmem:$0x6700] =	vst v63  }
0x71: {  	s28 =	sadd.s32 $0x180, s16  }
0x72: {  	[spmem:s2] =	stream.indirect.scatter.add.f32 [tilespmem:s12], [sflag:$0x1], $0x1, s28, s13, $0xb8;
	[tilespmem:$0x6700] =	vst v63  }
0x73: {  	s29 =	sadd.s32 $0x200, s16  }
0x74: {  	[spmem:s2] =	stream.indirect.scatter.add.f32 [tilespmem:s12], [sflag:$0x1], $0x1, s29, s13, $0xb8;
	[tilespmem:$0x6700] =	vst v63  }
0x75: {  	s30 =	sadd.s32 $0x280, s16  }
0x76: {  	[spmem:s2] =	stream.indirect.scatter.add.f32 [tilespmem:s12], [sflag:$0x1], $0x1, s30, s13, $0xb8;
	[tilespmem:$0x6700] =	vst v63  }
0x77: {  	s31 =	sadd.s32 $0x300, s16  }
0x78: {  	[spmem:s2] =	stream.indirect.scatter.add.f32 [tilespmem:s12], [sflag:$0x1], $0x1, s31, s13, $0xb8;
	[tilespmem:$0x6700] =	vst v63  }
0x79: {  	s16 =	sadd.s32 $0x380, s16  }
0x7a: {  	[spmem:s2] =	stream.indirect.scatter.add.f32 [tilespmem:s12], [sflag:$0x1], $0x1, s16, s13, $0xb8;
	[tilespmem:$0x6700] =	vst v63  }
0x7b: {  	_ =	swait.ge [sflag:s14], $0x64  }
0x7c: {  	[sflag:s14] =	ssyncset.done $0x0  }
0x7d: {  	[sflag:s14] =	ssyncadd.s32 $0xFFFFFF9C  }
0x7e: {  	_ =	swait.ge [sflag:s14], $0x64  }
0x7f: {  	[sflag:s14] =	ssyncset.done $0x0  }
0x80: {  	[sflag:s14] =	ssyncadd.s32 $0xFFFFFF9C  }
0x81: {  	_ =	swait.ge [sflag:s14], $0x64  }
0x82: {  	[sflag:s14] =	ssyncset.done $0x0  }
0x83: {  	[sflag:s14] =	ssyncadd.s32 $0xFFFFFF9C  }
0x84: {  	_ =	swait.ge [sflag:s14], $0x64  }
0x85: {  	[sflag:s14] =	ssyncset.done $0x0  }
0x86: {  	[sflag:s14] =	ssyncadd.s32 $0xFFFFFF9C  }
0x87: {  	_ =	swait.ge [sflag:s14], $0x64  }
0x88: {  	[sflag:s14] =	ssyncset.done $0x0  }
0x89: {  	[sflag:s14] =	ssyncadd.s32 $0xFFFFFF9C  }
0x8a: {  	_ =	swait.ge [sflag:s14], $0x64  }
0x8b: {  	[sflag:s14] =	ssyncset.done $0x0  }
0x8c: {  	[sflag:s14] =	ssyncadd.s32 $0xFFFFFF9C  }
0x8d: {  	_ =	swait.ge [sflag:s14], $0x64  }
0x8e: {  	[sflag:s14] =	ssyncset.done $0x0  }
0x8f: {  	[sflag:s14] =	ssyncadd.s32 $0xFFFFFF9C  }
0x90: {  	_ =	swait.ge [sflag:s14], $0x64  }
0x91: {  	s15 =	sadd.s32 $0x1, s15;
	[sflag:s14] =	ssyncset.done $0x0  }
0x92: {  	p0 =	sne.s32 s15, s9;
	[sflag:s14] =	ssyncadd.s32 $0xFFFFFF9C  }
.Ltmp1:
0x93: {  	[bflag:$0x0] =	sbarrier.arrive $0xFFFF;
	(pc) =	sbr.rel @p0 .LBB2_1-.Ltmp1, $4  }
0x94: {  	[hbm:s8], [sflag:s6] =	dma.local [spmem:s10], $0x50  }
0x95: {  	_ =	swait.ge [sflag:s11], $0x50  }
0x96: {  	[sflag:s11] =	ssyncset.done $0x0  }
0x97: {  	[sflag:s11] =	ssyncadd.s32 $0xFFFFFFB0  }
0x98: {  	_ =	sfence.sel $0x180000  }
0x99: {  	[bflag:$0x0] =	sbarrier.arrive $0xFFFF  }
0x9a: {  	p0 =	sne.s32 s0, $0x0;
	_ =	strace $0x90000047  }
0x9b: {  	s0 =	sadd.s32 @!p0 $0x100000, s1;
	[bflag:$0x2] =	sbarrier.arrive $0xFFFF  }
0x9c: {  	[sflag:s0] =	ssyncadd.tile.s32 @!p0 $0x1;
	_ =	shalt  }
.Lfunc_end2:
_tile_overlayer_lowered:
.L_overlay_start_2:
0x9d: {  	(tag) =	ssettag $0x2  }
0x9e: {  	s0 =	rddreg [dreg:$0x0];
	s2 =	stileid.u32  }
0x9f: {  	s1 =	rddreg [dreg:$0x1];
	p0 =	sne.s32 s2, $0x0  }
0xa0: {  	s3 =	rddreg [dreg:$0x2];
	[bflag:$0x3] =	sbarrier.arrive $0xFFFF;
	s2 =	simm.s32 @!p0 $0x1C02  }
0xa1: {  	[timem:s3], [sflag:s2] =	dma.local @!p0 [hbm:s0], s1  }
0xa2: {  	s0 =	simm.s32 @!p0 $0x2  }
0xa3: {  	_ =	swait.ge @!p0 [sflag:s0], s1  }
0xa4: {  	s1 =	ssub.s32 @!p0 $0x0, s1;
	[sflag:s0] =	ssyncset.done @!p0 $0x0  }
0xa5: {  	[sflag:s0] =	ssyncadd.s32 @!p0 s1  }
0xa6: {  	[bflag:$0x3] =	sbarrier.arrive $0xFFFF  }
0xa7: {  	_ =	shalt  }

// kernel: kernel.9.cloned.1.call-start
scs
__scs_entry_jumppad:
0x0: {  	(pc) =	sbr.rel $0x88, $3  }
0x1: {  	(tag) =	ssettag $0x0;
	lr =	simm.s32 $0x1  }
0x2: {  	[smem:$0x3F97] =	sst lr;
	_ =	strace $0xD0000000  }
0x3: {  	_ = 	snop  }
0x4: {  	_ = 	snop  }
0x5: {  	_ = 	snop  }
0x6: {  	_ = 	snop  }
0x7: {  	_ = 	snop  }
__scs_overlays_trampoline_lowered:
0x8: {  	[smem:$0x3FA6] =	sst s0  }
0x9: {  	[smem:$0x3FA7] =	sst s1  }
0xa: {  	[smem:$0x3FA8] =	sst s2  }
0xb: {  	[smem:$0x3FA9] =	sst s3  }
0xc: {  	[smem:$0x3FAA] =	sst s4  }
0xd: {  	[smem:$0x3FAB] =	sst s5  }
0xe: {  	[smem:$0x3FAC] =	sst s6  }
0xf: {  	[smem:$0x3FAD] =	sst s7  }
0x10: {  	[smem:$0x3FAE] =	sst s8  }
0x11: {  	[smem:$0x3FAF] =	sst s9;
	s0 =	simm.s32 @!p0 $0x0  }
0x12: {  	s1 =	sld [smem:$0x3F95];
	s0 =	simm.s32 @p0 $0x1  }
0x13: {  	[smem:$0x3FB0] =	sst s0;
	s0 =	simm.s32 @!p1 $0x0  }
0x14: {  	s2 =	sld [smem:$0x3F94];
	s0 =	simm.s32 @p1 $0x1  }
0x15: {  	[smem:$0x3FB1] =	sst s0;
	s0 =	simm.s32 @!p2 $0x0  }
0x16: {  	s3 =	sld [smem:$0x3FDB];
	s0 =	simm.s32 @p2 $0x1  }
0x17: {  	s4 =	simm.s32 $0x1BF5;
	[smem:$0x3FB3] =	sst s0  }
0x18: {  	s0 =	sld [smem:$0x3F96];
	_ =	swait.ge [sflag:s4], $0x0  }
0x19: {  	s7 =	sld [smem:$0x3F97]  }
0x1a: {  	s8 =	sadd.s32 $0xFFFFE003, lr  }
0x1b: {  	s9 =	sadd.s32 $0xFFFFFEF7, lr;
	s5 =	simm.s32 $0xFFFFFFFF;
	p2 =	slt.u32 s8, $0xFFFFF086  }
0x1c: {  	p1 =	slt.u32 s9, $0xF7A;
	s5 =	simm.s32 @!p2 $0x0  }
0x1d: {  	s5 =	simm.s32 @p1 $0x1;
	p0 =	seq.s32 s7, s2  }
0x1e: {  	s7 =	smul.u32 @!p0 $0xF7A, s2;
	p2 =	seq.s32 @!p0 s5, $0x0  }
0x1f: {  	s9 =	smul.u32 $0xF7A, s1;
	s8 =	simm.s32 @!p0 $0x1BF5;
	p2 =	por !p2, p0  }
0x20: {  	[sflag:s8] =	ssyncset.s32 @!p0 $0xFFFFF086;
	s6 =	sadd.s32 @!p0 s3, s7;
	s7 =	simm.s32 @!p0 $0x108  }
0x21: {  	s3 =	sadd.s32 s3, s9;
	s6 =	sadd.s32 @!p0 $0x88, s6;
	s7 =	simm.s32 @p2 $0x1082  }
0x22: {  	[simem:s7], [sflag:s8] =	dma.local @!p0 [hbm:s6], $0xF7A  }
0x23: {  	s9 =	sor.u32 $0xD0000000, s2;
	s6 =	simm.s32 $0x108;
	_ =	swait.ge @!p0 [sflag:s8], $0x0  }
0x24: {  	s3 =	sadd.s32 $0x88, s3;
	s6 =	simm.s32 @!p1 $0x1082;
	[sflag:s4] =	ssyncset.s32 $0xFFFFF086  }
0x25: {  	[simem:s6], [sflag:s4] =	dma.local [hbm:s3], $0xF7A  }
0x26: {  	[smem:$0x3F97] =	sst s1;
	(tag) =	ssettag s2;
	_ =	strace s9  }
0x27: {  	s1 =	sld [smem:$0x3FA7]  }
0x28: {  	s2 =	sld [smem:$0x3FA8]  }
0x29: {  	s4 =	sld [smem:$0x3FAA]  }
0x2a: {  	p0 =	seq.s32 s5, $0x0;
	s5 =	sld [smem:$0x3FAB]  }
0x2b: {  	s6 =	sld [smem:$0x3FAC]  }
0x2c: {  	s7 =	sld [smem:$0x3FAD]  }
0x2d: {  	s3 =	simm.s32 $0x108;
	s8 =	sld [smem:$0x3FAE]  }
0x2e: {  	s3 =	simm.s32 @!p0 $0x1082;
	s9 =	sld [smem:$0x3FAF]  }
0x2f: {  	lr =	sadd.s32 s0, s3;
	s0 =	sld [smem:$0x3FA6]  }
0x30: {  	s3 =	sld [smem:$0x3FA9]  }
0x31: {  	[smem:$0x3FB2] =	sst s10  }
0x32: {  	s10 =	sld [smem:$0x3FB0];
	_ =	sdelay $0x3  }
0x33: {  	p0 =	seq.s32 s10, $0x1;
	s10 =	sld [smem:$0x3FB2];
	_ =	sdelay $0x3  }
0x34: {  	[smem:$0x3FB2] =	sst s10  }
0x35: {  	s10 =	sld [smem:$0x3FB1];
	_ =	sdelay $0x3  }
0x36: {  	p1 =	seq.s32 s10, $0x1;
	s10 =	sld [smem:$0x3FB2];
	_ =	sdelay $0x3  }
0x37: {  	[smem:$0x3FB2] =	sst s10  }
0x38: {  	s10 =	sld [smem:$0x3FB3]  }
0x39: {  	_ = 	snop;
	(pc) =	sbr.ind lr, $3  }
0x3a: {  	_ = 	snop  }
0x3b: {  	_ = 	snop  }
0x3c: {  	p2 =	seq.s32 s10, $0x1;
	s10 =	sld [smem:$0x3FB2]  }
0x3d: {  	_ =	shalt  }
0x3e: {  	_ =	shalt  }
0x3f: {  	_ =	shalt  }
0x40: {  	_ =	shalt  }
0x41: {  	_ =	shalt  }
0x42: {  	_ =	shalt  }
0x43: {  	_ =	shalt  }
0x44: {  	_ =	shalt  }
0x45: {  	_ =	shalt  }
0x46: {  	_ =	shalt  }
0x47: {  	_ =	shalt  }
0x48: {  	_ =	shalt  }
0x49: {  	_ =	shalt  }
0x4a: {  	_ =	shalt  }
0x4b: {  	_ =	shalt  }
0x4c: {  	_ =	shalt  }
0x4d: {  	_ =	shalt  }
0x4e: {  	_ =	shalt  }
0x4f: {  	_ =	shalt  }
0x50: {  	_ =	shalt  }
0x51: {  	_ =	shalt  }
0x52: {  	_ =	shalt  }
0x53: {  	_ =	shalt  }
0x54: {  	_ =	shalt  }
0x55: {  	_ =	shalt  }
0x56: {  	_ =	shalt  }
0x57: {  	_ =	shalt  }
0x58: {  	_ =	shalt  }
0x59: {  	_ =	shalt  }
0x5a: {  	_ =	shalt  }
0x5b: {  	_ =	shalt  }
0x5c: {  	_ =	shalt  }
0x5d: {  	_ =	shalt  }
0x5e: {  	_ =	shalt  }
0x5f: {  	_ =	shalt  }
0x60: {  	_ =	shalt  }
0x61: {  	_ =	shalt  }
0x62: {  	_ =	shalt  }
0x63: {  	_ =	shalt  }
0x64: {  	_ =	shalt  }
0x65: {  	_ =	shalt  }
0x66: {  	_ =	shalt  }
0x67: {  	_ =	shalt  }
0x68: {  	_ =	shalt  }
0x69: {  	_ =	shalt  }
0x6a: {  	_ =	shalt  }
0x6b: {  	_ =	shalt  }
0x6c: {  	_ =	shalt  }
0x6d: {  	_ =	shalt  }
0x6e: {  	_ =	shalt  }
0x6f: {  	_ =	shalt  }
0x70: {  	_ =	shalt  }
0x71: {  	_ =	shalt  }
0x72: {  	_ =	shalt  }
0x73: {  	_ =	shalt  }
0x74: {  	_ =	shalt  }
0x75: {  	_ =	shalt  }
0x76: {  	_ =	shalt  }
0x77: {  	_ =	shalt  }
0x78: {  	_ =	shalt  }
0x79: {  	_ =	shalt  }
0x7a: {  	_ =	shalt  }
0x7b: {  	_ =	shalt  }
0x7c: {  	_ =	shalt  }
0x7d: {  	_ =	shalt  }
0x7e: {  	_ =	shalt  }
0x7f: {  	_ =	shalt  }
0x80: {  	_ =	shalt  }
0x81: {  	_ =	shalt  }
0x82: {  	_ =	shalt  }
0x83: {  	_ =	shalt  }
0x84: {  	_ =	shalt  }
0x85: {  	_ =	shalt  }
0x86: {  	_ =	shalt  }
0x87: {  	_ =	shalt  }
.Lfunc_end0:
.L_simem_size_0:
called_computation.1_lowered:
.L_overlay_start_0:
0x88: {  	s2 =	sld [smem:$0x3FD9]  }
0x89: {  	s3 =	sld [smem:$0x3FFE];
	_ =	sdelay $0x1  }
0x8a: {  	s1 =	srdreg.scid  }
0x8b: {  	s0 =	sand.u32 $0x1, s1  }
0x8c: {  	s17 =	sshll.u32 s0, $0xA;
	s2 =	sadd.s32 s3, s2  }
0x8d: {  	s2 =	sadd.s32 s2, s17  }
0x8e: {  	[smem:$0x3FBE] =	sst s2  }
0x8f: {  	_ = 	snop  }
0x90: {  	s2 =	sld [smem:$0x3FD0];
	(tm) =	ssettm $0x1  }
0x91: {  	s18 =	sld [smem:$0x3FFB];
	_ =	sdelay $0x3  }
0x92: {  	_ =	strace s18  }
0x93: {  	s3 =	sld [smem:$0x3FFC];
	_ =	sdelay $0x3  }
0x94: {  	_ =	strace s3  }
0x95: {  	s3 =	sld [smem:$0x3FFD];
	_ =	sdelay $0x3  }
0x96: {  	_ =	strace s3  }
0x97: {  	_ =	strace $0x8FFFFFFF  }
0x98: {  	s19 =	sld [smem:$0x3FDB];
	_ =	sdelay $0x1  }
0x99: {  	s4 =	simm.s32 $_scs_section_size  }
0x9a: {  	s5 =	simm.s32 $_size__tile_overlayer_lowered;
	s6 =	simm.s32 $_tile_overlayer_lowered  }
0x9b: {  	s22 =	simm.s32 $0x1BFF;
	s21 =	sshll.u32 s6, $0x1;
	s3 =	sadd.s32 s4, s19  }
0x9c: {  	s7 =	simm.s32 $0x0;
	s20 =	sshll.u32 s5, $0x1;
	s5 =	sadd.s32 s21, s3  }
0x9d: {  	[timem:s7], [sflag:s22] =	dma.local [hbm:s5], s20  }
0x9e: {  	_ =	swait.ge [sflag:s22], s20  }
0x9f: {  	s4 =	ssub.s32 $0x0, s20;
	[sflag:s22] =	ssyncset.done $0x0  }
0xa0: {  	[sflag:s22] =	ssyncadd.s32 s4;
	_ =	sdelay $0x1  }
0xa1: {  	s23 =	simm.s32 $0x1B8B  }
0xa2: {  	_ =	swait.ge [sflag:s23], $0x1  }
0xa3: {  	[sflag:s23] =	ssyncset.done $0x0  }
0xa4: {  	s25 =	simm.s32 $0x1B8E;
	s24 =	sld [smem:$0x3FFE];
	[sflag:s23] =	ssyncadd.s32 $0xFFFFFFFF  }
0xa5: {  	s26 =	simm.s32 $execute0_lowered;
	[smem:$0x3FD2] =	sst s25  }
0xa6: {  	s5 =	sshll.u32 s26, $0x1;
	_ =	strace $0x80000049;
	[dreg:$0x1] =	wrdreg $0xFFFFFFFF  }
0xa7: {  	s28 =	simm.s32 $_size_execute0_lowered;
	s3 =	sadd.s32 s3, s5;
	[dreg:$0x0] =	wrdreg $0x0  }
0xa8: {  	s5 =	sshll.u32 s28, $0x1;
	[dreg:$0x2] =	wrdreg s3  }
0xa9: {  	[dreg:$0x3] =	wrdreg s5  }
0xaa: {  	[dreg:$0x4] =	wrdreg $0xC0  }
0xab: {  	_ =	task [dreg:s7], $0x5FFFF  }
0xac: {  	[dreg:$0x1] =	wrdreg $0xFFFFFFFF  }
0xad: {  	[dreg:$0x0] =	wrdreg $0x60  }
0xae: {  	[dreg:$0x2] =	wrdreg s24  }
0xaf: {  	[dreg:$0x3] =	wrdreg s2  }
0xb0: {  	[dreg:$0x4] =	wrdreg $0xC0000  }
0xb1: {  	[dreg:$0x5] =	wrdreg $0x9  }
0xb2: {  	_ =	task.clear_ibuf [dreg:s7], $0x6FFFF;
	_ =	strace $0x90000049  }
0xb3: {  	s29 =	simm.s32 $0x9;
	_ =	strace $0x8000004B  }
0xb4: {  	_ =	swait.ge [sflag:s29], $0x1  }
0xb5: {  	[sflag:s29] =	ssyncadd.s32 $0xFFFFFFFF  }
0xb6: {  	_ =	strace $0x9000004B  }
0xb7: {  	_ =	sfence  }
0xb8: {  	s30 =	sld [smem:$0x0];
	_ =	sdelay $0x2  }
0xb9: {  	s31 =	sshll.u32 s1, $0xD;
	s1 =	sshrl.u32 s1, $0x2  }
0xba: {  	s3 =	sand.u32 $0x4000, s31;
	s1 =	sadd.s32 s1, s30  }
0xbb: {  	s0 =	sor.u32 s3, s0;
	s1 =	sshll.u32 s1, $0x11  }
0xbc: {  	s0 =	sor.u32 s1, s0  }
0xbd: {  	s0 =	sadd.s32 $0x8F2B, s0  }
0xbe: {  	[sflag:s0] =	ssyncadd.remote.s32 $0x1  }
0xbf: {  	_ =	sfence.sel $0xFFFF  }
0xc0: {  	[dreg:$0x0] =	wrdreg $0xFFFFFFFF;
	(pc) =	sbr.abs _section_cstart, $3  }
0xc1: {  	[dreg:$0x1] =	wrdreg $0xFFFFFFFF  }
0xc2: {  	_ =	task.clear_ibuf [dreg:s7], $0x2FFFF;
	_ =	strace $0x9FFFFFFF  }
0xc3: {  	(tm) =	ssettm $0x7FFFFFFF  }
tec
execute0_lowered:
.L_overlay_start_1:
0x0: {  	(tag) =	ssettag $0x1  }
0x1: {  	s0 =	srdreg.scid;
	s11 =	stileid.u32  }
0x2: {  	s1 =	rddreg [dreg:$0x0];
	s9 =	smul.u32 $0x4E000, s11  }
0x3: {  	s5 =	rddreg [dreg:$0x1];
	s0 =	sand.u32 $0x1, s0;
	s24 =	smul.u32 $0x13800, s11  }
0x4: {  	s10 =	sshll.u32 s11, $0x6;
	s2 =	sshll.u32 s0, $0x4;
	s7 =	ssub.s32 $0x2, s0  }
0x5: {  	s0 =	smul.u32 $0x138800, s0;
	s29 =	sor.u32 $0x1C09, s10;
	s3 =	sor.u32 s11, s2  }
0x6: {  	s2 =	rddreg [dreg:$0x2];
	s8 =	sshrl.u32 s7, $0x1;
	s20 =	sshrl.u32 s9, $0x2  }
0x7: {  	s4 =	smul.u32 $0x5000, s3;
	s3 =	simm.s32 $0x0;
	s7 =	ssub.s32 s7, s8  }
0x8: {  	s8 =	sadd.s32 s20, s2;
	s26 =	sadd.s32 s24, s0;
	s0 =	sshrl.u32 s0, $0x3  }
0x9: {  	[smem:$0x7FF] =	sst s3;
	s0 =	sadd.s32 s5, s0;
	s31 =	sshrl.u32 s8, $0x3  }
0xa: {  	s4 =	sshrl.u32 s4, $0x3;
	_ =	strace $0x8000004A;
	[dreg:$0x13] =	wrdreg s29  }
0xb: {  	s0 =	sadd.s32 $0x27000, s0;
	[dreg:$0x11] =	wrdreg s31;
	s6 =	sadd.s32 s4, s1  }
0xc: {  	s4 =	sadd.s32 $0x2BA00, s1;
	s1 =	sadd.s32 $0x52C00, s1;
	[dreg:$0xf] =	wrdreg s0  }
0xd: {  	[dreg:$0x10] =	wrdreg s1;
	s15 =	sadd.s32 $0x3A00, s6  }
0xe: {  	s16 =	sadd.s32 $0x17A00, s6;
	[dreg:$0x4] =	wrdreg s15  }
0xf: {  	s12 =	simm.s32 $0x50;
	s17 =	sadd.s32 $0x3C00, s6;
	[dreg:$0x5] =	wrdreg s16  }
0x10: {  	s13 =	simm.s32 $0x2000;
	s18 =	sadd.s32 $0x17C00, s6;
	[dreg:$0x6] =	wrdreg s17  }
0x11: {  	s28 =	simm.s32 $0x5;
	s19 =	sadd.s32 $0x3E00, s6;
	[dreg:$0x7] =	wrdreg s18  }
0x12: {  	s30 =	simm.s32 $0x6;
	s21 =	sadd.s32 $0x17E00, s6;
	[dreg:$0x8] =	wrdreg s19  }
0x13: {  	p0 =	sne.s32 s11, $0xF;
	s22 =	sadd.s32 $0x4000, s6;
	[dreg:$0x9] =	wrdreg s21  }
0x14: {  	s9 =	simm.s32 $0x9;
	s23 =	sadd.s32 $0x18000, s6;
	[dreg:$0xa] =	wrdreg s22  }
0x15: {  	s20 =	simm.s32 $0x1;
	s25 =	sadd.s32 $0x4200, s6;
	[dreg:$0xb] =	wrdreg s23  }
0x16: {  	s6 =	sadd.s32 $0x18200, s6;
	s1 =	sshrl.u32 s26, $0x3;
	[dreg:$0xc] =	wrdreg s25  }
0x17: {  	s7 =	smax.u32 s7, $0x1;
	[dreg:$0xd] =	wrdreg s6;
	s1 =	sadd.s32 s5, s1  }
0x18: {  	s15 =	simm.s32 $0x4800;
	s17 =	simm.s32 $0x7000;
	s19 =	simm.s32 $0x9800  }
0x19: {  	s21 =	simm.s32 $0x2;
	[dreg:$0xe] =	wrdreg s1;
	s1 =	sadd.s32 $0x138000, s2  }
0x1a: {  	s23 =	simm.s32 $0x3;
	s25 =	simm.s32 $0x4;
	s0 =	sshrl.u32 @!p0 s1, $0x3  }
0x1b: {  	s5 =	simm.s32 $0x8;
	s1 =	simm.s32 $0x7;
	[dreg:$0x12] =	wrdreg s0  }
.LBB2_1:
0x1c: {  	s24 =	rddreg [dreg:$0x10]  }
0x1d: {  	s6 =	rddreg [dreg:$0x11]  }
0x1e: {  	s0 =	rddreg [dreg:$0x13]  }
0x1f: {  	[spmem:s6], [sflag:s0] =	dma.local [hbm:s24], $0x2700  }
0x20: {  	_ =	swait.ge [sflag:s9], $0x2700  }
0x21: {  	[sflag:s9] =	ssyncset.done $0x0  }
0x22: {  	s6 =	rddreg [dreg:$0x12];
	[sflag:s9] =	ssyncadd.s32 $0xFFFFD900  }
0x23: {  	[spmem:s6], [sflag:s0] =	dma.local @!p0 [hbm:s24], $0x100  }
0x24: {  	s6 =	simm.s32 @!p0 $0x9  }
0x25: {  	_ =	swait.ge @!p0 [sflag:s6], $0x100  }
0x26: {  	[sflag:s6] =	ssyncset.done @!p0 $0x0  }
0x27: {  	[sflag:s6] =	ssyncadd.s32 @!p0 $0xFFFFFF00  }
0x28: {  	[bflag:$0x0] =	sbarrier.arrive $0xFFFF  }
0x29: {  	s26 =	rddreg [dreg:$0x4]  }
0x2a: {  	[tilespmem:s3], [sflag:$0x9] =	stream.linear.gather [hbm4b:s26+s3], $0xC80, $0x38;
	[tilespmem:$0x1F880] =	vst v63  }
0x2b: {  	_ =	swait.ge [sflag:s9], $0xC80  }
0x2c: {  	[sflag:s9] =	ssyncset.done $0x0  }
0x2d: {  	s0 =	simm.s32 $0x1000;
	s24 =	rddreg [dreg:$0x5];
	[sflag:s9] =	ssyncadd.s32 $0xFFFFF380  }
0x2e: {  	[tilespmem:s0], [sflag:$0x9] =	stream.linear.gather [hbm4b:s24+s3], $0xC80, $0x38;
	[tilespmem:$0x1F880] =	vst v63  }
0x2f: {  	_ =	swait.ge [sflag:s9], $0xC80  }
0x30: {  	[sflag:s9] =	ssyncset.done $0x0  }
0x31: {  	[sflag:s9] =	ssyncadd.s32 $0xFFFFF380  }
0x32: {  	[tilespmem:s13], [sflag:$0x1] =	stream.indirect.gather [hbm4b:s4+s12], $0x80, s3, s12, $0xb8;
	[tilespmem:$0x1F880] =	vst v63  }
0x33: {  	s29 =	simm.s32 $0x80  }
0x34: {  	[tilespmem:s15], [sflag:$0x2] =	stream.indirect.gather [hbm4b:s4+s12], $0x80, s29, s12, $0xb8;
	[tilespmem:$0x1F880] =	vst v63  }
0x35: {  	s31 =	simm.s32 $0x100  }
0x36: {  	[tilespmem:s17], [sflag:$0x3] =	stream.indirect.gather [hbm4b:s4+s12], $0x80, s31, s12, $0xb8;
	[tilespmem:$0x1F880] =	vst v63  }
0x37: {  	s10 =	simm.s32 $0x180  }
0x38: {  	[tilespmem:s19], [sflag:$0x4] =	stream.indirect.gather [hbm4b:s4+s12], $0x80, s10, s12, $0xb8;
	[tilespmem:$0x1F880] =	vst v63  }
0x39: {  	_ =	swait.ge [sflag:s20], $0x2800  }
0x3a: {  	[sflag:s20] =	ssyncset.done $0x0  }
0x3b: {  	[sflag:s20] =	ssyncadd.s32 $0xFFFFD800  }
0x3c: {  	[spmem:s2] =	stream.indirect.scatter.add.f32 [tilespmem:s13], [sflag:$0x5], $0x80, s0, s12, $0xb8;
	[tilespmem:$0x1F880] =	vst v63  }
0x3d: {  	_ =	swait.ge [sflag:s21], $0x2800  }
0x3e: {  	[sflag:s21] =	ssyncset.done $0x0  }
0x3f: {  	s11 =	simm.s32 $0x1080;
	[sflag:s21] =	ssyncadd.s32 $0xFFFFD800  }
0x40: {  	[spmem:s2] =	stream.indirect.scatter.add.f32 [tilespmem:s15], [sflag:$0x6], $0x80, s11, s12, $0xb8;
	[tilespmem:$0x1F880] =	vst v63  }
0x41: {  	_ =	swait.ge [sflag:s23], $0x2800  }
0x42: {  	[sflag:s23] =	ssyncset.done $0x0  }
0x43: {  	s14 =	simm.s32 $0x1100;
	[sflag:s23] =	ssyncadd.s32 $0xFFFFD800  }
0x44: {  	[spmem:s2] =	stream.indirect.scatter.add.f32 [tilespmem:s17], [sflag:$0x7], $0x80, s14, s12, $0xb8;
	[tilespmem:$0x1F880] =	vst v63  }
0x45: {  	_ =	swait.ge [sflag:s25], $0x2800  }
0x46: {  	[sflag:s25] =	ssyncset.done $0x0  }
0x47: {  	s16 =	simm.s32 $0x1180;
	[sflag:s25] =	ssyncadd.s32 $0xFFFFD800  }
0x48: {  	[spmem:s2] =	stream.indirect.scatter.add.f32 [tilespmem:s19], [sflag:$0x8], $0x80, s16, s12, $0xb8;
	[tilespmem:$0x1F880] =	vst v63  }
0x49: {  	_ =	swait.ge [sflag:s28], $0x2800  }
0x4a: {  	[sflag:s28] =	ssyncset.done $0x0  }
0x4b: {  	s18 =	simm.s32 $0x200;
	[sflag:s28] =	ssyncadd.s32 $0xFFFFD800  }
0x4c: {  	[tilespmem:s13], [sflag:$0x1] =	stream.indirect.gather [hbm4b:s4+s12], $0x80, s18, s12, $0xb8;
	[tilespmem:$0x1F880] =	vst v63  }
0x4d: {  	_ =	swait.ge [sflag:s30], $0x2800  }
0x4e: {  	[sflag:s30] =	ssyncset.done $0x0  }
0x4f: {  	s22 =	simm.s32 $0x280;
	[sflag:s30] =	ssyncadd.s32 $0xFFFFD800  }
0x50: {  	[tilespmem:s15], [sflag:$0x2] =	stream.indirect.gather [hbm4b:s4+s12], $0x80, s22, s12, $0xb8;
	[tilespmem:$0x1F880] =	vst v63  }
0x51: {  	_ =	swait.ge [sflag:s1], $0x2800  }
0x52: {  	[sflag:s1] =	ssyncset.done $0x0  }
0x53: {  	s26 =	simm.s32 $0x300;
	[sflag:s1] =	ssyncadd.s32 $0xFFFFD800  }
0x54: {  	[tilespmem:s17], [sflag:$0x3] =	stream.indirect.gather [hbm4b:s4+s12], $0x80, s26, s12, $0xb8;
	[tilespmem:$0x1F880] =	vst v63  }
0x55: {  	_ =	swait.ge [sflag:s5], $0x2800  }
0x56: {  	[sflag:s5] =	ssyncset.done $0x0  }
0x57: {  	s29 =	simm.s32 $0x380;
	[sflag:s5] =	ssyncadd.s32 $0xFFFFD800  }
0x58: {  	[tilespmem:s19], [sflag:$0x4] =	stream.indirect.gather [hbm4b:s4+s12], $0x80, s29, s12, $0xb8;
	[tilespmem:$0x1F880] =	vst v63  }
0x59: {  	_ =	swait.ge [sflag:s20], $0x2800  }
0x5a: {  	[sflag:s20] =	ssyncset.done $0x0  }
0x5b: {  	s31 =	simm.s32 $0x1200;
	[sflag:s20] =	ssyncadd.s32 $0xFFFFD800  }
0x5c: {  	[spmem:s2] =	stream.indirect.scatter.add.f32 [tilespmem:s13], [sflag:$0x5], $0x80, s31, s12, $0xb8;
	[tilespmem:$0x1F880] =	vst v63  }
0x5d: {  	_ =	swait.ge [sflag:s21], $0x2800  }
0x5e: {  	[sflag:s21] =	ssyncset.done $0x0  }
0x5f: {  	s10 =	simm.s32 $0x1280;
	[sflag:s21] =	ssyncadd.s32 $0xFFFFD800  }
0x60: {  	[spmem:s2] =	stream.indirect.scatter.add.f32 [tilespmem:s15], [sflag:$0x6], $0x80, s10, s12, $0xb8;
	[tilespmem:$0x1F880] =	vst v63  }
0x61: {  	_ =	swait.ge [sflag:s23], $0x2800  }
0x62: {  	[sflag:s23] =	ssyncset.done $0x0  }
0x63: {  	s11 =	simm.s32 $0x1300;
	[sflag:s23] =	ssyncadd.s32 $0xFFFFD800  }
0x64: {  	[spmem:s2] =	stream.indirect.scatter.add.f32 [tilespmem:s17], [sflag:$0x7], $0x80, s11, s12, $0xb8;
	[tilespmem:$0x1F880] =	vst v63  }
0x65: {  	_ =	swait.ge [sflag:s25], $0x2800  }
0x66: {  	[sflag:s25] =	ssyncset.done $0x0  }
0x67: {  	s14 =	simm.s32 $0x1380;
	[sflag:s25] =	ssyncadd.s32 $0xFFFFD800  }
0x68: {  	[spmem:s2] =	stream.indirect.scatter.add.f32 [tilespmem:s19], [sflag:$0x8], $0x80, s14, s12, $0xb8;
	[tilespmem:$0x1F880] =	vst v63  }
0x69: {  	_ =	swait.ge [sflag:s28], $0x2800  }
0x6a: {  	[sflag:s28] =	ssyncset.done $0x0  }
0x6b: {  	s16 =	simm.s32 $0x400;
	[sflag:s28] =	ssyncadd.s32 $0xFFFFD800  }
0x6c: {  	[tilespmem:s13], [sflag:$0x1] =	stream.indirect.gather [hbm4b:s4+s12], $0x80, s16, s12, $0xb8;
	[tilespmem:$0x1F880] =	vst v63  }
0x6d: {  	_ =	swait.ge [sflag:s30], $0x2800  }
0x6e: {  	[sflag:s30] =	ssyncset.done $0x0  }
0x6f: {  	s18 =	simm.s32 $0x480;
	[sflag:s30] =	ssyncadd.s32 $0xFFFFD800  }
0x70: {  	[tilespmem:s15], [sflag:$0x2] =	stream.indirect.gather [hbm4b:s4+s12], $0x80, s18, s12, $0xb8;
	[tilespmem:$0x1F880] =	vst v63  }
0x71: {  	_ =	swait.ge [sflag:s1], $0x2800  }
0x72: {  	[sflag:s1] =	ssyncset.done $0x0  }
0x73: {  	s22 =	simm.s32 $0x500;
	[sflag:s1] =	ssyncadd.s32 $0xFFFFD800  }
0x74: {  	[tilespmem:s17], [sflag:$0x3] =	stream.indirect.gather [hbm4b:s4+s12], $0x80, s22, s12, $0xb8;
	[tilespmem:$0x1F880] =	vst v63  }
0x75: {  	_ =	swait.ge [sflag:s5], $0x2800  }
0x76: {  	[sflag:s5] =	ssyncset.done $0x0  }
0x77: {  	s24 =	simm.s32 $0x580;
	[sflag:s5] =	ssyncadd.s32 $0xFFFFD800  }
0x78: {  	[tilespmem:s19], [sflag:$0x4] =	stream.indirect.gather [hbm4b:s4+s12], $0x80, s24, s12, $0xb8;
	[tilespmem:$0x1F880] =	vst v63  }
0x79: {  	_ =	swait.ge [sflag:s20], $0x2800  }
0x7a: {  	[sflag:s20] =	ssyncset.done $0x0  }
0x7b: {  	s29 =	simm.s32 $0x1400;
	[sflag:s20] =	ssyncadd.s32 $0xFFFFD800  }
0x7c: {  	[spmem:s2] =	stream.indirect.scatter.add.f32 [tilespmem:s13], [sflag:$0x5], $0x80, s29, s12, $0xb8;
	[tilespmem:$0x1F880] =	vst v63  }
0x7d: {  	_ =	swait.ge [sflag:s21], $0x2800  }
0x7e: {  	[sflag:s21] =	ssyncset.done $0x0  }
0x7f: {  	s31 =	simm.s32 $0x1480;
	[sflag:s21] =	ssyncadd.s32 $0xFFFFD800  }
0x80: {  	[spmem:s2] =	stream.indirect.scatter.add.f32 [tilespmem:s15], [sflag:$0x6], $0x80, s31, s12, $0xb8;
	[tilespmem:$0x1F880] =	vst v63  }
0x81: {  	_ =	swait.ge [sflag:s23], $0x2800  }
0x82: {  	[sflag:s23] =	ssyncset.done $0x0  }
0x83: {  	s10 =	simm.s32 $0x1500;
	[sflag:s23] =	ssyncadd.s32 $0xFFFFD800  }
0x84: {  	[spmem:s2] =	stream.indirect.scatter.add.f32 [tilespmem:s17], [sflag:$0x7], $0x80, s10, s12, $0xb8;
	[tilespmem:$0x1F880] =	vst v63  }
0x85: {  	_ =	swait.ge [sflag:s25], $0x2800  }
0x86: {  	[sflag:s25] =	ssyncset.done $0x0  }
0x87: {  	s11 =	simm.s32 $0x1580;
	[sflag:s25] =	ssyncadd.s32 $0xFFFFD800  }
0x88: {  	[spmem:s2] =	stream.indirect.scatter.add.f32 [tilespmem:s19], [sflag:$0x8], $0x80, s11, s12, $0xb8;
	[tilespmem:$0x1F880] =	vst v63  }
0x89: {  	_ =	swait.ge [sflag:s28], $0x2800  }
0x8a: {  	[sflag:s28] =	ssyncset.done $0x0  }
0x8b: {  	s14 =	simm.s32 $0x600;
	[sflag:s28] =	ssyncadd.s32 $0xFFFFD800  }
0x8c: {  	[tilespmem:s13], [sflag:$0x1] =	stream.indirect.gather [hbm4b:s4+s12], $0x80, s14, s12, $0xb8;
	[tilespmem:$0x1F880] =	vst v63  }
0x8d: {  	_ =	swait.ge [sflag:s30], $0x2800  }
0x8e: {  	[sflag:s30] =	ssyncset.done $0x0  }
0x8f: {  	s16 =	simm.s32 $0x680;
	[sflag:s30] =	ssyncadd.s32 $0xFFFFD800  }
0x90: {  	[tilespmem:s15], [sflag:$0x2] =	stream.indirect.gather [hbm4b:s4+s12], $0x80, s16, s12, $0xb8;
	[tilespmem:$0x1F880] =	vst v63  }
0x91: {  	_ =	swait.ge [sflag:s1], $0x2800  }
0x92: {  	[sflag:s1] =	ssyncset.done $0x0  }
0x93: {  	s18 =	simm.s32 $0x700;
	[sflag:s1] =	ssyncadd.s32 $0xFFFFD800  }
0x94: {  	[tilespmem:s17], [sflag:$0x3] =	stream.indirect.gather [hbm4b:s4+s12], $0x80, s18, s12, $0xb8;
	[tilespmem:$0x1F880] =	vst v63  }
0x95: {  	_ =	swait.ge [sflag:s5], $0x2800  }
0x96: {  	[sflag:s5] =	ssyncset.done $0x0  }
0x97: {  	s22 =	simm.s32 $0x780;
	[sflag:s5] =	ssyncadd.s32 $0xFFFFD800  }
0x98: {  	[tilespmem:s19], [sflag:$0x4] =	stream.indirect.gather [hbm4b:s4+s12], $0x80, s22, s12, $0xb8;
	[tilespmem:$0x1F880] =	vst v63  }
0x99: {  	_ =	swait.ge [sflag:s20], $0x2800  }
0x9a: {  	[sflag:s20] =	ssyncset.done $0x0  }
0x9b: {  	s29 =	simm.s32 $0x1600;
	[sflag:s20] =	ssyncadd.s32 $0xFFFFD800  }
0x9c: {  	[spmem:s2] =	stream.indirect.scatter.add.f32 [tilespmem:s13], [sflag:$0x5], $0x80, s29, s12, $0xb8;
	[tilespmem:$0x1F880] =	vst v63  }
0x9d: {  	_ =	swait.ge [sflag:s21], $0x2800  }
0x9e: {  	[sflag:s21] =	ssyncset.done $0x0  }
0x9f: {  	s31 =	simm.s32 $0x1680;
	[sflag:s21] =	ssyncadd.s32 $0xFFFFD800  }
0xa0: {  	[spmem:s2] =	stream.indirect.scatter.add.f32 [tilespmem:s15], [sflag:$0x6], $0x80, s31, s12, $0xb8;
	[tilespmem:$0x1F880] =	vst v63  }
0xa1: {  	_ =	swait.ge [sflag:s23], $0x2800  }
0xa2: {  	[sflag:s23] =	ssyncset.done $0x0  }
0xa3: {  	s10 =	simm.s32 $0x1700;
	[sflag:s23] =	ssyncadd.s32 $0xFFFFD800  }
0xa4: {  	[spmem:s2] =	stream.indirect.scatter.add.f32 [tilespmem:s17], [sflag:$0x7], $0x80, s10, s12, $0xb8;
	[tilespmem:$0x1F880] =	vst v63  }
0xa5: {  	_ =	swait.ge [sflag:s25], $0x2800  }
0xa6: {  	[sflag:s25] =	ssyncset.done $0x0  }
0xa7: {  	s11 =	simm.s32 $0x1780;
	[sflag:s25] =	ssyncadd.s32 $0xFFFFD800  }
0xa8: {  	[spmem:s2] =	stream.indirect.scatter.add.f32 [tilespmem:s19], [sflag:$0x8], $0x80, s11, s12, $0xb8;
	[tilespmem:$0x1F880] =	vst v63  }
0xa9: {  	_ =	swait.ge [sflag:s28], $0x2800  }
0xaa: {  	[sflag:s28] =	ssyncset.done $0x0  }
0xab: {  	s14 =	simm.s32 $0x800;
	[sflag:s28] =	ssyncadd.s32 $0xFFFFD800  }
0xac: {  	[tilespmem:s13], [sflag:$0x1] =	stream.indirect.gather [hbm4b:s4+s12], $0x80, s14, s12, $0xb8;
	[tilespmem:$0x1F880] =	vst v63  }
0xad: {  	_ =	swait.ge [sflag:s30], $0x2800  }
0xae: {  	[sflag:s30] =	ssyncset.done $0x0  }
0xaf: {  	s16 =	simm.s32 $0x880;
	[sflag:s30] =	ssyncadd.s32 $0xFFFFD800  }
0xb0: {  	[tilespmem:s15], [sflag:$0x2] =	stream.indirect.gather [hbm4b:s4+s12], $0x80, s16, s12, $0xb8;
	[tilespmem:$0x1F880] =	vst v63  }
0xb1: {  	_ =	swait.ge [sflag:s1], $0x2800  }
0xb2: {  	[sflag:s1] =	ssyncset.done $0x0  }
0xb3: {  	s18 =	simm.s32 $0x900;
	[sflag:s1] =	ssyncadd.s32 $0xFFFFD800  }
0xb4: {  	[tilespmem:s17], [sflag:$0x3] =	stream.indirect.gather [hbm4b:s4+s12], $0x80, s18, s12, $0xb8;
	[tilespmem:$0x1F880] =	vst v63  }
0xb5: {  	_ =	swait.ge [sflag:s5], $0x2800  }
0xb6: {  	[sflag:s5] =	ssyncset.done $0x0  }
0xb7: {  	s22 =	simm.s32 $0x980;
	[sflag:s5] =	ssyncadd.s32 $0xFFFFD800  }
0xb8: {  	[tilespmem:s19], [sflag:$0x4] =	stream.indirect.gather [hbm4b:s4+s12], $0x80, s22, s12, $0xb8;
	[tilespmem:$0x1F880] =	vst v63  }
0xb9: {  	_ =	swait.ge [sflag:s20], $0x2800  }
0xba: {  	[sflag:s20] =	ssyncset.done $0x0  }
0xbb: {  	s29 =	simm.s32 $0x1800;
	[sflag:s20] =	ssyncadd.s32 $0xFFFFD800  }
0xbc: {  	[spmem:s2] =	stream.indirect.scatter.add.f32 [tilespmem:s13], [sflag:$0x5], $0x80, s29, s12, $0xb8;
	[tilespmem:$0x1F880] =	vst v63  }
0xbd: {  	_ =	swait.ge [sflag:s21], $0x2800  }
0xbe: {  	[sflag:s21] =	ssyncset.done $0x0  }
0xbf: {  	s31 =	simm.s32 $0x1880;
	[sflag:s21] =	ssyncadd.s32 $0xFFFFD800  }
0xc0: {  	[spmem:s2] =	stream.indirect.scatter.add.f32 [tilespmem:s15], [sflag:$0x6], $0x80, s31, s12, $0xb8;
	[tilespmem:$0x1F880] =	vst v63  }
0xc1: {  	_ =	swait.ge [sflag:s23], $0x2800  }
0xc2: {  	[sflag:s23] =	ssyncset.done $0x0  }
0xc3: {  	s10 =	simm.s32 $0x1900;
	[sflag:s23] =	ssyncadd.s32 $0xFFFFD800  }
0xc4: {  	[spmem:s2] =	stream.indirect.scatter.add.f32 [tilespmem:s17], [sflag:$0x7], $0x80, s10, s12, $0xb8;
	[tilespmem:$0x1F880] =	vst v63  }
0xc5: {  	_ =	swait.ge [sflag:s25], $0x2800  }
0xc6: {  	[sflag:s25] =	ssyncset.done $0x0  }
0xc7: {  	s11 =	simm.s32 $0x1980;
	[sflag:s25] =	ssyncadd.s32 $0xFFFFD800  }
0xc8: {  	[spmem:s2] =	stream.indirect.scatter.add.f32 [tilespmem:s19], [sflag:$0x8], $0x80, s11, s12, $0xb8;
	[tilespmem:$0x1F880] =	vst v63  }
0xc9: {  	_ =	swait.ge [sflag:s28], $0x2800  }
0xca: {  	[sflag:s28] =	ssyncset.done $0x0  }
0xcb: {  	s14 =	simm.s32 $0xA00;
	[sflag:s28] =	ssyncadd.s32 $0xFFFFD800  }
0xcc: {  	[tilespmem:s13], [sflag:$0x1] =	stream.indirect.gather [hbm4b:s4+s12], $0x80, s14, s12, $0xb8;
	[tilespmem:$0x1F880] =	vst v63  }
0xcd: {  	_ =	swait.ge [sflag:s30], $0x2800  }
0xce: {  	[sflag:s30] =	ssyncset.done $0x0  }
0xcf: {  	s16 =	simm.s32 $0xA80;
	[sflag:s30] =	ssyncadd.s32 $0xFFFFD800  }
0xd0: {  	[tilespmem:s15], [sflag:$0x2] =	stream.indirect.gather [hbm4b:s4+s12], $0x80, s16, s12, $0xb8;
	[tilespmem:$0x1F880] =	vst v63  }
0xd1: {  	_ =	swait.ge [sflag:s1], $0x2800  }
0xd2: {  	[sflag:s1] =	ssyncset.done $0x0  }
0xd3: {  	s18 =	simm.s32 $0xB00;
	[sflag:s1] =	ssyncadd.s32 $0xFFFFD800  }
0xd4: {  	[tilespmem:s17], [sflag:$0x3] =	stream.indirect.gather [hbm4b:s4+s12], $0x80, s18, s12, $0xb8;
	[tilespmem:$0x1F880] =	vst v63  }
0xd5: {  	_ =	swait.ge [sflag:s5], $0x2800  }
0xd6: {  	[sflag:s5] =	ssyncset.done $0x0  }
0xd7: {  	s22 =	simm.s32 $0xB80;
	[sflag:s5] =	ssyncadd.s32 $0xFFFFD800  }
0xd8: {  	[tilespmem:s19], [sflag:$0x4] =	stream.indirect.gather [hbm4b:s4+s12], $0x80, s22, s12, $0xb8;
	[tilespmem:$0x1F880] =	vst v63  }
0xd9: {  	_ =	swait.ge [sflag:s20], $0x2800  }
0xda: {  	[sflag:s20] =	ssyncset.done $0x0  }
0xdb: {  	s29 =	simm.s32 $0x1A00;
	[sflag:s20] =	ssyncadd.s32 $0xFFFFD800  }
0xdc: {  	[spmem:s2] =	stream.indirect.scatter.add.f32 [tilespmem:s13], [sflag:$0x5], $0x80, s29, s12, $0xb8;
	[tilespmem:$0x1F880] =	vst v63  }
0xdd: {  	_ =	swait.ge [sflag:s21], $0x2800  }
0xde: {  	[sflag:s21] =	ssyncset.done $0x0  }
0xdf: {  	s31 =	simm.s32 $0x1A80;
	[sflag:s21] =	ssyncadd.s32 $0xFFFFD800  }
0xe0: {  	[spmem:s2] =	stream.indirect.scatter.add.f32 [tilespmem:s15], [sflag:$0x6], $0x80, s31, s12, $0xb8;
	[tilespmem:$0x1F880] =	vst v63  }
0xe1: {  	_ =	swait.ge [sflag:s23], $0x2800  }
0xe2: {  	[sflag:s23] =	ssyncset.done $0x0  }
0xe3: {  	s10 =	simm.s32 $0x1B00;
	[sflag:s23] =	ssyncadd.s32 $0xFFFFD800  }
0xe4: {  	[spmem:s2] =	stream.indirect.scatter.add.f32 [tilespmem:s17], [sflag:$0x7], $0x80, s10, s12, $0xb8;
	[tilespmem:$0x1F880] =	vst v63  }
0xe5: {  	_ =	swait.ge [sflag:s25], $0x2800  }
0xe6: {  	[sflag:s25] =	ssyncset.done $0x0  }
0xe7: {  	s11 =	simm.s32 $0x1B80;
	[sflag:s25] =	ssyncadd.s32 $0xFFFFD800  }
0xe8: {  	[spmem:s2] =	stream.indirect.scatter.add.f32 [tilespmem:s19], [sflag:$0x8], $0x80, s11, s12, $0xb8;
	[tilespmem:$0x1F880] =	vst v63  }
0xe9: {  	_ =	swait.ge [sflag:s28], $0x2800  }
0xea: {  	[sflag:s28] =	ssyncset.done $0x0  }
0xeb: {  	s14 =	simm.s32 $0xC00;
	[sflag:s28] =	ssyncadd.s32 $0xFFFFD800  }
0xec: {  	[tilespmem:s13], [sflag:$0x1] =	stream.indirect.gather [hbm4b:s4+s12], $0x80, s14, s12, $0xb8;
	[tilespmem:$0x1F880] =	vst v63  }
0xed: {  	_ =	swait.ge [sflag:s20], $0x2800  }
0xee: {  	[sflag:s20] =	ssyncset.done $0x0  }
0xef: {  	s16 =	simm.s32 $0x1C00;
	[sflag:s20] =	ssyncadd.s32 $0xFFFFD800  }
0xf0: {  	[spmem:s2] =	stream.indirect.scatter.add.f32 [tilespmem:s13], [sflag:$0x5], $0x80, s16, s12, $0xb8;
	[tilespmem:$0x1F880] =	vst v63  }
0xf1: {  	_ =	swait.ge [sflag:s28], $0x2800  }
0xf2: {  	[sflag:s28] =	ssyncset.done $0x0  }
0xf3: {  	[sflag:s28] =	ssyncadd.s32 $0xFFFFD800  }
0xf4: {  	_ =	swait.ge [sflag:s30], $0x2800  }
0xf5: {  	[sflag:s30] =	ssyncset.done $0x0  }
0xf6: {  	[sflag:s30] =	ssyncadd.s32 $0xFFFFD800  }
0xf7: {  	_ =	swait.ge [sflag:s1], $0x2800  }
0xf8: {  	[sflag:s1] =	ssyncset.done $0x0  }
0xf9: {  	[sflag:s1] =	ssyncadd.s32 $0xFFFFD800  }
0xfa: {  	_ =	swait.ge [sflag:s5], $0x2800  }
0xfb: {  	[sflag:s5] =	ssyncset.done $0x0  }
0xfc: {  	s18 =	rddreg [dreg:$0x6];
	[sflag:s5] =	ssyncadd.s32 $0xFFFFD800  }
0xfd: {  	[tilespmem:s3], [sflag:$0x9] =	stream.linear.gather [hbm4b:s18+s3], $0xC80, $0x38;
	[tilespmem:$0x1F880] =	vst v63  }
0xfe: {  	_ =	swait.ge [sflag:s9], $0xC80  }
0xff: {  	[sflag:s9] =	ssyncset.done $0x0  }
0x100: {  	s22 =	rddreg [dreg:$0x7];
	[sflag:s9] =	ssyncadd.s32 $0xFFFFF380  }
0x101: {  	[tilespmem:s0], [sflag:$0x9] =	stream.linear.gather [hbm4b:s22+s3], $0xC80, $0x38;
	[tilespmem:$0x1F880] =	vst v63  }
0x102: {  	_ =	swait.ge [sflag:s9], $0xC80  }
0x103: {  	[sflag:s9] =	ssyncset.done $0x0  }
0x104: {  	[sflag:s9] =	ssyncadd.s32 $0xFFFFF380  }
0x105: {  	[tilespmem:s13], [sflag:$0x1] =	stream.indirect.gather [hbm4b:s4+s12], $0x80, s3, s12, $0xb8;
	[tilespmem:$0x1F880] =	vst v63  }
0x106: {  	s8 =	simm.s32 $0x80  }
0x107: {  	[tilespmem:s15], [sflag:$0x2] =	stream.indirect.gather [hbm4b:s4+s12], $0x80, s8, s12, $0xb8;
	[tilespmem:$0x1F880] =	vst v63  }
0x108: {  	s8 =	simm.s32 $0x100  }
0x109: {  	[tilespmem:s17], [sflag:$0x3] =	stream.indirect.gather [hbm4b:s4+s12], $0x80, s8, s12, $0xb8;
	[tilespmem:$0x1F880] =	vst v63  }
0x10a: {  	s10 =	simm.s32 $0x180  }
0x10b: {  	[tilespmem:s19], [sflag:$0x4] =	stream.indirect.gather [hbm4b:s4+s12], $0x80, s10, s12, $0xb8;
	[tilespmem:$0x1F880] =	vst v63  }
0x10c: {  	_ =	swait.ge [sflag:s20], $0x2800  }
0x10d: {  	[sflag:s20] =	ssyncset.done $0x0  }
0x10e: {  	[sflag:s20] =	ssyncadd.s32 $0xFFFFD800  }
0x10f: {  	[spmem:s2] =	stream.indirect.scatter.add.f32 [tilespmem:s13], [sflag:$0x5], $0x80, s0, s12, $0xb8;
	[tilespmem:$0x1F880] =	vst v63  }
0x110: {  	_ =	swait.ge [sflag:s21], $0x2800  }
0x111: {  	[sflag:s21] =	ssyncset.done $0x0  }
0x112: {  	s14 =	simm.s32 $0x1080;
	[sflag:s21] =	ssyncadd.s32 $0xFFFFD800  }
0x113: {  	[spmem:s2] =	stream.indirect.scatter.add.f32 [tilespmem:s15], [sflag:$0x6], $0x80, s14, s12, $0xb8;
	[tilespmem:$0x1F880] =	vst v63  }
0x114: {  	_ =	swait.ge [sflag:s23], $0x2800  }
0x115: {  	[sflag:s23] =	ssyncset.done $0x0  }
0x116: {  	s16 =	simm.s32 $0x1100;
	[sflag:s23] =	ssyncadd.s32 $0xFFFFD800  }
0x117: {  	[spmem:s2] =	stream.indirect.scatter.add.f32 [tilespmem:s17], [sflag:$0x7], $0x80, s16, s12, $0xb8;
	[tilespmem:$0x1F880] =	vst v63  }
0x118: {  	_ =	swait.ge [sflag:s25], $0x2800  }
0x119: {  	[sflag:s25] =	ssyncset.done $0x0  }
0x11a: {  	s18 =	simm.s32 $0x1180;
	[sflag:s25] =	ssyncadd.s32 $0xFFFFD800  }
0x11b: {  	[spmem:s2] =	stream.indirect.scatter.add.f32 [tilespmem:s19], [sflag:$0x8], $0x80, s18, s12, $0xb8;
	[tilespmem:$0x1F880] =	vst v63  }
0x11c: {  	_ =	swait.ge [sflag:s28], $0x2800  }
0x11d: {  	[sflag:s28] =	ssyncset.done $0x0  }
0x11e: {  	s22 =	simm.s32 $0x200;
	[sflag:s28] =	ssyncadd.s32 $0xFFFFD800  }
0x11f: {  	[tilespmem:s13], [sflag:$0x1] =	stream.indirect.gather [hbm4b:s4+s12], $0x80, s22, s12, $0xb8;
	[tilespmem:$0x1F880] =	vst v63  }
0x120: {  	_ =	swait.ge [sflag:s30], $0x2800  }
0x121: {  	[sflag:s30] =	ssyncset.done $0x0  }
0x122: {  	s11 =	simm.s32 $0x280;
	[sflag:s30] =	ssyncadd.s32 $0xFFFFD800  }
0x123: {  	[tilespmem:s15], [sflag:$0x2] =	stream.indirect.gather [hbm4b:s4+s12], $0x80, s11, s12, $0xb8;
	[tilespmem:$0x1F880] =	vst v63  }
0x124: {  	_ =	swait.ge [sflag:s1], $0x2800  }
0x125: {  	[sflag:s1] =	ssyncset.done $0x0  }
0x126: {  	s29 =	simm.s32 $0x300;
	[sflag:s1] =	ssyncadd.s32 $0xFFFFD800  }
0x127: {  	[tilespmem:s17], [sflag:$0x3] =	stream.indirect.gather [hbm4b:s4+s12], $0x80, s29, s12, $0xb8;
	[tilespmem:$0x1F880] =	vst v63  }
0x128: {  	_ =	swait.ge [sflag:s5], $0x2800  }
0x129: {  	[sflag:s5] =	ssyncset.done $0x0  }
0x12a: {  	s31 =	simm.s32 $0x380;
	[sflag:s5] =	ssyncadd.s32 $0xFFFFD800  }
0x12b: {  	[tilespmem:s19], [sflag:$0x4] =	stream.indirect.gather [hbm4b:s4+s12], $0x80, s31, s12, $0xb8;
	[tilespmem:$0x1F880] =	vst v63  }
0x12c: {  	_ =	swait.ge [sflag:s20], $0x2800  }
0x12d: {  	[sflag:s20] =	ssyncset.done $0x0  }
0x12e: {  	s26 =	simm.s32 $0x1200;
	[sflag:s20] =	ssyncadd.s32 $0xFFFFD800  }
0x12f: {  	[spmem:s2] =	stream.indirect.scatter.add.f32 [tilespmem:s13], [sflag:$0x5], $0x80, s26, s12, $0xb8;
	[tilespmem:$0x1F880] =	vst v63  }
0x130: {  	_ =	swait.ge [sflag:s21], $0x2800  }
0x131: {  	[sflag:s21] =	ssyncset.done $0x0  }
0x132: {  	s6 =	simm.s32 $0x1280;
	[sflag:s21] =	ssyncadd.s32 $0xFFFFD800  }
0x133: {  	[spmem:s2] =	stream.indirect.scatter.add.f32 [tilespmem:s15], [sflag:$0x6], $0x80, s6, s12, $0xb8;
	[tilespmem:$0x1F880] =	vst v63  }
0x134: {  	_ =	swait.ge [sflag:s23], $0x2800  }
0x135: {  	[sflag:s23] =	ssyncset.done $0x0  }
0x136: {  	s26 =	simm.s32 $0x1300;
	[sflag:s23] =	ssyncadd.s32 $0xFFFFD800  }
0x137: {  	[spmem:s2] =	stream.indirect.scatter.add.f32 [tilespmem:s17], [sflag:$0x7], $0x80, s26, s12, $0xb8;
	[tilespmem:$0x1F880] =	vst v63  }
0x138: {  	_ =	swait.ge [sflag:s25], $0x2800  }
0x139: {  	[sflag:s25] =	ssyncset.done $0x0  }
0x13a: {  	s26 =	simm.s32 $0x1380;
	[sflag:s25] =	ssyncadd.s32 $0xFFFFD800  }
0x13b: {  	[spmem:s2] =	stream.indirect.scatter.add.f32 [tilespmem:s19], [sflag:$0x8], $0x80, s26, s12, $0xb8;
	[tilespmem:$0x1F880] =	vst v63  }
0x13c: {  	_ =	swait.ge [sflag:s28], $0x2800  }
0x13d: {  	[sflag:s28] =	ssyncset.done $0x0  }
0x13e: {  	s26 =	simm.s32 $0x400;
	[sflag:s28] =	ssyncadd.s32 $0xFFFFD800  }
0x13f: {  	[tilespmem:s13], [sflag:$0x1] =	stream.indirect.gather [hbm4b:s4+s12], $0x80, s26, s12, $0xb8;
	[tilespmem:$0x1F880] =	vst v63  }
0x140: {  	_ =	swait.ge [sflag:s30], $0x2800  }
0x141: {  	[sflag:s30] =	ssyncset.done $0x0  }
0x142: {  	s26 =	simm.s32 $0x480;
	[sflag:s30] =	ssyncadd.s32 $0xFFFFD800  }
0x143: {  	[tilespmem:s15], [sflag:$0x2] =	stream.indirect.gather [hbm4b:s4+s12], $0x80, s26, s12, $0xb8;
	[tilespmem:$0x1F880] =	vst v63  }
0x144: {  	_ =	swait.ge [sflag:s1], $0x2800  }
0x145: {  	[sflag:s1] =	ssyncset.done $0x0  }
0x146: {  	s26 =	simm.s32 $0x500;
	[sflag:s1] =	ssyncadd.s32 $0xFFFFD800  }
0x147: {  	[tilespmem:s17], [sflag:$0x3] =	stream.indirect.gather [hbm4b:s4+s12], $0x80, s26, s12, $0xb8;
	[tilespmem:$0x1F880] =	vst v63  }
0x148: {  	_ =	swait.ge [sflag:s5], $0x2800  }
0x149: {  	[sflag:s5] =	ssyncset.done $0x0  }
0x14a: {  	s24 =	simm.s32 $0x580;
	[sflag:s5] =	ssyncadd.s32 $0xFFFFD800  }
0x14b: {  	[tilespmem:s19], [sflag:$0x4] =	stream.indirect.gather [hbm4b:s4+s12], $0x80, s24, s12, $0xb8;
	[tilespmem:$0x1F880] =	vst v63  }
0x14c: {  	_ =	swait.ge [sflag:s20], $0x2800  }
0x14d: {  	[sflag:s20] =	ssyncset.done $0x0  }
0x14e: {  	s26 =	simm.s32 $0x1400;
	[sflag:s20] =	ssyncadd.s32 $0xFFFFD800  }
0x14f: {  	[spmem:s2] =	stream.indirect.scatter.add.f32 [tilespmem:s13], [sflag:$0x5], $0x80, s26, s12, $0xb8;
	[tilespmem:$0x1F880] =	vst v63  }
0x150: {  	_ =	swait.ge [sflag:s21], $0x2800  }
0x151: {  	[sflag:s21] =	ssyncset.done $0x0  }
0x152: {  	s26 =	simm.s32 $0x1480;
	[sflag:s21] =	ssyncadd.s32 $0xFFFFD800  }
0x153: {  	[spmem:s2] =	stream.indirect.scatter.add.f32 [tilespmem:s15], [sflag:$0x6], $0x80, s26, s12, $0xb8;
	[tilespmem:$0x1F880] =	vst v63  }
0x154: {  	_ =	swait.ge [sflag:s23], $0x2800  }
0x155: {  	[sflag:s23] =	ssyncset.done $0x0  }
0x156: {  	s26 =	simm.s32 $0x1500;
	[sflag:s23] =	ssyncadd.s32 $0xFFFFD800  }
0x157: {  	[spmem:s2] =	stream.indirect.scatter.add.f32 [tilespmem:s17], [sflag:$0x7], $0x80, s26, s12, $0xb8;
	[tilespmem:$0x1F880] =	vst v63  }
0x158: {  	_ =	swait.ge [sflag:s25], $0x2800  }
0x159: {  	[sflag:s25] =	ssyncset.done $0x0  }
0x15a: {  	s26 =	simm.s32 $0x1580;
	[sflag:s25] =	ssyncadd.s32 $0xFFFFD800  }
0x15b: {  	[spmem:s2] =	stream.indirect.scatter.add.f32 [tilespmem:s19], [sflag:$0x8], $0x80, s26, s12, $0xb8;
	[tilespmem:$0x1F880] =	vst v63  }
0x15c: {  	_ =	swait.ge [sflag:s28], $0x2800  }
0x15d: {  	[sflag:s28] =	ssyncset.done $0x0  }
0x15e: {  	s26 =	simm.s32 $0x600;
	[sflag:s28] =	ssyncadd.s32 $0xFFFFD800  }
0x15f: {  	[tilespmem:s13], [sflag:$0x1] =	stream.indirect.gather [hbm4b:s4+s12], $0x80, s26, s12, $0xb8;
	[tilespmem:$0x1F880] =	vst v63  }
0x160: {  	_ =	swait.ge [sflag:s30], $0x2800  }
0x161: {  	[sflag:s30] =	ssyncset.done $0x0  }
0x162: {  	s26 =	simm.s32 $0x680;
	[sflag:s30] =	ssyncadd.s32 $0xFFFFD800  }
0x163: {  	[tilespmem:s15], [sflag:$0x2] =	stream.indirect.gather [hbm4b:s4+s12], $0x80, s26, s12, $0xb8;
	[tilespmem:$0x1F880] =	vst v63  }
0x164: {  	_ =	swait.ge [sflag:s1], $0x2800  }
0x165: {  	[sflag:s1] =	ssyncset.done $0x0  }
0x166: {  	s26 =	simm.s32 $0x700;
	[sflag:s1] =	ssyncadd.s32 $0xFFFFD800  }
0x167: {  	[tilespmem:s17], [sflag:$0x3] =	stream.indirect.gather [hbm4b:s4+s12], $0x80, s26, s12, $0xb8;
	[tilespmem:$0x1F880] =	vst v63  }
0x168: {  	_ =	swait.ge [sflag:s5], $0x2800  }
0x169: {  	[sflag:s5] =	ssyncset.done $0x0  }
0x16a: {  	s26 =	simm.s32 $0x780;
	[sflag:s5] =	ssyncadd.s32 $0xFFFFD800  }
0x16b: {  	[tilespmem:s19], [sflag:$0x4] =	stream.indirect.gather [hbm4b:s4+s12], $0x80, s26, s12, $0xb8;
	[tilespmem:$0x1F880] =	vst v63  }
0x16c: {  	_ =	swait.ge [sflag:s20], $0x2800  }
0x16d: {  	[sflag:s20] =	ssyncset.done $0x0  }
0x16e: {  	s26 =	simm.s32 $0x1600;
	[sflag:s20] =	ssyncadd.s32 $0xFFFFD800  }
0x16f: {  	[spmem:s2] =	stream.indirect.scatter.add.f32 [tilespmem:s13], [sflag:$0x5], $0x80, s26, s12, $0xb8;
	[tilespmem:$0x1F880] =	vst v63  }
0x170: {  	_ =	swait.ge [sflag:s21], $0x2800  }
0x171: {  	[sflag:s21] =	ssyncset.done $0x0  }
0x172: {  	s26 =	simm.s32 $0x1680;
	[sflag:s21] =	ssyncadd.s32 $0xFFFFD800  }
0x173: {  	[spmem:s2] =	stream.indirect.scatter.add.f32 [tilespmem:s15], [sflag:$0x6], $0x80, s26, s12, $0xb8;
	[tilespmem:$0x1F880] =	vst v63  }
0x174: {  	_ =	swait.ge [sflag:s23], $0x2800  }
0x175: {  	[sflag:s23] =	ssyncset.done $0x0  }
0x176: {  	s26 =	simm.s32 $0x1700;
	[sflag:s23] =	ssyncadd.s32 $0xFFFFD800  }
0x177: {  	[spmem:s2] =	stream.indirect.scatter.add.f32 [tilespmem:s17], [sflag:$0x7], $0x80, s26, s12, $0xb8;
	[tilespmem:$0x1F880] =	vst v63  }
0x178: {  	_ =	swait.ge [sflag:s25], $0x2800  }
0x179: {  	[sflag:s25] =	ssyncset.done $0x0  }
0x17a: {  	s26 =	simm.s32 $0x1780;
	[sflag:s25] =	ssyncadd.s32 $0xFFFFD800  }
0x17b: {  	[spmem:s2] =	stream.indirect.scatter.add.f32 [tilespmem:s19], [sflag:$0x8], $0x80, s26, s12, $0xb8;
	[tilespmem:$0x1F880] =	vst v63  }
0x17c: {  	_ =	swait.ge [sflag:s28], $0x2800  }
0x17d: {  	[sflag:s28] =	ssyncset.done $0x0  }
0x17e: {  	s26 =	simm.s32 $0x800;
	[sflag:s28] =	ssyncadd.s32 $0xFFFFD800  }
0x17f: {  	[tilespmem:s13], [sflag:$0x1] =	stream.indirect.gather [hbm4b:s4+s12], $0x80, s26, s12, $0xb8;
	[tilespmem:$0x1F880] =	vst v63  }
0x180: {  	_ =	swait.ge [sflag:s30], $0x2800  }
0x181: {  	[sflag:s30] =	ssyncset.done $0x0  }
0x182: {  	s26 =	simm.s32 $0x880;
	[sflag:s30] =	ssyncadd.s32 $0xFFFFD800  }
0x183: {  	[tilespmem:s15], [sflag:$0x2] =	stream.indirect.gather [hbm4b:s4+s12], $0x80, s26, s12, $0xb8;
	[tilespmem:$0x1F880] =	vst v63  }
0x184: {  	_ =	swait.ge [sflag:s1], $0x2800  }
0x185: {  	[sflag:s1] =	ssyncset.done $0x0  }
0x186: {  	s26 =	simm.s32 $0x900;
	[sflag:s1] =	ssyncadd.s32 $0xFFFFD800  }
0x187: {  	[tilespmem:s17], [sflag:$0x3] =	stream.indirect.gather [hbm4b:s4+s12], $0x80, s26, s12, $0xb8;
	[tilespmem:$0x1F880] =	vst v63  }
0x188: {  	_ =	swait.ge [sflag:s5], $0x2800  }
0x189: {  	[sflag:s5] =	ssyncset.done $0x0  }
0x18a: {  	s26 =	simm.s32 $0x980;
	[sflag:s5] =	ssyncadd.s32 $0xFFFFD800  }
0x18b: {  	[tilespmem:s19], [sflag:$0x4] =	stream.indirect.gather [hbm4b:s4+s12], $0x80, s26, s12, $0xb8;
	[tilespmem:$0x1F880] =	vst v63  }
0x18c: {  	_ =	swait.ge [sflag:s20], $0x2800  }
0x18d: {  	[sflag:s20] =	ssyncset.done $0x0  }
0x18e: {  	s26 =	simm.s32 $0x1800;
	[sflag:s20] =	ssyncadd.s32 $0xFFFFD800  }
0x18f: {  	[spmem:s2] =	stream.indirect.scatter.add.f32 [tilespmem:s13], [sflag:$0x5], $0x80, s26, s12, $0xb8;
	[tilespmem:$0x1F880] =	vst v63  }
0x190: {  	_ =	swait.ge [sflag:s21], $0x2800  }
0x191: {  	[sflag:s21] =	ssyncset.done $0x0  }
0x192: {  	s26 =	simm.s32 $0x1880;
	[sflag:s21] =	ssyncadd.s32 $0xFFFFD800  }
0x193: {  	[spmem:s2] =	stream.indirect.scatter.add.f32 [tilespmem:s15], [sflag:$0x6], $0x80, s26, s12, $0xb8;
	[tilespmem:$0x1F880] =	vst v63  }
0x194: {  	_ =	swait.ge [sflag:s23], $0x2800  }
0x195: {  	[sflag:s23] =	ssyncset.done $0x0  }
0x196: {  	s26 =	simm.s32 $0x1900;
	[sflag:s23] =	ssyncadd.s32 $0xFFFFD800  }
0x197: {  	[spmem:s2] =	stream.indirect.scatter.add.f32 [tilespmem:s17], [sflag:$0x7], $0x80, s26, s12, $0xb8;
	[tilespmem:$0x1F880] =	vst v63  }
0x198: {  	_ =	swait.ge [sflag:s25], $0x2800  }
0x199: {  	[sflag:s25] =	ssyncset.done $0x0  }
0x19a: {  	s26 =	simm.s32 $0x1980;
	[sflag:s25] =	ssyncadd.s32 $0xFFFFD800  }
0x19b: {  	[spmem:s2] =	stream.indirect.scatter.add.f32 [tilespmem:s19], [sflag:$0x8], $0x80, s26, s12, $0xb8;
	[tilespmem:$0x1F880] =	vst v63  }
0x19c: {  	_ =	swait.ge [sflag:s28], $0x2800  }
0x19d: {  	[sflag:s28] =	ssyncset.done $0x0  }
0x19e: {  	s26 =	simm.s32 $0xA00;
	[sflag:s28] =	ssyncadd.s32 $0xFFFFD800  }
0x19f: {  	[tilespmem:s13], [sflag:$0x1] =	stream.indirect.gather [hbm4b:s4+s12], $0x80, s26, s12, $0xb8;
	[tilespmem:$0x1F880] =	vst v63  }
0x1a0: {  	_ =	swait.ge [sflag:s30], $0x2800  }
0x1a1: {  	[sflag:s30] =	ssyncset.done $0x0  }
0x1a2: {  	s26 =	simm.s32 $0xA80;
	[sflag:s30] =	ssyncadd.s32 $0xFFFFD800  }
0x1a3: {  	[tilespmem:s15], [sflag:$0x2] =	stream.indirect.gather [hbm4b:s4+s12], $0x80, s26, s12, $0xb8;
	[tilespmem:$0x1F880] =	vst v63  }
0x1a4: {  	_ =	swait.ge [sflag:s1], $0x2800  }
0x1a5: {  	[sflag:s1] =	ssyncset.done $0x0  }
0x1a6: {  	s26 =	simm.s32 $0xB00;
	[sflag:s1] =	ssyncadd.s32 $0xFFFFD800  }
0x1a7: {  	[tilespmem:s17], [sflag:$0x3] =	stream.indirect.gather [hbm4b:s4+s12], $0x80, s26, s12, $0xb8;
	[tilespmem:$0x1F880] =	vst v63  }
0x1a8: {  	_ =	swait.ge [sflag:s5], $0x2800  }
0x1a9: {  	[sflag:s5] =	ssyncset.done $0x0  }
0x1aa: {  	s26 =	simm.s32 $0xB80;
	[sflag:s5] =	ssyncadd.s32 $0xFFFFD800  }
0x1ab: {  	[tilespmem:s19], [sflag:$0x4] =	stream.indirect.gather [hbm4b:s4+s12], $0x80, s26, s12, $0xb8;
	[tilespmem:$0x1F880] =	vst v63  }
0x1ac: {  	_ =	swait.ge [sflag:s20], $0x2800  }
0x1ad: {  	[sflag:s20] =	ssyncset.done $0x0  }
0x1ae: {  	s26 =	simm.s32 $0x1A00;
	[sflag:s20] =	ssyncadd.s32 $0xFFFFD800  }
0x1af: {  	[spmem:s2] =	stream.indirect.scatter.add.f32 [tilespmem:s13], [sflag:$0x5], $0x80, s26, s12, $0xb8;
	[tilespmem:$0x1F880] =	vst v63  }
0x1b0: {  	_ =	swait.ge [sflag:s21], $0x2800  }
0x1b1: {  	[sflag:s21] =	ssyncset.done $0x0  }
0x1b2: {  	s26 =	simm.s32 $0x1A80;
	[sflag:s21] =	ssyncadd.s32 $0xFFFFD800  }
0x1b3: {  	[spmem:s2] =	stream.indirect.scatter.add.f32 [tilespmem:s15], [sflag:$0x6], $0x80, s26, s12, $0xb8;
	[tilespmem:$0x1F880] =	vst v63  }
0x1b4: {  	_ =	swait.ge [sflag:s23], $0x2800  }
0x1b5: {  	[sflag:s23] =	ssyncset.done $0x0  }
0x1b6: {  	s26 =	simm.s32 $0x1B00;
	[sflag:s23] =	ssyncadd.s32 $0xFFFFD800  }
0x1b7: {  	[spmem:s2] =	stream.indirect.scatter.add.f32 [tilespmem:s17], [sflag:$0x7], $0x80, s26, s12, $0xb8;
	[tilespmem:$0x1F880] =	vst v63  }
0x1b8: {  	_ =	swait.ge [sflag:s25], $0x2800  }
0x1b9: {  	[sflag:s25] =	ssyncset.done $0x0  }
0x1ba: {  	s26 =	simm.s32 $0x1B80;
	[sflag:s25] =	ssyncadd.s32 $0xFFFFD800  }
0x1bb: {  	[spmem:s2] =	stream.indirect.scatter.add.f32 [tilespmem:s19], [sflag:$0x8], $0x80, s26, s12, $0xb8;
	[tilespmem:$0x1F880] =	vst v63  }
0x1bc: {  	_ =	swait.ge [sflag:s28], $0x2800  }
0x1bd: {  	[sflag:s28] =	ssyncset.done $0x0  }
0x1be: {  	s26 =	simm.s32 $0xC00;
	[sflag:s28] =	ssyncadd.s32 $0xFFFFD800  }
0x1bf: {  	[tilespmem:s13], [sflag:$0x1] =	stream.indirect.gather [hbm4b:s4+s12], $0x80, s26, s12, $0xb8;
	[tilespmem:$0x1F880] =	vst v63  }
0x1c0: {  	_ =	swait.ge [sflag:s20], $0x2800  }
0x1c1: {  	[sflag:s20] =	ssyncset.done $0x0  }
0x1c2: {  	s26 =	simm.s32 $0x1C00;
	[sflag:s20] =	ssyncadd.s32 $0xFFFFD800  }
0x1c3: {  	[spmem:s2] =	stream.indirect.scatter.add.f32 [tilespmem:s13], [sflag:$0x5], $0x80, s26, s12, $0xb8;
	[tilespmem:$0x1F880] =	vst v63  }
0x1c4: {  	_ =	swait.ge [sflag:s28], $0x2800  }
0x1c5: {  	[sflag:s28] =	ssyncset.done $0x0  }
0x1c6: {  	[sflag:s28] =	ssyncadd.s32 $0xFFFFD800  }
0x1c7: {  	_ =	swait.ge [sflag:s30], $0x2800  }
0x1c8: {  	[sflag:s30] =	ssyncset.done $0x0  }
0x1c9: {  	[sflag:s30] =	ssyncadd.s32 $0xFFFFD800  }
0x1ca: {  	_ =	swait.ge [sflag:s1], $0x2800  }
0x1cb: {  	[sflag:s1] =	ssyncset.done $0x0  }
0x1cc: {  	[sflag:s1] =	ssyncadd.s32 $0xFFFFD800  }
0x1cd: {  	_ =	swait.ge [sflag:s5], $0x2800  }
0x1ce: {  	[sflag:s5] =	ssyncset.done $0x0  }
0x1cf: {  	s26 =	rddreg [dreg:$0x8];
	[sflag:s5] =	ssyncadd.s32 $0xFFFFD800  }
0x1d0: {  	[tilespmem:s3], [sflag:$0x9] =	stream.linear.gather [hbm4b:s26+s3], $0xC80, $0x38;
	[tilespmem:$0x1F880] =	vst v63  }
0x1d1: {  	_ =	swait.ge [sflag:s9], $0xC80  }
0x1d2: {  	[sflag:s9] =	ssyncset.done $0x0  }
0x1d3: {  	s26 =	rddreg [dreg:$0x9];
	[sflag:s9] =	ssyncadd.s32 $0xFFFFF380  }
0x1d4: {  	[tilespmem:s0], [sflag:$0x9] =	stream.linear.gather [hbm4b:s26+s3], $0xC80, $0x38;
	[tilespmem:$0x1F880] =	vst v63  }
0x1d5: {  	_ =	swait.ge [sflag:s9], $0xC80  }
0x1d6: {  	[sflag:s9] =	ssyncset.done $0x0  }
0x1d7: {  	[sflag:s9] =	ssyncadd.s32 $0xFFFFF380  }
0x1d8: {  	[tilespmem:s13], [sflag:$0x1] =	stream.indirect.gather [hbm4b:s4+s12], $0x80, s3, s12, $0xb8;
	[tilespmem:$0x1F880] =	vst v63  }
0x1d9: {  	s26 =	simm.s32 $0x80  }
0x1da: {  	[tilespmem:s15], [sflag:$0x2] =	stream.indirect.gather [hbm4b:s4+s12], $0x80, s26, s12, $0xb8;
	[tilespmem:$0x1F880] =	vst v63  }
0x1db: {  	_ = 	snop  }
0x1dc: {  	[tilespmem:s17], [sflag:$0x3] =	stream.indirect.gather [hbm4b:s4+s12], $0x80, s8, s12, $0xb8;
	[tilespmem:$0x1F880] =	vst v63  }
0x1dd: {  	_ = 	snop  }
0x1de: {  	[tilespmem:s19], [sflag:$0x4] =	stream.indirect.gather [hbm4b:s4+s12], $0x80, s10, s12, $0xb8;
	[tilespmem:$0x1F880] =	vst v63  }
0x1df: {  	_ =	swait.ge [sflag:s20], $0x2800  }
0x1e0: {  	[sflag:s20] =	ssyncset.done $0x0  }
0x1e1: {  	[sflag:s20] =	ssyncadd.s32 $0xFFFFD800  }
0x1e2: {  	[spmem:s2] =	stream.indirect.scatter.add.f32 [tilespmem:s13], [sflag:$0x5], $0x80, s0, s12, $0xb8;
	[tilespmem:$0x1F880] =	vst v63  }
0x1e3: {  	_ =	swait.ge [sflag:s21], $0x2800  }
0x1e4: {  	[sflag:s21] =	ssyncset.done $0x0  }
0x1e5: {  	[sflag:s21] =	ssyncadd.s32 $0xFFFFD800  }
0x1e6: {  	[spmem:s2] =	stream.indirect.scatter.add.f32 [tilespmem:s15], [sflag:$0x6], $0x80, s14, s12, $0xb8;
	[tilespmem:$0x1F880] =	vst v63  }
0x1e7: {  	_ =	swait.ge [sflag:s23], $0x2800  }
0x1e8: {  	[sflag:s23] =	ssyncset.done $0x0  }
0x1e9: {  	[sflag:s23] =	ssyncadd.s32 $0xFFFFD800  }
0x1ea: {  	[spmem:s2] =	stream.indirect.scatter.add.f32 [tilespmem:s17], [sflag:$0x7], $0x80, s16, s12, $0xb8;
	[tilespmem:$0x1F880] =	vst v63  }
0x1eb: {  	_ =	swait.ge [sflag:s25], $0x2800  }
0x1ec: {  	[sflag:s25] =	ssyncset.done $0x0  }
0x1ed: {  	[sflag:s25] =	ssyncadd.s32 $0xFFFFD800  }
0x1ee: {  	[spmem:s2] =	stream.indirect.scatter.add.f32 [tilespmem:s19], [sflag:$0x8], $0x80, s18, s12, $0xb8;
	[tilespmem:$0x1F880] =	vst v63  }
0x1ef: {  	_ =	swait.ge [sflag:s28], $0x2800  }
0x1f0: {  	[sflag:s28] =	ssyncset.done $0x0  }
0x1f1: {  	[sflag:s28] =	ssyncadd.s32 $0xFFFFD800  }
0x1f2: {  	[tilespmem:s13], [sflag:$0x1] =	stream.indirect.gather [hbm4b:s4+s12], $0x80, s22, s12, $0xb8;
	[tilespmem:$0x1F880] =	vst v63  }
0x1f3: {  	_ =	swait.ge [sflag:s30], $0x2800  }
0x1f4: {  	[sflag:s30] =	ssyncset.done $0x0  }
0x1f5: {  	[sflag:s30] =	ssyncadd.s32 $0xFFFFD800  }
0x1f6: {  	[tilespmem:s15], [sflag:$0x2] =	stream.indirect.gather [hbm4b:s4+s12], $0x80, s11, s12, $0xb8;
	[tilespmem:$0x1F880] =	vst v63  }
0x1f7: {  	_ =	swait.ge [sflag:s1], $0x2800  }
0x1f8: {  	[sflag:s1] =	ssyncset.done $0x0  }
0x1f9: {  	[sflag:s1] =	ssyncadd.s32 $0xFFFFD800  }
0x1fa: {  	[tilespmem:s17], [sflag:$0x3] =	stream.indirect.gather [hbm4b:s4+s12], $0x80, s29, s12, $0xb8;
	[tilespmem:$0x1F880] =	vst v63  }
0x1fb: {  	_ =	swait.ge [sflag:s5], $0x2800  }
0x1fc: {  	[sflag:s5] =	ssyncset.done $0x0  }
0x1fd: {  	[sflag:s5] =	ssyncadd.s32 $0xFFFFD800  }
0x1fe: {  	[tilespmem:s19], [sflag:$0x4] =	stream.indirect.gather [hbm4b:s4+s12], $0x80, s31, s12, $0xb8;
	[tilespmem:$0x1F880] =	vst v63  }
0x1ff: {  	_ =	swait.ge [sflag:s20], $0x2800  }
0x200: {  	[sflag:s20] =	ssyncset.done $0x0  }
0x201: {  	s26 =	simm.s32 $0x1200;
	[sflag:s20] =	ssyncadd.s32 $0xFFFFD800  }
0x202: {  	[spmem:s2] =	stream.indirect.scatter.add.f32 [tilespmem:s13], [sflag:$0x5], $0x80, s26, s12, $0xb8;
	[tilespmem:$0x1F880] =	vst v63  }
0x203: {  	_ =	swait.ge [sflag:s21], $0x2800  }
0x204: {  	[sflag:s21] =	ssyncset.done $0x0  }
0x205: {  	s6 =	simm.s32 $0x1280;
	[sflag:s21] =	ssyncadd.s32 $0xFFFFD800  }
0x206: {  	[spmem:s2] =	stream.indirect.scatter.add.f32 [tilespmem:s15], [sflag:$0x6], $0x80, s6, s12, $0xb8;
	[tilespmem:$0x1F880] =	vst v63  }
0x207: {  	_ =	swait.ge [sflag:s23], $0x2800  }
0x208: {  	[sflag:s23] =	ssyncset.done $0x0  }
0x209: {  	s10 =	simm.s32 $0x1300;
	[sflag:s23] =	ssyncadd.s32 $0xFFFFD800  }
0x20a: {  	[spmem:s2] =	stream.indirect.scatter.add.f32 [tilespmem:s17], [sflag:$0x7], $0x80, s10, s12, $0xb8;
	[tilespmem:$0x1F880] =	vst v63  }
0x20b: {  	_ =	swait.ge [sflag:s25], $0x2800  }
0x20c: {  	[sflag:s25] =	ssyncset.done $0x0  }
0x20d: {  	s11 =	simm.s32 $0x1380;
	[sflag:s25] =	ssyncadd.s32 $0xFFFFD800  }
0x20e: {  	[spmem:s2] =	stream.indirect.scatter.add.f32 [tilespmem:s19], [sflag:$0x8], $0x80, s11, s12, $0xb8;
	[tilespmem:$0x1F880] =	vst v63  }
0x20f: {  	_ =	swait.ge [sflag:s28], $0x2800  }
0x210: {  	[sflag:s28] =	ssyncset.done $0x0  }
0x211: {  	s16 =	simm.s32 $0x400;
	[sflag:s28] =	ssyncadd.s32 $0xFFFFD800  }
0x212: {  	[tilespmem:s13], [sflag:$0x1] =	stream.indirect.gather [hbm4b:s4+s12], $0x80, s16, s12, $0xb8;
	[tilespmem:$0x1F880] =	vst v63  }
0x213: {  	_ =	swait.ge [sflag:s30], $0x2800  }
0x214: {  	[sflag:s30] =	ssyncset.done $0x0  }
0x215: {  	s18 =	simm.s32 $0x480;
	[sflag:s30] =	ssyncadd.s32 $0xFFFFD800  }
0x216: {  	[tilespmem:s15], [sflag:$0x2] =	stream.indirect.gather [hbm4b:s4+s12], $0x80, s18, s12, $0xb8;
	[tilespmem:$0x1F880] =	vst v63  }
0x217: {  	_ =	swait.ge [sflag:s1], $0x2800  }
0x218: {  	[sflag:s1] =	ssyncset.done $0x0  }
0x219: {  	s22 =	simm.s32 $0x500;
	[sflag:s1] =	ssyncadd.s32 $0xFFFFD800  }
0x21a: {  	[tilespmem:s17], [sflag:$0x3] =	stream.indirect.gather [hbm4b:s4+s12], $0x80, s22, s12, $0xb8;
	[tilespmem:$0x1F880] =	vst v63  }
0x21b: {  	_ =	swait.ge [sflag:s5], $0x2800  }
0x21c: {  	[sflag:s5] =	ssyncset.done $0x0  }
0x21d: {  	s24 =	simm.s32 $0x580;
	[sflag:s5] =	ssyncadd.s32 $0xFFFFD800  }
0x21e: {  	[tilespmem:s19], [sflag:$0x4] =	stream.indirect.gather [hbm4b:s4+s12], $0x80, s24, s12, $0xb8;
	[tilespmem:$0x1F880] =	vst v63  }
0x21f: {  	_ =	swait.ge [sflag:s20], $0x2800  }
0x220: {  	[sflag:s20] =	ssyncset.done $0x0  }
0x221: {  	s24 =	simm.s32 $0x1400;
	[sflag:s20] =	ssyncadd.s32 $0xFFFFD800  }
0x222: {  	[spmem:s2] =	stream.indirect.scatter.add.f32 [tilespmem:s13], [sflag:$0x5], $0x80, s24, s12, $0xb8;
	[tilespmem:$0x1F880] =	vst v63  }
0x223: {  	_ =	swait.ge [sflag:s21], $0x2800  }
0x224: {  	[sflag:s21] =	ssyncset.done $0x0  }
0x225: {  	s26 =	simm.s32 $0x1480;
	[sflag:s21] =	ssyncadd.s32 $0xFFFFD800  }
0x226: {  	[spmem:s2] =	stream.indirect.scatter.add.f32 [tilespmem:s15], [sflag:$0x6], $0x80, s26, s12, $0xb8;
	[tilespmem:$0x1F880] =	vst v63  }
0x227: {  	_ =	swait.ge [sflag:s23], $0x2800  }
0x228: {  	[sflag:s23] =	ssyncset.done $0x0  }
0x229: {  	s10 =	simm.s32 $0x1500;
	[sflag:s23] =	ssyncadd.s32 $0xFFFFD800  }
0x22a: {  	[spmem:s2] =	stream.indirect.scatter.add.f32 [tilespmem:s17], [sflag:$0x7], $0x80, s10, s12, $0xb8;
	[tilespmem:$0x1F880] =	vst v63  }
0x22b: {  	_ =	swait.ge [sflag:s25], $0x2800  }
0x22c: {  	[sflag:s25] =	ssyncset.done $0x0  }
0x22d: {  	s11 =	simm.s32 $0x1580;
	[sflag:s25] =	ssyncadd.s32 $0xFFFFD800  }
0x22e: {  	[spmem:s2] =	stream.indirect.scatter.add.f32 [tilespmem:s19], [sflag:$0x8], $0x80, s11, s12, $0xb8;
	[tilespmem:$0x1F880] =	vst v63  }
0x22f: {  	_ =	swait.ge [sflag:s28], $0x2800  }
0x230: {  	[sflag:s28] =	ssyncset.done $0x0  }
0x231: {  	s16 =	simm.s32 $0x600;
	[sflag:s28] =	ssyncadd.s32 $0xFFFFD800  }
0x232: {  	[tilespmem:s13], [sflag:$0x1] =	stream.indirect.gather [hbm4b:s4+s12], $0x80, s16, s12, $0xb8;
	[tilespmem:$0x1F880] =	vst v63  }
0x233: {  	_ =	swait.ge [sflag:s30], $0x2800  }
0x234: {  	[sflag:s30] =	ssyncset.done $0x0  }
0x235: {  	s18 =	simm.s32 $0x680;
	[sflag:s30] =	ssyncadd.s32 $0xFFFFD800  }
0x236: {  	[tilespmem:s15], [sflag:$0x2] =	stream.indirect.gather [hbm4b:s4+s12], $0x80, s18, s12, $0xb8;
	[tilespmem:$0x1F880] =	vst v63  }
0x237: {  	_ =	swait.ge [sflag:s1], $0x2800  }
0x238: {  	[sflag:s1] =	ssyncset.done $0x0  }
0x239: {  	s22 =	simm.s32 $0x700;
	[sflag:s1] =	ssyncadd.s32 $0xFFFFD800  }
0x23a: {  	[tilespmem:s17], [sflag:$0x3] =	stream.indirect.gather [hbm4b:s4+s12], $0x80, s22, s12, $0xb8;
	[tilespmem:$0x1F880] =	vst v63  }
0x23b: {  	_ =	swait.ge [sflag:s5], $0x2800  }
0x23c: {  	[sflag:s5] =	ssyncset.done $0x0  }
0x23d: {  	s24 =	simm.s32 $0x780;
	[sflag:s5] =	ssyncadd.s32 $0xFFFFD800  }
0x23e: {  	[tilespmem:s19], [sflag:$0x4] =	stream.indirect.gather [hbm4b:s4+s12], $0x80, s24, s12, $0xb8;
	[tilespmem:$0x1F880] =	vst v63  }
0x23f: {  	_ =	swait.ge [sflag:s20], $0x2800  }
0x240: {  	[sflag:s20] =	ssyncset.done $0x0  }
0x241: {  	s26 =	simm.s32 $0x1600;
	[sflag:s20] =	ssyncadd.s32 $0xFFFFD800  }
0x242: {  	[spmem:s2] =	stream.indirect.scatter.add.f32 [tilespmem:s13], [sflag:$0x5], $0x80, s26, s12, $0xb8;
	[tilespmem:$0x1F880] =	vst v63  }
0x243: {  	_ =	swait.ge [sflag:s21], $0x2800  }
0x244: {  	[sflag:s21] =	ssyncset.done $0x0  }
0x245: {  	s10 =	simm.s32 $0x1680;
	[sflag:s21] =	ssyncadd.s32 $0xFFFFD800  }
0x246: {  	[spmem:s2] =	stream.indirect.scatter.add.f32 [tilespmem:s15], [sflag:$0x6], $0x80, s10, s12, $0xb8;
	[tilespmem:$0x1F880] =	vst v63  }
0x247: {  	_ =	swait.ge [sflag:s23], $0x2800  }
0x248: {  	[sflag:s23] =	ssyncset.done $0x0  }
0x249: {  	s11 =	simm.s32 $0x1700;
	[sflag:s23] =	ssyncadd.s32 $0xFFFFD800  }
0x24a: {  	[spmem:s2] =	stream.indirect.scatter.add.f32 [tilespmem:s17], [sflag:$0x7], $0x80, s11, s12, $0xb8;
	[tilespmem:$0x1F880] =	vst v63  }
0x24b: {  	_ =	swait.ge [sflag:s25], $0x2800  }
0x24c: {  	[sflag:s25] =	ssyncset.done $0x0  }
0x24d: {  	s16 =	simm.s32 $0x1780;
	[sflag:s25] =	ssyncadd.s32 $0xFFFFD800  }
0x24e: {  	[spmem:s2] =	stream.indirect.scatter.add.f32 [tilespmem:s19], [sflag:$0x8], $0x80, s16, s12, $0xb8;
	[tilespmem:$0x1F880] =	vst v63  }
0x24f: {  	_ =	swait.ge [sflag:s28], $0x2800  }
0x250: {  	[sflag:s28] =	ssyncset.done $0x0  }
0x251: {  	s18 =	simm.s32 $0x800;
	[sflag:s28] =	ssyncadd.s32 $0xFFFFD800  }
0x252: {  	[tilespmem:s13], [sflag:$0x1] =	stream.indirect.gather [hbm4b:s4+s12], $0x80, s18, s12, $0xb8;
	[tilespmem:$0x1F880] =	vst v63  }
0x253: {  	_ =	swait.ge [sflag:s30], $0x2800  }
0x254: {  	[sflag:s30] =	ssyncset.done $0x0  }
0x255: {  	s22 =	simm.s32 $0x880;
	[sflag:s30] =	ssyncadd.s32 $0xFFFFD800  }
0x256: {  	[tilespmem:s15], [sflag:$0x2] =	stream.indirect.gather [hbm4b:s4+s12], $0x80, s22, s12, $0xb8;
	[tilespmem:$0x1F880] =	vst v63  }
0x257: {  	_ =	swait.ge [sflag:s1], $0x2800  }
0x258: {  	[sflag:s1] =	ssyncset.done $0x0  }
0x259: {  	s24 =	simm.s32 $0x900;
	[sflag:s1] =	ssyncadd.s32 $0xFFFFD800  }
0x25a: {  	[tilespmem:s17], [sflag:$0x3] =	stream.indirect.gather [hbm4b:s4+s12], $0x80, s24, s12, $0xb8;
	[tilespmem:$0x1F880] =	vst v63  }
0x25b: {  	_ =	swait.ge [sflag:s5], $0x2800  }
0x25c: {  	[sflag:s5] =	ssyncset.done $0x0  }
0x25d: {  	s26 =	simm.s32 $0x980;
	[sflag:s5] =	ssyncadd.s32 $0xFFFFD800  }
0x25e: {  	[tilespmem:s19], [sflag:$0x4] =	stream.indirect.gather [hbm4b:s4+s12], $0x80, s26, s12, $0xb8;
	[tilespmem:$0x1F880] =	vst v63  }
0x25f: {  	_ =	swait.ge [sflag:s20], $0x2800  }
0x260: {  	[sflag:s20] =	ssyncset.done $0x0  }
0x261: {  	s10 =	simm.s32 $0x1800;
	[sflag:s20] =	ssyncadd.s32 $0xFFFFD800  }
0x262: {  	[spmem:s2] =	stream.indirect.scatter.add.f32 [tilespmem:s13], [sflag:$0x5], $0x80, s10, s12, $0xb8;
	[tilespmem:$0x1F880] =	vst v63  }
0x263: {  	_ =	swait.ge [sflag:s21], $0x2800  }
0x264: {  	[sflag:s21] =	ssyncset.done $0x0  }
0x265: {  	s11 =	simm.s32 $0x1880;
	[sflag:s21] =	ssyncadd.s32 $0xFFFFD800  }
0x266: {  	[spmem:s2] =	stream.indirect.scatter.add.f32 [tilespmem:s15], [sflag:$0x6], $0x80, s11, s12, $0xb8;
	[tilespmem:$0x1F880] =	vst v63  }
0x267: {  	_ =	swait.ge [sflag:s23], $0x2800  }
0x268: {  	[sflag:s23] =	ssyncset.done $0x0  }
0x269: {  	s16 =	simm.s32 $0x1900;
	[sflag:s23] =	ssyncadd.s32 $0xFFFFD800  }
0x26a: {  	[spmem:s2] =	stream.indirect.scatter.add.f32 [tilespmem:s17], [sflag:$0x7], $0x80, s16, s12, $0xb8;
	[tilespmem:$0x1F880] =	vst v63  }
0x26b: {  	_ =	swait.ge [sflag:s25], $0x2800  }
0x26c: {  	[sflag:s25] =	ssyncset.done $0x0  }
0x26d: {  	s18 =	simm.s32 $0x1980;
	[sflag:s25] =	ssyncadd.s32 $0xFFFFD800  }
0x26e: {  	[spmem:s2] =	stream.indirect.scatter.add.f32 [tilespmem:s19], [sflag:$0x8], $0x80, s18, s12, $0xb8;
	[tilespmem:$0x1F880] =	vst v63  }
0x26f: {  	_ =	swait.ge [sflag:s28], $0x2800  }
0x270: {  	[sflag:s28] =	ssyncset.done $0x0  }
0x271: {  	s22 =	simm.s32 $0xA00;
	[sflag:s28] =	ssyncadd.s32 $0xFFFFD800  }
0x272: {  	[tilespmem:s13], [sflag:$0x1] =	stream.indirect.gather [hbm4b:s4+s12], $0x80, s22, s12, $0xb8;
	[tilespmem:$0x1F880] =	vst v63  }
0x273: {  	_ =	swait.ge [sflag:s30], $0x2800  }
0x274: {  	[sflag:s30] =	ssyncset.done $0x0  }
0x275: {  	s24 =	simm.s32 $0xA80;
	[sflag:s30] =	ssyncadd.s32 $0xFFFFD800  }
0x276: {  	[tilespmem:s15], [sflag:$0x2] =	stream.indirect.gather [hbm4b:s4+s12], $0x80, s24, s12, $0xb8;
	[tilespmem:$0x1F880] =	vst v63  }
0x277: {  	_ =	swait.ge [sflag:s1], $0x2800  }
0x278: {  	[sflag:s1] =	ssyncset.done $0x0  }
0x279: {  	s26 =	simm.s32 $0xB00;
	[sflag:s1] =	ssyncadd.s32 $0xFFFFD800  }
0x27a: {  	[tilespmem:s17], [sflag:$0x3] =	stream.indirect.gather [hbm4b:s4+s12], $0x80, s26, s12, $0xb8;
	[tilespmem:$0x1F880] =	vst v63  }
0x27b: {  	_ =	swait.ge [sflag:s5], $0x2800  }
0x27c: {  	[sflag:s5] =	ssyncset.done $0x0  }
0x27d: {  	s10 =	simm.s32 $0xB80;
	[sflag:s5] =	ssyncadd.s32 $0xFFFFD800  }
0x27e: {  	[tilespmem:s19], [sflag:$0x4] =	stream.indirect.gather [hbm4b:s4+s12], $0x80, s10, s12, $0xb8;
	[tilespmem:$0x1F880] =	vst v63  }
0x27f: {  	_ =	swait.ge [sflag:s20], $0x2800  }
0x280: {  	[sflag:s20] =	ssyncset.done $0x0  }
0x281: {  	s11 =	simm.s32 $0x1A00;
	[sflag:s20] =	ssyncadd.s32 $0xFFFFD800  }
0x282: {  	[spmem:s2] =	stream.indirect.scatter.add.f32 [tilespmem:s13], [sflag:$0x5], $0x80, s11, s12, $0xb8;
	[tilespmem:$0x1F880] =	vst v63  }
0x283: {  	_ =	swait.ge [sflag:s21], $0x2800  }
0x284: {  	[sflag:s21] =	ssyncset.done $0x0  }
0x285: {  	s16 =	simm.s32 $0x1A80;
	[sflag:s21] =	ssyncadd.s32 $0xFFFFD800  }
0x286: {  	[spmem:s2] =	stream.indirect.scatter.add.f32 [tilespmem:s15], [sflag:$0x6], $0x80, s16, s12, $0xb8;
	[tilespmem:$0x1F880] =	vst v63  }
0x287: {  	_ =	swait.ge [sflag:s23], $0x2800  }
0x288: {  	[sflag:s23] =	ssyncset.done $0x0  }
0x289: {  	s18 =	simm.s32 $0x1B00;
	[sflag:s23] =	ssyncadd.s32 $0xFFFFD800  }
0x28a: {  	[spmem:s2] =	stream.indirect.scatter.add.f32 [tilespmem:s17], [sflag:$0x7], $0x80, s18, s12, $0xb8;
	[tilespmem:$0x1F880] =	vst v63  }
0x28b: {  	_ =	swait.ge [sflag:s25], $0x2800  }
0x28c: {  	[sflag:s25] =	ssyncset.done $0x0  }
0x28d: {  	s22 =	simm.s32 $0x1B80;
	[sflag:s25] =	ssyncadd.s32 $0xFFFFD800  }
0x28e: {  	[spmem:s2] =	stream.indirect.scatter.add.f32 [tilespmem:s19], [sflag:$0x8], $0x80, s22, s12, $0xb8;
	[tilespmem:$0x1F880] =	vst v63  }
0x28f: {  	_ =	swait.ge [sflag:s28], $0x2800  }
0x290: {  	[sflag:s28] =	ssyncset.done $0x0  }
0x291: {  	s24 =	simm.s32 $0xC00;
	[sflag:s28] =	ssyncadd.s32 $0xFFFFD800  }
0x292: {  	[tilespmem:s13], [sflag:$0x1] =	stream.indirect.gather [hbm4b:s4+s12], $0x80, s24, s12, $0xb8;
	[tilespmem:$0x1F880] =	vst v63  }
0x293: {  	_ =	swait.ge [sflag:s20], $0x2800  }
0x294: {  	[sflag:s20] =	ssyncset.done $0x0  }
0x295: {  	s26 =	simm.s32 $0x1C00;
	[sflag:s20] =	ssyncadd.s32 $0xFFFFD800  }
0x296: {  	[spmem:s2] =	stream.indirect.scatter.add.f32 [tilespmem:s13], [sflag:$0x5], $0x80, s26, s12, $0xb8;
	[tilespmem:$0x1F880] =	vst v63  }
0x297: {  	_ =	swait.ge [sflag:s28], $0x2800  }
0x298: {  	[sflag:s28] =	ssyncset.done $0x0  }
0x299: {  	[sflag:s28] =	ssyncadd.s32 $0xFFFFD800  }
0x29a: {  	_ =	swait.ge [sflag:s30], $0x2800  }
0x29b: {  	[sflag:s30] =	ssyncset.done $0x0  }
0x29c: {  	[sflag:s30] =	ssyncadd.s32 $0xFFFFD800  }
0x29d: {  	_ =	swait.ge [sflag:s1], $0x2800  }
0x29e: {  	[sflag:s1] =	ssyncset.done $0x0  }
0x29f: {  	[sflag:s1] =	ssyncadd.s32 $0xFFFFD800  }
0x2a0: {  	_ =	swait.ge [sflag:s5], $0x2800  }
0x2a1: {  	[sflag:s5] =	ssyncset.done $0x0  }
0x2a2: {  	s6 =	rddreg [dreg:$0xa];
	[sflag:s5] =	ssyncadd.s32 $0xFFFFD800  }
0x2a3: {  	[tilespmem:s3], [sflag:$0x9] =	stream.linear.gather [hbm4b:s6+s3], $0xC80, $0x38;
	[tilespmem:$0x1F880] =	vst v63  }
0x2a4: {  	_ =	swait.ge [sflag:s9], $0xC80  }
0x2a5: {  	[sflag:s9] =	ssyncset.done $0x0  }
0x2a6: {  	s10 =	rddreg [dreg:$0xb];
	[sflag:s9] =	ssyncadd.s32 $0xFFFFF380  }
0x2a7: {  	[tilespmem:s0], [sflag:$0x9] =	stream.linear.gather [hbm4b:s10+s3], $0xC80, $0x38;
	[tilespmem:$0x1F880] =	vst v63  }
0x2a8: {  	_ =	swait.ge [sflag:s9], $0xC80  }
0x2a9: {  	[sflag:s9] =	ssyncset.done $0x0  }
0x2aa: {  	[sflag:s9] =	ssyncadd.s32 $0xFFFFF380  }
0x2ab: {  	[tilespmem:s13], [sflag:$0x1] =	stream.indirect.gather [hbm4b:s4+s12], $0x80, s3, s12, $0xb8;
	[tilespmem:$0x1F880] =	vst v63  }
0x2ac: {  	s11 =	simm.s32 $0x80  }
0x2ad: {  	[tilespmem:s15], [sflag:$0x2] =	stream.indirect.gather [hbm4b:s4+s12], $0x80, s11, s12, $0xb8;
	[tilespmem:$0x1F880] =	vst v63  }
0x2ae: {  	s16 =	simm.s32 $0x100  }
0x2af: {  	[tilespmem:s17], [sflag:$0x3] =	stream.indirect.gather [hbm4b:s4+s12], $0x80, s16, s12, $0xb8;
	[tilespmem:$0x1F880] =	vst v63  }
0x2b0: {  	s18 =	simm.s32 $0x180  }
0x2b1: {  	[tilespmem:s19], [sflag:$0x4] =	stream.indirect.gather [hbm4b:s4+s12], $0x80, s18, s12, $0xb8;
	[tilespmem:$0x1F880] =	vst v63  }
0x2b2: {  	_ =	swait.ge [sflag:s20], $0x2800  }
0x2b3: {  	[sflag:s20] =	ssyncset.done $0x0  }
0x2b4: {  	[sflag:s20] =	ssyncadd.s32 $0xFFFFD800  }
0x2b5: {  	[spmem:s2] =	stream.indirect.scatter.add.f32 [tilespmem:s13], [sflag:$0x5], $0x80, s0, s12, $0xb8;
	[tilespmem:$0x1F880] =	vst v63  }
0x2b6: {  	_ =	swait.ge [sflag:s21], $0x2800  }
0x2b7: {  	[sflag:s21] =	ssyncset.done $0x0  }
0x2b8: {  	s22 =	simm.s32 $0x1080;
	[sflag:s21] =	ssyncadd.s32 $0xFFFFD800  }
0x2b9: {  	[spmem:s2] =	stream.indirect.scatter.add.f32 [tilespmem:s15], [sflag:$0x6], $0x80, s22, s12, $0xb8;
	[tilespmem:$0x1F880] =	vst v63  }
0x2ba: {  	_ =	swait.ge [sflag:s23], $0x2800  }
0x2bb: {  	[sflag:s23] =	ssyncset.done $0x0  }
0x2bc: {  	s24 =	simm.s32 $0x1100;
	[sflag:s23] =	ssyncadd.s32 $0xFFFFD800  }
0x2bd: {  	[spmem:s2] =	stream.indirect.scatter.add.f32 [tilespmem:s17], [sflag:$0x7], $0x80, s24, s12, $0xb8;
	[tilespmem:$0x1F880] =	vst v63  }
0x2be: {  	_ =	swait.ge [sflag:s25], $0x2800  }
0x2bf: {  	[sflag:s25] =	ssyncset.done $0x0  }
0x2c0: {  	s26 =	simm.s32 $0x1180;
	[sflag:s25] =	ssyncadd.s32 $0xFFFFD800  }
0x2c1: {  	[spmem:s2] =	stream.indirect.scatter.add.f32 [tilespmem:s19], [sflag:$0x8], $0x80, s26, s12, $0xb8;
	[tilespmem:$0x1F880] =	vst v63  }
0x2c2: {  	_ =	swait.ge [sflag:s28], $0x2800  }
0x2c3: {  	[sflag:s28] =	ssyncset.done $0x0  }
0x2c4: {  	s14 =	simm.s32 $0x200;
	[sflag:s28] =	ssyncadd.s32 $0xFFFFD800  }
0x2c5: {  	[tilespmem:s13], [sflag:$0x1] =	stream.indirect.gather [hbm4b:s4+s12], $0x80, s14, s12, $0xb8;
	[tilespmem:$0x1F880] =	vst v63  }
0x2c6: {  	_ =	swait.ge [sflag:s30], $0x2800  }
0x2c7: {  	[sflag:s30] =	ssyncset.done $0x0  }
0x2c8: {  	s8 =	simm.s32 $0x280;
	[sflag:s30] =	ssyncadd.s32 $0xFFFFD800  }
0x2c9: {  	[tilespmem:s15], [sflag:$0x2] =	stream.indirect.gather [hbm4b:s4+s12], $0x80, s8, s12, $0xb8;
	[tilespmem:$0x1F880] =	vst v63  }
0x2ca: {  	_ =	swait.ge [sflag:s1], $0x2800  }
0x2cb: {  	[sflag:s1] =	ssyncset.done $0x0  }
0x2cc: {  	s29 =	simm.s32 $0x300;
	[sflag:s1] =	ssyncadd.s32 $0xFFFFD800  }
0x2cd: {  	[tilespmem:s17], [sflag:$0x3] =	stream.indirect.gather [hbm4b:s4+s12], $0x80, s29, s12, $0xb8;
	[tilespmem:$0x1F880] =	vst v63  }
0x2ce: {  	_ =	swait.ge [sflag:s5], $0x2800  }
0x2cf: {  	[sflag:s5] =	ssyncset.done $0x0  }
0x2d0: {  	s31 =	simm.s32 $0x380;
	[sflag:s5] =	ssyncadd.s32 $0xFFFFD800  }
0x2d1: {  	[tilespmem:s19], [sflag:$0x4] =	stream.indirect.gather [hbm4b:s4+s12], $0x80, s31, s12, $0xb8;
	[tilespmem:$0x1F880] =	vst v63  }
0x2d2: {  	_ =	swait.ge [sflag:s20], $0x2800  }
0x2d3: {  	[sflag:s20] =	ssyncset.done $0x0  }
0x2d4: {  	s31 =	simm.s32 $0x1200;
	[sflag:s20] =	ssyncadd.s32 $0xFFFFD800  }
0x2d5: {  	[spmem:s2] =	stream.indirect.scatter.add.f32 [tilespmem:s13], [sflag:$0x5], $0x80, s31, s12, $0xb8;
	[tilespmem:$0x1F880] =	vst v63  }
0x2d6: {  	_ =	swait.ge [sflag:s21], $0x2800  }
0x2d7: {  	[sflag:s21] =	ssyncset.done $0x0  }
0x2d8: {  	s24 =	simm.s32 $0x1280;
	[sflag:s21] =	ssyncadd.s32 $0xFFFFD800  }
0x2d9: {  	[spmem:s2] =	stream.indirect.scatter.add.f32 [tilespmem:s15], [sflag:$0x6], $0x80, s24, s12, $0xb8;
	[tilespmem:$0x1F880] =	vst v63  }
0x2da: {  	_ =	swait.ge [sflag:s23], $0x2800  }
0x2db: {  	[sflag:s23] =	ssyncset.done $0x0  }
0x2dc: {  	s26 =	simm.s32 $0x1300;
	[sflag:s23] =	ssyncadd.s32 $0xFFFFD800  }
0x2dd: {  	[spmem:s2] =	stream.indirect.scatter.add.f32 [tilespmem:s17], [sflag:$0x7], $0x80, s26, s12, $0xb8;
	[tilespmem:$0x1F880] =	vst v63  }
0x2de: {  	_ =	swait.ge [sflag:s25], $0x2800  }
0x2df: {  	[sflag:s25] =	ssyncset.done $0x0  }
0x2e0: {  	s26 =	simm.s32 $0x1380;
	[sflag:s25] =	ssyncadd.s32 $0xFFFFD800  }
0x2e1: {  	[spmem:s2] =	stream.indirect.scatter.add.f32 [tilespmem:s19], [sflag:$0x8], $0x80, s26, s12, $0xb8;
	[tilespmem:$0x1F880] =	vst v63  }
0x2e2: {  	_ =	swait.ge [sflag:s28], $0x2800  }
0x2e3: {  	[sflag:s28] =	ssyncset.done $0x0  }
0x2e4: {  	s26 =	simm.s32 $0x400;
	[sflag:s28] =	ssyncadd.s32 $0xFFFFD800  }
0x2e5: {  	[tilespmem:s13], [sflag:$0x1] =	stream.indirect.gather [hbm4b:s4+s12], $0x80, s26, s12, $0xb8;
	[tilespmem:$0x1F880] =	vst v63  }
0x2e6: {  	_ =	swait.ge [sflag:s30], $0x2800  }
0x2e7: {  	[sflag:s30] =	ssyncset.done $0x0  }
0x2e8: {  	s26 =	simm.s32 $0x480;
	[sflag:s30] =	ssyncadd.s32 $0xFFFFD800  }
0x2e9: {  	[tilespmem:s15], [sflag:$0x2] =	stream.indirect.gather [hbm4b:s4+s12], $0x80, s26, s12, $0xb8;
	[tilespmem:$0x1F880] =	vst v63  }
0x2ea: {  	_ =	swait.ge [sflag:s1], $0x2800  }
0x2eb: {  	[sflag:s1] =	ssyncset.done $0x0  }
0x2ec: {  	s26 =	simm.s32 $0x500;
	[sflag:s1] =	ssyncadd.s32 $0xFFFFD800  }
0x2ed: {  	[tilespmem:s17], [sflag:$0x3] =	stream.indirect.gather [hbm4b:s4+s12], $0x80, s26, s12, $0xb8;
	[tilespmem:$0x1F880] =	vst v63  }
0x2ee: {  	_ =	swait.ge [sflag:s5], $0x2800  }
0x2ef: {  	[sflag:s5] =	ssyncset.done $0x0  }
0x2f0: {  	s26 =	simm.s32 $0x580;
	[sflag:s5] =	ssyncadd.s32 $0xFFFFD800  }
0x2f1: {  	[tilespmem:s19], [sflag:$0x4] =	stream.indirect.gather [hbm4b:s4+s12], $0x80, s26, s12, $0xb8;
	[tilespmem:$0x1F880] =	vst v63  }
0x2f2: {  	_ =	swait.ge [sflag:s20], $0x2800  }
0x2f3: {  	[sflag:s20] =	ssyncset.done $0x0  }
0x2f4: {  	s26 =	simm.s32 $0x1400;
	[sflag:s20] =	ssyncadd.s32 $0xFFFFD800  }
0x2f5: {  	[spmem:s2] =	stream.indirect.scatter.add.f32 [tilespmem:s13], [sflag:$0x5], $0x80, s26, s12, $0xb8;
	[tilespmem:$0x1F880] =	vst v63  }
0x2f6: {  	_ =	swait.ge [sflag:s21], $0x2800  }
0x2f7: {  	[sflag:s21] =	ssyncset.done $0x0  }
0x2f8: {  	s26 =	simm.s32 $0x1480;
	[sflag:s21] =	ssyncadd.s32 $0xFFFFD800  }
0x2f9: {  	[spmem:s2] =	stream.indirect.scatter.add.f32 [tilespmem:s15], [sflag:$0x6], $0x80, s26, s12, $0xb8;
	[tilespmem:$0x1F880] =	vst v63  }
0x2fa: {  	_ =	swait.ge [sflag:s23], $0x2800  }
0x2fb: {  	[sflag:s23] =	ssyncset.done $0x0  }
0x2fc: {  	s26 =	simm.s32 $0x1500;
	[sflag:s23] =	ssyncadd.s32 $0xFFFFD800  }
0x2fd: {  	[spmem:s2] =	stream.indirect.scatter.add.f32 [tilespmem:s17], [sflag:$0x7], $0x80, s26, s12, $0xb8;
	[tilespmem:$0x1F880] =	vst v63  }
0x2fe: {  	_ =	swait.ge [sflag:s25], $0x2800  }
0x2ff: {  	[sflag:s25] =	ssyncset.done $0x0  }
0x300: {  	s26 =	simm.s32 $0x1580;
	[sflag:s25] =	ssyncadd.s32 $0xFFFFD800  }
0x301: {  	[spmem:s2] =	stream.indirect.scatter.add.f32 [tilespmem:s19], [sflag:$0x8], $0x80, s26, s12, $0xb8;
	[tilespmem:$0x1F880] =	vst v63  }
0x302: {  	_ =	swait.ge [sflag:s28], $0x2800  }
0x303: {  	[sflag:s28] =	ssyncset.done $0x0  }
0x304: {  	s26 =	simm.s32 $0x600;
	[sflag:s28] =	ssyncadd.s32 $0xFFFFD800  }
0x305: {  	[tilespmem:s13], [sflag:$0x1] =	stream.indirect.gather [hbm4b:s4+s12], $0x80, s26, s12, $0xb8;
	[tilespmem:$0x1F880] =	vst v63  }
0x306: {  	_ =	swait.ge [sflag:s30], $0x2800  }
0x307: {  	[sflag:s30] =	ssyncset.done $0x0  }
0x308: {  	s26 =	simm.s32 $0x680;
	[sflag:s30] =	ssyncadd.s32 $0xFFFFD800  }
0x309: {  	[tilespmem:s15], [sflag:$0x2] =	stream.indirect.gather [hbm4b:s4+s12], $0x80, s26, s12, $0xb8;
	[tilespmem:$0x1F880] =	vst v63  }
0x30a: {  	_ =	swait.ge [sflag:s1], $0x2800  }
0x30b: {  	[sflag:s1] =	ssyncset.done $0x0  }
0x30c: {  	s26 =	simm.s32 $0x700;
	[sflag:s1] =	ssyncadd.s32 $0xFFFFD800  }
0x30d: {  	[tilespmem:s17], [sflag:$0x3] =	stream.indirect.gather [hbm4b:s4+s12], $0x80, s26, s12, $0xb8;
	[tilespmem:$0x1F880] =	vst v63  }
0x30e: {  	_ =	swait.ge [sflag:s5], $0x2800  }
0x30f: {  	[sflag:s5] =	ssyncset.done $0x0  }
0x310: {  	s26 =	simm.s32 $0x780;
	[sflag:s5] =	ssyncadd.s32 $0xFFFFD800  }
0x311: {  	[tilespmem:s19], [sflag:$0x4] =	stream.indirect.gather [hbm4b:s4+s12], $0x80, s26, s12, $0xb8;
	[tilespmem:$0x1F880] =	vst v63  }
0x312: {  	_ =	swait.ge [sflag:s20], $0x2800  }
0x313: {  	[sflag:s20] =	ssyncset.done $0x0  }
0x314: {  	s26 =	simm.s32 $0x1600;
	[sflag:s20] =	ssyncadd.s32 $0xFFFFD800  }
0x315: {  	[spmem:s2] =	stream.indirect.scatter.add.f32 [tilespmem:s13], [sflag:$0x5], $0x80, s26, s12, $0xb8;
	[tilespmem:$0x1F880] =	vst v63  }
0x316: {  	_ =	swait.ge [sflag:s21], $0x2800  }
0x317: {  	[sflag:s21] =	ssyncset.done $0x0  }
0x318: {  	s26 =	simm.s32 $0x1680;
	[sflag:s21] =	ssyncadd.s32 $0xFFFFD800  }
0x319: {  	[spmem:s2] =	stream.indirect.scatter.add.f32 [tilespmem:s15], [sflag:$0x6], $0x80, s26, s12, $0xb8;
	[tilespmem:$0x1F880] =	vst v63  }
0x31a: {  	_ =	swait.ge [sflag:s23], $0x2800  }
0x31b: {  	[sflag:s23] =	ssyncset.done $0x0  }
0x31c: {  	s26 =	simm.s32 $0x1700;
	[sflag:s23] =	ssyncadd.s32 $0xFFFFD800  }
0x31d: {  	[spmem:s2] =	stream.indirect.scatter.add.f32 [tilespmem:s17], [sflag:$0x7], $0x80, s26, s12, $0xb8;
	[tilespmem:$0x1F880] =	vst v63  }
0x31e: {  	_ =	swait.ge [sflag:s25], $0x2800  }
0x31f: {  	[sflag:s25] =	ssyncset.done $0x0  }
0x320: {  	s26 =	simm.s32 $0x1780;
	[sflag:s25] =	ssyncadd.s32 $0xFFFFD800  }
0x321: {  	[spmem:s2] =	stream.indirect.scatter.add.f32 [tilespmem:s19], [sflag:$0x8], $0x80, s26, s12, $0xb8;
	[tilespmem:$0x1F880] =	vst v63  }
0x322: {  	_ =	swait.ge [sflag:s28], $0x2800  }
0x323: {  	[sflag:s28] =	ssyncset.done $0x0  }
0x324: {  	s26 =	simm.s32 $0x800;
	[sflag:s28] =	ssyncadd.s32 $0xFFFFD800  }
0x325: {  	[tilespmem:s13], [sflag:$0x1] =	stream.indirect.gather [hbm4b:s4+s12], $0x80, s26, s12, $0xb8;
	[tilespmem:$0x1F880] =	vst v63  }
0x326: {  	_ =	swait.ge [sflag:s30], $0x2800  }
0x327: {  	[sflag:s30] =	ssyncset.done $0x0  }
0x328: {  	s26 =	simm.s32 $0x880;
	[sflag:s30] =	ssyncadd.s32 $0xFFFFD800  }
0x329: {  	[tilespmem:s15], [sflag:$0x2] =	stream.indirect.gather [hbm4b:s4+s12], $0x80, s26, s12, $0xb8;
	[tilespmem:$0x1F880] =	vst v63  }
0x32a: {  	_ =	swait.ge [sflag:s1], $0x2800  }
0x32b: {  	[sflag:s1] =	ssyncset.done $0x0  }
0x32c: {  	s26 =	simm.s32 $0x900;
	[sflag:s1] =	ssyncadd.s32 $0xFFFFD800  }
0x32d: {  	[tilespmem:s17], [sflag:$0x3] =	stream.indirect.gather [hbm4b:s4+s12], $0x80, s26, s12, $0xb8;
	[tilespmem:$0x1F880] =	vst v63  }
0x32e: {  	_ =	swait.ge [sflag:s5], $0x2800  }
0x32f: {  	[sflag:s5] =	ssyncset.done $0x0  }
0x330: {  	s26 =	simm.s32 $0x980;
	[sflag:s5] =	ssyncadd.s32 $0xFFFFD800  }
0x331: {  	[tilespmem:s19], [sflag:$0x4] =	stream.indirect.gather [hbm4b:s4+s12], $0x80, s26, s12, $0xb8;
	[tilespmem:$0x1F880] =	vst v63  }
0x332: {  	_ =	swait.ge [sflag:s20], $0x2800  }
0x333: {  	[sflag:s20] =	ssyncset.done $0x0  }
0x334: {  	s26 =	simm.s32 $0x1800;
	[sflag:s20] =	ssyncadd.s32 $0xFFFFD800  }
0x335: {  	[spmem:s2] =	stream.indirect.scatter.add.f32 [tilespmem:s13], [sflag:$0x5], $0x80, s26, s12, $0xb8;
	[tilespmem:$0x1F880] =	vst v63  }
0x336: {  	_ =	swait.ge [sflag:s21], $0x2800  }
0x337: {  	[sflag:s21] =	ssyncset.done $0x0  }
0x338: {  	s26 =	simm.s32 $0x1880;
	[sflag:s21] =	ssyncadd.s32 $0xFFFFD800  }
0x339: {  	[spmem:s2] =	stream.indirect.scatter.add.f32 [tilespmem:s15], [sflag:$0x6], $0x80, s26, s12, $0xb8;
	[tilespmem:$0x1F880] =	vst v63  }
0x33a: {  	_ =	swait.ge [sflag:s23], $0x2800  }
0x33b: {  	[sflag:s23] =	ssyncset.done $0x0  }
0x33c: {  	s26 =	simm.s32 $0x1900;
	[sflag:s23] =	ssyncadd.s32 $0xFFFFD800  }
0x33d: {  	[spmem:s2] =	stream.indirect.scatter.add.f32 [tilespmem:s17], [sflag:$0x7], $0x80, s26, s12, $0xb8;
	[tilespmem:$0x1F880] =	vst v63  }
0x33e: {  	_ =	swait.ge [sflag:s25], $0x2800  }
0x33f: {  	[sflag:s25] =	ssyncset.done $0x0  }
0x340: {  	s26 =	simm.s32 $0x1980;
	[sflag:s25] =	ssyncadd.s32 $0xFFFFD800  }
0x341: {  	[spmem:s2] =	stream.indirect.scatter.add.f32 [tilespmem:s19], [sflag:$0x8], $0x80, s26, s12, $0xb8;
	[tilespmem:$0x1F880] =	vst v63  }
0x342: {  	_ =	swait.ge [sflag:s28], $0x2800  }
0x343: {  	[sflag:s28] =	ssyncset.done $0x0  }
0x344: {  	s26 =	simm.s32 $0xA00;
	[sflag:s28] =	ssyncadd.s32 $0xFFFFD800  }
0x345: {  	[tilespmem:s13], [sflag:$0x1] =	stream.indirect.gather [hbm4b:s4+s12], $0x80, s26, s12, $0xb8;
	[tilespmem:$0x1F880] =	vst v63  }
0x346: {  	_ =	swait.ge [sflag:s30], $0x2800  }
0x347: {  	[sflag:s30] =	ssyncset.done $0x0  }
0x348: {  	s26 =	simm.s32 $0xA80;
	[sflag:s30] =	ssyncadd.s32 $0xFFFFD800  }
0x349: {  	[tilespmem:s15], [sflag:$0x2] =	stream.indirect.gather [hbm4b:s4+s12], $0x80, s26, s12, $0xb8;
	[tilespmem:$0x1F880] =	vst v63  }
0x34a: {  	_ =	swait.ge [sflag:s1], $0x2800  }
0x34b: {  	[sflag:s1] =	ssyncset.done $0x0  }
0x34c: {  	s26 =	simm.s32 $0xB00;
	[sflag:s1] =	ssyncadd.s32 $0xFFFFD800  }
0x34d: {  	[tilespmem:s17], [sflag:$0x3] =	stream.indirect.gather [hbm4b:s4+s12], $0x80, s26, s12, $0xb8;
	[tilespmem:$0x1F880] =	vst v63  }
0x34e: {  	_ =	swait.ge [sflag:s5], $0x2800  }
0x34f: {  	[sflag:s5] =	ssyncset.done $0x0  }
0x350: {  	s26 =	simm.s32 $0xB80;
	[sflag:s5] =	ssyncadd.s32 $0xFFFFD800  }
0x351: {  	[tilespmem:s19], [sflag:$0x4] =	stream.indirect.gather [hbm4b:s4+s12], $0x80, s26, s12, $0xb8;
	[tilespmem:$0x1F880] =	vst v63  }
0x352: {  	_ =	swait.ge [sflag:s20], $0x2800  }
0x353: {  	[sflag:s20] =	ssyncset.done $0x0  }
0x354: {  	s26 =	simm.s32 $0x1A00;
	[sflag:s20] =	ssyncadd.s32 $0xFFFFD800  }
0x355: {  	[spmem:s2] =	stream.indirect.scatter.add.f32 [tilespmem:s13], [sflag:$0x5], $0x80, s26, s12, $0xb8;
	[tilespmem:$0x1F880] =	vst v63  }
0x356: {  	_ =	swait.ge [sflag:s21], $0x2800  }
0x357: {  	[sflag:s21] =	ssyncset.done $0x0  }
0x358: {  	s26 =	simm.s32 $0x1A80;
	[sflag:s21] =	ssyncadd.s32 $0xFFFFD800  }
0x359: {  	[spmem:s2] =	stream.indirect.scatter.add.f32 [tilespmem:s15], [sflag:$0x6], $0x80, s26, s12, $0xb8;
	[tilespmem:$0x1F880] =	vst v63  }
0x35a: {  	_ =	swait.ge [sflag:s23], $0x2800  }
0x35b: {  	[sflag:s23] =	ssyncset.done $0x0  }
0x35c: {  	s26 =	simm.s32 $0x1B00;
	[sflag:s23] =	ssyncadd.s32 $0xFFFFD800  }
0x35d: {  	[spmem:s2] =	stream.indirect.scatter.add.f32 [tilespmem:s17], [sflag:$0x7], $0x80, s26, s12, $0xb8;
	[tilespmem:$0x1F880] =	vst v63  }
0x35e: {  	_ =	swait.ge [sflag:s25], $0x2800  }
0x35f: {  	[sflag:s25] =	ssyncset.done $0x0  }
0x360: {  	s26 =	simm.s32 $0x1B80;
	[sflag:s25] =	ssyncadd.s32 $0xFFFFD800  }
0x361: {  	[spmem:s2] =	stream.indirect.scatter.add.f32 [tilespmem:s19], [sflag:$0x8], $0x80, s26, s12, $0xb8;
	[tilespmem:$0x1F880] =	vst v63  }
0x362: {  	_ =	swait.ge [sflag:s28], $0x2800  }
0x363: {  	[sflag:s28] =	ssyncset.done $0x0  }
0x364: {  	s26 =	simm.s32 $0xC00;
	[sflag:s28] =	ssyncadd.s32 $0xFFFFD800  }
0x365: {  	[tilespmem:s13], [sflag:$0x1] =	stream.indirect.gather [hbm4b:s4+s12], $0x80, s26, s12, $0xb8;
	[tilespmem:$0x1F880] =	vst v63  }
0x366: {  	_ =	swait.ge [sflag:s20], $0x2800  }
0x367: {  	[sflag:s20] =	ssyncset.done $0x0  }
0x368: {  	s26 =	simm.s32 $0x1C00;
	[sflag:s20] =	ssyncadd.s32 $0xFFFFD800  }
0x369: {  	[spmem:s2] =	stream.indirect.scatter.add.f32 [tilespmem:s13], [sflag:$0x5], $0x80, s26, s12, $0xb8;
	[tilespmem:$0x1F880] =	vst v63  }
0x36a: {  	_ =	swait.ge [sflag:s28], $0x2800  }
0x36b: {  	[sflag:s28] =	ssyncset.done $0x0  }
0x36c: {  	[sflag:s28] =	ssyncadd.s32 $0xFFFFD800  }
0x36d: {  	_ =	swait.ge [sflag:s30], $0x2800  }
0x36e: {  	[sflag:s30] =	ssyncset.done $0x0  }
0x36f: {  	[sflag:s30] =	ssyncadd.s32 $0xFFFFD800  }
0x370: {  	_ =	swait.ge [sflag:s1], $0x2800  }
0x371: {  	[sflag:s1] =	ssyncset.done $0x0  }
0x372: {  	[sflag:s1] =	ssyncadd.s32 $0xFFFFD800  }
0x373: {  	_ =	swait.ge [sflag:s5], $0x2800  }
0x374: {  	[sflag:s5] =	ssyncset.done $0x0  }
0x375: {  	s26 =	rddreg [dreg:$0xc];
	[sflag:s5] =	ssyncadd.s32 $0xFFFFD800  }
0x376: {  	[tilespmem:s3], [sflag:$0x9] =	stream.linear.gather [hbm4b:s26+s3], $0xC80, $0x38;
	[tilespmem:$0x1F880] =	vst v63  }
0x377: {  	_ =	swait.ge [sflag:s9], $0xC80  }
0x378: {  	[sflag:s9] =	ssyncset.done $0x0  }
0x379: {  	s26 =	rddreg [dreg:$0xd];
	[sflag:s9] =	ssyncadd.s32 $0xFFFFF380  }
0x37a: {  	[tilespmem:s0], [sflag:$0x9] =	stream.linear.gather [hbm4b:s26+s3], $0xC80, $0x38;
	[tilespmem:$0x1F880] =	vst v63  }
0x37b: {  	_ =	swait.ge [sflag:s9], $0xC80  }
0x37c: {  	[sflag:s9] =	ssyncset.done $0x0  }
0x37d: {  	[sflag:s9] =	ssyncadd.s32 $0xFFFFF380  }
0x37e: {  	[tilespmem:s13], [sflag:$0x1] =	stream.indirect.gather [hbm4b:s4+s12], $0x80, s3, s12, $0xb8;
	[tilespmem:$0x1F880] =	vst v63  }
0x37f: {  	s26 =	simm.s32 $0x80  }
0x380: {  	[tilespmem:s15], [sflag:$0x2] =	stream.indirect.gather [hbm4b:s4+s12], $0x80, s26, s12, $0xb8;
	[tilespmem:$0x1F880] =	vst v63  }
0x381: {  	s10 =	simm.s32 $0x100  }
0x382: {  	[tilespmem:s17], [sflag:$0x3] =	stream.indirect.gather [hbm4b:s4+s12], $0x80, s10, s12, $0xb8;
	[tilespmem:$0x1F880] =	vst v63  }
0x383: {  	s11 =	simm.s32 $0x180  }
0x384: {  	[tilespmem:s19], [sflag:$0x4] =	stream.indirect.gather [hbm4b:s4+s12], $0x80, s11, s12, $0xb8;
	[tilespmem:$0x1F880] =	vst v63  }
0x385: {  	_ =	swait.ge [sflag:s20], $0x2800  }
0x386: {  	[sflag:s20] =	ssyncset.done $0x0  }
0x387: {  	[sflag:s20] =	ssyncadd.s32 $0xFFFFD800  }
0x388: {  	[spmem:s2] =	stream.indirect.scatter.add.f32 [tilespmem:s13], [sflag:$0x5], $0x80, s0, s12, $0xb8;
	[tilespmem:$0x1F880] =	vst v63  }
0x389: {  	_ =	swait.ge [sflag:s21], $0x2800  }
0x38a: {  	[sflag:s21] =	ssyncset.done $0x0  }
0x38b: {  	s16 =	simm.s32 $0x1080;
	[sflag:s21] =	ssyncadd.s32 $0xFFFFD800  }
0x38c: {  	[spmem:s2] =	stream.indirect.scatter.add.f32 [tilespmem:s15], [sflag:$0x6], $0x80, s16, s12, $0xb8;
	[tilespmem:$0x1F880] =	vst v63  }
0x38d: {  	_ =	swait.ge [sflag:s23], $0x2800  }
0x38e: {  	[sflag:s23] =	ssyncset.done $0x0  }
0x38f: {  	s18 =	simm.s32 $0x1100;
	[sflag:s23] =	ssyncadd.s32 $0xFFFFD800  }
0x390: {  	[spmem:s2] =	stream.indirect.scatter.add.f32 [tilespmem:s17], [sflag:$0x7], $0x80, s18, s12, $0xb8;
	[tilespmem:$0x1F880] =	vst v63  }
0x391: {  	_ =	swait.ge [sflag:s25], $0x2800  }
0x392: {  	[sflag:s25] =	ssyncset.done $0x0  }
0x393: {  	s22 =	simm.s32 $0x1180;
	[sflag:s25] =	ssyncadd.s32 $0xFFFFD800  }
0x394: {  	[spmem:s2] =	stream.indirect.scatter.add.f32 [tilespmem:s19], [sflag:$0x8], $0x80, s22, s12, $0xb8;
	[tilespmem:$0x1F880] =	vst v63  }
0x395: {  	_ =	swait.ge [sflag:s28], $0x2800  }
0x396: {  	[sflag:s28] =	ssyncset.done $0x0  }
0x397: {  	s14 =	simm.s32 $0x200;
	[sflag:s28] =	ssyncadd.s32 $0xFFFFD800  }
0x398: {  	[tilespmem:s13], [sflag:$0x1] =	stream.indirect.gather [hbm4b:s4+s12], $0x80, s14, s12, $0xb8;
	[tilespmem:$0x1F880] =	vst v63  }
0x399: {  	_ =	swait.ge [sflag:s30], $0x2800  }
0x39a: {  	[sflag:s30] =	ssyncset.done $0x0  }
0x39b: {  	s6 =	simm.s32 $0x280;
	[sflag:s30] =	ssyncadd.s32 $0xFFFFD800  }
0x39c: {  	[tilespmem:s15], [sflag:$0x2] =	stream.indirect.gather [hbm4b:s4+s12], $0x80, s6, s12, $0xb8;
	[tilespmem:$0x1F880] =	vst v63  }
0x39d: {  	_ =	swait.ge [sflag:s1], $0x2800  }
0x39e: {  	[sflag:s1] =	ssyncset.done $0x0  }
0x39f: {  	s8 =	simm.s32 $0x300;
	[sflag:s1] =	ssyncadd.s32 $0xFFFFD800  }
0x3a0: {  	[tilespmem:s17], [sflag:$0x3] =	stream.indirect.gather [hbm4b:s4+s12], $0x80, s8, s12, $0xb8;
	[tilespmem:$0x1F880] =	vst v63  }
0x3a1: {  	_ =	swait.ge [sflag:s5], $0x2800  }
0x3a2: {  	[sflag:s5] =	ssyncset.done $0x0  }
0x3a3: {  	s29 =	simm.s32 $0x380;
	[sflag:s5] =	ssyncadd.s32 $0xFFFFD800  }
0x3a4: {  	[tilespmem:s19], [sflag:$0x4] =	stream.indirect.gather [hbm4b:s4+s12], $0x80, s29, s12, $0xb8;
	[tilespmem:$0x1F880] =	vst v63  }
0x3a5: {  	_ =	swait.ge [sflag:s20], $0x2800  }
0x3a6: {  	[sflag:s20] =	ssyncset.done $0x0  }
0x3a7: {  	s29 =	simm.s32 $0x1200;
	[sflag:s20] =	ssyncadd.s32 $0xFFFFD800  }
0x3a8: {  	[spmem:s2] =	stream.indirect.scatter.add.f32 [tilespmem:s13], [sflag:$0x5], $0x80, s29, s12, $0xb8;
	[tilespmem:$0x1F880] =	vst v63  }
0x3a9: {  	_ =	swait.ge [sflag:s21], $0x2800  }
0x3aa: {  	[sflag:s21] =	ssyncset.done $0x0  }
0x3ab: {  	s31 =	simm.s32 $0x1280;
	[sflag:s21] =	ssyncadd.s32 $0xFFFFD800  }
0x3ac: {  	[spmem:s2] =	stream.indirect.scatter.add.f32 [tilespmem:s15], [sflag:$0x6], $0x80, s31, s12, $0xb8;
	[tilespmem:$0x1F880] =	vst v63  }
0x3ad: {  	_ =	swait.ge [sflag:s23], $0x2800  }
0x3ae: {  	[sflag:s23] =	ssyncset.done $0x0  }
0x3af: {  	s24 =	simm.s32 $0x1300;
	[sflag:s23] =	ssyncadd.s32 $0xFFFFD800  }
0x3b0: {  	[spmem:s2] =	stream.indirect.scatter.add.f32 [tilespmem:s17], [sflag:$0x7], $0x80, s24, s12, $0xb8;
	[tilespmem:$0x1F880] =	vst v63  }
0x3b1: {  	_ =	swait.ge [sflag:s25], $0x2800  }
0x3b2: {  	[sflag:s25] =	ssyncset.done $0x0  }
0x3b3: {  	s31 =	simm.s32 $0x1380;
	[sflag:s25] =	ssyncadd.s32 $0xFFFFD800  }
0x3b4: {  	[spmem:s2] =	stream.indirect.scatter.add.f32 [tilespmem:s19], [sflag:$0x8], $0x80, s31, s12, $0xb8;
	[tilespmem:$0x1F880] =	vst v63  }
0x3b5: {  	_ =	swait.ge [sflag:s28], $0x2800  }
0x3b6: {  	[sflag:s28] =	ssyncset.done $0x0  }
0x3b7: {  	s6 =	simm.s32 $0x400;
	[sflag:s28] =	ssyncadd.s32 $0xFFFFD800  }
0x3b8: {  	[tilespmem:s13], [sflag:$0x1] =	stream.indirect.gather [hbm4b:s4+s12], $0x80, s6, s12, $0xb8;
	[tilespmem:$0x1F880] =	vst v63  }
0x3b9: {  	_ =	swait.ge [sflag:s30], $0x2800  }
0x3ba: {  	[sflag:s30] =	ssyncset.done $0x0  }
0x3bb: {  	s8 =	simm.s32 $0x480;
	[sflag:s30] =	ssyncadd.s32 $0xFFFFD800  }
0x3bc: {  	[tilespmem:s15], [sflag:$0x2] =	stream.indirect.gather [hbm4b:s4+s12], $0x80, s8, s12, $0xb8;
	[tilespmem:$0x1F880] =	vst v63  }
0x3bd: {  	_ =	swait.ge [sflag:s1], $0x2800  }
0x3be: {  	[sflag:s1] =	ssyncset.done $0x0  }
0x3bf: {  	s10 =	simm.s32 $0x500;
	[sflag:s1] =	ssyncadd.s32 $0xFFFFD800  }
0x3c0: {  	[tilespmem:s17], [sflag:$0x3] =	stream.indirect.gather [hbm4b:s4+s12], $0x80, s10, s12, $0xb8;
	[tilespmem:$0x1F880] =	vst v63  }
0x3c1: {  	_ =	swait.ge [sflag:s5], $0x2800  }
0x3c2: {  	[sflag:s5] =	ssyncset.done $0x0  }
0x3c3: {  	s11 =	simm.s32 $0x580;
	[sflag:s5] =	ssyncadd.s32 $0xFFFFD800  }
0x3c4: {  	[tilespmem:s19], [sflag:$0x4] =	stream.indirect.gather [hbm4b:s4+s12], $0x80, s11, s12, $0xb8;
	[tilespmem:$0x1F880] =	vst v63  }
0x3c5: {  	_ =	swait.ge [sflag:s20], $0x2800  }
0x3c6: {  	[sflag:s20] =	ssyncset.done $0x0  }
0x3c7: {  	s14 =	simm.s32 $0x1400;
	[sflag:s20] =	ssyncadd.s32 $0xFFFFD800  }
0x3c8: {  	[spmem:s2] =	stream.indirect.scatter.add.f32 [tilespmem:s13], [sflag:$0x5], $0x80, s14, s12, $0xb8;
	[tilespmem:$0x1F880] =	vst v63  }
0x3c9: {  	_ =	swait.ge [sflag:s21], $0x2800  }
0x3ca: {  	[sflag:s21] =	ssyncset.done $0x0  }
0x3cb: {  	s16 =	simm.s32 $0x1480;
	[sflag:s21] =	ssyncadd.s32 $0xFFFFD800  }
0x3cc: {  	[spmem:s2] =	stream.indirect.scatter.add.f32 [tilespmem:s15], [sflag:$0x6], $0x80, s16, s12, $0xb8;
	[tilespmem:$0x1F880] =	vst v63  }
0x3cd: {  	_ =	swait.ge [sflag:s23], $0x2800  }
0x3ce: {  	[sflag:s23] =	ssyncset.done $0x0  }
0x3cf: {  	s18 =	simm.s32 $0x1500;
	[sflag:s23] =	ssyncadd.s32 $0xFFFFD800  }
0x3d0: {  	[spmem:s2] =	stream.indirect.scatter.add.f32 [tilespmem:s17], [sflag:$0x7], $0x80, s18, s12, $0xb8;
	[tilespmem:$0x1F880] =	vst v63  }
0x3d1: {  	_ =	swait.ge [sflag:s25], $0x2800  }
0x3d2: {  	[sflag:s25] =	ssyncset.done $0x0  }
0x3d3: {  	s22 =	simm.s32 $0x1580;
	[sflag:s25] =	ssyncadd.s32 $0xFFFFD800  }
0x3d4: {  	[spmem:s2] =	stream.indirect.scatter.add.f32 [tilespmem:s19], [sflag:$0x8], $0x80, s22, s12, $0xb8;
	[tilespmem:$0x1F880] =	vst v63  }
0x3d5: {  	_ =	swait.ge [sflag:s28], $0x2800  }
0x3d6: {  	[sflag:s28] =	ssyncset.done $0x0  }
0x3d7: {  	s24 =	simm.s32 $0x600;
	[sflag:s28] =	ssyncadd.s32 $0xFFFFD800  }
0x3d8: {  	[tilespmem:s13], [sflag:$0x1] =	stream.indirect.gather [hbm4b:s4+s12], $0x80, s24, s12, $0xb8;
	[tilespmem:$0x1F880] =	vst v63  }
0x3d9: {  	_ =	swait.ge [sflag:s30], $0x2800  }
0x3da: {  	[sflag:s30] =	ssyncset.done $0x0  }
0x3db: {  	s26 =	simm.s32 $0x680;
	[sflag:s30] =	ssyncadd.s32 $0xFFFFD800  }
0x3dc: {  	[tilespmem:s15], [sflag:$0x2] =	stream.indirect.gather [hbm4b:s4+s12], $0x80, s26, s12, $0xb8;
	[tilespmem:$0x1F880] =	vst v63  }
0x3dd: {  	_ =	swait.ge [sflag:s1], $0x2800  }
0x3de: {  	[sflag:s1] =	ssyncset.done $0x0  }
0x3df: {  	s29 =	simm.s32 $0x700;
	[sflag:s1] =	ssyncadd.s32 $0xFFFFD800  }
0x3e0: {  	[tilespmem:s17], [sflag:$0x3] =	stream.indirect.gather [hbm4b:s4+s12], $0x80, s29, s12, $0xb8;
	[tilespmem:$0x1F880] =	vst v63  }
0x3e1: {  	_ =	swait.ge [sflag:s5], $0x2800  }
0x3e2: {  	[sflag:s5] =	ssyncset.done $0x0  }
0x3e3: {  	s31 =	simm.s32 $0x780;
	[sflag:s5] =	ssyncadd.s32 $0xFFFFD800  }
0x3e4: {  	[tilespmem:s19], [sflag:$0x4] =	stream.indirect.gather [hbm4b:s4+s12], $0x80, s31, s12, $0xb8;
	[tilespmem:$0x1F880] =	vst v63  }
0x3e5: {  	_ =	swait.ge [sflag:s20], $0x2800  }
0x3e6: {  	[sflag:s20] =	ssyncset.done $0x0  }
0x3e7: {  	s6 =	simm.s32 $0x1600;
	[sflag:s20] =	ssyncadd.s32 $0xFFFFD800  }
0x3e8: {  	[spmem:s2] =	stream.indirect.scatter.add.f32 [tilespmem:s13], [sflag:$0x5], $0x80, s6, s12, $0xb8;
	[tilespmem:$0x1F880] =	vst v63  }
0x3e9: {  	_ =	swait.ge [sflag:s21], $0x2800  }
0x3ea: {  	[sflag:s21] =	ssyncset.done $0x0  }
0x3eb: {  	s8 =	simm.s32 $0x1680;
	[sflag:s21] =	ssyncadd.s32 $0xFFFFD800  }
0x3ec: {  	[spmem:s2] =	stream.indirect.scatter.add.f32 [tilespmem:s15], [sflag:$0x6], $0x80, s8, s12, $0xb8;
	[tilespmem:$0x1F880] =	vst v63  }
0x3ed: {  	_ =	swait.ge [sflag:s23], $0x2800  }
0x3ee: {  	[sflag:s23] =	ssyncset.done $0x0  }
0x3ef: {  	s10 =	simm.s32 $0x1700;
	[sflag:s23] =	ssyncadd.s32 $0xFFFFD800  }
0x3f0: {  	[spmem:s2] =	stream.indirect.scatter.add.f32 [tilespmem:s17], [sflag:$0x7], $0x80, s10, s12, $0xb8;
	[tilespmem:$0x1F880] =	vst v63  }
0x3f1: {  	_ =	swait.ge [sflag:s25], $0x2800  }
0x3f2: {  	[sflag:s25] =	ssyncset.done $0x0  }
0x3f3: {  	s11 =	simm.s32 $0x1780;
	[sflag:s25] =	ssyncadd.s32 $0xFFFFD800  }
0x3f4: {  	[spmem:s2] =	stream.indirect.scatter.add.f32 [tilespmem:s19], [sflag:$0x8], $0x80, s11, s12, $0xb8;
	[tilespmem:$0x1F880] =	vst v63  }
0x3f5: {  	_ =	swait.ge [sflag:s28], $0x2800  }
0x3f6: {  	[sflag:s28] =	ssyncset.done $0x0  }
0x3f7: {  	s14 =	simm.s32 $0x800;
	[sflag:s28] =	ssyncadd.s32 $0xFFFFD800  }
0x3f8: {  	[tilespmem:s13], [sflag:$0x1] =	stream.indirect.gather [hbm4b:s4+s12], $0x80, s14, s12, $0xb8;
	[tilespmem:$0x1F880] =	vst v63  }
0x3f9: {  	_ =	swait.ge [sflag:s30], $0x2800  }
0x3fa: {  	[sflag:s30] =	ssyncset.done $0x0  }
0x3fb: {  	s16 =	simm.s32 $0x880;
	[sflag:s30] =	ssyncadd.s32 $0xFFFFD800  }
0x3fc: {  	[tilespmem:s15], [sflag:$0x2] =	stream.indirect.gather [hbm4b:s4+s12], $0x80, s16, s12, $0xb8;
	[tilespmem:$0x1F880] =	vst v63  }
0x3fd: {  	_ =	swait.ge [sflag:s1], $0x2800  }
0x3fe: {  	[sflag:s1] =	ssyncset.done $0x0  }
0x3ff: {  	s18 =	simm.s32 $0x900;
	[sflag:s1] =	ssyncadd.s32 $0xFFFFD800  }
0x400: {  	[tilespmem:s17], [sflag:$0x3] =	stream.indirect.gather [hbm4b:s4+s12], $0x80, s18, s12, $0xb8;
	[tilespmem:$0x1F880] =	vst v63  }
0x401: {  	_ =	swait.ge [sflag:s5], $0x2800  }
0x402: {  	[sflag:s5] =	ssyncset.done $0x0  }
0x403: {  	s22 =	simm.s32 $0x980;
	[sflag:s5] =	ssyncadd.s32 $0xFFFFD800  }
0x404: {  	[tilespmem:s19], [sflag:$0x4] =	stream.indirect.gather [hbm4b:s4+s12], $0x80, s22, s12, $0xb8;
	[tilespmem:$0x1F880] =	vst v63  }
0x405: {  	_ =	swait.ge [sflag:s20], $0x2800  }
0x406: {  	[sflag:s20] =	ssyncset.done $0x0  }
0x407: {  	s24 =	simm.s32 $0x1800;
	[sflag:s20] =	ssyncadd.s32 $0xFFFFD800  }
0x408: {  	[spmem:s2] =	stream.indirect.scatter.add.f32 [tilespmem:s13], [sflag:$0x5], $0x80, s24, s12, $0xb8;
	[tilespmem:$0x1F880] =	vst v63  }
0x409: {  	_ =	swait.ge [sflag:s21], $0x2800  }
0x40a: {  	[sflag:s21] =	ssyncset.done $0x0  }
0x40b: {  	s26 =	simm.s32 $0x1880;
	[sflag:s21] =	ssyncadd.s32 $0xFFFFD800  }
0x40c: {  	[spmem:s2] =	stream.indirect.scatter.add.f32 [tilespmem:s15], [sflag:$0x6], $0x80, s26, s12, $0xb8;
	[tilespmem:$0x1F880] =	vst v63  }
0x40d: {  	_ =	swait.ge [sflag:s23], $0x2800  }
0x40e: {  	[sflag:s23] =	ssyncset.done $0x0  }
0x40f: {  	s29 =	simm.s32 $0x1900;
	[sflag:s23] =	ssyncadd.s32 $0xFFFFD800  }
0x410: {  	[spmem:s2] =	stream.indirect.scatter.add.f32 [tilespmem:s17], [sflag:$0x7], $0x80, s29, s12, $0xb8;
	[tilespmem:$0x1F880] =	vst v63  }
0x411: {  	_ =	swait.ge [sflag:s25], $0x2800  }
0x412: {  	[sflag:s25] =	ssyncset.done $0x0  }
0x413: {  	s31 =	simm.s32 $0x1980;
	[sflag:s25] =	ssyncadd.s32 $0xFFFFD800  }
0x414: {  	[spmem:s2] =	stream.indirect.scatter.add.f32 [tilespmem:s19], [sflag:$0x8], $0x80, s31, s12, $0xb8;
	[tilespmem:$0x1F880] =	vst v63  }
0x415: {  	_ =	swait.ge [sflag:s28], $0x2800  }
0x416: {  	[sflag:s28] =	ssyncset.done $0x0  }
0x417: {  	s6 =	simm.s32 $0xA00;
	[sflag:s28] =	ssyncadd.s32 $0xFFFFD800  }
0x418: {  	[tilespmem:s13], [sflag:$0x1] =	stream.indirect.gather [hbm4b:s4+s12], $0x80, s6, s12, $0xb8;
	[tilespmem:$0x1F880] =	vst v63  }
0x419: {  	_ =	swait.ge [sflag:s30], $0x2800  }
0x41a: {  	[sflag:s30] =	ssyncset.done $0x0  }
0x41b: {  	s8 =	simm.s32 $0xA80;
	[sflag:s30] =	ssyncadd.s32 $0xFFFFD800  }
0x41c: {  	[tilespmem:s15], [sflag:$0x2] =	stream.indirect.gather [hbm4b:s4+s12], $0x80, s8, s12, $0xb8;
	[tilespmem:$0x1F880] =	vst v63  }
0x41d: {  	_ =	swait.ge [sflag:s1], $0x2800  }
0x41e: {  	[sflag:s1] =	ssyncset.done $0x0  }
0x41f: {  	s10 =	simm.s32 $0xB00;
	[sflag:s1] =	ssyncadd.s32 $0xFFFFD800  }
0x420: {  	[tilespmem:s17], [sflag:$0x3] =	stream.indirect.gather [hbm4b:s4+s12], $0x80, s10, s12, $0xb8;
	[tilespmem:$0x1F880] =	vst v63  }
0x421: {  	_ =	swait.ge [sflag:s5], $0x2800  }
0x422: {  	[sflag:s5] =	ssyncset.done $0x0  }
0x423: {  	s11 =	simm.s32 $0xB80;
	[sflag:s5] =	ssyncadd.s32 $0xFFFFD800  }
0x424: {  	[tilespmem:s19], [sflag:$0x4] =	stream.indirect.gather [hbm4b:s4+s12], $0x80, s11, s12, $0xb8;
	[tilespmem:$0x1F880] =	vst v63  }
0x425: {  	_ =	swait.ge [sflag:s20], $0x2800  }
0x426: {  	[sflag:s20] =	ssyncset.done $0x0  }
0x427: {  	s14 =	simm.s32 $0x1A00;
	[sflag:s20] =	ssyncadd.s32 $0xFFFFD800  }
0x428: {  	[spmem:s2] =	stream.indirect.scatter.add.f32 [tilespmem:s13], [sflag:$0x5], $0x80, s14, s12, $0xb8;
	[tilespmem:$0x1F880] =	vst v63  }
0x429: {  	_ =	swait.ge [sflag:s21], $0x2800  }
0x42a: {  	[sflag:s21] =	ssyncset.done $0x0  }
0x42b: {  	s16 =	simm.s32 $0x1A80;
	[sflag:s21] =	ssyncadd.s32 $0xFFFFD800  }
0x42c: {  	[spmem:s2] =	stream.indirect.scatter.add.f32 [tilespmem:s15], [sflag:$0x6], $0x80, s16, s12, $0xb8;
	[tilespmem:$0x1F880] =	vst v63  }
0x42d: {  	_ =	swait.ge [sflag:s23], $0x2800  }
0x42e: {  	[sflag:s23] =	ssyncset.done $0x0  }
0x42f: {  	s18 =	simm.s32 $0x1B00;
	[sflag:s23] =	ssyncadd.s32 $0xFFFFD800  }
0x430: {  	[spmem:s2] =	stream.indirect.scatter.add.f32 [tilespmem:s17], [sflag:$0x7], $0x80, s18, s12, $0xb8;
	[tilespmem:$0x1F880] =	vst v63  }
0x431: {  	_ =	swait.ge [sflag:s25], $0x2800  }
0x432: {  	[sflag:s25] =	ssyncset.done $0x0  }
0x433: {  	s22 =	simm.s32 $0x1B80;
	[sflag:s25] =	ssyncadd.s32 $0xFFFFD800  }
0x434: {  	[spmem:s2] =	stream.indirect.scatter.add.f32 [tilespmem:s19], [sflag:$0x8], $0x80, s22, s12, $0xb8;
	[tilespmem:$0x1F880] =	vst v63  }
0x435: {  	_ =	swait.ge [sflag:s28], $0x2800  }
0x436: {  	[sflag:s28] =	ssyncset.done $0x0  }
0x437: {  	s24 =	simm.s32 $0xC00;
	[sflag:s28] =	ssyncadd.s32 $0xFFFFD800  }
0x438: {  	[tilespmem:s13], [sflag:$0x1] =	stream.indirect.gather [hbm4b:s4+s12], $0x80, s24, s12, $0xb8;
	[tilespmem:$0x1F880] =	vst v63  }
0x439: {  	_ =	swait.ge [sflag:s20], $0x2800  }
0x43a: {  	[sflag:s20] =	ssyncset.done $0x0  }
0x43b: {  	s26 =	simm.s32 $0x1C00;
	[sflag:s20] =	ssyncadd.s32 $0xFFFFD800  }
0x43c: {  	[spmem:s2] =	stream.indirect.scatter.add.f32 [tilespmem:s13], [sflag:$0x5], $0x80, s26, s12, $0xb8;
	[tilespmem:$0x1F880] =	vst v63  }
0x43d: {  	_ =	swait.ge [sflag:s28], $0x2800  }
0x43e: {  	[sflag:s28] =	ssyncset.done $0x0  }
0x43f: {  	[sflag:s28] =	ssyncadd.s32 $0xFFFFD800  }
0x440: {  	_ =	swait.ge [sflag:s30], $0x2800  }
0x441: {  	[sflag:s30] =	ssyncset.done $0x0  }
0x442: {  	[sflag:s30] =	ssyncadd.s32 $0xFFFFD800  }
0x443: {  	_ =	swait.ge [sflag:s1], $0x2800  }
0x444: {  	[sflag:s1] =	ssyncset.done $0x0  }
0x445: {  	[sflag:s1] =	ssyncadd.s32 $0xFFFFD800  }
0x446: {  	_ =	swait.ge [sflag:s5], $0x2800  }
0x447: {  	[sflag:s5] =	ssyncset.done $0x0  }
0x448: {  	[sflag:s5] =	ssyncadd.s32 $0xFFFFD800  }
0x449: {  	[bflag:$0x0] =	sbarrier.arrive $0xFFFF  }
0x44a: {  	s29 =	rddreg [dreg:$0xe]  }
0x44b: {  	s31 =	rddreg [dreg:$0x11]  }
0x44c: {  	s0 =	rddreg [dreg:$0x13]  }
0x44d: {  	[hbm:s29], [sflag:s0] =	dma.local [spmem:s31], $0x2700  }
0x44e: {  	_ =	swait.ge [sflag:s9], $0x2700  }
0x44f: {  	s7 =	sadd.s32 $0xFFFFFFFF, s7;
	s26 =	rddreg [dreg:$0xf];
	[sflag:s9] =	ssyncset.done $0x0  }
0x450: {  	p1 =	sne.s32 s7, $0x0;
	s6 =	rddreg [dreg:$0x12];
	[sflag:s9] =	ssyncadd.s32 $0xFFFFD900  }
0x451: {  	[hbm:s26], [sflag:s0] =	dma.local @!p0 [spmem:s6], $0x100  }
.Ltmp0:
0x452: {  	_ = 	snop;
	(pc) =	sbr.rel @p1 .LBB2_1-.Ltmp0, $4  }
0x453: {  	s0 =	simm.s32 @!p0 $0x9  }
0x454: {  	_ =	swait.ge @!p0 [sflag:s0], $0x100  }
0x455: {  	[sflag:s0] =	ssyncset.done @!p0 $0x0;
	s0 =	simm.s32 @!p0 $0x9  }
0x456: {  	[sflag:s0] =	ssyncadd.s32 @!p0 $0xFFFFFF00  }
0x457: {  	_ =	sfence.sel $0x180000  }
0x458: {  	[bflag:$0x0] =	sbarrier.arrive $0xFFFF  }
0x459: {  	_ =	strace $0x9000004A  }
0x45a: {  	s0 =	stileid.u32;
	[bflag:$0x2] =	sbarrier.arrive $0xFFFF  }
0x45b: {  	p0 =	sne.s32 s0, $0x0;
	s0 =	rddreg [dreg:$0x3]  }
0x45c: {  	s0 =	sadd.s32 @!p0 $0x100000, s0  }
0x45d: {  	[sflag:s0] =	ssyncadd.tile.s32 @!p0 $0x1;
	_ =	shalt  }
.Lfunc_end2:
_tile_overlayer_lowered:
.L_overlay_start_2:
0x45e: {  	(tag) =	ssettag $0x2  }
0x45f: {  	s0 =	rddreg [dreg:$0x0];
	s2 =	stileid.u32  }
0x460: {  	s1 =	rddreg [dreg:$0x1];
	p0 =	sne.s32 s2, $0x0  }
0x461: {  	s3 =	rddreg [dreg:$0x2];
	[bflag:$0x3] =	sbarrier.arrive $0xFFFF;
	s2 =	simm.s32 @!p0 $0x1C09  }
0x462: {  	[timem:s3], [sflag:s2] =	dma.local @!p0 [hbm:s0], s1  }
0x463: {  	s0 =	simm.s32 @!p0 $0x9  }
0x464: {  	_ =	swait.ge @!p0 [sflag:s0], s1  }
0x465: {  	s1 =	ssub.s32 @!p0 $0x0, s1;
	[sflag:s0] =	ssyncset.done @!p0 $0x0  }
0x466: {  	[sflag:s0] =	ssyncadd.s32 @!p0 s1  }
0x467: {  	[bflag:$0x3] =	sbarrier.arrive $0xFFFF  }
0x468: {  	_ =	shalt  }

</sc_bundles>
